<compile_context>
chip_gen: v7x
topology: tpu7x:2x2x1
jax: 0.10.2.dev20260603
libtpu: 0.0.44.dev20260713+nightly
codegen_flags: <defaults>
</compile_context>

<pallas_src>
import functools

import jax
import jax.numpy as jnp
from jax import lax
from jax.experimental import pallas as pl
from jax.experimental.pallas import tpu as pltpu
from jax.experimental.pallas import tpu_sc as plsc

T = 2048
H = 768
E = 8
TOPK = 2
DFF = 384
NG = 4
TG = 2
RSF = 2.5

BT = 256

_NC = 2
_NS = 16
_TPW = 128
_NWU = T // _TPW
_L = 16


def _head_shared_body(x_ref, gw_ref, bias_ref, sgu_ref, sd_ref,
                      shared_ref, scores_ref, s_ref):
    x = x_ref[...]
    logits_t = jax.lax.dot_general(
        gw_ref[...], x, (((1,), (1,)), ((), ())),
        preferred_element_type=jnp.float32)
    scores = jax.nn.sigmoid(logits_t)
    scores_ref[...] = scores
    s_ref[...] = scores + bias_ref[...]
    sgu = jax.lax.dot_general(
        x, sgu_ref[...], (((1,), (1,)), ((), ())),
        preferred_element_type=jnp.float32)
    sgate = sgu[:, :DFF]
    sup = sgu[:, DFF:]
    sh = (sgate * jax.nn.sigmoid(sgate) * sup).astype(jnp.bfloat16)
    shared_ref[...] = jax.lax.dot_general(
        sh, sd_ref[...], (((1,), (1,)), ((), ())),
        preferred_element_type=jnp.float32)


def _sc_topk_body(scores_hbm, s_hbm, w_hbm, scores_v, s_v, w_v):
    wid = lax.axis_index("s") * _NC + lax.axis_index("c")

    @pl.when(wid < _NWU)
    def _active():
        _sc_topk_worker(wid, scores_hbm, s_hbm, w_hbm, scores_v, s_v, w_v)


def _sc_topk_worker(wid, scores_hbm, s_hbm, w_hbm, scores_v, s_v, w_v):
    base = wid * _TPW
    pltpu.sync_copy(scores_hbm.at[:, pl.ds(base, _TPW)], scores_v)
    pltpu.sync_copy(s_hbm.at[:, pl.ds(base, _TPW)], s_v)
    for cpos in range(_TPW // _L):
        sl = pl.ds(cpos * _L, _L)
        s = [s_v[e, sl] for e in range(E)]
        sc = [scores_v[e, sl] for e in range(E)]
        g = [s[2 * j] + s[2 * j + 1] for j in range(NG)]
        one = jnp.full((_L,), 1.0, jnp.float32)
        zero = jnp.zeros((_L,), jnp.float32)
        gsel = []
        for j in range(NG):
            rank = zero
            for kk in range(NG):
                if kk == j:
                    continue
                beats = g[kk] > g[j]
                if kk < j:
                    beats = beats | (g[kk] == g[j])
                rank = rank + jnp.where(beats, one, zero)
            gsel.append(rank < TG)
        tmp = [jnp.where(gsel[e // (E // NG)], s[e], zero) for e in range(E)]
        esel = []
        for j in range(E):
            rank = zero
            for kk in range(E):
                if kk == j:
                    continue
                beats = tmp[kk] > tmp[j]
                if kk < j:
                    beats = beats | (tmp[kk] == tmp[j])
                rank = rank + jnp.where(beats, one, zero)
            esel.append(rank < TOPK)
        w = [jnp.where(esel[e], sc[e], zero) for e in range(E)]
        denom = w[0]
        for e in range(1, E):
            denom = denom + w[e]
        for e in range(E):
            w_v[e, sl] = w[e] / denom
    pltpu.sync_copy(w_v, w_hbm.at[:, pl.ds(base, _TPW)])


_sc_topk = functools.partial(
    pl.kernel,
    out_type=jax.ShapeDtypeStruct((E, T), jnp.float32),
    scratch_types=[
        pltpu.VMEM((E, _TPW), jnp.float32),
        pltpu.VMEM((E, _TPW), jnp.float32),
        pltpu.VMEM((E, _TPW), jnp.float32),
    ],
    mesh=plsc.VectorSubcoreMesh(core_axis_name="c", subcore_axis_name="s"),
)(_sc_topk_body)


def _moe_body(x_ref, wt_ref, shared_ref, wgu_ref, wd_ref, out_ref):
    x = x_ref[...]
    gu_all = jax.lax.dot_general(
        x, wgu_ref[...], (((1,), (1,)), ((), ())),
        preferred_element_type=jnp.float32)

    w_full = wt_ref[...].T * RSF

    acc = shared_ref[...]
    for e in range(E):
        gate = gu_all[:, e * 2 * DFF:e * 2 * DFF + DFF]
        up = gu_all[:, e * 2 * DFF + DFF:(e + 1) * 2 * DFF]
        h = (gate * jax.nn.sigmoid(gate) * up
             * w_full[:, e:e + 1]).astype(jnp.bfloat16)
        acc = acc + jax.lax.dot_general(
            h, wd_ref[e], (((1,), (1,)), ((), ())),
            preferred_element_type=jnp.float32)
    out_ref[...] = acc


@jax.jit
def kernel(hidden_states, gate_W, e_score_correction_bias, We_gate_up,
           We_down, Ws_gate_up, Ws_down):
    bias_col = e_score_correction_bias.reshape(E, 1)
    wgu2d = We_gate_up.reshape(E * 2 * DFF, H)

    BS = 512
    shared_out, scores_t, s_t = pl.pallas_call(
        _head_shared_body,
        grid=(T // BS,),
        in_specs=[
            pl.BlockSpec((BS, H), lambda i: (i, 0)),
            pl.BlockSpec((E, H), lambda i: (0, 0)),
            pl.BlockSpec((E, 1), lambda i: (0, 0)),
            pl.BlockSpec((2 * DFF, H), lambda i: (0, 0)),
            pl.BlockSpec((H, DFF), lambda i: (0, 0)),
        ],
        out_specs=(pl.BlockSpec((BS, H), lambda i: (i, 0)),
                   pl.BlockSpec((E, BS), lambda i: (0, i)),
                   pl.BlockSpec((E, BS), lambda i: (0, i))),
        out_shape=(jax.ShapeDtypeStruct((T, H), jnp.float32),
                   jax.ShapeDtypeStruct((E, T), jnp.float32),
                   jax.ShapeDtypeStruct((E, T), jnp.float32)),
        compiler_params=pltpu.CompilerParams(
            dimension_semantics=("arbitrary",),
        ),
    )(hidden_states, gate_W, bias_col, Ws_gate_up, Ws_down)

    w_t = _sc_topk(scores_t, s_t)

    grid = (T // BT,)
    return pl.pallas_call(
        _moe_body,
        grid=grid,
        in_specs=[
            pl.BlockSpec((BT, H), lambda i: (i, 0)),
            pl.BlockSpec((E, BT), lambda i: (0, i)),
            pl.BlockSpec((BT, H), lambda i: (i, 0)),
            pl.BlockSpec((E * 2 * DFF, H), lambda i: (0, 0)),
            pl.BlockSpec((E, H, DFF), lambda i: (0, 0, 0)),
        ],
        out_specs=pl.BlockSpec((BT, H), lambda i: (i, 0)),
        out_shape=jax.ShapeDtypeStruct((T, H), jnp.float32),
        compiler_params=pltpu.CompilerParams(
            dimension_semantics=("arbitrary",),
        ),
    )(hidden_states, w_t, shared_out, wgu2d, We_down)

# --- scband reference (transcript-rebuilt; emitter-appended) ---
"""Pipeline reference for scband-param2-mo-emo-eblock-29076928594669 (READ-ONLY COPY).

The authoritative reference and input builder live on the scoring server;
editing this copy changes nothing except your own understanding.
"""

import jax, jax.numpy as jnp
import numpy as np

T = 2048
H = 768
E = 8
TOPK = 2
DFF = 384
NG = 4
TG = 2
RSF = 2.5


def _silu(v):
    return v * jax.nn.sigmoid(v)


def setup_inputs(seed: int = 0) -> dict:
    key = jax.random.key(seed)
    ks = jax.random.split(key, 8)
    hidden_states = jax.random.normal(ks[0], (T, H), dtype=jnp.float32)
    gate_W = jax.random.normal(ks[1], (E, H), dtype=jnp.float32) * 0.02
    e_score_correction_bias = jnp.zeros((E,), dtype=jnp.float32)
    # routed experts: merged gate_up [E, 2*DFF, H], down [E, H, DFF]
    We_gate_up = jax.random.normal(ks[2], (E, 2 * DFF, H), dtype=jnp.float32) * 0.02
    We_down = jax.random.normal(ks[3], (E, H, DFF), dtype=jnp.float32) * 0.02
    # shared expert (num_shared_experts=1, intermediate = moe_intermediate_size * 1)
    Ws_gate_up = jax.random.normal(ks[4], (2 * DFF, H), dtype=jnp.float32) * 0.02
    Ws_down = jax.random.normal(ks[5], (H, DFF), dtype=jnp.float32) * 0.02
    return {
        'hidden_states': hidden_states,
        'gate_W': gate_W,
        'e_score_correction_bias': e_score_correction_bias,
        'We_gate_up': We_gate_up,
        'We_down': We_down,
        'Ws_gate_up': Ws_gate_up,
        'Ws_down': Ws_down,
    }


def reference(hidden_states, gate_W, e_score_correction_bias, We_gate_up, We_down, Ws_gate_up, Ws_down):
    x = hidden_states
    # router logits computed in float32 (F.linear on .float())
    logits = x.astype(jnp.float32) @ gate_W.astype(jnp.float32).T
    # sigmoid scoring
    scores = jax.nn.sigmoid(logits)
    original_scores = scores
    # per-expert bias correction (affects selection only, not combine weights)
    s = scores + e_score_correction_bias[None, :]
    # grouped top-k: group score = sum of top-2 biased scores within group
    gs = s.reshape(T, NG, E // NG)
    group_scores = jax.lax.top_k(gs, 2)[0].sum(axis=-1)
    _, group_idx = jax.lax.top_k(group_scores, TG)
    group_mask = jnp.sum(jax.nn.one_hot(group_idx, NG, dtype=s.dtype), axis=1)
    score_mask = jnp.repeat(group_mask, E // NG, axis=1)  # [T, E]
    tmp_scores = jnp.where(score_mask > 0, s, 0.0)
    _, topk_ids = jax.lax.top_k(tmp_scores, TOPK)
    # combine weights come from the UNbiased scores
    topk_w = jnp.take_along_axis(original_scores, topk_ids, axis=1)
    # renormalize (norm_topk_prob=True)
    topk_w = topk_w / jnp.sum(topk_w, axis=1, keepdims=True)
    # dense combine weights [T, E]
    w_full = jnp.sum(jax.nn.one_hot(topk_ids, E, dtype=topk_w.dtype) * topk_w[..., None], axis=1)
    # routed experts (SwiGLU) computed densely, combined by w_full
    gu = jnp.einsum('td,efd->tef', x, We_gate_up)  # [T, E, 2*DFF]
    g, u = jnp.split(gu, 2, axis=-1)
    h = _silu(g) * u  # SiluAndMul
    d_out = jnp.einsum('tef,edf->ted', h, We_down)  # [T, E, H]
    routed = jnp.einsum('ted,te->td', d_out, w_full) * RSF
    # shared expert (always active)
    sgu = x @ Ws_gate_up.T
    sg, su = jnp.split(sgu, 2, axis=-1)
    sh = _silu(sg) * su
    shared = sh @ Ws_down.T
    return routed + shared

if __name__ == "__main__":
    import jax
    _d = setup_inputs()
    print(jax.jit(kernel)(*tuple(_d.values())))

</pallas_src>

<mosaic_0001>
#map = affine_map<(d0, d1) -> (0, 0)>
module attributes {stable_mosaic.version = 14 : i64} {
  func.func @_sc_topk_body(%arg0: i32, %arg1: i32, %arg2: memref<8x2048xf32, #tpu.memory_space<hbm>>, %arg3: memref<8x2048xf32, #tpu.memory_space<hbm>>, %arg4: memref<8x2048xf32, #tpu.memory_space<hbm>>, %arg5: memref<8x128xf32, #tpu.memory_space<vmem>>, %arg6: memref<8x128xf32, #tpu.memory_space<vmem>>, %arg7: memref<8x128xf32, #tpu.memory_space<vmem>>) attributes {dimension_semantics = [#tpu.dimension_semantics<core_parallel>, #tpu.dimension_semantics<subcore_parallel>], iteration_bounds = array<i64: 2, 16>, scalar_prefetch = 0 : i64, scratch_operands = 3 : i64, tpu.core_type = #tpu.core_type<sc_vector_subcore>, window_params = [{transform_indices = #map}, {transform_indices = #map}, {transform_indices = #map}]} {
    %mul3A = arith.constant 2 : i32
    %mul3A_0 = arith.muli %arg1, %mul3A : i32
    %add3A = arith.addi %mul3A_0, %arg0 : i32
    %lt3A = arith.constant 16 : i32
    %lt3A_1 = arith.cmpi slt, %add3A, %lt3A : i32
    %convert_element_type3A = arith.extui %lt3A_1 : i1 to i32
    %cond3A = arith.constant 0 : i32
    %cond3A_2 = arith.cmpi ne, %convert_element_type3A, %cond3A : i32
    scf.if %cond3A_2 {
      %mul3A_3 = arith.constant 128 : i32
      %mul3A_4 = arith.muli %add3A, %mul3A_3 : i32
      "tpu.region"() ({
        %run_scoped3A = tpu.sem_alloc : memref<!tpu.dma_semaphore, #tpu.memory_space<semaphore_mem>>
        %dma_start3A = arith.constant 0 : i32
        %dma_start3A_3797 = tpu.memref_slice %arg2[%dma_start3A, %mul3A_4] : memref<8x2048xf32, #tpu.memory_space<hbm>> -> memref<8x128xf32, #tpu.memory_space<hbm>>
        %dma_start3A_3798 = arith.constant 0 : i32
        %dma_start3A_3799 = tpu.memref_slice %arg2[%dma_start3A_3798, %mul3A_4] : memref<8x2048xf32, #tpu.memory_space<hbm>> -> memref<8x128xf32, #tpu.memory_space<hbm>>
        tpu.enqueue_dma source(%dma_start3A_3799 : memref<8x128xf32, #tpu.memory_space<hbm>>) target(%arg5 : memref<8x128xf32, #tpu.memory_space<vmem>>) target_semaphore(%run_scoped3A : memref<!tpu.dma_semaphore, #tpu.memory_space<semaphore_mem>>)
        %dma_wait3A = arith.constant 0 : i32
        %dma_wait3A_3800 = tpu.memref_slice %arg2[%dma_wait3A, %mul3A_4] : memref<8x2048xf32, #tpu.memory_space<hbm>> -> memref<8x128xf32, #tpu.memory_space<hbm>>
        %dma_wait3A_3801 = arith.constant 0 : i32
        %dma_wait3A_3802 = tpu.memref_slice %arg2[%dma_wait3A_3801, %mul3A_4] : memref<8x2048xf32, #tpu.memory_space<hbm>> -> memref<8x128xf32, #tpu.memory_space<hbm>>
        tpu.wait_dma2 semaphore(%run_scoped3A : memref<!tpu.dma_semaphore, #tpu.memory_space<semaphore_mem>>) src(%dma_wait3A_3802 : memref<8x128xf32, #tpu.memory_space<hbm>>) dst(%arg5 : memref<8x128xf32, #tpu.memory_space<vmem>>)
        tpu.yield
      }) : () -> ()
      "tpu.region"() ({
        %run_scoped3A = tpu.sem_alloc : memref<!tpu.dma_semaphore, #tpu.memory_space<semaphore_mem>>
        %dma_start3A = arith.constant 0 : i32
        %dma_start3A_3797 = tpu.memref_slice %arg3[%dma_start3A, %mul3A_4] : memref<8x2048xf32, #tpu.memory_space<hbm>> -> memref<8x128xf32, #tpu.memory_space<hbm>>
        %dma_start3A_3798 = arith.constant 0 : i32
        %dma_start3A_3799 = tpu.memref_slice %arg3[%dma_start3A_3798, %mul3A_4] : memref<8x2048xf32, #tpu.memory_space<hbm>> -> memref<8x128xf32, #tpu.memory_space<hbm>>
        tpu.enqueue_dma source(%dma_start3A_3799 : memref<8x128xf32, #tpu.memory_space<hbm>>) target(%arg6 : memref<8x128xf32, #tpu.memory_space<vmem>>) target_semaphore(%run_scoped3A : memref<!tpu.dma_semaphore, #tpu.memory_space<semaphore_mem>>)
        %dma_wait3A = arith.constant 0 : i32
        %dma_wait3A_3800 = tpu.memref_slice %arg3[%dma_wait3A, %mul3A_4] : memref<8x2048xf32, #tpu.memory_space<hbm>> -> memref<8x128xf32, #tpu.memory_space<hbm>>
        %dma_wait3A_3801 = arith.constant 0 : i32
        %dma_wait3A_3802 = tpu.memref_slice %arg3[%dma_wait3A_3801, %mul3A_4] : memref<8x2048xf32, #tpu.memory_space<hbm>> -> memref<8x128xf32, #tpu.memory_space<hbm>>
        tpu.wait_dma2 semaphore(%run_scoped3A : memref<!tpu.dma_semaphore, #tpu.memory_space<semaphore_mem>>) src(%dma_wait3A_3802 : memref<8x128xf32, #tpu.memory_space<hbm>>) dst(%arg6 : memref<8x128xf32, #tpu.memory_space<vmem>>)
        tpu.yield
      }) : () -> ()
      %get3A = arith.constant 0 : i32
      %get3A_5 = arith.index_cast %get3A : i32 to index
      %get3A_6 = arith.constant 0 : index
      %get3A_7 = tpu.vector_load %arg6[%get3A_5, %get3A_6] {strides = array<i32>} : memref<8x128xf32, #tpu.memory_space<vmem>>, vector<1x16xf32>,
      %get3A_8 = vector.shape_cast %get3A_7 : vector<1x16xf32> to vector<16xf32>
      %get3A_9 = arith.constant 1 : i32
      %get3A_10 = arith.index_cast %get3A_9 : i32 to index
      %get3A_11 = arith.constant 0 : index
      %get3A_12 = tpu.vector_load %arg6[%get3A_10, %get3A_11] {strides = array<i32>} : memref<8x128xf32, #tpu.memory_space<vmem>>, vector<1x16xf32>,
      %get3A_13 = vector.shape_cast %get3A_12 : vector<1x16xf32> to vector<16xf32>
      %get3A_14 = arith.constant 2 : i32
      %get3A_15 = arith.index_cast %get3A_14 : i32 to index
      %get3A_16 = arith.constant 0 : index
      %get3A_17 = tpu.vector_load %arg6[%get3A_15, %get3A_16] {strides = array<i32>} : memref<8x128xf32, #tpu.memory_space<vmem>>, vector<1x16xf32>,
      %get3A_18 = vector.shape_cast %get3A_17 : vector<1x16xf32> to vector<16xf32>
      %get3A_19 = arith.constant 3 : i32
      %get3A_20 = arith.index_cast %get3A_19 : i32 to index
      %get3A_21 = arith.constant 0 : index
      %get3A_22 = tpu.vector_load %arg6[%get3A_20, %get3A_21] {strides = array<i32>} : memref<8x128xf32, #tpu.memory_space<vmem>>, vector<1x16xf32>,
      %get3A_23 = vector.shape_cast %get3A_22 : vector<1x16xf32> to vector<16xf32>
      %get3A_24 = arith.constant 4 : i32
      %get3A_25 = arith.index_cast %get3A_24 : i32 to index
      %get3A_26 = arith.constant 0 : index
      %get3A_27 = tpu.vector_load %arg6[%get3A_25, %get3A_26] {strides = array<i32>} : memref<8x128xf32, #tpu.memory_space<vmem>>, vector<1x16xf32>,
      %get3A_28 = vector.shape_cast %get3A_27 : vector<1x16xf32> to vector<16xf32>
      %get3A_29 = arith.constant 5 : i32
      %get3A_30 = arith.index_cast %get3A_29 : i32 to index
      %get3A_31 = arith.constant 0 : index
      %get3A_32 = tpu.vector_load %arg6[%get3A_30, %get3A_31] {strides = array<i32>} : memref<8x128xf32, #tpu.memory_space<vmem>>, vector<1x16xf32>,
      %get3A_33 = vector.shape_cast %get3A_32 : vector<1x16xf32> to vector<16xf32>
      %get3A_34 = arith.constant 6 : i32
      %get3A_35 = arith.index_cast %get3A_34 : i32 to index
      %get3A_36 = arith.constant 0 : index
      %get3A_37 = tpu.vector_load %arg6[%get3A_35, %get3A_36] {strides = array<i32>} : memref<8x128xf32, #tpu.memory_space<vmem>>, vector<1x16xf32>,
      %get3A_38 = vector.shape_cast %get3A_37 : vector<1x16xf32> to vector<16xf32>
      %get3A_39 = arith.constant 7 : i32
      %get3A_40 = arith.index_cast %get3A_39 : i32 to index
      %get3A_41 = arith.constant 0 : index
      %get3A_42 = tpu.vector_load %arg6[%get3A_40, %get3A_41] {strides = array<i32>} : memref<8x128xf32, #tpu.memory_space<vmem>>, vector<1x16xf32>,
      %get3A_43 = vector.shape_cast %get3A_42 : vector<1x16xf32> to vector<16xf32>
      %get3A_44 = arith.constant 0 : i32
      %get3A_45 = arith.index_cast %get3A_44 : i32 to index
      %get3A_46 = arith.constant 0 : index
      %get3A_47 = tpu.vector_load %arg5[%get3A_45, %get3A_46] {strides = array<i32>} : memref<8x128xf32, #tpu.memory_space<vmem>>, vector<1x16xf32>,
      %get3A_48 = vector.shape_cast %get3A_47 : vector<1x16xf32> to vector<16xf32>
      %get3A_49 = arith.constant 1 : i32
      %get3A_50 = arith.index_cast %get3A_49 : i32 to index
      %get3A_51 = arith.constant 0 : index
      %get3A_52 = tpu.vector_load %arg5[%get3A_50, %get3A_51] {strides = array<i32>} : memref<8x128xf32, #tpu.memory_space<vmem>>, vector<1x16xf32>,
      %get3A_53 = vector.shape_cast %get3A_52 : vector<1x16xf32> to vector<16xf32>
      %get3A_54 = arith.constant 2 : i32
      %get3A_55 = arith.index_cast %get3A_54 : i32 to index
      %get3A_56 = arith.constant 0 : index
      %get3A_57 = tpu.vector_load %arg5[%get3A_55, %get3A_56] {strides = array<i32>} : memref<8x128xf32, #tpu.memory_space<vmem>>, vector<1x16xf32>,
      %get3A_58 = vector.shape_cast %get3A_57 : vector<1x16xf32> to vector<16xf32>
      %get3A_59 = arith.constant 3 : i32
      %get3A_60 = arith.index_cast %get3A_59 : i32 to index
      %get3A_61 = arith.constant 0 : index
      %get3A_62 = tpu.vector_load %arg5[%get3A_60, %get3A_61] {strides = array<i32>} : memref<8x128xf32, #tpu.memory_space<vmem>>, vector<1x16xf32>,
      %get3A_63 = vector.shape_cast %get3A_62 : vector<1x16xf32> to vector<16xf32>
      %get3A_64 = arith.constant 4 : i32
      %get3A_65 = arith.index_cast %get3A_64 : i32 to index
      %get3A_66 = arith.constant 0 : index
      %get3A_67 = tpu.vector_load %arg5[%get3A_65, %get3A_66] {strides = array<i32>} : memref<8x128xf32, #tpu.memory_space<vmem>>, vector<1x16xf32>,
      %get3A_68 = vector.shape_cast %get3A_67 : vector<1x16xf32> to vector<16xf32>
      %get3A_69 = arith.constant 5 : i32
      %get3A_70 = arith.index_cast %get3A_69 : i32 to index
      %get3A_71 = arith.constant 0 : index
      %get3A_72 = tpu.vector_load %arg5[%get3A_70, %get3A_71] {strides = array<i32>} : memref<8x128xf32, #tpu.memory_space<vmem>>, vector<1x16xf32>,
      %get3A_73 = vector.shape_cast %get3A_72 : vector<1x16xf32> to vector<16xf32>
      %get3A_74 = arith.constant 6 : i32
      %get3A_75 = arith.index_cast %get3A_74 : i32 to index
      %get3A_76 = arith.constant 0 : index
      %get3A_77 = tpu.vector_load %arg5[%get3A_75, %get3A_76] {strides = array<i32>} : memref<8x128xf32, #tpu.memory_space<vmem>>, vector<1x16xf32>,
      %get3A_78 = vector.shape_cast %get3A_77 : vector<1x16xf32> to vector<16xf32>
      %get3A_79 = arith.constant 7 : i32
      %get3A_80 = arith.index_cast %get3A_79 : i32 to index
      %get3A_81 = arith.constant 0 : index
      %get3A_82 = tpu.vector_load %arg5[%get3A_80, %get3A_81] {strides = array<i32>} : memref<8x128xf32, #tpu.memory_space<vmem>>, vector<1x16xf32>,
      %get3A_83 = vector.shape_cast %get3A_82 : vector<1x16xf32> to vector<16xf32>
      %add3A_84 = arith.addf %get3A_8, %get3A_13 : vector<16xf32>
      %add3A_85 = arith.addf %get3A_18, %get3A_23 : vector<16xf32>
      %add3A_86 = arith.addf %get3A_28, %get3A_33 : vector<16xf32>
      %add3A_87 = arith.addf %get3A_38, %get3A_43 : vector<16xf32>
      %broadcast_in_dim3A = arith.constant 1.000000e+00 : f32
      %broadcast_in_dim3A_88 = vector.broadcast %broadcast_in_dim3A : f32 to vector<16xf32>
      %broadcast_in_dim3A_89 = arith.constant 0.000000e+00 : f32
      %broadcast_in_dim3A_90 = vector.broadcast %broadcast_in_dim3A_89 : f32 to vector<16xf32>
      %gt3A = arith.cmpf ogt, %add3A_85, %add3A_84 : vector<16xf32>
      %select_n3A = arith.select %gt3A, %broadcast_in_dim3A_88, %broadcast_in_dim3A_90 : vector<16xi1>, vector<16xf32>
      %add3A_91 = arith.addf %broadcast_in_dim3A_90, %select_n3A : vector<16xf32>
      %gt3A_92 = arith.cmpf ogt, %add3A_86, %add3A_84 : vector<16xf32>
      %select_n3A_93 = arith.select %gt3A_92, %broadcast_in_dim3A_88, %broadcast_in_dim3A_90 : vector<16xi1>, vector<16xf32>
      %add3A_94 = arith.addf %add3A_91, %select_n3A_93 : vector<16xf32>
      %gt3A_95 = arith.cmpf ogt, %add3A_87, %add3A_84 : vector<16xf32>
      %select_n3A_96 = arith.select %gt3A_95, %broadcast_in_dim3A_88, %broadcast_in_dim3A_90 : vector<16xi1>, vector<16xf32>
      %add3A_97 = arith.addf %add3A_94, %select_n3A_96 : vector<16xf32>
      %lt3A_98 = arith.constant 2.000000e+00 : f32
      %lt3A_99 = vector.broadcast %lt3A_98 : f32 to vector<16xf32>
      %lt3A_100 = arith.cmpf olt, %add3A_97, %lt3A_99 : vector<16xf32>
      %gt3A_101 = arith.cmpf ogt, %add3A_84, %add3A_85 : vector<16xf32>
      %eq3A = arith.cmpf oeq, %add3A_84, %add3A_85 : vector<16xf32>
      %or3A = arith.ori %gt3A_101, %eq3A : vector<16xi1>
      %select_n3A_102 = arith.select %or3A, %broadcast_in_dim3A_88, %broadcast_in_dim3A_90 : vector<16xi1>, vector<16xf32>
      %add3A_103 = arith.addf %broadcast_in_dim3A_90, %select_n3A_102 : vector<16xf32>
      %gt3A_104 = arith.cmpf ogt, %add3A_86, %add3A_85 : vector<16xf32>
      %select_n3A_105 = arith.select %gt3A_104, %broadcast_in_dim3A_88, %broadcast_in_dim3A_90 : vector<16xi1>, vector<16xf32>
      %add3A_106 = arith.addf %add3A_103, %select_n3A_105 : vector<16xf32>
      %gt3A_107 = arith.cmpf ogt, %add3A_87, %add3A_85 : vector<16xf32>
      %select_n3A_108 = arith.select %gt3A_107, %broadcast_in_dim3A_88, %broadcast_in_dim3A_90 : vector<16xi1>, vector<16xf32>
      %add3A_109 = arith.addf %add3A_106, %select_n3A_108 : vector<16xf32>
      %lt3A_110 = arith.constant 2.000000e+00 : f32
      %lt3A_111 = vector.broadcast %lt3A_110 : f32 to vector<16xf32>
      %lt3A_112 = arith.cmpf olt, %add3A_109, %lt3A_111 : vector<16xf32>
      %gt3A_113 = arith.cmpf ogt, %add3A_84, %add3A_86 : vector<16xf32>
      %eq3A_114 = arith.cmpf oeq, %add3A_84, %add3A_86 : vector<16xf32>
      %or3A_115 = arith.ori %gt3A_113, %eq3A_114 : vector<16xi1>
      %select_n3A_116 = arith.select %or3A_115, %broadcast_in_dim3A_88, %broadcast_in_dim3A_90 : vector<16xi1>, vector<16xf32>
      %add3A_117 = arith.addf %broadcast_in_dim3A_90, %select_n3A_116 : vector<16xf32>
      %gt3A_118 = arith.cmpf ogt, %add3A_85, %add3A_86 : vector<16xf32>
      %eq3A_119 = arith.cmpf oeq, %add3A_85, %add3A_86 : vector<16xf32>
      %or3A_120 = arith.ori %gt3A_118, %eq3A_119 : vector<16xi1>
      %select_n3A_121 = arith.select %or3A_120, %broadcast_in_dim3A_88, %broadcast_in_dim3A_90 : vector<16xi1>, vector<16xf32>
      %add3A_122 = arith.addf %add3A_117, %select_n3A_121 : vector<16xf32>
      %gt3A_123 = arith.cmpf ogt, %add3A_87, %add3A_86 : vector<16xf32>
      %select_n3A_124 = arith.select %gt3A_123, %broadcast_in_dim3A_88, %broadcast_in_dim3A_90 : vector<16xi1>, vector<16xf32>
      %add3A_125 = arith.addf %add3A_122, %select_n3A_124 : vector<16xf32>
      %lt3A_126 = arith.constant 2.000000e+00 : f32
      %lt3A_127 = vector.broadcast %lt3A_126 : f32 to vector<16xf32>
      %lt3A_128 = arith.cmpf olt, %add3A_125, %lt3A_127 : vector<16xf32>
      %gt3A_129 = arith.cmpf ogt, %add3A_84, %add3A_87 : vector<16xf32>
      %eq3A_130 = arith.cmpf oeq, %add3A_84, %add3A_87 : vector<16xf32>
      %or3A_131 = arith.ori %gt3A_129, %eq3A_130 : vector<16xi1>
      %select_n3A_132 = arith.select %or3A_131, %broadcast_in_dim3A_88, %broadcast_in_dim3A_90 : vector<16xi1>, vector<16xf32>
      %add3A_133 = arith.addf %broadcast_in_dim3A_90, %select_n3A_132 : vector<16xf32>
      %gt3A_134 = arith.cmpf ogt, %add3A_85, %add3A_87 : vector<16xf32>
      %eq3A_135 = arith.cmpf oeq, %add3A_85, %add3A_87 : vector<16xf32>
      %or3A_136 = arith.ori %gt3A_134, %eq3A_135 : vector<16xi1>
      %select_n3A_137 = arith.select %or3A_136, %broadcast_in_dim3A_88, %broadcast_in_dim3A_90 : vector<16xi1>, vector<16xf32>
      %add3A_138 = arith.addf %add3A_133, %select_n3A_137 : vector<16xf32>
      %gt3A_139 = arith.cmpf ogt, %add3A_86, %add3A_87 : vector<16xf32>
      %eq3A_140 = arith.cmpf oeq, %add3A_86, %add3A_87 : vector<16xf32>
      %or3A_141 = arith.ori %gt3A_139, %eq3A_140 : vector<16xi1>
      %select_n3A_142 = arith.select %or3A_141, %broadcast_in_dim3A_88, %broadcast_in_dim3A_90 : vector<16xi1>, vector<16xf32>
      %add3A_143 = arith.addf %add3A_138, %select_n3A_142 : vector<16xf32>
      %lt3A_144 = arith.constant 2.000000e+00 : f32
      %lt3A_145 = vector.broadcast %lt3A_144 : f32 to vector<16xf32>
      %lt3A_146 = arith.cmpf olt, %add3A_143, %lt3A_145 : vector<16xf32>
      %select_n3A_147 = arith.select %lt3A_100, %get3A_8, %broadcast_in_dim3A_90 : vector<16xi1>, vector<16xf32>
      %select_n3A_148 = arith.select %lt3A_100, %get3A_13, %broadcast_in_dim3A_90 : vector<16xi1>, vector<16xf32>
      %select_n3A_149 = arith.select %lt3A_112, %get3A_18, %broadcast_in_dim3A_90 : vector<16xi1>, vector<16xf32>
      %select_n3A_150 = arith.select %lt3A_112, %get3A_23, %broadcast_in_dim3A_90 : vector<16xi1>, vector<16xf32>
      %select_n3A_151 = arith.select %lt3A_128, %get3A_28, %broadcast_in_dim3A_90 : vector<16xi1>, vector<16xf32>
      %select_n3A_152 = arith.select %lt3A_128, %get3A_33, %broadcast_in_dim3A_90 : vector<16xi1>, vector<16xf32>
      %select_n3A_153 = arith.select %lt3A_146, %get3A_38, %broadcast_in_dim3A_90 : vector<16xi1>, vector<16xf32>
      %select_n3A_154 = arith.select %lt3A_146, %get3A_43, %broadcast_in_dim3A_90 : vector<16xi1>, vector<16xf32>
      %gt3A_155 = arith.cmpf ogt, %select_n3A_148, %select_n3A_147 : vector<16xf32>
      %select_n3A_156 = arith.select %gt3A_155, %broadcast_in_dim3A_88, %broadcast_in_dim3A_90 : vector<16xi1>, vector<16xf32>
      %add3A_157 = arith.addf %broadcast_in_dim3A_90, %select_n3A_156 : vector<16xf32>
      %gt3A_158 = arith.cmpf ogt, %select_n3A_149, %select_n3A_147 : vector<16xf32>
      %select_n3A_159 = arith.select %gt3A_158, %broadcast_in_dim3A_88, %broadcast_in_dim3A_90 : vector<16xi1>, vector<16xf32>
      %add3A_160 = arith.addf %add3A_157, %select_n3A_159 : vector<16xf32>
      %gt3A_161 = arith.cmpf ogt, %select_n3A_150, %select_n3A_147 : vector<16xf32>
      %select_n3A_162 = arith.select %gt3A_161, %broadcast_in_dim3A_88, %broadcast_in_dim3A_90 : vector<16xi1>, vector<16xf32>
      %add3A_163 = arith.addf %add3A_160, %select_n3A_162 : vector<16xf32>
      %gt3A_164 = arith.cmpf ogt, %select_n3A_151, %select_n3A_147 : vector<16xf32>
      %select_n3A_165 = arith.select %gt3A_164, %broadcast_in_dim3A_88, %broadcast_in_dim3A_90 : vector<16xi1>, vector<16xf32>
      %add3A_166 = arith.addf %add3A_163, %select_n3A_165 : vector<16xf32>
      %gt3A_167 = arith.cmpf ogt, %select_n3A_152, %select_n3A_147 : vector<16xf32>
      %select_n3A_168 = arith.select %gt3A_167, %broadcast_in_dim3A_88, %broadcast_in_dim3A_90 : vector<16xi1>, vector<16xf32>
      %add3A_169 = arith.addf %add3A_166, %select_n3A_168 : vector<16xf32>
      %gt3A_170 = arith.cmpf ogt, %select_n3A_153, %select_n3A_147 : vector<16xf32>
      %select_n3A_171 = arith.select %gt3A_170, %broadcast_in_dim3A_88, %broadcast_in_dim3A_90 : vector<16xi1>, vector<16xf32>
      %add3A_172 = arith.addf %add3A_169, %select_n3A_171 : vector<16xf32>
      %gt3A_173 = arith.cmpf ogt, %select_n3A_154, %select_n3A_147 : vector<16xf32>
      %select_n3A_174 = arith.select %gt3A_173, %broadcast_in_dim3A_88, %broadcast_in_dim3A_90 : vector<16xi1>, vector<16xf32>
      %add3A_175 = arith.addf %add3A_172, %select_n3A_174 : vector<16xf32>
      %lt3A_176 = arith.constant 2.000000e+00 : f32
      %lt3A_177 = vector.broadcast %lt3A_176 : f32 to vector<16xf32>
      %lt3A_178 = arith.cmpf olt, %add3A_175, %lt3A_177 : vector<16xf32>
      %gt3A_179 = arith.cmpf ogt, %select_n3A_147, %select_n3A_148 : vector<16xf32>
      %eq3A_180 = arith.cmpf oeq, %select_n3A_147, %select_n3A_148 : vector<16xf32>
      %or3A_181 = arith.ori %gt3A_179, %eq3A_180 : vector<16xi1>
      %select_n3A_182 = arith.select %or3A_181, %broadcast_in_dim3A_88, %broadcast_in_dim3A_90 : vector<16xi1>, vector<16xf32>
      %add3A_183 = arith.addf %broadcast_in_dim3A_90, %select_n3A_182 : vector<16xf32>
      %gt3A_184 = arith.cmpf ogt, %select_n3A_149, %select_n3A_148 : vector<16xf32>
      %select_n3A_185 = arith.select %gt3A_184, %broadcast_in_dim3A_88, %broadcast_in_dim3A_90 : vector<16xi1>, vector<16xf32>
      %add3A_186 = arith.addf %add3A_183, %select_n3A_185 : vector<16xf32>
      %gt3A_187 = arith.cmpf ogt, %select_n3A_150, %select_n3A_148 : vector<16xf32>
      %select_n3A_188 = arith.select %gt3A_187, %broadcast_in_dim3A_88, %broadcast_in_dim3A_90 : vector<16xi1>, vector<16xf32>
      %add3A_189 = arith.addf %add3A_186, %select_n3A_188 : vector<16xf32>
      %gt3A_190 = arith.cmpf ogt, %select_n3A_151, %select_n3A_148 : vector<16xf32>
      %select_n3A_191 = arith.select %gt3A_190, %broadcast_in_dim3A_88, %broadcast_in_dim3A_90 : vector<16xi1>, vector<16xf32>
      %add3A_192 = arith.addf %add3A_189, %select_n3A_191 : vector<16xf32>
      %gt3A_193 = arith.cmpf ogt, %select_n3A_152, %select_n3A_148 : vector<16xf32>
      %select_n3A_194 = arith.select %gt3A_193, %broadcast_in_dim3A_88, %broadcast_in_dim3A_90 : vector<16xi1>, vector<16xf32>
      %add3A_195 = arith.addf %add3A_192, %select_n3A_194 : vector<16xf32>
      %gt3A_196 = arith.cmpf ogt, %select_n3A_153, %select_n3A_148 : vector<16xf32>
      %select_n3A_197 = arith.select %gt3A_196, %broadcast_in_dim3A_88, %broadcast_in_dim3A_90 : vector<16xi1>, vector<16xf32>
      %add3A_198 = arith.addf %add3A_195, %select_n3A_197 : vector<16xf32>
      %gt3A_199 = arith.cmpf ogt, %select_n3A_154, %select_n3A_148 : vector<16xf32>
      %select_n3A_200 = arith.select %gt3A_199, %broadcast_in_dim3A_88, %broadcast_in_dim3A_90 : vector<16xi1>, vector<16xf32>
      %add3A_201 = arith.addf %add3A_198, %select_n3A_200 : vector<16xf32>
      %lt3A_202 = arith.constant 2.000000e+00 : f32
      %lt3A_203 = vector.broadcast %lt3A_202 : f32 to vector<16xf32>
      %lt3A_204 = arith.cmpf olt, %add3A_201, %lt3A_203 : vector<16xf32>
      %gt3A_205 = arith.cmpf ogt, %select_n3A_147, %select_n3A_149 : vector<16xf32>
      %eq3A_206 = arith.cmpf oeq, %select_n3A_147, %select_n3A_149 : vector<16xf32>
      %or3A_207 = arith.ori %gt3A_205, %eq3A_206 : vector<16xi1>
      %select_n3A_208 = arith.select %or3A_207, %broadcast_in_dim3A_88, %broadcast_in_dim3A_90 : vector<16xi1>, vector<16xf32>
      %add3A_209 = arith.addf %broadcast_in_dim3A_90, %select_n3A_208 : vector<16xf32>
      %gt3A_210 = arith.cmpf ogt, %select_n3A_148, %select_n3A_149 : vector<16xf32>
      %eq3A_211 = arith.cmpf oeq, %select_n3A_148, %select_n3A_149 : vector<16xf32>
      %or3A_212 = arith.ori %gt3A_210, %eq3A_211 : vector<16xi1>
      %select_n3A_213 = arith.select %or3A_212, %broadcast_in_dim3A_88, %broadcast_in_dim3A_90 : vector<16xi1>, vector<16xf32>
      %add3A_214 = arith.addf %add3A_209, %select_n3A_213 : vector<16xf32>
      %gt3A_215 = arith.cmpf ogt, %select_n3A_150, %select_n3A_149 : vector<16xf32>
      %select_n3A_216 = arith.select %gt3A_215, %broadcast_in_dim3A_88, %broadcast_in_dim3A_90 : vector<16xi1>, vector<16xf32>
      %add3A_217 = arith.addf %add3A_214, %select_n3A_216 : vector<16xf32>
      %gt3A_218 = arith.cmpf ogt, %select_n3A_151, %select_n3A_149 : vector<16xf32>
      %select_n3A_219 = arith.select %gt3A_218, %broadcast_in_dim3A_88, %broadcast_in_dim3A_90 : vector<16xi1>, vector<16xf32>
      %add3A_220 = arith.addf %add3A_217, %select_n3A_219 : vector<16xf32>
      %gt3A_221 = arith.cmpf ogt, %select_n3A_152, %select_n3A_149 : vector<16xf32>
      %select_n3A_222 = arith.select %gt3A_221, %broadcast_in_dim3A_88, %broadcast_in_dim3A_90 : vector<16xi1>, vector<16xf32>
      %add3A_223 = arith.addf %add3A_220, %select_n3A_222 : vector<16xf32>
      %gt3A_224 = arith.cmpf ogt, %select_n3A_153, %select_n3A_149 : vector<16xf32>
      %select_n3A_225 = arith.select %gt3A_224, %broadcast_in_dim3A_88, %broadcast_in_dim3A_90 : vector<16xi1>, vector<16xf32>
      %add3A_226 = arith.addf %add3A_223, %select_n3A_225 : vector<16xf32>
      %gt3A_227 = arith.cmpf ogt, %select_n3A_154, %select_n3A_149 : vector<16xf32>
      %select_n3A_228 = arith.select %gt3A_227, %broadcast_in_dim3A_88, %broadcast_in_dim3A_90 : vector<16xi1>, vector<16xf32>
      %add3A_229 = arith.addf %add3A_226, %select_n3A_228 : vector<16xf32>
      %lt3A_230 = arith.constant 2.000000e+00 : f32
      %lt3A_231 = vector.broadcast %lt3A_230 : f32 to vector<16xf32>
      %lt3A_232 = arith.cmpf olt, %add3A_229, %lt3A_231 : vector<16xf32>
      %gt3A_233 = arith.cmpf ogt, %select_n3A_147, %select_n3A_150 : vector<16xf32>
      %eq3A_234 = arith.cmpf oeq, %select_n3A_147, %select_n3A_150 : vector<16xf32>
      %or3A_235 = arith.ori %gt3A_233, %eq3A_234 : vector<16xi1>
      %select_n3A_236 = arith.select %or3A_235, %broadcast_in_dim3A_88, %broadcast_in_dim3A_90 : vector<16xi1>, vector<16xf32>
      %add3A_237 = arith.addf %broadcast_in_dim3A_90, %select_n3A_236 : vector<16xf32>
      %gt3A_238 = arith.cmpf ogt, %select_n3A_148, %select_n3A_150 : vector<16xf32>
      %eq3A_239 = arith.cmpf oeq, %select_n3A_148, %select_n3A_150 : vector<16xf32>
      %or3A_240 = arith.ori %gt3A_238, %eq3A_239 : vector<16xi1>
      %select_n3A_241 = arith.select %or3A_240, %broadcast_in_dim3A_88, %broadcast_in_dim3A_90 : vector<16xi1>, vector<16xf32>
      %add3A_242 = arith.addf %add3A_237, %select_n3A_241 : vector<16xf32>
      %gt3A_243 = arith.cmpf ogt, %select_n3A_149, %select_n3A_150 : vector<16xf32>
      %eq3A_244 = arith.cmpf oeq, %select_n3A_149, %select_n3A_150 : vector<16xf32>
      %or3A_245 = arith.ori %gt3A_243, %eq3A_244 : vector<16xi1>
      %select_n3A_246 = arith.select %or3A_245, %broadcast_in_dim3A_88, %broadcast_in_dim3A_90 : vector<16xi1>, vector<16xf32>
      %add3A_247 = arith.addf %add3A_242, %select_n3A_246 : vector<16xf32>
      %gt3A_248 = arith.cmpf ogt, %select_n3A_151, %select_n3A_150 : vector<16xf32>
      %select_n3A_249 = arith.select %gt3A_248, %broadcast_in_dim3A_88, %broadcast_in_dim3A_90 : vector<16xi1>, vector<16xf32>
      %add3A_250 = arith.addf %add3A_247, %select_n3A_249 : vector<16xf32>
      %gt3A_251 = arith.cmpf ogt, %select_n3A_152, %select_n3A_150 : vector<16xf32>
      %select_n3A_252 = arith.select %gt3A_251, %broadcast_in_dim3A_88, %broadcast_in_dim3A_90 : vector<16xi1>, vector<16xf32>
      %add3A_253 = arith.addf %add3A_250, %select_n3A_252 : vector<16xf32>
      %gt3A_254 = arith.cmpf ogt, %select_n3A_153, %select_n3A_150 : vector<16xf32>
      %select_n3A_255 = arith.select %gt3A_254, %broadcast_in_dim3A_88, %broadcast_in_dim3A_90 : vector<16xi1>, vector<16xf32>
      %add3A_256 = arith.addf %add3A_253, %select_n3A_255 : vector<16xf32>
      %gt3A_257 = arith.cmpf ogt, %select_n3A_154, %select_n3A_150 : vector<16xf32>
      %select_n3A_258 = arith.select %gt3A_257, %broadcast_in_dim3A_88, %broadcast_in_dim3A_90 : vector<16xi1>, vector<16xf32>
      %add3A_259 = arith.addf %add3A_256, %select_n3A_258 : vector<16xf32>
      %lt3A_260 = arith.constant 2.000000e+00 : f32
      %lt3A_261 = vector.broadcast %lt3A_260 : f32 to vector<16xf32>
      %lt3A_262 = arith.cmpf olt, %add3A_259, %lt3A_261 : vector<16xf32>
      %gt3A_263 = arith.cmpf ogt, %select_n3A_147, %select_n3A_151 : vector<16xf32>
      %eq3A_264 = arith.cmpf oeq, %select_n3A_147, %select_n3A_151 : vector<16xf32>
      %or3A_265 = arith.ori %gt3A_263, %eq3A_264 : vector<16xi1>
      %select_n3A_266 = arith.select %or3A_265, %broadcast_in_dim3A_88, %broadcast_in_dim3A_90 : vector<16xi1>, vector<16xf32>
      %add3A_267 = arith.addf %broadcast_in_dim3A_90, %select_n3A_266 : vector<16xf32>
      %gt3A_268 = arith.cmpf ogt, %select_n3A_148, %select_n3A_151 : vector<16xf32>
      %eq3A_269 = arith.cmpf oeq, %select_n3A_148, %select_n3A_151 : vector<16xf32>
      %or3A_270 = arith.ori %gt3A_268, %eq3A_269 : vector<16xi1>
      %select_n3A_271 = arith.select %or3A_270, %broadcast_in_dim3A_88, %broadcast_in_dim3A_90 : vector<16xi1>, vector<16xf32>
      %add3A_272 = arith.addf %add3A_267, %select_n3A_271 : vector<16xf32>
      %gt3A_273 = arith.cmpf ogt, %select_n3A_149, %select_n3A_151 : vector<16xf32>
      %eq3A_274 = arith.cmpf oeq, %select_n3A_149, %select_n3A_151 : vector<16xf32>
      %or3A_275 = arith.ori %gt3A_273, %eq3A_274 : vector<16xi1>
      %select_n3A_276 = arith.select %or3A_275, %broadcast_in_dim3A_88, %broadcast_in_dim3A_90 : vector<16xi1>, vector<16xf32>
      %add3A_277 = arith.addf %add3A_272, %select_n3A_276 : vector<16xf32>
      %gt3A_278 = arith.cmpf ogt, %select_n3A_150, %select_n3A_151 : vector<16xf32>
      %eq3A_279 = arith.cmpf oeq, %select_n3A_150, %select_n3A_151 : vector<16xf32>
      %or3A_280 = arith.ori %gt3A_278, %eq3A_279 : vector<16xi1>
      %select_n3A_281 = arith.select %or3A_280, %broadcast_in_dim3A_88, %broadcast_in_dim3A_90 : vector<16xi1>, vector<16xf32>
      %add3A_282 = arith.addf %add3A_277, %select_n3A_281 : vector<16xf32>
      %gt3A_283 = arith.cmpf ogt, %select_n3A_152, %select_n3A_151 : vector<16xf32>
      %select_n3A_284 = arith.select %gt3A_283, %broadcast_in_dim3A_88, %broadcast_in_dim3A_90 : vector<16xi1>, vector<16xf32>
      %add3A_285 = arith.addf %add3A_282, %select_n3A_284 : vector<16xf32>
      %gt3A_286 = arith.cmpf ogt, %select_n3A_153, %select_n3A_151 : vector<16xf32>
      %select_n3A_287 = arith.select %gt3A_286, %broadcast_in_dim3A_88, %broadcast_in_dim3A_90 : vector<16xi1>, vector<16xf32>
      %add3A_288 = arith.addf %add3A_285, %select_n3A_287 : vector<16xf32>
      %gt3A_289 = arith.cmpf ogt, %select_n3A_154, %select_n3A_151 : vector<16xf32>
      %select_n3A_290 = arith.select %gt3A_289, %broadcast_in_dim3A_88, %broadcast_in_dim3A_90 : vector<16xi1>, vector<16xf32>
      %add3A_291 = arith.addf %add3A_288, %select_n3A_290 : vector<16xf32>
      %lt3A_292 = arith.constant 2.000000e+00 : f32
      %lt3A_293 = vector.broadcast %lt3A_292 : f32 to vector<16xf32>
      %lt3A_294 = arith.cmpf olt, %add3A_291, %lt3A_293 : vector<16xf32>
      %gt3A_295 = arith.cmpf ogt, %select_n3A_147, %select_n3A_152 : vector<16xf32>
      %eq3A_296 = arith.cmpf oeq, %select_n3A_147, %select_n3A_152 : vector<16xf32>
      %or3A_297 = arith.ori %gt3A_295, %eq3A_296 : vector<16xi1>
      %select_n3A_298 = arith.select %or3A_297, %broadcast_in_dim3A_88, %broadcast_in_dim3A_90 : vector<16xi1>, vector<16xf32>
      %add3A_299 = arith.addf %broadcast_in_dim3A_90, %select_n3A_298 : vector<16xf32>
      %gt3A_300 = arith.cmpf ogt, %select_n3A_148, %select_n3A_152 : vector<16xf32>
      %eq3A_301 = arith.cmpf oeq, %select_n3A_148, %select_n3A_152 : vector<16xf32>
      %or3A_302 = arith.ori %gt3A_300, %eq3A_301 : vector<16xi1>
      %select_n3A_303 = arith.select %or3A_302, %broadcast_in_dim3A_88, %broadcast_in_dim3A_90 : vector<16xi1>, vector<16xf32>
      %add3A_304 = arith.addf %add3A_299, %select_n3A_303 : vector<16xf32>
      %gt3A_305 = arith.cmpf ogt, %select_n3A_149, %select_n3A_152 : vector<16xf32>
      %eq3A_306 = arith.cmpf oeq, %select_n3A_149, %select_n3A_152 : vector<16xf32>
      %or3A_307 = arith.ori %gt3A_305, %eq3A_306 : vector<16xi1>
      %select_n3A_308 = arith.select %or3A_307, %broadcast_in_dim3A_88, %broadcast_in_dim3A_90 : vector<16xi1>, vector<16xf32>
      %add3A_309 = arith.addf %add3A_304, %select_n3A_308 : vector<16xf32>
      %gt3A_310 = arith.cmpf ogt, %select_n3A_150, %select_n3A_152 : vector<16xf32>
      %eq3A_311 = arith.cmpf oeq, %select_n3A_150, %select_n3A_152 : vector<16xf32>
      %or3A_312 = arith.ori %gt3A_310, %eq3A_311 : vector<16xi1>
      %select_n3A_313 = arith.select %or3A_312, %broadcast_in_dim3A_88, %broadcast_in_dim3A_90 : vector<16xi1>, vector<16xf32>
      %add3A_314 = arith.addf %add3A_309, %select_n3A_313 : vector<16xf32>
      %gt3A_315 = arith.cmpf ogt, %select_n3A_151, %select_n3A_152 : vector<16xf32>
      %eq3A_316 = arith.cmpf oeq, %select_n3A_151, %select_n3A_152 : vector<16xf32>
      %or3A_317 = arith.ori %gt3A_315, %eq3A_316 : vector<16xi1>
      %select_n3A_318 = arith.select %or3A_317, %broadcast_in_dim3A_88, %broadcast_in_dim3A_90 : vector<16xi1>, vector<16xf32>
      %add3A_319 = arith.addf %add3A_314, %select_n3A_318 : vector<16xf32>
      %gt3A_320 = arith.cmpf ogt, %select_n3A_153, %select_n3A_152 : vector<16xf32>
      %select_n3A_321 = arith.select %gt3A_320, %broadcast_in_dim3A_88, %broadcast_in_dim3A_90 : vector<16xi1>, vector<16xf32>
      %add3A_322 = arith.addf %add3A_319, %select_n3A_321 : vector<16xf32>
      %gt3A_323 = arith.cmpf ogt, %select_n3A_154, %select_n3A_152 : vector<16xf32>
      %select_n3A_324 = arith.select %gt3A_323, %broadcast_in_dim3A_88, %broadcast_in_dim3A_90 : vector<16xi1>, vector<16xf32>
      %add3A_325 = arith.addf %add3A_322, %select_n3A_324 : vector<16xf32>
      %lt3A_326 = arith.constant 2.000000e+00 : f32
      %lt3A_327 = vector.broadcast %lt3A_326 : f32 to vector<16xf32>
      %lt3A_328 = arith.cmpf olt, %add3A_325, %lt3A_327 : vector<16xf32>
      %gt3A_329 = arith.cmpf ogt, %select_n3A_147, %select_n3A_153 : vector<16xf32>
      %eq3A_330 = arith.cmpf oeq, %select_n3A_147, %select_n3A_153 : vector<16xf32>
      %or3A_331 = arith.ori %gt3A_329, %eq3A_330 : vector<16xi1>
      %select_n3A_332 = arith.select %or3A_331, %broadcast_in_dim3A_88, %broadcast_in_dim3A_90 : vector<16xi1>, vector<16xf32>
      %add3A_333 = arith.addf %broadcast_in_dim3A_90, %select_n3A_332 : vector<16xf32>
      %gt3A_334 = arith.cmpf ogt, %select_n3A_148, %select_n3A_153 : vector<16xf32>
      %eq3A_335 = arith.cmpf oeq, %select_n3A_148, %select_n3A_153 : vector<16xf32>
      %or3A_336 = arith.ori %gt3A_334, %eq3A_335 : vector<16xi1>
      %select_n3A_337 = arith.select %or3A_336, %broadcast_in_dim3A_88, %broadcast_in_dim3A_90 : vector<16xi1>, vector<16xf32>
      %add3A_338 = arith.addf %add3A_333, %select_n3A_337 : vector<16xf32>
      %gt3A_339 = arith.cmpf ogt, %select_n3A_149, %select_n3A_153 : vector<16xf32>
      %eq3A_340 = arith.cmpf oeq, %select_n3A_149, %select_n3A_153 : vector<16xf32>
      %or3A_341 = arith.ori %gt3A_339, %eq3A_340 : vector<16xi1>
      %select_n3A_342 = arith.select %or3A_341, %broadcast_in_dim3A_88, %broadcast_in_dim3A_90 : vector<16xi1>, vector<16xf32>
      %add3A_343 = arith.addf %add3A_338, %select_n3A_342 : vector<16xf32>
      %gt3A_344 = arith.cmpf ogt, %select_n3A_150, %select_n3A_153 : vector<16xf32>
      %eq3A_345 = arith.cmpf oeq, %select_n3A_150, %select_n3A_153 : vector<16xf32>
      %or3A_346 = arith.ori %gt3A_344, %eq3A_345 : vector<16xi1>
      %select_n3A_347 = arith.select %or3A_346, %broadcast_in_dim3A_88, %broadcast_in_dim3A_90 : vector<16xi1>, vector<16xf32>
      %add3A_348 = arith.addf %add3A_343, %select_n3A_347 : vector<16xf32>
      %gt3A_349 = arith.cmpf ogt, %select_n3A_151, %select_n3A_153 : vector<16xf32>
      %eq3A_350 = arith.cmpf oeq, %select_n3A_151, %select_n3A_153 : vector<16xf32>
      %or3A_351 = arith.ori %gt3A_349, %eq3A_350 : vector<16xi1>
      %select_n3A_352 = arith.select %or3A_351, %broadcast_in_dim3A_88, %broadcast_in_dim3A_90 : vector<16xi1>, vector<16xf32>
      %add3A_353 = arith.addf %add3A_348, %select_n3A_352 : vector<16xf32>
      %gt3A_354 = arith.cmpf ogt, %select_n3A_152, %select_n3A_153 : vector<16xf32>
      %eq3A_355 = arith.cmpf oeq, %select_n3A_152, %select_n3A_153 : vector<16xf32>
      %or3A_356 = arith.ori %gt3A_354, %eq3A_355 : vector<16xi1>
      %select_n3A_357 = arith.select %or3A_356, %broadcast_in_dim3A_88, %broadcast_in_dim3A_90 : vector<16xi1>, vector<16xf32>
      %add3A_358 = arith.addf %add3A_353, %select_n3A_357 : vector<16xf32>
      %gt3A_359 = arith.cmpf ogt, %select_n3A_154, %select_n3A_153 : vector<16xf32>
      %select_n3A_360 = arith.select %gt3A_359, %broadcast_in_dim3A_88, %broadcast_in_dim3A_90 : vector<16xi1>, vector<16xf32>
      %add3A_361 = arith.addf %add3A_358, %select_n3A_360 : vector<16xf32>
      %lt3A_362 = arith.constant 2.000000e+00 : f32
      %lt3A_363 = vector.broadcast %lt3A_362 : f32 to vector<16xf32>
      %lt3A_364 = arith.cmpf olt, %add3A_361, %lt3A_363 : vector<16xf32>
      %gt3A_365 = arith.cmpf ogt, %select_n3A_147, %select_n3A_154 : vector<16xf32>
      %eq3A_366 = arith.cmpf oeq, %select_n3A_147, %select_n3A_154 : vector<16xf32>
      %or3A_367 = arith.ori %gt3A_365, %eq3A_366 : vector<16xi1>
      %select_n3A_368 = arith.select %or3A_367, %broadcast_in_dim3A_88, %broadcast_in_dim3A_90 : vector<16xi1>, vector<16xf32>
      %add3A_369 = arith.addf %broadcast_in_dim3A_90, %select_n3A_368 : vector<16xf32>
      %gt3A_370 = arith.cmpf ogt, %select_n3A_148, %select_n3A_154 : vector<16xf32>
      %eq3A_371 = arith.cmpf oeq, %select_n3A_148, %select_n3A_154 : vector<16xf32>
      %or3A_372 = arith.ori %gt3A_370, %eq3A_371 : vector<16xi1>
      %select_n3A_373 = arith.select %or3A_372, %broadcast_in_dim3A_88, %broadcast_in_dim3A_90 : vector<16xi1>, vector<16xf32>
      %add3A_374 = arith.addf %add3A_369, %select_n3A_373 : vector<16xf32>
      %gt3A_375 = arith.cmpf ogt, %select_n3A_149, %select_n3A_154 : vector<16xf32>
      %eq3A_376 = arith.cmpf oeq, %select_n3A_149, %select_n3A_154 : vector<16xf32>
      %or3A_377 = arith.ori %gt3A_375, %eq3A_376 : vector<16xi1>
      %select_n3A_378 = arith.select %or3A_377, %broadcast_in_dim3A_88, %broadcast_in_dim3A_90 : vector<16xi1>, vector<16xf32>
      %add3A_379 = arith.addf %add3A_374, %select_n3A_378 : vector<16xf32>
      %gt3A_380 = arith.cmpf ogt, %select_n3A_150, %select_n3A_154 : vector<16xf32>
      %eq3A_381 = arith.cmpf oeq, %select_n3A_150, %select_n3A_154 : vector<16xf32>
      %or3A_382 = arith.ori %gt3A_380, %eq3A_381 : vector<16xi1>
      %select_n3A_383 = arith.select %or3A_382, %broadcast_in_dim3A_88, %broadcast_in_dim3A_90 : vector<16xi1>, vector<16xf32>
      %add3A_384 = arith.addf %add3A_379, %select_n3A_383 : vector<16xf32>
      %gt3A_385 = arith.cmpf ogt, %select_n3A_151, %select_n3A_154 : vector<16xf32>
      %eq3A_386 = arith.cmpf oeq, %select_n3A_151, %select_n3A_154 : vector<16xf32>
      %or3A_387 = arith.ori %gt3A_385, %eq3A_386 : vector<16xi1>
      %select_n3A_388 = arith.select %or3A_387, %broadcast_in_dim3A_88, %broadcast_in_dim3A_90 : vector<16xi1>, vector<16xf32>
      %add3A_389 = arith.addf %add3A_384, %select_n3A_388 : vector<16xf32>
      %gt3A_390 = arith.cmpf ogt, %select_n3A_152, %select_n3A_154 : vector<16xf32>
      %eq3A_391 = arith.cmpf oeq, %select_n3A_152, %select_n3A_154 : vector<16xf32>
      %or3A_392 = arith.ori %gt3A_390, %eq3A_391 : vector<16xi1>
      %select_n3A_393 = arith.select %or3A_392, %broadcast_in_dim3A_88, %broadcast_in_dim3A_90 : vector<16xi1>, vector<16xf32>
      %add3A_394 = arith.addf %add3A_389, %select_n3A_393 : vector<16xf32>
      %gt3A_395 = arith.cmpf ogt, %select_n3A_153, %select_n3A_154 : vector<16xf32>
      %eq3A_396 = arith.cmpf oeq, %select_n3A_153, %select_n3A_154 : vector<16xf32>
      %or3A_397 = arith.ori %gt3A_395, %eq3A_396 : vector<16xi1>
      %select_n3A_398 = arith.select %or3A_397, %broadcast_in_dim3A_88, %broadcast_in_dim3A_90 : vector<16xi1>, vector<16xf32>
      %add3A_399 = arith.addf %add3A_394, %select_n3A_398 : vector<16xf32>
      %lt3A_400 = arith.constant 2.000000e+00 : f32
      %lt3A_401 = vector.broadcast %lt3A_400 : f32 to vector<16xf32>
      %lt3A_402 = arith.cmpf olt, %add3A_399, %lt3A_401 : vector<16xf32>
      %select_n3A_403 = arith.select %lt3A_178, %get3A_48, %broadcast_in_dim3A_90 : vector<16xi1>, vector<16xf32>
      %select_n3A_404 = arith.select %lt3A_204, %get3A_53, %broadcast_in_dim3A_90 : vector<16xi1>, vector<16xf32>
      %select_n3A_405 = arith.select %lt3A_232, %get3A_58, %broadcast_in_dim3A_90 : vector<16xi1>, vector<16xf32>
      %select_n3A_406 = arith.select %lt3A_262, %get3A_63, %broadcast_in_dim3A_90 : vector<16xi1>, vector<16xf32>
      %select_n3A_407 = arith.select %lt3A_294, %get3A_68, %broadcast_in_dim3A_90 : vector<16xi1>, vector<16xf32>
      %select_n3A_408 = arith.select %lt3A_328, %get3A_73, %broadcast_in_dim3A_90 : vector<16xi1>, vector<16xf32>
      %select_n3A_409 = arith.select %lt3A_364, %get3A_78, %broadcast_in_dim3A_90 : vector<16xi1>, vector<16xf32>
      %select_n3A_410 = arith.select %lt3A_402, %get3A_83, %broadcast_in_dim3A_90 : vector<16xi1>, vector<16xf32>
      %add3A_411 = arith.addf %select_n3A_403, %select_n3A_404 : vector<16xf32>
      %add3A_412 = arith.addf %add3A_411, %select_n3A_405 : vector<16xf32>
      %add3A_413 = arith.addf %add3A_412, %select_n3A_406 : vector<16xf32>
      %add3A_414 = arith.addf %add3A_413, %select_n3A_407 : vector<16xf32>
      %add3A_415 = arith.addf %add3A_414, %select_n3A_408 : vector<16xf32>
      %add3A_416 = arith.addf %add3A_415, %select_n3A_409 : vector<16xf32>
      %add3A_417 = arith.addf %add3A_416, %select_n3A_410 : vector<16xf32>
      %div3A = arith.divf %select_n3A_403, %add3A_417 : vector<16xf32>
      %swap3A = arith.constant 0 : i32
      %swap3A_418 = arith.index_cast %swap3A : i32 to index
      %swap3A_419 = arith.constant 0 : index
      %swap3A_420 = tpu.vector_load %arg7[%swap3A_418, %swap3A_419] {strides = array<i32>} : memref<8x128xf32, #tpu.memory_space<vmem>>, vector<1x16xf32>,
      %swap3A_421 = vector.shape_cast %swap3A_420 : vector<1x16xf32> to vector<16xf32>
      %swap3A_422 = vector.shape_cast %div3A : vector<16xf32> to vector<1x16xf32>
      tpu.vector_store %arg7[%swap3A_418, %swap3A_419], %swap3A_422 {strides = array<i32>} : memref<8x128xf32, #tpu.memory_space<vmem>>, vector<1x16xf32>,
      %div3A_423 = arith.divf %select_n3A_404, %add3A_417 : vector<16xf32>
      %swap3A_424 = arith.constant 1 : i32
      %swap3A_425 = arith.index_cast %swap3A_424 : i32 to index
      %swap3A_426 = arith.constant 0 : index
      %swap3A_427 = tpu.vector_load %arg7[%swap3A_425, %swap3A_426] {strides = array<i32>} : memref<8x128xf32, #tpu.memory_space<vmem>>, vector<1x16xf32>,
      %swap3A_428 = vector.shape_cast %swap3A_427 : vector<1x16xf32> to vector<16xf32>
      %swap3A_429 = vector.shape_cast %div3A_423 : vector<16xf32> to vector<1x16xf32>
      tpu.vector_store %arg7[%swap3A_425, %swap3A_426], %swap3A_429 {strides = array<i32>} : memref<8x128xf32, #tpu.memory_space<vmem>>, vector<1x16xf32>,
      %div3A_430 = arith.divf %select_n3A_405, %add3A_417 : vector<16xf32>
      %swap3A_431 = arith.constant 2 : i32
      %swap3A_432 = arith.index_cast %swap3A_431 : i32 to index
      %swap3A_433 = arith.constant 0 : index
      %swap3A_434 = tpu.vector_load %arg7[%swap3A_432, %swap3A_433] {strides = array<i32>} : memref<8x128xf32, #tpu.memory_space<vmem>>, vector<1x16xf32>,
      %swap3A_435 = vector.shape_cast %swap3A_434 : vector<1x16xf32> to vector<16xf32>
      %swap3A_436 = vector.shape_cast %div3A_430 : vector<16xf32> to vector<1x16xf32>
      tpu.vector_store %arg7[%swap3A_432, %swap3A_433], %swap3A_436 {strides = array<i32>} : memref<8x128xf32, #tpu.memory_space<vmem>>, vector<1x16xf32>,
      %div3A_437 = arith.divf %select_n3A_406, %add3A_417 : vector<16xf32>
      %swap3A_438 = arith.constant 3 : i32
      %swap3A_439 = arith.index_cast %swap3A_438 : i32 to index
      %swap3A_440 = arith.constant 0 : index
      %swap3A_441 = tpu.vector_load %arg7[%swap3A_439, %swap3A_440] {strides = array<i32>} : memref<8x128xf32, #tpu.memory_space<vmem>>, vector<1x16xf32>,
      %swap3A_442 = vector.shape_cast %swap3A_441 : vector<1x16xf32> to vector<16xf32>
      %swap3A_443 = vector.shape_cast %div3A_437 : vector<16xf32> to vector<1x16xf32>
      tpu.vector_store %arg7[%swap3A_439, %swap3A_440], %swap3A_443 {strides = array<i32>} : memref<8x128xf32, #tpu.memory_space<vmem>>, vector<1x16xf32>,
      %div3A_444 = arith.divf %select_n3A_407, %add3A_417 : vector<16xf32>
      %swap3A_445 = arith.constant 4 : i32
      %swap3A_446 = arith.index_cast %swap3A_445 : i32 to index
      %swap3A_447 = arith.constant 0 : index
      %swap3A_448 = tpu.vector_load %arg7[%swap3A_446, %swap3A_447] {strides = array<i32>} : memref<8x128xf32, #tpu.memory_space<vmem>>, vector<1x16xf32>,
      %swap3A_449 = vector.shape_cast %swap3A_448 : vector<1x16xf32> to vector<16xf32>
      %swap3A_450 = vector.shape_cast %div3A_444 : vector<16xf32> to vector<1x16xf32>
      tpu.vector_store %arg7[%swap3A_446, %swap3A_447], %swap3A_450 {strides = array<i32>} : memref<8x128xf32, #tpu.memory_space<vmem>>, vector<1x16xf32>,
      %div3A_451 = arith.divf %select_n3A_408, %add3A_417 : vector<16xf32>
      %swap3A_452 = arith.constant 5 : i32
      %swap3A_453 = arith.index_cast %swap3A_452 : i32 to index
      %swap3A_454 = arith.constant 0 : index
      %swap3A_455 = tpu.vector_load %arg7[%swap3A_453, %swap3A_454] {strides = array<i32>} : memref<8x128xf32, #tpu.memory_space<vmem>>, vector<1x16xf32>,
      %swap3A_456 = vector.shape_cast %swap3A_455 : vector<1x16xf32> to vector<16xf32>
      %swap3A_457 = vector.shape_cast %div3A_451 : vector<16xf32> to vector<1x16xf32>
      tpu.vector_store %arg7[%swap3A_453, %swap3A_454], %swap3A_457 {strides = array<i32>} : memref<8x128xf32, #tpu.memory_space<vmem>>, vector<1x16xf32>,
      %div3A_458 = arith.divf %select_n3A_409, %add3A_417 : vector<16xf32>
      %swap3A_459 = arith.constant 6 : i32
      %swap3A_460 = arith.index_cast %swap3A_459 : i32 to index
      %swap3A_461 = arith.constant 0 : index
      %swap3A_462 = tpu.vector_load %arg7[%swap3A_460, %swap3A_461] {strides = array<i32>} : memref<8x128xf32, #tpu.memory_space<vmem>>, vector<1x16xf32>,
      %swap3A_463 = vector.shape_cast %swap3A_462 : vector<1x16xf32> to vector<16xf32>
      %swap3A_464 = vector.shape_cast %div3A_458 : vector<16xf32> to vector<1x16xf32>
      tpu.vector_store %arg7[%swap3A_460, %swap3A_461], %swap3A_464 {strides = array<i32>} : memref<8x128xf32, #tpu.memory_space<vmem>>, vector<1x16xf32>,
      %div3A_465 = arith.divf %select_n3A_410, %add3A_417 : vector<16xf32>
      %swap3A_466 = arith.constant 7 : i32
      %swap3A_467 = arith.index_cast %swap3A_466 : i32 to index
      %swap3A_468 = arith.constant 0 : index
      %swap3A_469 = tpu.vector_load %arg7[%swap3A_467, %swap3A_468] {strides = array<i32>} : memref<8x128xf32, #tpu.memory_space<vmem>>, vector<1x16xf32>,
      %swap3A_470 = vector.shape_cast %swap3A_469 : vector<1x16xf32> to vector<16xf32>
      %swap3A_471 = vector.shape_cast %div3A_465 : vector<16xf32> to vector<1x16xf32>
      tpu.vector_store %arg7[%swap3A_467, %swap3A_468], %swap3A_471 {strides = array<i32>} : memref<8x128xf32, #tpu.memory_space<vmem>>, vector<1x16xf32>,
      %get3A_472 = arith.constant 0 : i32
      %get3A_473 = arith.index_cast %get3A_472 : i32 to index
      %get3A_474 = arith.constant 16 : index
      %get3A_475 = tpu.vector_load %arg6[%get3A_473, %get3A_474] {strides = array<i32>} : memref<8x128xf32, #tpu.memory_space<vmem>>, vector<1x16xf32>,
      %get3A_476 = vector.shape_cast %get3A_475 : vector<1x16xf32> to vector<16xf32>
      %get3A_477 = arith.constant 1 : i32
      %get3A_478 = arith.index_cast %get3A_477 : i32 to index
      %get3A_479 = arith.constant 16 : index
      %get3A_480 = tpu.vector_load %arg6[%get3A_478, %get3A_479] {strides = array<i32>} : memref<8x128xf32, #tpu.memory_space<vmem>>, vector<1x16xf32>,
      %get3A_481 = vector.shape_cast %get3A_480 : vector<1x16xf32> to vector<16xf32>
      %get3A_482 = arith.constant 2 : i32
      %get3A_483 = arith.index_cast %get3A_482 : i32 to index
      %get3A_484 = arith.constant 16 : index
      %get3A_485 = tpu.vector_load %arg6[%get3A_483, %get3A_484] {strides = array<i32>} : memref<8x128xf32, #tpu.memory_space<vmem>>, vector<1x16xf32>,
      %get3A_486 = vector.shape_cast %get3A_485 : vector<1x16xf32> to vector<16xf32>
      %get3A_487 = arith.constant 3 : i32
      %get3A_488 = arith.index_cast %get3A_487 : i32 to index
      %get3A_489 = arith.constant 16 : index
      %get3A_490 = tpu.vector_load %arg6[%get3A_488, %get3A_489] {strides = array<i32>} : memref<8x128xf32, #tpu.memory_space<vmem>>, vector<1x16xf32>,
      %get3A_491 = vector.shape_cast %get3A_490 : vector<1x16xf32> to vector<16xf32>
      %get3A_492 = arith.constant 4 : i32
      %get3A_493 = arith.index_cast %get3A_492 : i32 to index
      %get3A_494 = arith.constant 16 : index
      %get3A_495 = tpu.vector_load %arg6[%get3A_493, %get3A_494] {strides = array<i32>} : memref<8x128xf32, #tpu.memory_space<vmem>>, vector<1x16xf32>,
      %get3A_496 = vector.shape_cast %get3A_495 : vector<1x16xf32> to vector<16xf32>
      %get3A_497 = arith.constant 5 : i32
      %get3A_498 = arith.index_cast %get3A_497 : i32 to index
      %get3A_499 = arith.constant 16 : index
      %get3A_500 = tpu.vector_load %arg6[%get3A_498, %get3A_499] {strides = array<i32>} : memref<8x128xf32, #tpu.memory_space<vmem>>, vector<1x16xf32>,
      %get3A_501 = vector.shape_cast %get3A_500 : vector<1x16xf32> to vector<16xf32>
      %get3A_502 = arith.constant 6 : i32
      %get3A_503 = arith.index_cast %get3A_502 : i32 to index
      %get3A_504 = arith.constant 16 : index
      %get3A_505 = tpu.vector_load %arg6[%get3A_503, %get3A_504] {strides = array<i32>} : memref<8x128xf32, #tpu.memory_space<vmem>>, vector<1x16xf32>,
      %get3A_506 = vector.shape_cast %get3A_505 : vector<1x16xf32> to vector<16xf32>
      %get3A_507 = arith.constant 7 : i32
      %get3A_508 = arith.index_cast %get3A_507 : i32 to index
      %get3A_509 = arith.constant 16 : index
      %get3A_510 = tpu.vector_load %arg6[%get3A_508, %get3A_509] {strides = array<i32>} : memref<8x128xf32, #tpu.memory_space<vmem>>, vector<1x16xf32>,
      %get3A_511 = vector.shape_cast %get3A_510 : vector<1x16xf32> to vector<16xf32>
      %get3A_512 = arith.constant 0 : i32
      %get3A_513 = arith.index_cast %get3A_512 : i32 to index
      %get3A_514 = arith.constant 16 : index
      %get3A_515 = tpu.vector_load %arg5[%get3A_513, %get3A_514] {strides = array<i32>} : memref<8x128xf32, #tpu.memory_space<vmem>>, vector<1x16xf32>,
      %get3A_516 = vector.shape_cast %get3A_515 : vector<1x16xf32> to vector<16xf32>
      %get3A_517 = arith.constant 1 : i32
      %get3A_518 = arith.index_cast %get3A_517 : i32 to index
      %get3A_519 = arith.constant 16 : index
      %get3A_520 = tpu.vector_load %arg5[%get3A_518, %get3A_519] {strides = array<i32>} : memref<8x128xf32, #tpu.memory_space<vmem>>, vector<1x16xf32>,
      %get3A_521 = vector.shape_cast %get3A_520 : vector<1x16xf32> to vector<16xf32>
      %get3A_522 = arith.constant 2 : i32
      %get3A_523 = arith.index_cast %get3A_522 : i32 to index
      %get3A_524 = arith.constant 16 : index
      %get3A_525 = tpu.vector_load %arg5[%get3A_523, %get3A_524] {strides = array<i32>} : memref<8x128xf32, #tpu.memory_space<vmem>>, vector<1x16xf32>,
      %get3A_526 = vector.shape_cast %get3A_525 : vector<1x16xf32> to vector<16xf32>
      %get3A_527 = arith.constant 3 : i32
      %get3A_528 = arith.index_cast %get3A_527 : i32 to index
      %get3A_529 = arith.constant 16 : index
      %get3A_530 = tpu.vector_load %arg5[%get3A_528, %get3A_529] {strides = array<i32>} : memref<8x128xf32, #tpu.memory_space<vmem>>, vector<1x16xf32>,
      %get3A_531 = vector.shape_cast %get3A_530 : vector<1x16xf32> to vector<16xf32>
      %get3A_532 = arith.constant 4 : i32
      %get3A_533 = arith.index_cast %get3A_532 : i32 to index
      %get3A_534 = arith.constant 16 : index
      %get3A_535 = tpu.vector_load %arg5[%get3A_533, %get3A_534] {strides = array<i32>} : memref<8x128xf32, #tpu.memory_space<vmem>>, vector<1x16xf32>,
      %get3A_536 = vector.shape_cast %get3A_535 : vector<1x16xf32> to vector<16xf32>
      %get3A_537 = arith.constant 5 : i32
      %get3A_538 = arith.index_cast %get3A_537 : i32 to index
      %get3A_539 = arith.constant 16 : index
      %get3A_540 = tpu.vector_load %arg5[%get3A_538, %get3A_539] {strides = array<i32>} : memref<8x128xf32, #tpu.memory_space<vmem>>, vector<1x16xf32>,
      %get3A_541 = vector.shape_cast %get3A_540 : vector<1x16xf32> to vector<16xf32>
      %get3A_542 = arith.constant 6 : i32
      %get3A_543 = arith.index_cast %get3A_542 : i32 to index
      %get3A_544 = arith.constant 16 : index
      %get3A_545 = tpu.vector_load %arg5[%get3A_543, %get3A_544] {strides = array<i32>} : memref<8x128xf32, #tpu.memory_space<vmem>>, vector<1x16xf32>,
      %get3A_546 = vector.shape_cast %get3A_545 : vector<1x16xf32> to vector<16xf32>
      %get3A_547 = arith.constant 7 : i32
      %get3A_548 = arith.index_cast %get3A_547 : i32 to index
      %get3A_549 = arith.constant 16 : index
      %get3A_550 = tpu.vector_load %arg5[%get3A_548, %get3A_549] {strides = array<i32>} : memref<8x128xf32, #tpu.memory_space<vmem>>, vector<1x16xf32>,
      %get3A_551 = vector.shape_cast %get3A_550 : vector<1x16xf32> to vector<16xf32>
      %add3A_552 = arith.addf %get3A_476, %get3A_481 : vector<16xf32>
      %add3A_553 = arith.addf %get3A_486, %get3A_491 : vector<16xf32>
      %add3A_554 = arith.addf %get3A_496, %get3A_501 : vector<16xf32>
      %add3A_555 = arith.addf %get3A_506, %get3A_511 : vector<16xf32>
      %broadcast_in_dim3A_556 = arith.constant 1.000000e+00 : f32
      %broadcast_in_dim3A_557 = vector.broadcast %broadcast_in_dim3A_556 : f32 to vector<16xf32>
      %broadcast_in_dim3A_558 = arith.constant 0.000000e+00 : f32
      %broadcast_in_dim3A_559 = vector.broadcast %broadcast_in_dim3A_558 : f32 to vector<16xf32>
      %gt3A_560 = arith.cmpf ogt, %add3A_553, %add3A_552 : vector<16xf32>
      %select_n3A_561 = arith.select %gt3A_560, %broadcast_in_dim3A_557, %broadcast_in_dim3A_559 : vector<16xi1>, vector<16xf32>
      %add3A_562 = arith.addf %broadcast_in_dim3A_559, %select_n3A_561 : vector<16xf32>
      %gt3A_563 = arith.cmpf ogt, %add3A_554, %add3A_552 : vector<16xf32>
      %select_n3A_564 = arith.select %gt3A_563, %broadcast_in_dim3A_557, %broadcast_in_dim3A_559 : vector<16xi1>, vector<16xf32>
      %add3A_565 = arith.addf %add3A_562, %select_n3A_564 : vector<16xf32>
      %gt3A_566 = arith.cmpf ogt, %add3A_555, %add3A_552 : vector<16xf32>
      %select_n3A_567 = arith.select %gt3A_566, %broadcast_in_dim3A_557, %broadcast_in_dim3A_559 : vector<16xi1>, vector<16xf32>
      %add3A_568 = arith.addf %add3A_565, %select_n3A_567 : vector<16xf32>
      %lt3A_569 = arith.constant 2.000000e+00 : f32
      %lt3A_570 = vector.broadcast %lt3A_569 : f32 to vector<16xf32>
      %lt3A_571 = arith.cmpf olt, %add3A_568, %lt3A_570 : vector<16xf32>
      %gt3A_572 = arith.cmpf ogt, %add3A_552, %add3A_553 : vector<16xf32>
      %eq3A_573 = arith.cmpf oeq, %add3A_552, %add3A_553 : vector<16xf32>
      %or3A_574 = arith.ori %gt3A_572, %eq3A_573 : vector<16xi1>
      %select_n3A_575 = arith.select %or3A_574, %broadcast_in_dim3A_557, %broadcast_in_dim3A_559 : vector<16xi1>, vector<16xf32>
      %add3A_576 = arith.addf %broadcast_in_dim3A_559, %select_n3A_575 : vector<16xf32>
      %gt3A_577 = arith.cmpf ogt, %add3A_554, %add3A_553 : vector<16xf32>
      %select_n3A_578 = arith.select %gt3A_577, %broadcast_in_dim3A_557, %broadcast_in_dim3A_559 : vector<16xi1>, vector<16xf32>
      %add3A_579 = arith.addf %add3A_576, %select_n3A_578 : vector<16xf32>
      %gt3A_580 = arith.cmpf ogt, %add3A_555, %add3A_553 : vector<16xf32>
      %select_n3A_581 = arith.select %gt3A_580, %broadcast_in_dim3A_557, %broadcast_in_dim3A_559 : vector<16xi1>, vector<16xf32>
      %add3A_582 = arith.addf %add3A_579, %select_n3A_581 : vector<16xf32>
      %lt3A_583 = arith.constant 2.000000e+00 : f32
      %lt3A_584 = vector.broadcast %lt3A_583 : f32 to vector<16xf32>
      %lt3A_585 = arith.cmpf olt, %add3A_582, %lt3A_584 : vector<16xf32>
      %gt3A_586 = arith.cmpf ogt, %add3A_552, %add3A_554 : vector<16xf32>
      %eq3A_587 = arith.cmpf oeq, %add3A_552, %add3A_554 : vector<16xf32>
      %or3A_588 = arith.ori %gt3A_586, %eq3A_587 : vector<16xi1>
      %select_n3A_589 = arith.select %or3A_588, %broadcast_in_dim3A_557, %broadcast_in_dim3A_559 : vector<16xi1>, vector<16xf32>
      %add3A_590 = arith.addf %broadcast_in_dim3A_559, %select_n3A_589 : vector<16xf32>
      %gt3A_591 = arith.cmpf ogt, %add3A_553, %add3A_554 : vector<16xf32>
      %eq3A_592 = arith.cmpf oeq, %add3A_553, %add3A_554 : vector<16xf32>
      %or3A_593 = arith.ori %gt3A_591, %eq3A_592 : vector<16xi1>
      %select_n3A_594 = arith.select %or3A_593, %broadcast_in_dim3A_557, %broadcast_in_dim3A_559 : vector<16xi1>, vector<16xf32>
      %add3A_595 = arith.addf %add3A_590, %select_n3A_594 : vector<16xf32>
      %gt3A_596 = arith.cmpf ogt, %add3A_555, %add3A_554 : vector<16xf32>
      %select_n3A_597 = arith.select %gt3A_596, %broadcast_in_dim3A_557, %broadcast_in_dim3A_559 : vector<16xi1>, vector<16xf32>
      %add3A_598 = arith.addf %add3A_595, %select_n3A_597 : vector<16xf32>
      %lt3A_599 = arith.constant 2.000000e+00 : f32
      %lt3A_600 = vector.broadcast %lt3A_599 : f32 to vector<16xf32>
      %lt3A_601 = arith.cmpf olt, %add3A_598, %lt3A_600 : vector<16xf32>
      %gt3A_602 = arith.cmpf ogt, %add3A_552, %add3A_555 : vector<16xf32>
      %eq3A_603 = arith.cmpf oeq, %add3A_552, %add3A_555 : vector<16xf32>
      %or3A_604 = arith.ori %gt3A_602, %eq3A_603 : vector<16xi1>
      %select_n3A_605 = arith.select %or3A_604, %broadcast_in_dim3A_557, %broadcast_in_dim3A_559 : vector<16xi1>, vector<16xf32>
      %add3A_606 = arith.addf %broadcast_in_dim3A_559, %select_n3A_605 : vector<16xf32>
      %gt3A_607 = arith.cmpf ogt, %add3A_553, %add3A_555 : vector<16xf32>
      %eq3A_608 = arith.cmpf oeq, %add3A_553, %add3A_555 : vector<16xf32>
      %or3A_609 = arith.ori %gt3A_607, %eq3A_608 : vector<16xi1>
      %select_n3A_610 = arith.select %or3A_609, %broadcast_in_dim3A_557, %broadcast_in_dim3A_559 : vector<16xi1>, vector<16xf32>
      %add3A_611 = arith.addf %add3A_606, %select_n3A_610 : vector<16xf32>
      %gt3A_612 = arith.cmpf ogt, %add3A_554, %add3A_555 : vector<16xf32>
      %eq3A_613 = arith.cmpf oeq, %add3A_554, %add3A_555 : vector<16xf32>
      %or3A_614 = arith.ori %gt3A_612, %eq3A_613 : vector<16xi1>
      %select_n3A_615 = arith.select %or3A_614, %broadcast_in_dim3A_557, %broadcast_in_dim3A_559 : vector<16xi1>, vector<16xf32>
      %add3A_616 = arith.addf %add3A_611, %select_n3A_615 : vector<16xf32>
      %lt3A_617 = arith.constant 2.000000e+00 : f32
      %lt3A_618 = vector.broadcast %lt3A_617 : f32 to vector<16xf32>
      %lt3A_619 = arith.cmpf olt, %add3A_616, %lt3A_618 : vector<16xf32>
      %select_n3A_620 = arith.select %lt3A_571, %get3A_476, %broadcast_in_dim3A_559 : vector<16xi1>, vector<16xf32>
      %select_n3A_621 = arith.select %lt3A_571, %get3A_481, %broadcast_in_dim3A_559 : vector<16xi1>, vector<16xf32>
      %select_n3A_622 = arith.select %lt3A_585, %get3A_486, %broadcast_in_dim3A_559 : vector<16xi1>, vector<16xf32>
      %select_n3A_623 = arith.select %lt3A_585, %get3A_491, %broadcast_in_dim3A_559 : vector<16xi1>, vector<16xf32>
      %select_n3A_624 = arith.select %lt3A_601, %get3A_496, %broadcast_in_dim3A_559 : vector<16xi1>, vector<16xf32>
      %select_n3A_625 = arith.select %lt3A_601, %get3A_501, %broadcast_in_dim3A_559 : vector<16xi1>, vector<16xf32>
      %select_n3A_626 = arith.select %lt3A_619, %get3A_506, %broadcast_in_dim3A_559 : vector<16xi1>, vector<16xf32>
      %select_n3A_627 = arith.select %lt3A_619, %get3A_511, %broadcast_in_dim3A_559 : vector<16xi1>, vector<16xf32>
      %gt3A_628 = arith.cmpf ogt, %select_n3A_621, %select_n3A_620 : vector<16xf32>
      %select_n3A_629 = arith.select %gt3A_628, %broadcast_in_dim3A_557, %broadcast_in_dim3A_559 : vector<16xi1>, vector<16xf32>
      %add3A_630 = arith.addf %broadcast_in_dim3A_559, %select_n3A_629 : vector<16xf32>
      %gt3A_631 = arith.cmpf ogt, %select_n3A_622, %select_n3A_620 : vector<16xf32>
      %select_n3A_632 = arith.select %gt3A_631, %broadcast_in_dim3A_557, %broadcast_in_dim3A_559 : vector<16xi1>, vector<16xf32>
      %add3A_633 = arith.addf %add3A_630, %select_n3A_632 : vector<16xf32>
      %gt3A_634 = arith.cmpf ogt, %select_n3A_623, %select_n3A_620 : vector<16xf32>
      %select_n3A_635 = arith.select %gt3A_634, %broadcast_in_dim3A_557, %broadcast_in_dim3A_559 : vector<16xi1>, vector<16xf32>
      %add3A_636 = arith.addf %add3A_633, %select_n3A_635 : vector<16xf32>
      %gt3A_637 = arith.cmpf ogt, %select_n3A_624, %select_n3A_620 : vector<16xf32>
      %select_n3A_638 = arith.select %gt3A_637, %broadcast_in_dim3A_557, %broadcast_in_dim3A_559 : vector<16xi1>, vector<16xf32>
      %add3A_639 = arith.addf %add3A_636, %select_n3A_638 : vector<16xf32>
      %gt3A_640 = arith.cmpf ogt, %select_n3A_625, %select_n3A_620 : vector<16xf32>
      %select_n3A_641 = arith.select %gt3A_640, %broadcast_in_dim3A_557, %broadcast_in_dim3A_559 : vector<16xi1>, vector<16xf32>
      %add3A_642 = arith.addf %add3A_639, %select_n3A_641 : vector<16xf32>
      %gt3A_643 = arith.cmpf ogt, %select_n3A_626, %select_n3A_620 : vector<16xf32>
      %select_n3A_644 = arith.select %gt3A_643, %broadcast_in_dim3A_557, %broadcast_in_dim3A_559 : vector<16xi1>, vector<16xf32>
      %add3A_645 = arith.addf %add3A_642, %select_n3A_644 : vector<16xf32>
      %gt3A_646 = arith.cmpf ogt, %select_n3A_627, %select_n3A_620 : vector<16xf32>
      %select_n3A_647 = arith.select %gt3A_646, %broadcast_in_dim3A_557, %broadcast_in_dim3A_559 : vector<16xi1>, vector<16xf32>
      %add3A_648 = arith.addf %add3A_645, %select_n3A_647 : vector<16xf32>
      %lt3A_649 = arith.constant 2.000000e+00 : f32
      %lt3A_650 = vector.broadcast %lt3A_649 : f32 to vector<16xf32>
      %lt3A_651 = arith.cmpf olt, %add3A_648, %lt3A_650 : vector<16xf32>
      %gt3A_652 = arith.cmpf ogt, %select_n3A_620, %select_n3A_621 : vector<16xf32>
      %eq3A_653 = arith.cmpf oeq, %select_n3A_620, %select_n3A_621 : vector<16xf32>
      %or3A_654 = arith.ori %gt3A_652, %eq3A_653 : vector<16xi1>
      %select_n3A_655 = arith.select %or3A_654, %broadcast_in_dim3A_557, %broadcast_in_dim3A_559 : vector<16xi1>, vector<16xf32>
      %add3A_656 = arith.addf %broadcast_in_dim3A_559, %select_n3A_655 : vector<16xf32>
      %gt3A_657 = arith.cmpf ogt, %select_n3A_622, %select_n3A_621 : vector<16xf32>
      %select_n3A_658 = arith.select %gt3A_657, %broadcast_in_dim3A_557, %broadcast_in_dim3A_559 : vector<16xi1>, vector<16xf32>
      %add3A_659 = arith.addf %add3A_656, %select_n3A_658 : vector<16xf32>
      %gt3A_660 = arith.cmpf ogt, %select_n3A_623, %select_n3A_621 : vector<16xf32>
      %select_n3A_661 = arith.select %gt3A_660, %broadcast_in_dim3A_557, %broadcast_in_dim3A_559 : vector<16xi1>, vector<16xf32>
      %add3A_662 = arith.addf %add3A_659, %select_n3A_661 : vector<16xf32>
      %gt3A_663 = arith.cmpf ogt, %select_n3A_624, %select_n3A_621 : vector<16xf32>
      %select_n3A_664 = arith.select %gt3A_663, %broadcast_in_dim3A_557, %broadcast_in_dim3A_559 : vector<16xi1>, vector<16xf32>
      %add3A_665 = arith.addf %add3A_662, %select_n3A_664 : vector<16xf32>
      %gt3A_666 = arith.cmpf ogt, %select_n3A_625, %select_n3A_621 : vector<16xf32>
      %select_n3A_667 = arith.select %gt3A_666, %broadcast_in_dim3A_557, %broadcast_in_dim3A_559 : vector<16xi1>, vector<16xf32>
      %add3A_668 = arith.addf %add3A_665, %select_n3A_667 : vector<16xf32>
      %gt3A_669 = arith.cmpf ogt, %select_n3A_626, %select_n3A_621 : vector<16xf32>
      %select_n3A_670 = arith.select %gt3A_669, %broadcast_in_dim3A_557, %broadcast_in_dim3A_559 : vector<16xi1>, vector<16xf32>
      %add3A_671 = arith.addf %add3A_668, %select_n3A_670 : vector<16xf32>
      %gt3A_672 = arith.cmpf ogt, %select_n3A_627, %select_n3A_621 : vector<16xf32>
      %select_n3A_673 = arith.select %gt3A_672, %broadcast_in_dim3A_557, %broadcast_in_dim3A_559 : vector<16xi1>, vector<16xf32>
      %add3A_674 = arith.addf %add3A_671, %select_n3A_673 : vector<16xf32>
      %lt3A_675 = arith.constant 2.000000e+00 : f32
      %lt3A_676 = vector.broadcast %lt3A_675 : f32 to vector<16xf32>
      %lt3A_677 = arith.cmpf olt, %add3A_674, %lt3A_676 : vector<16xf32>
      %gt3A_678 = arith.cmpf ogt, %select_n3A_620, %select_n3A_622 : vector<16xf32>
      %eq3A_679 = arith.cmpf oeq, %select_n3A_620, %select_n3A_622 : vector<16xf32>
      %or3A_680 = arith.ori %gt3A_678, %eq3A_679 : vector<16xi1>
      %select_n3A_681 = arith.select %or3A_680, %broadcast_in_dim3A_557, %broadcast_in_dim3A_559 : vector<16xi1>, vector<16xf32>
      %add3A_682 = arith.addf %broadcast_in_dim3A_559, %select_n3A_681 : vector<16xf32>
      %gt3A_683 = arith.cmpf ogt, %select_n3A_621, %select_n3A_622 : vector<16xf32>
      %eq3A_684 = arith.cmpf oeq, %select_n3A_621, %select_n3A_622 : vector<16xf32>
      %or3A_685 = arith.ori %gt3A_683, %eq3A_684 : vector<16xi1>
      %select_n3A_686 = arith.select %or3A_685, %broadcast_in_dim3A_557, %broadcast_in_dim3A_559 : vector<16xi1>, vector<16xf32>
      %add3A_687 = arith.addf %add3A_682, %select_n3A_686 : vector<16xf32>
      %gt3A_688 = arith.cmpf ogt, %select_n3A_623, %select_n3A_622 : vector<16xf32>
      %select_n3A_689 = arith.select %gt3A_688, %broadcast_in_dim3A_557, %broadcast_in_dim3A_559 : vector<16xi1>, vector<16xf32>
      %add3A_690 = arith.addf %add3A_687, %select_n3A_689 : vector<16xf32>
      %gt3A_691 = arith.cmpf ogt, %select_n3A_624, %select_n3A_622 : vector<16xf32>
      %select_n3A_692 = arith.select %gt3A_691, %broadcast_in_dim3A_557, %broadcast_in_dim3A_559 : vector<16xi1>, vector<16xf32>
      %add3A_693 = arith.addf %add3A_690, %select_n3A_692 : vector<16xf32>
      %gt3A_694 = arith.cmpf ogt, %select_n3A_625, %select_n3A_622 : vector<16xf32>
      %select_n3A_695 = arith.select %gt3A_694, %broadcast_in_dim3A_557, %broadcast_in_dim3A_559 : vector<16xi1>, vector<16xf32>
      %add3A_696 = arith.addf %add3A_693, %select_n3A_695 : vector<16xf32>
      %gt3A_697 = arith.cmpf ogt, %select_n3A_626, %select_n3A_622 : vector<16xf32>
      %select_n3A_698 = arith.select %gt3A_697, %broadcast_in_dim3A_557, %broadcast_in_dim3A_559 : vector<16xi1>, vector<16xf32>
      %add3A_699 = arith.addf %add3A_696, %select_n3A_698 : vector<16xf32>
      %gt3A_700 = arith.cmpf ogt, %select_n3A_627, %select_n3A_622 : vector<16xf32>
      %select_n3A_701 = arith.select %gt3A_700, %broadcast_in_dim3A_557, %broadcast_in_dim3A_559 : vector<16xi1>, vector<16xf32>
      %add3A_702 = arith.addf %add3A_699, %select_n3A_701 : vector<16xf32>
      %lt3A_703 = arith.constant 2.000000e+00 : f32
      %lt3A_704 = vector.broadcast %lt3A_703 : f32 to vector<16xf32>
      %lt3A_705 = arith.cmpf olt, %add3A_702, %lt3A_704 : vector<16xf32>
      %gt3A_706 = arith.cmpf ogt, %select_n3A_620, %select_n3A_623 : vector<16xf32>
      %eq3A_707 = arith.cmpf oeq, %select_n3A_620, %select_n3A_623 : vector<16xf32>
      %or3A_708 = arith.ori %gt3A_706, %eq3A_707 : vector<16xi1>
      %select_n3A_709 = arith.select %or3A_708, %broadcast_in_dim3A_557, %broadcast_in_dim3A_559 : vector<16xi1>, vector<16xf32>
      %add3A_710 = arith.addf %broadcast_in_dim3A_559, %select_n3A_709 : vector<16xf32>
      %gt3A_711 = arith.cmpf ogt, %select_n3A_621, %select_n3A_623 : vector<16xf32>
      %eq3A_712 = arith.cmpf oeq, %select_n3A_621, %select_n3A_623 : vector<16xf32>
      %or3A_713 = arith.ori %gt3A_711, %eq3A_712 : vector<16xi1>
      %select_n3A_714 = arith.select %or3A_713, %broadcast_in_dim3A_557, %broadcast_in_dim3A_559 : vector<16xi1>, vector<16xf32>
      %add3A_715 = arith.addf %add3A_710, %select_n3A_714 : vector<16xf32>
      %gt3A_716 = arith.cmpf ogt, %select_n3A_622, %select_n3A_623 : vector<16xf32>
      %eq3A_717 = arith.cmpf oeq, %select_n3A_622, %select_n3A_623 : vector<16xf32>
      %or3A_718 = arith.ori %gt3A_716, %eq3A_717 : vector<16xi1>
      %select_n3A_719 = arith.select %or3A_718, %broadcast_in_dim3A_557, %broadcast_in_dim3A_559 : vector<16xi1>, vector<16xf32>
      %add3A_720 = arith.addf %add3A_715, %select_n3A_719 : vector<16xf32>
      %gt3A_721 = arith.cmpf ogt, %select_n3A_624, %select_n3A_623 : vector<16xf32>
      %select_n3A_722 = arith.select %gt3A_721, %broadcast_in_dim3A_557, %broadcast_in_dim3A_559 : vector<16xi1>, vector<16xf32>
      %add3A_723 = arith.addf %add3A_720, %select_n3A_722 : vector<16xf32>
      %gt3A_724 = arith.cmpf ogt, %select_n3A_625, %select_n3A_623 : vector<16xf32>
      %select_n3A_725 = arith.select %gt3A_724, %broadcast_in_dim3A_557, %broadcast_in_dim3A_559 : vector<16xi1>, vector<16xf32>
      %add3A_726 = arith.addf %add3A_723, %select_n3A_725 : vector<16xf32>
      %gt3A_727 = arith.cmpf ogt, %select_n3A_626, %select_n3A_623 : vector<16xf32>
      %select_n3A_728 = arith.select %gt3A_727, %broadcast_in_dim3A_557, %broadcast_in_dim3A_559 : vector<16xi1>, vector<16xf32>
      %add3A_729 = arith.addf %add3A_726, %select_n3A_728 : vector<16xf32>
      %gt3A_730 = arith.cmpf ogt, %select_n3A_627, %select_n3A_623 : vector<16xf32>
      %select_n3A_731 = arith.select %gt3A_730, %broadcast_in_dim3A_557, %broadcast_in_dim3A_559 : vector<16xi1>, vector<16xf32>
      %add3A_732 = arith.addf %add3A_729, %select_n3A_731 : vector<16xf32>
      %lt3A_733 = arith.constant 2.000000e+00 : f32
      %lt3A_734 = vector.broadcast %lt3A_733 : f32 to vector<16xf32>
      %lt3A_735 = arith.cmpf olt, %add3A_732, %lt3A_734 : vector<16xf32>
      %gt3A_736 = arith.cmpf ogt, %select_n3A_620, %select_n3A_624 : vector<16xf32>
      %eq3A_737 = arith.cmpf oeq, %select_n3A_620, %select_n3A_624 : vector<16xf32>
      %or3A_738 = arith.ori %gt3A_736, %eq3A_737 : vector<16xi1>
      %select_n3A_739 = arith.select %or3A_738, %broadcast_in_dim3A_557, %broadcast_in_dim3A_559 : vector<16xi1>, vector<16xf32>
      %add3A_740 = arith.addf %broadcast_in_dim3A_559, %select_n3A_739 : vector<16xf32>
      %gt3A_741 = arith.cmpf ogt, %select_n3A_621, %select_n3A_624 : vector<16xf32>
      %eq3A_742 = arith.cmpf oeq, %select_n3A_621, %select_n3A_624 : vector<16xf32>
      %or3A_743 = arith.ori %gt3A_741, %eq3A_742 : vector<16xi1>
      %select_n3A_744 = arith.select %or3A_743, %broadcast_in_dim3A_557, %broadcast_in_dim3A_559 : vector<16xi1>, vector<16xf32>
      %add3A_745 = arith.addf %add3A_740, %select_n3A_744 : vector<16xf32>
      %gt3A_746 = arith.cmpf ogt, %select_n3A_622, %select_n3A_624 : vector<16xf32>
      %eq3A_747 = arith.cmpf oeq, %select_n3A_622, %select_n3A_624 : vector<16xf32>
      %or3A_748 = arith.ori %gt3A_746, %eq3A_747 : vector<16xi1>
      %select_n3A_749 = arith.select %or3A_748, %broadcast_in_dim3A_557, %broadcast_in_dim3A_559 : vector<16xi1>, vector<16xf32>
      %add3A_750 = arith.addf %add3A_745, %select_n3A_749 : vector<16xf32>
      %gt3A_751 = arith.cmpf ogt, %select_n3A_623, %select_n3A_624 : vector<16xf32>
      %eq3A_752 = arith.cmpf oeq, %select_n3A_623, %select_n3A_624 : vector<16xf32>
      %or3A_753 = arith.ori %gt3A_751, %eq3A_752 : vector<16xi1>
      %select_n3A_754 = arith.select %or3A_753, %broadcast_in_dim3A_557, %broadcast_in_dim3A_559 : vector<16xi1>, vector<16xf32>
      %add3A_755 = arith.addf %add3A_750, %select_n3A_754 : vector<16xf32>
      %gt3A_756 = arith.cmpf ogt, %select_n3A_625, %select_n3A_624 : vector<16xf32>
      %select_n3A_757 = arith.select %gt3A_756, %broadcast_in_dim3A_557, %broadcast_in_dim3A_559 : vector<16xi1>, vector<16xf32>
      %add3A_758 = arith.addf %add3A_755, %select_n3A_757 : vector<16xf32>
      %gt3A_759 = arith.cmpf ogt, %select_n3A_626, %select_n3A_624 : vector<16xf32>
      %select_n3A_760 = arith.select %gt3A_759, %broadcast_in_dim3A_557, %broadcast_in_dim3A_559 : vector<16xi1>, vector<16xf32>
      %add3A_761 = arith.addf %add3A_758, %select_n3A_760 : vector<16xf32>
      %gt3A_762 = arith.cmpf ogt, %select_n3A_627, %select_n3A_624 : vector<16xf32>
      %select_n3A_763 = arith.select %gt3A_762, %broadcast_in_dim3A_557, %broadcast_in_dim3A_559 : vector<16xi1>, vector<16xf32>
      %add3A_764 = arith.addf %add3A_761, %select_n3A_763 : vector<16xf32>
      %lt3A_765 = arith.constant 2.000000e+00 : f32
      %lt3A_766 = vector.broadcast %lt3A_765 : f32 to vector<16xf32>
      %lt3A_767 = arith.cmpf olt, %add3A_764, %lt3A_766 : vector<16xf32>
      %gt3A_768 = arith.cmpf ogt, %select_n3A_620, %select_n3A_625 : vector<16xf32>
      %eq3A_769 = arith.cmpf oeq, %select_n3A_620, %select_n3A_625 : vector<16xf32>
      %or3A_770 = arith.ori %gt3A_768, %eq3A_769 : vector<16xi1>
      %select_n3A_771 = arith.select %or3A_770, %broadcast_in_dim3A_557, %broadcast_in_dim3A_559 : vector<16xi1>, vector<16xf32>
      %add3A_772 = arith.addf %broadcast_in_dim3A_559, %select_n3A_771 : vector<16xf32>
      %gt3A_773 = arith.cmpf ogt, %select_n3A_621, %select_n3A_625 : vector<16xf32>
      %eq3A_774 = arith.cmpf oeq, %select_n3A_621, %select_n3A_625 : vector<16xf32>
      %or3A_775 = arith.ori %gt3A_773, %eq3A_774 : vector<16xi1>
      %select_n3A_776 = arith.select %or3A_775, %broadcast_in_dim3A_557, %broadcast_in_dim3A_559 : vector<16xi1>, vector<16xf32>
      %add3A_777 = arith.addf %add3A_772, %select_n3A_776 : vector<16xf32>
      %gt3A_778 = arith.cmpf ogt, %select_n3A_622, %select_n3A_625 : vector<16xf32>
      %eq3A_779 = arith.cmpf oeq, %select_n3A_622, %select_n3A_625 : vector<16xf32>
      %or3A_780 = arith.ori %gt3A_778, %eq3A_779 : vector<16xi1>
      %select_n3A_781 = arith.select %or3A_780, %broadcast_in_dim3A_557, %broadcast_in_dim3A_559 : vector<16xi1>, vector<16xf32>
      %add3A_782 = arith.addf %add3A_777, %select_n3A_781 : vector<16xf32>
      %gt3A_783 = arith.cmpf ogt, %select_n3A_623, %select_n3A_625 : vector<16xf32>
      %eq3A_784 = arith.cmpf oeq, %select_n3A_623, %select_n3A_625 : vector<16xf32>
      %or3A_785 = arith.ori %gt3A_783, %eq3A_784 : vector<16xi1>
      %select_n3A_786 = arith.select %or3A_785, %broadcast_in_dim3A_557, %broadcast_in_dim3A_559 : vector<16xi1>, vector<16xf32>
      %add3A_787 = arith.addf %add3A_782, %select_n3A_786 : vector<16xf32>
      %gt3A_788 = arith.cmpf ogt, %select_n3A_624, %select_n3A_625 : vector<16xf32>
      %eq3A_789 = arith.cmpf oeq, %select_n3A_624, %select_n3A_625 : vector<16xf32>
      %or3A_790 = arith.ori %gt3A_788, %eq3A_789 : vector<16xi1>
      %select_n3A_791 = arith.select %or3A_790, %broadcast_in_dim3A_557, %broadcast_in_dim3A_559 : vector<16xi1>, vector<16xf32>
      %add3A_792 = arith.addf %add3A_787, %select_n3A_791 : vector<16xf32>
      %gt3A_793 = arith.cmpf ogt, %select_n3A_626, %select_n3A_625 : vector<16xf32>
      %select_n3A_794 = arith.select %gt3A_793, %broadcast_in_dim3A_557, %broadcast_in_dim3A_559 : vector<16xi1>, vector<16xf32>
      %add3A_795 = arith.addf %add3A_792, %select_n3A_794 : vector<16xf32>
      %gt3A_796 = arith.cmpf ogt, %select_n3A_627, %select_n3A_625 : vector<16xf32>
      %select_n3A_797 = arith.select %gt3A_796, %broadcast_in_dim3A_557, %broadcast_in_dim3A_559 : vector<16xi1>, vector<16xf32>
      %add3A_798 = arith.addf %add3A_795, %select_n3A_797 : vector<16xf32>
      %lt3A_799 = arith.constant 2.000000e+00 : f32
      %lt3A_800 = vector.broadcast %lt3A_799 : f32 to vector<16xf32>
      %lt3A_801 = arith.cmpf olt, %add3A_798, %lt3A_800 : vector<16xf32>
      %gt3A_802 = arith.cmpf ogt, %select_n3A_620, %select_n3A_626 : vector<16xf32>
      %eq3A_803 = arith.cmpf oeq, %select_n3A_620, %select_n3A_626 : vector<16xf32>
      %or3A_804 = arith.ori %gt3A_802, %eq3A_803 : vector<16xi1>
      %select_n3A_805 = arith.select %or3A_804, %broadcast_in_dim3A_557, %broadcast_in_dim3A_559 : vector<16xi1>, vector<16xf32>
      %add3A_806 = arith.addf %broadcast_in_dim3A_559, %select_n3A_805 : vector<16xf32>
      %gt3A_807 = arith.cmpf ogt, %select_n3A_621, %select_n3A_626 : vector<16xf32>
      %eq3A_808 = arith.cmpf oeq, %select_n3A_621, %select_n3A_626 : vector<16xf32>
      %or3A_809 = arith.ori %gt3A_807, %eq3A_808 : vector<16xi1>
      %select_n3A_810 = arith.select %or3A_809, %broadcast_in_dim3A_557, %broadcast_in_dim3A_559 : vector<16xi1>, vector<16xf32>
      %add3A_811 = arith.addf %add3A_806, %select_n3A_810 : vector<16xf32>
      %gt3A_812 = arith.cmpf ogt, %select_n3A_622, %select_n3A_626 : vector<16xf32>
      %eq3A_813 = arith.cmpf oeq, %select_n3A_622, %select_n3A_626 : vector<16xf32>
      %or3A_814 = arith.ori %gt3A_812, %eq3A_813 : vector<16xi1>
      %select_n3A_815 = arith.select %or3A_814, %broadcast_in_dim3A_557, %broadcast_in_dim3A_559 : vector<16xi1>, vector<16xf32>
      %add3A_816 = arith.addf %add3A_811, %select_n3A_815 : vector<16xf32>
      %gt3A_817 = arith.cmpf ogt, %select_n3A_623, %select_n3A_626 : vector<16xf32>
      %eq3A_818 = arith.cmpf oeq, %select_n3A_623, %select_n3A_626 : vector<16xf32>
      %or3A_819 = arith.ori %gt3A_817, %eq3A_818 : vector<16xi1>
      %select_n3A_820 = arith.select %or3A_819, %broadcast_in_dim3A_557, %broadcast_in_dim3A_559 : vector<16xi1>, vector<16xf32>
      %add3A_821 = arith.addf %add3A_816, %select_n3A_820 : vector<16xf32>
      %gt3A_822 = arith.cmpf ogt, %select_n3A_624, %select_n3A_626 : vector<16xf32>
      %eq3A_823 = arith.cmpf oeq, %select_n3A_624, %select_n3A_626 : vector<16xf32>
      %or3A_824 = arith.ori %gt3A_822, %eq3A_823 : vector<16xi1>
      %select_n3A_825 = arith.select %or3A_824, %broadcast_in_dim3A_557, %broadcast_in_dim3A_559 : vector<16xi1>, vector<16xf32>
      %add3A_826 = arith.addf %add3A_821, %select_n3A_825 : vector<16xf32>
      %gt3A_827 = arith.cmpf ogt, %select_n3A_625, %select_n3A_626 : vector<16xf32>
      %eq3A_828 = arith.cmpf oeq, %select_n3A_625, %select_n3A_626 : vector<16xf32>
      %or3A_829 = arith.ori %gt3A_827, %eq3A_828 : vector<16xi1>
      %select_n3A_830 = arith.select %or3A_829, %broadcast_in_dim3A_557, %broadcast_in_dim3A_559 : vector<16xi1>, vector<16xf32>
      %add3A_831 = arith.addf %add3A_826, %select_n3A_830 : vector<16xf32>
      %gt3A_832 = arith.cmpf ogt, %select_n3A_627, %select_n3A_626 : vector<16xf32>
      %select_n3A_833 = arith.select %gt3A_832, %broadcast_in_dim3A_557, %broadcast_in_dim3A_559 : vector<16xi1>, vector<16xf32>
      %add3A_834 = arith.addf %add3A_831, %select_n3A_833 : vector<16xf32>
      %lt3A_835 = arith.constant 2.000000e+00 : f32
      %lt3A_836 = vector.broadcast %lt3A_835 : f32 to vector<16xf32>
      %lt3A_837 = arith.cmpf olt, %add3A_834, %lt3A_836 : vector<16xf32>
      %gt3A_838 = arith.cmpf ogt, %select_n3A_620, %select_n3A_627 : vector<16xf32>
      %eq3A_839 = arith.cmpf oeq, %select_n3A_620, %select_n3A_627 : vector<16xf32>
      %or3A_840 = arith.ori %gt3A_838, %eq3A_839 : vector<16xi1>
      %select_n3A_841 = arith.select %or3A_840, %broadcast_in_dim3A_557, %broadcast_in_dim3A_559 : vector<16xi1>, vector<16xf32>
      %add3A_842 = arith.addf %broadcast_in_dim3A_559, %select_n3A_841 : vector<16xf32>
      %gt3A_843 = arith.cmpf ogt, %select_n3A_621, %select_n3A_627 : vector<16xf32>
      %eq3A_844 = arith.cmpf oeq, %select_n3A_621, %select_n3A_627 : vector<16xf32>
      %or3A_845 = arith.ori %gt3A_843, %eq3A_844 : vector<16xi1>
      %select_n3A_846 = arith.select %or3A_845, %broadcast_in_dim3A_557, %broadcast_in_dim3A_559 : vector<16xi1>, vector<16xf32>
      %add3A_847 = arith.addf %add3A_842, %select_n3A_846 : vector<16xf32>
      %gt3A_848 = arith.cmpf ogt, %select_n3A_622, %select_n3A_627 : vector<16xf32>
      %eq3A_849 = arith.cmpf oeq, %select_n3A_622, %select_n3A_627 : vector<16xf32>
      %or3A_850 = arith.ori %gt3A_848, %eq3A_849 : vector<16xi1>
      %select_n3A_851 = arith.select %or3A_850, %broadcast_in_dim3A_557, %broadcast_in_dim3A_559 : vector<16xi1>, vector<16xf32>
      %add3A_852 = arith.addf %add3A_847, %select_n3A_851 : vector<16xf32>
      %gt3A_853 = arith.cmpf ogt, %select_n3A_623, %select_n3A_627 : vector<16xf32>
      %eq3A_854 = arith.cmpf oeq, %select_n3A_623, %select_n3A_627 : vector<16xf32>
      %or3A_855 = arith.ori %gt3A_853, %eq3A_854 : vector<16xi1>
      %select_n3A_856 = arith.select %or3A_855, %broadcast_in_dim3A_557, %broadcast_in_dim3A_559 : vector<16xi1>, vector<16xf32>
      %add3A_857 = arith.addf %add3A_852, %select_n3A_856 : vector<16xf32>
      %gt3A_858 = arith.cmpf ogt, %select_n3A_624, %select_n3A_627 : vector<16xf32>
      %eq3A_859 = arith.cmpf oeq, %select_n3A_624, %select_n3A_627 : vector<16xf32>
      %or3A_860 = arith.ori %gt3A_858, %eq3A_859 : vector<16xi1>
      %select_n3A_861 = arith.select %or3A_860, %broadcast_in_dim3A_557, %broadcast_in_dim3A_559 : vector<16xi1>, vector<16xf32>
      %add3A_862 = arith.addf %add3A_857, %select_n3A_861 : vector<16xf32>
      %gt3A_863 = arith.cmpf ogt, %select_n3A_625, %select_n3A_627 : vector<16xf32>
      %eq3A_864 = arith.cmpf oeq, %select_n3A_625, %select_n3A_627 : vector<16xf32>
      %or3A_865 = arith.ori %gt3A_863, %eq3A_864 : vector<16xi1>
      %select_n3A_866 = arith.select %or3A_865, %broadcast_in_dim3A_557, %broadcast_in_dim3A_559 : vector<16xi1>, vector<16xf32>
      %add3A_867 = arith.addf %add3A_862, %select_n3A_866 : vector<16xf32>
      %gt3A_868 = arith.cmpf ogt, %select_n3A_626, %select_n3A_627 : vector<16xf32>
      %eq3A_869 = arith.cmpf oeq, %select_n3A_626, %select_n3A_627 : vector<16xf32>
      %or3A_870 = arith.ori %gt3A_868, %eq3A_869 : vector<16xi1>
      %select_n3A_871 = arith.select %or3A_870, %broadcast_in_dim3A_557, %broadcast_in_dim3A_559 : vector<16xi1>, vector<16xf32>
      %add3A_872 = arith.addf %add3A_867, %select_n3A_871 : vector<16xf32>
      %lt3A_873 = arith.constant 2.000000e+00 : f32
      %lt3A_874 = vector.broadcast %lt3A_873 : f32 to vector<16xf32>
      %lt3A_875 = arith.cmpf olt, %add3A_872, %lt3A_874 : vector<16xf32>
      %select_n3A_876 = arith.select %lt3A_651, %get3A_516, %broadcast_in_dim3A_559 : vector<16xi1>, vector<16xf32>
      %select_n3A_877 = arith.select %lt3A_677, %get3A_521, %broadcast_in_dim3A_559 : vector<16xi1>, vector<16xf32>
      %select_n3A_878 = arith.select %lt3A_705, %get3A_526, %broadcast_in_dim3A_559 : vector<16xi1>, vector<16xf32>
      %select_n3A_879 = arith.select %lt3A_735, %get3A_531, %broadcast_in_dim3A_559 : vector<16xi1>, vector<16xf32>
      %select_n3A_880 = arith.select %lt3A_767, %get3A_536, %broadcast_in_dim3A_559 : vector<16xi1>, vector<16xf32>
      %select_n3A_881 = arith.select %lt3A_801, %get3A_541, %broadcast_in_dim3A_559 : vector<16xi1>, vector<16xf32>
      %select_n3A_882 = arith.select %lt3A_837, %get3A_546, %broadcast_in_dim3A_559 : vector<16xi1>, vector<16xf32>
      %select_n3A_883 = arith.select %lt3A_875, %get3A_551, %broadcast_in_dim3A_559 : vector<16xi1>, vector<16xf32>
      %add3A_884 = arith.addf %select_n3A_876, %select_n3A_877 : vector<16xf32>
      %add3A_885 = arith.addf %add3A_884, %select_n3A_878 : vector<16xf32>
      %add3A_886 = arith.addf %add3A_885, %select_n3A_879 : vector<16xf32>
      %add3A_887 = arith.addf %add3A_886, %select_n3A_880 : vector<16xf32>
      %add3A_888 = arith.addf %add3A_887, %select_n3A_881 : vector<16xf32>
      %add3A_889 = arith.addf %add3A_888, %select_n3A_882 : vector<16xf32>
      %add3A_890 = arith.addf %add3A_889, %select_n3A_883 : vector<16xf32>
      %div3A_891 = arith.divf %select_n3A_876, %add3A_890 : vector<16xf32>
      %swap3A_892 = arith.constant 0 : i32
      %swap3A_893 = arith.index_cast %swap3A_892 : i32 to index
      %swap3A_894 = arith.constant 16 : index
      %swap3A_895 = tpu.vector_load %arg7[%swap3A_893, %swap3A_894] {strides = array<i32>} : memref<8x128xf32, #tpu.memory_space<vmem>>, vector<1x16xf32>,
      %swap3A_896 = vector.shape_cast %swap3A_895 : vector<1x16xf32> to vector<16xf32>
      %swap3A_897 = vector.shape_cast %div3A_891 : vector<16xf32> to vector<1x16xf32>
      tpu.vector_store %arg7[%swap3A_893, %swap3A_894], %swap3A_897 {strides = array<i32>} : memref<8x128xf32, #tpu.memory_space<vmem>>, vector<1x16xf32>,
      %div3A_898 = arith.divf %select_n3A_877, %add3A_890 : vector<16xf32>
      %swap3A_899 = arith.constant 1 : i32
      %swap3A_900 = arith.index_cast %swap3A_899 : i32 to index
      %swap3A_901 = arith.constant 16 : index
      %swap3A_902 = tpu.vector_load %arg7[%swap3A_900, %swap3A_901] {strides = array<i32>} : memref<8x128xf32, #tpu.memory_space<vmem>>, vector<1x16xf32>,
      %swap3A_903 = vector.shape_cast %swap3A_902 : vector<1x16xf32> to vector<16xf32>
      %swap3A_904 = vector.shape_cast %div3A_898 : vector<16xf32> to vector<1x16xf32>
      tpu.vector_store %arg7[%swap3A_900, %swap3A_901], %swap3A_904 {strides = array<i32>} : memref<8x128xf32, #tpu.memory_space<vmem>>, vector<1x16xf32>,
      %div3A_905 = arith.divf %select_n3A_878, %add3A_890 : vector<16xf32>
      %swap3A_906 = arith.constant 2 : i32
      %swap3A_907 = arith.index_cast %swap3A_906 : i32 to index
      %swap3A_908 = arith.constant 16 : index
      %swap3A_909 = tpu.vector_load %arg7[%swap3A_907, %swap3A_908] {strides = array<i32>} : memref<8x128xf32, #tpu.memory_space<vmem>>, vector<1x16xf32>,
      %swap3A_910 = vector.shape_cast %swap3A_909 : vector<1x16xf32> to vector<16xf32>
      %swap3A_911 = vector.shape_cast %div3A_905 : vector<16xf32> to vector<1x16xf32>
      tpu.vector_store %arg7[%swap3A_907, %swap3A_908], %swap3A_911 {strides = array<i32>} : memref<8x128xf32, #tpu.memory_space<vmem>>, vector<1x16xf32>,
      %div3A_912 = arith.divf %select_n3A_879, %add3A_890 : vector<16xf32>
      %swap3A_913 = arith.constant 3 : i32
      %swap3A_914 = arith.index_cast %swap3A_913 : i32 to index
      %swap3A_915 = arith.constant 16 : index
      %swap3A_916 = tpu.vector_load %arg7[%swap3A_914, %swap3A_915] {strides = array<i32>} : memref<8x128xf32, #tpu.memory_space<vmem>>, vector<1x16xf32>,
      %swap3A_917 = vector.shape_cast %swap3A_916 : vector<1x16xf32> to vector<16xf32>
      %swap3A_918 = vector.shape_cast %div3A_912 : vector<16xf32> to vector<1x16xf32>
      tpu.vector_store %arg7[%swap3A_914, %swap3A_915], %swap3A_918 {strides = array<i32>} : memref<8x128xf32, #tpu.memory_space<vmem>>, vector<1x16xf32>,
      %div3A_919 = arith.divf %select_n3A_880, %add3A_890 : vector<16xf32>
      %swap3A_920 = arith.constant 4 : i32
      %swap3A_921 = arith.index_cast %swap3A_920 : i32 to index
      %swap3A_922 = arith.constant 16 : index
      %swap3A_923 = tpu.vector_load %arg7[%swap3A_921, %swap3A_922] {strides = array<i32>} : memref<8x128xf32, #tpu.memory_space<vmem>>, vector<1x16xf32>,
      %swap3A_924 = vector.shape_cast %swap3A_923 : vector<1x16xf32> to vector<16xf32>
      %swap3A_925 = vector.shape_cast %div3A_919 : vector<16xf32> to vector<1x16xf32>
      tpu.vector_store %arg7[%swap3A_921, %swap3A_922], %swap3A_925 {strides = array<i32>} : memref<8x128xf32, #tpu.memory_space<vmem>>, vector<1x16xf32>,
      %div3A_926 = arith.divf %select_n3A_881, %add3A_890 : vector<16xf32>
      %swap3A_927 = arith.constant 5 : i32
      %swap3A_928 = arith.index_cast %swap3A_927 : i32 to index
      %swap3A_929 = arith.constant 16 : index
      %swap3A_930 = tpu.vector_load %arg7[%swap3A_928, %swap3A_929] {strides = array<i32>} : memref<8x128xf32, #tpu.memory_space<vmem>>, vector<1x16xf32>,
      %swap3A_931 = vector.shape_cast %swap3A_930 : vector<1x16xf32> to vector<16xf32>
      %swap3A_932 = vector.shape_cast %div3A_926 : vector<16xf32> to vector<1x16xf32>
      tpu.vector_store %arg7[%swap3A_928, %swap3A_929], %swap3A_932 {strides = array<i32>} : memref<8x128xf32, #tpu.memory_space<vmem>>, vector<1x16xf32>,
      %div3A_933 = arith.divf %select_n3A_882, %add3A_890 : vector<16xf32>
      %swap3A_934 = arith.constant 6 : i32
      %swap3A_935 = arith.index_cast %swap3A_934 : i32 to index
      %swap3A_936 = arith.constant 16 : index
      %swap3A_937 = tpu.vector_load %arg7[%swap3A_935, %swap3A_936] {strides = array<i32>} : memref<8x128xf32, #tpu.memory_space<vmem>>, vector<1x16xf32>,
      %swap3A_938 = vector.shape_cast %swap3A_937 : vector<1x16xf32> to vector<16xf32>
      %swap3A_939 = vector.shape_cast %div3A_933 : vector<16xf32> to vector<1x16xf32>
      tpu.vector_store %arg7[%swap3A_935, %swap3A_936], %swap3A_939 {strides = array<i32>} : memref<8x128xf32, #tpu.memory_space<vmem>>, vector<1x16xf32>,
      %div3A_940 = arith.divf %select_n3A_883, %add3A_890 : vector<16xf32>
      %swap3A_941 = arith.constant 7 : i32
      %swap3A_942 = arith.index_cast %swap3A_941 : i32 to index
      %swap3A_943 = arith.constant 16 : index
      %swap3A_944 = tpu.vector_load %arg7[%swap3A_942, %swap3A_943] {strides = array<i32>} : memref<8x128xf32, #tpu.memory_space<vmem>>, vector<1x16xf32>,
      %swap3A_945 = vector.shape_cast %swap3A_944 : vector<1x16xf32> to vector<16xf32>
      %swap3A_946 = vector.shape_cast %div3A_940 : vector<16xf32> to vector<1x16xf32>
      tpu.vector_store %arg7[%swap3A_942, %swap3A_943], %swap3A_946 {strides = array<i32>} : memref<8x128xf32, #tpu.memory_space<vmem>>, vector<1x16xf32>,
      %get3A_947 = arith.constant 0 : i32
      %get3A_948 = arith.index_cast %get3A_947 : i32 to index
      %get3A_949 = arith.constant 32 : index
      %get3A_950 = tpu.vector_load %arg6[%get3A_948, %get3A_949] {strides = array<i32>} : memref<8x128xf32, #tpu.memory_space<vmem>>, vector<1x16xf32>,
      %get3A_951 = vector.shape_cast %get3A_950 : vector<1x16xf32> to vector<16xf32>
      %get3A_952 = arith.constant 1 : i32
      %get3A_953 = arith.index_cast %get3A_952 : i32 to index
      %get3A_954 = arith.constant 32 : index
      %get3A_955 = tpu.vector_load %arg6[%get3A_953, %get3A_954] {strides = array<i32>} : memref<8x128xf32, #tpu.memory_space<vmem>>, vector<1x16xf32>,
      %get3A_956 = vector.shape_cast %get3A_955 : vector<1x16xf32> to vector<16xf32>
      %get3A_957 = arith.constant 2 : i32
      %get3A_958 = arith.index_cast %get3A_957 : i32 to index
      %get3A_959 = arith.constant 32 : index
      %get3A_960 = tpu.vector_load %arg6[%get3A_958, %get3A_959] {strides = array<i32>} : memref<8x128xf32, #tpu.memory_space<vmem>>, vector<1x16xf32>,
      %get3A_961 = vector.shape_cast %get3A_960 : vector<1x16xf32> to vector<16xf32>
      %get3A_962 = arith.constant 3 : i32
      %get3A_963 = arith.index_cast %get3A_962 : i32 to index
      %get3A_964 = arith.constant 32 : index
      %get3A_965 = tpu.vector_load %arg6[%get3A_963, %get3A_964] {strides = array<i32>} : memref<8x128xf32, #tpu.memory_space<vmem>>, vector<1x16xf32>,
      %get3A_966 = vector.shape_cast %get3A_965 : vector<1x16xf32> to vector<16xf32>
      %get3A_967 = arith.constant 4 : i32
      %get3A_968 = arith.index_cast %get3A_967 : i32 to index
      %get3A_969 = arith.constant 32 : index
      %get3A_970 = tpu.vector_load %arg6[%get3A_968, %get3A_969] {strides = array<i32>} : memref<8x128xf32, #tpu.memory_space<vmem>>, vector<1x16xf32>,
      %get3A_971 = vector.shape_cast %get3A_970 : vector<1x16xf32> to vector<16xf32>
      %get3A_972 = arith.constant 5 : i32
      %get3A_973 = arith.index_cast %get3A_972 : i32 to index
      %get3A_974 = arith.constant 32 : index
      %get3A_975 = tpu.vector_load %arg6[%get3A_973, %get3A_974] {strides = array<i32>} : memref<8x128xf32, #tpu.memory_space<vmem>>, vector<1x16xf32>,
      %get3A_976 = vector.shape_cast %get3A_975 : vector<1x16xf32> to vector<16xf32>
      %get3A_977 = arith.constant 6 : i32
      %get3A_978 = arith.index_cast %get3A_977 : i32 to index
      %get3A_979 = arith.constant 32 : index
      %get3A_980 = tpu.vector_load %arg6[%get3A_978, %get3A_979] {strides = array<i32>} : memref<8x128xf32, #tpu.memory_space<vmem>>, vector<1x16xf32>,
      %get3A_981 = vector.shape_cast %get3A_980 : vector<1x16xf32> to vector<16xf32>
      %get3A_982 = arith.constant 7 : i32
      %get3A_983 = arith.index_cast %get3A_982 : i32 to index
      %get3A_984 = arith.constant 32 : index
      %get3A_985 = tpu.vector_load %arg6[%get3A_983, %get3A_984] {strides = array<i32>} : memref<8x128xf32, #tpu.memory_space<vmem>>, vector<1x16xf32>,
      %get3A_986 = vector.shape_cast %get3A_985 : vector<1x16xf32> to vector<16xf32>
      %get3A_987 = arith.constant 0 : i32
      %get3A_988 = arith.index_cast %get3A_987 : i32 to index
      %get3A_989 = arith.constant 32 : index
      %get3A_990 = tpu.vector_load %arg5[%get3A_988, %get3A_989] {strides = array<i32>} : memref<8x128xf32, #tpu.memory_space<vmem>>, vector<1x16xf32>,
      %get3A_991 = vector.shape_cast %get3A_990 : vector<1x16xf32> to vector<16xf32>
      %get3A_992 = arith.constant 1 : i32
      %get3A_993 = arith.index_cast %get3A_992 : i32 to index
      %get3A_994 = arith.constant 32 : index
      %get3A_995 = tpu.vector_load %arg5[%get3A_993, %get3A_994] {strides = array<i32>} : memref<8x128xf32, #tpu.memory_space<vmem>>, vector<1x16xf32>,
      %get3A_996 = vector.shape_cast %get3A_995 : vector<1x16xf32> to vector<16xf32>
      %get3A_997 = arith.constant 2 : i32
      %get3A_998 = arith.index_cast %get3A_997 : i32 to index
      %get3A_999 = arith.constant 32 : index
      %get3A_1000 = tpu.vector_load %arg5[%get3A_998, %get3A_999] {strides = array<i32>} : memref<8x128xf32, #tpu.memory_space<vmem>>, vector<1x16xf32>,
      %get3A_1001 = vector.shape_cast %get3A_1000 : vector<1x16xf32> to vector<16xf32>
      %get3A_1002 = arith.constant 3 : i32
      %get3A_1003 = arith.index_cast %get3A_1002 : i32 to index
      %get3A_1004 = arith.constant 32 : index
      %get3A_1005 = tpu.vector_load %arg5[%get3A_1003, %get3A_1004] {strides = array<i32>} : memref<8x128xf32, #tpu.memory_space<vmem>>, vector<1x16xf32>,
      %get3A_1006 = vector.shape_cast %get3A_1005 : vector<1x16xf32> to vector<16xf32>
      %get3A_1007 = arith.constant 4 : i32
      %get3A_1008 = arith.index_cast %get3A_1007 : i32 to index
      %get3A_1009 = arith.constant 32 : index
      %get3A_1010 = tpu.vector_load %arg5[%get3A_1008, %get3A_1009] {strides = array<i32>} : memref<8x128xf32, #tpu.memory_space<vmem>>, vector<1x16xf32>,
      %get3A_1011 = vector.shape_cast %get3A_1010 : vector<1x16xf32> to vector<16xf32>
      %get3A_1012 = arith.constant 5 : i32
      %get3A_1013 = arith.index_cast %get3A_1012 : i32 to index
      %get3A_1014 = arith.constant 32 : index
      %get3A_1015 = tpu.vector_load %arg5[%get3A_1013, %get3A_1014] {strides = array<i32>} : memref<8x128xf32, #tpu.memory_space<vmem>>, vector<1x16xf32>,
      %get3A_1016 = vector.shape_cast %get3A_1015 : vector<1x16xf32> to vector<16xf32>
      %get3A_1017 = arith.constant 6 : i32
      %get3A_1018 = arith.index_cast %get3A_1017 : i32 to index
      %get3A_1019 = arith.constant 32 : index
      %get3A_1020 = tpu.vector_load %arg5[%get3A_1018, %get3A_1019] {strides = array<i32>} : memref<8x128xf32, #tpu.memory_space<vmem>>, vector<1x16xf32>,
      %get3A_1021 = vector.shape_cast %get3A_1020 : vector<1x16xf32> to vector<16xf32>
      %get3A_1022 = arith.constant 7 : i32
      %get3A_1023 = arith.index_cast %get3A_1022 : i32 to index
      %get3A_1024 = arith.constant 32 : index
      %get3A_1025 = tpu.vector_load %arg5[%get3A_1023, %get3A_1024] {strides = array<i32>} : memref<8x128xf32, #tpu.memory_space<vmem>>, vector<1x16xf32>,
      %get3A_1026 = vector.shape_cast %get3A_1025 : vector<1x16xf32> to vector<16xf32>
      %add3A_1027 = arith.addf %get3A_951, %get3A_956 : vector<16xf32>
      %add3A_1028 = arith.addf %get3A_961, %get3A_966 : vector<16xf32>
      %add3A_1029 = arith.addf %get3A_971, %get3A_976 : vector<16xf32>
      %add3A_1030 = arith.addf %get3A_981, %get3A_986 : vector<16xf32>
      %broadcast_in_dim3A_1031 = arith.constant 1.000000e+00 : f32
      %broadcast_in_dim3A_1032 = vector.broadcast %broadcast_in_dim3A_1031 : f32 to vector<16xf32>
      %broadcast_in_dim3A_1033 = arith.constant 0.000000e+00 : f32
      %broadcast_in_dim3A_1034 = vector.broadcast %broadcast_in_dim3A_1033 : f32 to vector<16xf32>
      %gt3A_1035 = arith.cmpf ogt, %add3A_1028, %add3A_1027 : vector<16xf32>
      %select_n3A_1036 = arith.select %gt3A_1035, %broadcast_in_dim3A_1032, %broadcast_in_dim3A_1034 : vector<16xi1>, vector<16xf32>
      %add3A_1037 = arith.addf %broadcast_in_dim3A_1034, %select_n3A_1036 : vector<16xf32>
      %gt3A_1038 = arith.cmpf ogt, %add3A_1029, %add3A_1027 : vector<16xf32>
      %select_n3A_1039 = arith.select %gt3A_1038, %broadcast_in_dim3A_1032, %broadcast_in_dim3A_1034 : vector<16xi1>, vector<16xf32>
      %add3A_1040 = arith.addf %add3A_1037, %select_n3A_1039 : vector<16xf32>
      %gt3A_1041 = arith.cmpf ogt, %add3A_1030, %add3A_1027 : vector<16xf32>
      %select_n3A_1042 = arith.select %gt3A_1041, %broadcast_in_dim3A_1032, %broadcast_in_dim3A_1034 : vector<16xi1>, vector<16xf32>
      %add3A_1043 = arith.addf %add3A_1040, %select_n3A_1042 : vector<16xf32>
      %lt3A_1044 = arith.constant 2.000000e+00 : f32
      %lt3A_1045 = vector.broadcast %lt3A_1044 : f32 to vector<16xf32>
      %lt3A_1046 = arith.cmpf olt, %add3A_1043, %lt3A_1045 : vector<16xf32>
      %gt3A_1047 = arith.cmpf ogt, %add3A_1027, %add3A_1028 : vector<16xf32>
      %eq3A_1048 = arith.cmpf oeq, %add3A_1027, %add3A_1028 : vector<16xf32>
      %or3A_1049 = arith.ori %gt3A_1047, %eq3A_1048 : vector<16xi1>
      %select_n3A_1050 = arith.select %or3A_1049, %broadcast_in_dim3A_1032, %broadcast_in_dim3A_1034 : vector<16xi1>, vector<16xf32>
      %add3A_1051 = arith.addf %broadcast_in_dim3A_1034, %select_n3A_1050 : vector<16xf32>
      %gt3A_1052 = arith.cmpf ogt, %add3A_1029, %add3A_1028 : vector<16xf32>
      %select_n3A_1053 = arith.select %gt3A_1052, %broadcast_in_dim3A_1032, %broadcast_in_dim3A_1034 : vector<16xi1>, vector<16xf32>
      %add3A_1054 = arith.addf %add3A_1051, %select_n3A_1053 : vector<16xf32>
      %gt3A_1055 = arith.cmpf ogt, %add3A_1030, %add3A_1028 : vector<16xf32>
      %select_n3A_1056 = arith.select %gt3A_1055, %broadcast_in_dim3A_1032, %broadcast_in_dim3A_1034 : vector<16xi1>, vector<16xf32>
      %add3A_1057 = arith.addf %add3A_1054, %select_n3A_1056 : vector<16xf32>
      %lt3A_1058 = arith.constant 2.000000e+00 : f32
      %lt3A_1059 = vector.broadcast %lt3A_1058 : f32 to vector<16xf32>
      %lt3A_1060 = arith.cmpf olt, %add3A_1057, %lt3A_1059 : vector<16xf32>
      %gt3A_1061 = arith.cmpf ogt, %add3A_1027, %add3A_1029 : vector<16xf32>
      %eq3A_1062 = arith.cmpf oeq, %add3A_1027, %add3A_1029 : vector<16xf32>
      %or3A_1063 = arith.ori %gt3A_1061, %eq3A_1062 : vector<16xi1>
      %select_n3A_1064 = arith.select %or3A_1063, %broadcast_in_dim3A_1032, %broadcast_in_dim3A_1034 : vector<16xi1>, vector<16xf32>
      %add3A_1065 = arith.addf %broadcast_in_dim3A_1034, %select_n3A_1064 : vector<16xf32>
      %gt3A_1066 = arith.cmpf ogt, %add3A_1028, %add3A_1029 : vector<16xf32>
      %eq3A_1067 = arith.cmpf oeq, %add3A_1028, %add3A_1029 : vector<16xf32>
      %or3A_1068 = arith.ori %gt3A_1066, %eq3A_1067 : vector<16xi1>
      %select_n3A_1069 = arith.select %or3A_1068, %broadcast_in_dim3A_1032, %broadcast_in_dim3A_1034 : vector<16xi1>, vector<16xf32>
      %add3A_1070 = arith.addf %add3A_1065, %select_n3A_1069 : vector<16xf32>
      %gt3A_1071 = arith.cmpf ogt, %add3A_1030, %add3A_1029 : vector<16xf32>
      %select_n3A_1072 = arith.select %gt3A_1071, %broadcast_in_dim3A_1032, %broadcast_in_dim3A_1034 : vector<16xi1>, vector<16xf32>
      %add3A_1073 = arith.addf %add3A_1070, %select_n3A_1072 : vector<16xf32>
      %lt3A_1074 = arith.constant 2.000000e+00 : f32
      %lt3A_1075 = vector.broadcast %lt3A_1074 : f32 to vector<16xf32>
      %lt3A_1076 = arith.cmpf olt, %add3A_1073, %lt3A_1075 : vector<16xf32>
      %gt3A_1077 = arith.cmpf ogt, %add3A_1027, %add3A_1030 : vector<16xf32>
      %eq3A_1078 = arith.cmpf oeq, %add3A_1027, %add3A_1030 : vector<16xf32>
      %or3A_1079 = arith.ori %gt3A_1077, %eq3A_1078 : vector<16xi1>
      %select_n3A_1080 = arith.select %or3A_1079, %broadcast_in_dim3A_1032, %broadcast_in_dim3A_1034 : vector<16xi1>, vector<16xf32>
      %add3A_1081 = arith.addf %broadcast_in_dim3A_1034, %select_n3A_1080 : vector<16xf32>
      %gt3A_1082 = arith.cmpf ogt, %add3A_1028, %add3A_1030 : vector<16xf32>
      %eq3A_1083 = arith.cmpf oeq, %add3A_1028, %add3A_1030 : vector<16xf32>
      %or3A_1084 = arith.ori %gt3A_1082, %eq3A_1083 : vector<16xi1>
      %select_n3A_1085 = arith.select %or3A_1084, %broadcast_in_dim3A_1032, %broadcast_in_dim3A_1034 : vector<16xi1>, vector<16xf32>
      %add3A_1086 = arith.addf %add3A_1081, %select_n3A_1085 : vector<16xf32>
      %gt3A_1087 = arith.cmpf ogt, %add3A_1029, %add3A_1030 : vector<16xf32>
      %eq3A_1088 = arith.cmpf oeq, %add3A_1029, %add3A_1030 : vector<16xf32>
      %or3A_1089 = arith.ori %gt3A_1087, %eq3A_1088 : vector<16xi1>
      %select_n3A_1090 = arith.select %or3A_1089, %broadcast_in_dim3A_1032, %broadcast_in_dim3A_1034 : vector<16xi1>, vector<16xf32>
      %add3A_1091 = arith.addf %add3A_1086, %select_n3A_1090 : vector<16xf32>
      %lt3A_1092 = arith.constant 2.000000e+00 : f32
      %lt3A_1093 = vector.broadcast %lt3A_1092 : f32 to vector<16xf32>
      %lt3A_1094 = arith.cmpf olt, %add3A_1091, %lt3A_1093 : vector<16xf32>
      %select_n3A_1095 = arith.select %lt3A_1046, %get3A_951, %broadcast_in_dim3A_1034 : vector<16xi1>, vector<16xf32>
      %select_n3A_1096 = arith.select %lt3A_1046, %get3A_956, %broadcast_in_dim3A_1034 : vector<16xi1>, vector<16xf32>
      %select_n3A_1097 = arith.select %lt3A_1060, %get3A_961, %broadcast_in_dim3A_1034 : vector<16xi1>, vector<16xf32>
      %select_n3A_1098 = arith.select %lt3A_1060, %get3A_966, %broadcast_in_dim3A_1034 : vector<16xi1>, vector<16xf32>
      %select_n3A_1099 = arith.select %lt3A_1076, %get3A_971, %broadcast_in_dim3A_1034 : vector<16xi1>, vector<16xf32>
      %select_n3A_1100 = arith.select %lt3A_1076, %get3A_976, %broadcast_in_dim3A_1034 : vector<16xi1>, vector<16xf32>
      %select_n3A_1101 = arith.select %lt3A_1094, %get3A_981, %broadcast_in_dim3A_1034 : vector<16xi1>, vector<16xf32>
      %select_n3A_1102 = arith.select %lt3A_1094, %get3A_986, %broadcast_in_dim3A_1034 : vector<16xi1>, vector<16xf32>
      %gt3A_1103 = arith.cmpf ogt, %select_n3A_1096, %select_n3A_1095 : vector<16xf32>
      %select_n3A_1104 = arith.select %gt3A_1103, %broadcast_in_dim3A_1032, %broadcast_in_dim3A_1034 : vector<16xi1>, vector<16xf32>
      %add3A_1105 = arith.addf %broadcast_in_dim3A_1034, %select_n3A_1104 : vector<16xf32>
      %gt3A_1106 = arith.cmpf ogt, %select_n3A_1097, %select_n3A_1095 : vector<16xf32>
      %select_n3A_1107 = arith.select %gt3A_1106, %broadcast_in_dim3A_1032, %broadcast_in_dim3A_1034 : vector<16xi1>, vector<16xf32>
      %add3A_1108 = arith.addf %add3A_1105, %select_n3A_1107 : vector<16xf32>
      %gt3A_1109 = arith.cmpf ogt, %select_n3A_1098, %select_n3A_1095 : vector<16xf32>
      %select_n3A_1110 = arith.select %gt3A_1109, %broadcast_in_dim3A_1032, %broadcast_in_dim3A_1034 : vector<16xi1>, vector<16xf32>
      %add3A_1111 = arith.addf %add3A_1108, %select_n3A_1110 : vector<16xf32>
      %gt3A_1112 = arith.cmpf ogt, %select_n3A_1099, %select_n3A_1095 : vector<16xf32>
      %select_n3A_1113 = arith.select %gt3A_1112, %broadcast_in_dim3A_1032, %broadcast_in_dim3A_1034 : vector<16xi1>, vector<16xf32>
      %add3A_1114 = arith.addf %add3A_1111, %select_n3A_1113 : vector<16xf32>
      %gt3A_1115 = arith.cmpf ogt, %select_n3A_1100, %select_n3A_1095 : vector<16xf32>
      %select_n3A_1116 = arith.select %gt3A_1115, %broadcast_in_dim3A_1032, %broadcast_in_dim3A_1034 : vector<16xi1>, vector<16xf32>
      %add3A_1117 = arith.addf %add3A_1114, %select_n3A_1116 : vector<16xf32>
      %gt3A_1118 = arith.cmpf ogt, %select_n3A_1101, %select_n3A_1095 : vector<16xf32>
      %select_n3A_1119 = arith.select %gt3A_1118, %broadcast_in_dim3A_1032, %broadcast_in_dim3A_1034 : vector<16xi1>, vector<16xf32>
      %add3A_1120 = arith.addf %add3A_1117, %select_n3A_1119 : vector<16xf32>
      %gt3A_1121 = arith.cmpf ogt, %select_n3A_1102, %select_n3A_1095 : vector<16xf32>
      %select_n3A_1122 = arith.select %gt3A_1121, %broadcast_in_dim3A_1032, %broadcast_in_dim3A_1034 : vector<16xi1>, vector<16xf32>
      %add3A_1123 = arith.addf %add3A_1120, %select_n3A_1122 : vector<16xf32>
      %lt3A_1124 = arith.constant 2.000000e+00 : f32
      %lt3A_1125 = vector.broadcast %lt3A_1124 : f32 to vector<16xf32>
      %lt3A_1126 = arith.cmpf olt, %add3A_1123, %lt3A_1125 : vector<16xf32>
      %gt3A_1127 = arith.cmpf ogt, %select_n3A_1095, %select_n3A_1096 : vector<16xf32>
      %eq3A_1128 = arith.cmpf oeq, %select_n3A_1095, %select_n3A_1096 : vector<16xf32>
      %or3A_1129 = arith.ori %gt3A_1127, %eq3A_1128 : vector<16xi1>
      %select_n3A_1130 = arith.select %or3A_1129, %broadcast_in_dim3A_1032, %broadcast_in_dim3A_1034 : vector<16xi1>, vector<16xf32>
      %add3A_1131 = arith.addf %broadcast_in_dim3A_1034, %select_n3A_1130 : vector<16xf32>
      %gt3A_1132 = arith.cmpf ogt, %select_n3A_1097, %select_n3A_1096 : vector<16xf32>
      %select_n3A_1133 = arith.select %gt3A_1132, %broadcast_in_dim3A_1032, %broadcast_in_dim3A_1034 : vector<16xi1>, vector<16xf32>
      %add3A_1134 = arith.addf %add3A_1131, %select_n3A_1133 : vector<16xf32>
      %gt3A_1135 = arith.cmpf ogt, %select_n3A_1098, %select_n3A_1096 : vector<16xf32>
      %select_n3A_1136 = arith.select %gt3A_1135, %broadcast_in_dim3A_1032, %broadcast_in_dim3A_1034 : vector<16xi1>, vector<16xf32>
      %add3A_1137 = arith.addf %add3A_1134, %select_n3A_1136 : vector<16xf32>
      %gt3A_1138 = arith.cmpf ogt, %select_n3A_1099, %select_n3A_1096 : vector<16xf32>
      %select_n3A_1139 = arith.select %gt3A_1138, %broadcast_in_dim3A_1032, %broadcast_in_dim3A_1034 : vector<16xi1>, vector<16xf32>
      %add3A_1140 = arith.addf %add3A_1137, %select_n3A_1139 : vector<16xf32>
      %gt3A_1141 = arith.cmpf ogt, %select_n3A_1100, %select_n3A_1096 : vector<16xf32>
      %select_n3A_1142 = arith.select %gt3A_1141, %broadcast_in_dim3A_1032, %broadcast_in_dim3A_1034 : vector<16xi1>, vector<16xf32>
      %add3A_1143 = arith.addf %add3A_1140, %select_n3A_1142 : vector<16xf32>
      %gt3A_1144 = arith.cmpf ogt, %select_n3A_1101, %select_n3A_1096 : vector<16xf32>
      %select_n3A_1145 = arith.select %gt3A_1144, %broadcast_in_dim3A_1032, %broadcast_in_dim3A_1034 : vector<16xi1>, vector<16xf32>
      %add3A_1146 = arith.addf %add3A_1143, %select_n3A_1145 : vector<16xf32>
      %gt3A_1147 = arith.cmpf ogt, %select_n3A_1102, %select_n3A_1096 : vector<16xf32>
      %select_n3A_1148 = arith.select %gt3A_1147, %broadcast_in_dim3A_1032, %broadcast_in_dim3A_1034 : vector<16xi1>, vector<16xf32>
      %add3A_1149 = arith.addf %add3A_1146, %select_n3A_1148 : vector<16xf32>
      %lt3A_1150 = arith.constant 2.000000e+00 : f32
      %lt3A_1151 = vector.broadcast %lt3A_1150 : f32 to vector<16xf32>
      %lt3A_1152 = arith.cmpf olt, %add3A_1149, %lt3A_1151 : vector<16xf32>
      %gt3A_1153 = arith.cmpf ogt, %select_n3A_1095, %select_n3A_1097 : vector<16xf32>
      %eq3A_1154 = arith.cmpf oeq, %select_n3A_1095, %select_n3A_1097 : vector<16xf32>
      %or3A_1155 = arith.ori %gt3A_1153, %eq3A_1154 : vector<16xi1>
      %select_n3A_1156 = arith.select %or3A_1155, %broadcast_in_dim3A_1032, %broadcast_in_dim3A_1034 : vector<16xi1>, vector<16xf32>
      %add3A_1157 = arith.addf %broadcast_in_dim3A_1034, %select_n3A_1156 : vector<16xf32>
      %gt3A_1158 = arith.cmpf ogt, %select_n3A_1096, %select_n3A_1097 : vector<16xf32>
      %eq3A_1159 = arith.cmpf oeq, %select_n3A_1096, %select_n3A_1097 : vector<16xf32>
      %or3A_1160 = arith.ori %gt3A_1158, %eq3A_1159 : vector<16xi1>
      %select_n3A_1161 = arith.select %or3A_1160, %broadcast_in_dim3A_1032, %broadcast_in_dim3A_1034 : vector<16xi1>, vector<16xf32>
      %add3A_1162 = arith.addf %add3A_1157, %select_n3A_1161 : vector<16xf32>
      %gt3A_1163 = arith.cmpf ogt, %select_n3A_1098, %select_n3A_1097 : vector<16xf32>
      %select_n3A_1164 = arith.select %gt3A_1163, %broadcast_in_dim3A_1032, %broadcast_in_dim3A_1034 : vector<16xi1>, vector<16xf32>
      %add3A_1165 = arith.addf %add3A_1162, %select_n3A_1164 : vector<16xf32>
      %gt3A_1166 = arith.cmpf ogt, %select_n3A_1099, %select_n3A_1097 : vector<16xf32>
      %select_n3A_1167 = arith.select %gt3A_1166, %broadcast_in_dim3A_1032, %broadcast_in_dim3A_1034 : vector<16xi1>, vector<16xf32>
      %add3A_1168 = arith.addf %add3A_1165, %select_n3A_1167 : vector<16xf32>
      %gt3A_1169 = arith.cmpf ogt, %select_n3A_1100, %select_n3A_1097 : vector<16xf32>
      %select_n3A_1170 = arith.select %gt3A_1169, %broadcast_in_dim3A_1032, %broadcast_in_dim3A_1034 : vector<16xi1>, vector<16xf32>
      %add3A_1171 = arith.addf %add3A_1168, %select_n3A_1170 : vector<16xf32>
      %gt3A_1172 = arith.cmpf ogt, %select_n3A_1101, %select_n3A_1097 : vector<16xf32>
      %select_n3A_1173 = arith.select %gt3A_1172, %broadcast_in_dim3A_1032, %broadcast_in_dim3A_1034 : vector<16xi1>, vector<16xf32>
      %add3A_1174 = arith.addf %add3A_1171, %select_n3A_1173 : vector<16xf32>
      %gt3A_1175 = arith.cmpf ogt, %select_n3A_1102, %select_n3A_1097 : vector<16xf32>
      %select_n3A_1176 = arith.select %gt3A_1175, %broadcast_in_dim3A_1032, %broadcast_in_dim3A_1034 : vector<16xi1>, vector<16xf32>
      %add3A_1177 = arith.addf %add3A_1174, %select_n3A_1176 : vector<16xf32>
      %lt3A_1178 = arith.constant 2.000000e+00 : f32
      %lt3A_1179 = vector.broadcast %lt3A_1178 : f32 to vector<16xf32>
      %lt3A_1180 = arith.cmpf olt, %add3A_1177, %lt3A_1179 : vector<16xf32>
      %gt3A_1181 = arith.cmpf ogt, %select_n3A_1095, %select_n3A_1098 : vector<16xf32>
      %eq3A_1182 = arith.cmpf oeq, %select_n3A_1095, %select_n3A_1098 : vector<16xf32>
      %or3A_1183 = arith.ori %gt3A_1181, %eq3A_1182 : vector<16xi1>
      %select_n3A_1184 = arith.select %or3A_1183, %broadcast_in_dim3A_1032, %broadcast_in_dim3A_1034 : vector<16xi1>, vector<16xf32>
      %add3A_1185 = arith.addf %broadcast_in_dim3A_1034, %select_n3A_1184 : vector<16xf32>
      %gt3A_1186 = arith.cmpf ogt, %select_n3A_1096, %select_n3A_1098 : vector<16xf32>
      %eq3A_1187 = arith.cmpf oeq, %select_n3A_1096, %select_n3A_1098 : vector<16xf32>
      %or3A_1188 = arith.ori %gt3A_1186, %eq3A_1187 : vector<16xi1>
      %select_n3A_1189 = arith.select %or3A_1188, %broadcast_in_dim3A_1032, %broadcast_in_dim3A_1034 : vector<16xi1>, vector<16xf32>
      %add3A_1190 = arith.addf %add3A_1185, %select_n3A_1189 : vector<16xf32>
      %gt3A_1191 = arith.cmpf ogt, %select_n3A_1097, %select_n3A_1098 : vector<16xf32>
      %eq3A_1192 = arith.cmpf oeq, %select_n3A_1097, %select_n3A_1098 : vector<16xf32>
      %or3A_1193 = arith.ori %gt3A_1191, %eq3A_1192 : vector<16xi1>
      %select_n3A_1194 = arith.select %or3A_1193, %broadcast_in_dim3A_1032, %broadcast_in_dim3A_1034 : vector<16xi1>, vector<16xf32>
      %add3A_1195 = arith.addf %add3A_1190, %select_n3A_1194 : vector<16xf32>
      %gt3A_1196 = arith.cmpf ogt, %select_n3A_1099, %select_n3A_1098 : vector<16xf32>
      %select_n3A_1197 = arith.select %gt3A_1196, %broadcast_in_dim3A_1032, %broadcast_in_dim3A_1034 : vector<16xi1>, vector<16xf32>
      %add3A_1198 = arith.addf %add3A_1195, %select_n3A_1197 : vector<16xf32>
      %gt3A_1199 = arith.cmpf ogt, %select_n3A_1100, %select_n3A_1098 : vector<16xf32>
      %select_n3A_1200 = arith.select %gt3A_1199, %broadcast_in_dim3A_1032, %broadcast_in_dim3A_1034 : vector<16xi1>, vector<16xf32>
      %add3A_1201 = arith.addf %add3A_1198, %select_n3A_1200 : vector<16xf32>
      %gt3A_1202 = arith.cmpf ogt, %select_n3A_1101, %select_n3A_1098 : vector<16xf32>
      %select_n3A_1203 = arith.select %gt3A_1202, %broadcast_in_dim3A_1032, %broadcast_in_dim3A_1034 : vector<16xi1>, vector<16xf32>
      %add3A_1204 = arith.addf %add3A_1201, %select_n3A_1203 : vector<16xf32>
      %gt3A_1205 = arith.cmpf ogt, %select_n3A_1102, %select_n3A_1098 : vector<16xf32>
      %select_n3A_1206 = arith.select %gt3A_1205, %broadcast_in_dim3A_1032, %broadcast_in_dim3A_1034 : vector<16xi1>, vector<16xf32>
      %add3A_1207 = arith.addf %add3A_1204, %select_n3A_1206 : vector<16xf32>
      %lt3A_1208 = arith.constant 2.000000e+00 : f32
      %lt3A_1209 = vector.broadcast %lt3A_1208 : f32 to vector<16xf32>
      %lt3A_1210 = arith.cmpf olt, %add3A_1207, %lt3A_1209 : vector<16xf32>
      %gt3A_1211 = arith.cmpf ogt, %select_n3A_1095, %select_n3A_1099 : vector<16xf32>
      %eq3A_1212 = arith.cmpf oeq, %select_n3A_1095, %select_n3A_1099 : vector<16xf32>
      %or3A_1213 = arith.ori %gt3A_1211, %eq3A_1212 : vector<16xi1>
      %select_n3A_1214 = arith.select %or3A_1213, %broadcast_in_dim3A_1032, %broadcast_in_dim3A_1034 : vector<16xi1>, vector<16xf32>
      %add3A_1215 = arith.addf %broadcast_in_dim3A_1034, %select_n3A_1214 : vector<16xf32>
      %gt3A_1216 = arith.cmpf ogt, %select_n3A_1096, %select_n3A_1099 : vector<16xf32>
      %eq3A_1217 = arith.cmpf oeq, %select_n3A_1096, %select_n3A_1099 : vector<16xf32>
      %or3A_1218 = arith.ori %gt3A_1216, %eq3A_1217 : vector<16xi1>
      %select_n3A_1219 = arith.select %or3A_1218, %broadcast_in_dim3A_1032, %broadcast_in_dim3A_1034 : vector<16xi1>, vector<16xf32>
      %add3A_1220 = arith.addf %add3A_1215, %select_n3A_1219 : vector<16xf32>
      %gt3A_1221 = arith.cmpf ogt, %select_n3A_1097, %select_n3A_1099 : vector<16xf32>
      %eq3A_1222 = arith.cmpf oeq, %select_n3A_1097, %select_n3A_1099 : vector<16xf32>
      %or3A_1223 = arith.ori %gt3A_1221, %eq3A_1222 : vector<16xi1>
      %select_n3A_1224 = arith.select %or3A_1223, %broadcast_in_dim3A_1032, %broadcast_in_dim3A_1034 : vector<16xi1>, vector<16xf32>
      %add3A_1225 = arith.addf %add3A_1220, %select_n3A_1224 : vector<16xf32>
      %gt3A_1226 = arith.cmpf ogt, %select_n3A_1098, %select_n3A_1099 : vector<16xf32>
      %eq3A_1227 = arith.cmpf oeq, %select_n3A_1098, %select_n3A_1099 : vector<16xf32>
      %or3A_1228 = arith.ori %gt3A_1226, %eq3A_1227 : vector<16xi1>
      %select_n3A_1229 = arith.select %or3A_1228, %broadcast_in_dim3A_1032, %broadcast_in_dim3A_1034 : vector<16xi1>, vector<16xf32>
      %add3A_1230 = arith.addf %add3A_1225, %select_n3A_1229 : vector<16xf32>
      %gt3A_1231 = arith.cmpf ogt, %select_n3A_1100, %select_n3A_1099 : vector<16xf32>
      %select_n3A_1232 = arith.select %gt3A_1231, %broadcast_in_dim3A_1032, %broadcast_in_dim3A_1034 : vector<16xi1>, vector<16xf32>
      %add3A_1233 = arith.addf %add3A_1230, %select_n3A_1232 : vector<16xf32>
      %gt3A_1234 = arith.cmpf ogt, %select_n3A_1101, %select_n3A_1099 : vector<16xf32>
      %select_n3A_1235 = arith.select %gt3A_1234, %broadcast_in_dim3A_1032, %broadcast_in_dim3A_1034 : vector<16xi1>, vector<16xf32>
      %add3A_1236 = arith.addf %add3A_1233, %select_n3A_1235 : vector<16xf32>
      %gt3A_1237 = arith.cmpf ogt, %select_n3A_1102, %select_n3A_1099 : vector<16xf32>
      %select_n3A_1238 = arith.select %gt3A_1237, %broadcast_in_dim3A_1032, %broadcast_in_dim3A_1034 : vector<16xi1>, vector<16xf32>
      %add3A_1239 = arith.addf %add3A_1236, %select_n3A_1238 : vector<16xf32>
      %lt3A_1240 = arith.constant 2.000000e+00 : f32
      %lt3A_1241 = vector.broadcast %lt3A_1240 : f32 to vector<16xf32>
      %lt3A_1242 = arith.cmpf olt, %add3A_1239, %lt3A_1241 : vector<16xf32>
      %gt3A_1243 = arith.cmpf ogt, %select_n3A_1095, %select_n3A_1100 : vector<16xf32>
      %eq3A_1244 = arith.cmpf oeq, %select_n3A_1095, %select_n3A_1100 : vector<16xf32>
      %or3A_1245 = arith.ori %gt3A_1243, %eq3A_1244 : vector<16xi1>
      %select_n3A_1246 = arith.select %or3A_1245, %broadcast_in_dim3A_1032, %broadcast_in_dim3A_1034 : vector<16xi1>, vector<16xf32>
      %add3A_1247 = arith.addf %broadcast_in_dim3A_1034, %select_n3A_1246 : vector<16xf32>
      %gt3A_1248 = arith.cmpf ogt, %select_n3A_1096, %select_n3A_1100 : vector<16xf32>
      %eq3A_1249 = arith.cmpf oeq, %select_n3A_1096, %select_n3A_1100 : vector<16xf32>
      %or3A_1250 = arith.ori %gt3A_1248, %eq3A_1249 : vector<16xi1>
      %select_n3A_1251 = arith.select %or3A_1250, %broadcast_in_dim3A_1032, %broadcast_in_dim3A_1034 : vector<16xi1>, vector<16xf32>
      %add3A_1252 = arith.addf %add3A_1247, %select_n3A_1251 : vector<16xf32>
      %gt3A_1253 = arith.cmpf ogt, %select_n3A_1097, %select_n3A_1100 : vector<16xf32>
      %eq3A_1254 = arith.cmpf oeq, %select_n3A_1097, %select_n3A_1100 : vector<16xf32>
      %or3A_1255 = arith.ori %gt3A_1253, %eq3A_1254 : vector<16xi1>
      %select_n3A_1256 = arith.select %or3A_1255, %broadcast_in_dim3A_1032, %broadcast_in_dim3A_1034 : vector<16xi1>, vector<16xf32>
      %add3A_1257 = arith.addf %add3A_1252, %select_n3A_1256 : vector<16xf32>
      %gt3A_1258 = arith.cmpf ogt, %select_n3A_1098, %select_n3A_1100 : vector<16xf32>
      %eq3A_1259 = arith.cmpf oeq, %select_n3A_1098, %select_n3A_1100 : vector<16xf32>
      %or3A_1260 = arith.ori %gt3A_1258, %eq3A_1259 : vector<16xi1>
      %select_n3A_1261 = arith.select %or3A_1260, %broadcast_in_dim3A_1032, %broadcast_in_dim3A_1034 : vector<16xi1>, vector<16xf32>
      %add3A_1262 = arith.addf %add3A_1257, %select_n3A_1261 : vector<16xf32>
      %gt3A_1263 = arith.cmpf ogt, %select_n3A_1099, %select_n3A_1100 : vector<16xf32>
      %eq3A_1264 = arith.cmpf oeq, %select_n3A_1099, %select_n3A_1100 : vector<16xf32>
      %or3A_1265 = arith.ori %gt3A_1263, %eq3A_1264 : vector<16xi1>
      %select_n3A_1266 = arith.select %or3A_1265, %broadcast_in_dim3A_1032, %broadcast_in_dim3A_1034 : vector<16xi1>, vector<16xf32>
      %add3A_1267 = arith.addf %add3A_1262, %select_n3A_1266 : vector<16xf32>
      %gt3A_1268 = arith.cmpf ogt, %select_n3A_1101, %select_n3A_1100 : vector<16xf32>
      %select_n3A_1269 = arith.select %gt3A_1268, %broadcast_in_dim3A_1032, %broadcast_in_dim3A_1034 : vector<16xi1>, vector<16xf32>
      %add3A_1270 = arith.addf %add3A_1267, %select_n3A_1269 : vector<16xf32>
      %gt3A_1271 = arith.cmpf ogt, %select_n3A_1102, %select_n3A_1100 : vector<16xf32>
      %select_n3A_1272 = arith.select %gt3A_1271, %broadcast_in_dim3A_1032, %broadcast_in_dim3A_1034 : vector<16xi1>, vector<16xf32>
      %add3A_1273 = arith.addf %add3A_1270, %select_n3A_1272 : vector<16xf32>
      %lt3A_1274 = arith.constant 2.000000e+00 : f32
      %lt3A_1275 = vector.broadcast %lt3A_1274 : f32 to vector<16xf32>
      %lt3A_1276 = arith.cmpf olt, %add3A_1273, %lt3A_1275 : vector<16xf32>
      %gt3A_1277 = arith.cmpf ogt, %select_n3A_1095, %select_n3A_1101 : vector<16xf32>
      %eq3A_1278 = arith.cmpf oeq, %select_n3A_1095, %select_n3A_1101 : vector<16xf32>
      %or3A_1279 = arith.ori %gt3A_1277, %eq3A_1278 : vector<16xi1>
      %select_n3A_1280 = arith.select %or3A_1279, %broadcast_in_dim3A_1032, %broadcast_in_dim3A_1034 : vector<16xi1>, vector<16xf32>
      %add3A_1281 = arith.addf %broadcast_in_dim3A_1034, %select_n3A_1280 : vector<16xf32>
      %gt3A_1282 = arith.cmpf ogt, %select_n3A_1096, %select_n3A_1101 : vector<16xf32>
      %eq3A_1283 = arith.cmpf oeq, %select_n3A_1096, %select_n3A_1101 : vector<16xf32>
      %or3A_1284 = arith.ori %gt3A_1282, %eq3A_1283 : vector<16xi1>
      %select_n3A_1285 = arith.select %or3A_1284, %broadcast_in_dim3A_1032, %broadcast_in_dim3A_1034 : vector<16xi1>, vector<16xf32>
      %add3A_1286 = arith.addf %add3A_1281, %select_n3A_1285 : vector<16xf32>
      %gt3A_1287 = arith.cmpf ogt, %select_n3A_1097, %select_n3A_1101 : vector<16xf32>
      %eq3A_1288 = arith.cmpf oeq, %select_n3A_1097, %select_n3A_1101 : vector<16xf32>
      %or3A_1289 = arith.ori %gt3A_1287, %eq3A_1288 : vector<16xi1>
      %select_n3A_1290 = arith.select %or3A_1289, %broadcast_in_dim3A_1032, %broadcast_in_dim3A_1034 : vector<16xi1>, vector<16xf32>
      %add3A_1291 = arith.addf %add3A_1286, %select_n3A_1290 : vector<16xf32>
      %gt3A_1292 = arith.cmpf ogt, %select_n3A_1098, %select_n3A_1101 : vector<16xf32>
      %eq3A_1293 = arith.cmpf oeq, %select_n3A_1098, %select_n3A_1101 : vector<16xf32>
      %or3A_1294 = arith.ori %gt3A_1292, %eq3A_1293 : vector<16xi1>
      %select_n3A_1295 = arith.select %or3A_1294, %broadcast_in_dim3A_1032, %broadcast_in_dim3A_1034 : vector<16xi1>, vector<16xf32>
      %add3A_1296 = arith.addf %add3A_1291, %select_n3A_1295 : vector<16xf32>
      %gt3A_1297 = arith.cmpf ogt, %select_n3A_1099, %select_n3A_1101 : vector<16xf32>
      %eq3A_1298 = arith.cmpf oeq, %select_n3A_1099, %select_n3A_1101 : vector<16xf32>
      %or3A_1299 = arith.ori %gt3A_1297, %eq3A_1298 : vector<16xi1>
      %select_n3A_1300 = arith.select %or3A_1299, %broadcast_in_dim3A_1032, %broadcast_in_dim3A_1034 : vector<16xi1>, vector<16xf32>
      %add3A_1301 = arith.addf %add3A_1296, %select_n3A_1300 : vector<16xf32>
      %gt3A_1302 = arith.cmpf ogt, %select_n3A_1100, %select_n3A_1101 : vector<16xf32>
      %eq3A_1303 = arith.cmpf oeq, %select_n3A_1100, %select_n3A_1101 : vector<16xf32>
      %or3A_1304 = arith.ori %gt3A_1302, %eq3A_1303 : vector<16xi1>
      %select_n3A_1305 = arith.select %or3A_1304, %broadcast_in_dim3A_1032, %broadcast_in_dim3A_1034 : vector<16xi1>, vector<16xf32>
      %add3A_1306 = arith.addf %add3A_1301, %select_n3A_1305 : vector<16xf32>
      %gt3A_1307 = arith.cmpf ogt, %select_n3A_1102, %select_n3A_1101 : vector<16xf32>
      %select_n3A_1308 = arith.select %gt3A_1307, %broadcast_in_dim3A_1032, %broadcast_in_dim3A_1034 : vector<16xi1>, vector<16xf32>
      %add3A_1309 = arith.addf %add3A_1306, %select_n3A_1308 : vector<16xf32>
      %lt3A_1310 = arith.constant 2.000000e+00 : f32
      %lt3A_1311 = vector.broadcast %lt3A_1310 : f32 to vector<16xf32>
      %lt3A_1312 = arith.cmpf olt, %add3A_1309, %lt3A_1311 : vector<16xf32>
      %gt3A_1313 = arith.cmpf ogt, %select_n3A_1095, %select_n3A_1102 : vector<16xf32>
      %eq3A_1314 = arith.cmpf oeq, %select_n3A_1095, %select_n3A_1102 : vector<16xf32>
      %or3A_1315 = arith.ori %gt3A_1313, %eq3A_1314 : vector<16xi1>
      %select_n3A_1316 = arith.select %or3A_1315, %broadcast_in_dim3A_1032, %broadcast_in_dim3A_1034 : vector<16xi1>, vector<16xf32>
      %add3A_1317 = arith.addf %broadcast_in_dim3A_1034, %select_n3A_1316 : vector<16xf32>
      %gt3A_1318 = arith.cmpf ogt, %select_n3A_1096, %select_n3A_1102 : vector<16xf32>
      %eq3A_1319 = arith.cmpf oeq, %select_n3A_1096, %select_n3A_1102 : vector<16xf32>
      %or3A_1320 = arith.ori %gt3A_1318, %eq3A_1319 : vector<16xi1>
      %select_n3A_1321 = arith.select %or3A_1320, %broadcast_in_dim3A_1032, %broadcast_in_dim3A_1034 : vector<16xi1>, vector<16xf32>
      %add3A_1322 = arith.addf %add3A_1317, %select_n3A_1321 : vector<16xf32>
      %gt3A_1323 = arith.cmpf ogt, %select_n3A_1097, %select_n3A_1102 : vector<16xf32>
      %eq3A_1324 = arith.cmpf oeq, %select_n3A_1097, %select_n3A_1102 : vector<16xf32>
      %or3A_1325 = arith.ori %gt3A_1323, %eq3A_1324 : vector<16xi1>
      %select_n3A_1326 = arith.select %or3A_1325, %broadcast_in_dim3A_1032, %broadcast_in_dim3A_1034 : vector<16xi1>, vector<16xf32>
      %add3A_1327 = arith.addf %add3A_1322, %select_n3A_1326 : vector<16xf32>
      %gt3A_1328 = arith.cmpf ogt, %select_n3A_1098, %select_n3A_1102 : vector<16xf32>
      %eq3A_1329 = arith.cmpf oeq, %select_n3A_1098, %select_n3A_1102 : vector<16xf32>
      %or3A_1330 = arith.ori %gt3A_1328, %eq3A_1329 : vector<16xi1>
      %select_n3A_1331 = arith.select %or3A_1330, %broadcast_in_dim3A_1032, %broadcast_in_dim3A_1034 : vector<16xi1>, vector<16xf32>
      %add3A_1332 = arith.addf %add3A_1327, %select_n3A_1331 : vector<16xf32>
      %gt3A_1333 = arith.cmpf ogt, %select_n3A_1099, %select_n3A_1102 : vector<16xf32>
      %eq3A_1334 = arith.cmpf oeq, %select_n3A_1099, %select_n3A_1102 : vector<16xf32>
      %or3A_1335 = arith.ori %gt3A_1333, %eq3A_1334 : vector<16xi1>
      %select_n3A_1336 = arith.select %or3A_1335, %broadcast_in_dim3A_1032, %broadcast_in_dim3A_1034 : vector<16xi1>, vector<16xf32>
      %add3A_1337 = arith.addf %add3A_1332, %select_n3A_1336 : vector<16xf32>
      %gt3A_1338 = arith.cmpf ogt, %select_n3A_1100, %select_n3A_1102 : vector<16xf32>
      %eq3A_1339 = arith.cmpf oeq, %select_n3A_1100, %select_n3A_1102 : vector<16xf32>
      %or3A_1340 = arith.ori %gt3A_1338, %eq3A_1339 : vector<16xi1>
      %select_n3A_1341 = arith.select %or3A_1340, %broadcast_in_dim3A_1032, %broadcast_in_dim3A_1034 : vector<16xi1>, vector<16xf32>
      %add3A_1342 = arith.addf %add3A_1337, %select_n3A_1341 : vector<16xf32>
      %gt3A_1343 = arith.cmpf ogt, %select_n3A_1101, %select_n3A_1102 : vector<16xf32>
      %eq3A_1344 = arith.cmpf oeq, %select_n3A_1101, %select_n3A_1102 : vector<16xf32>
      %or3A_1345 = arith.ori %gt3A_1343, %eq3A_1344 : vector<16xi1>
      %select_n3A_1346 = arith.select %or3A_1345, %broadcast_in_dim3A_1032, %broadcast_in_dim3A_1034 : vector<16xi1>, vector<16xf32>
      %add3A_1347 = arith.addf %add3A_1342, %select_n3A_1346 : vector<16xf32>
      %lt3A_1348 = arith.constant 2.000000e+00 : f32
      %lt3A_1349 = vector.broadcast %lt3A_1348 : f32 to vector<16xf32>
      %lt3A_1350 = arith.cmpf olt, %add3A_1347, %lt3A_1349 : vector<16xf32>
      %select_n3A_1351 = arith.select %lt3A_1126, %get3A_991, %broadcast_in_dim3A_1034 : vector<16xi1>, vector<16xf32>
      %select_n3A_1352 = arith.select %lt3A_1152, %get3A_996, %broadcast_in_dim3A_1034 : vector<16xi1>, vector<16xf32>
      %select_n3A_1353 = arith.select %lt3A_1180, %get3A_1001, %broadcast_in_dim3A_1034 : vector<16xi1>, vector<16xf32>
      %select_n3A_1354 = arith.select %lt3A_1210, %get3A_1006, %broadcast_in_dim3A_1034 : vector<16xi1>, vector<16xf32>
      %select_n3A_1355 = arith.select %lt3A_1242, %get3A_1011, %broadcast_in_dim3A_1034 : vector<16xi1>, vector<16xf32>
      %select_n3A_1356 = arith.select %lt3A_1276, %get3A_1016, %broadcast_in_dim3A_1034 : vector<16xi1>, vector<16xf32>
      %select_n3A_1357 = arith.select %lt3A_1312, %get3A_1021, %broadcast_in_dim3A_1034 : vector<16xi1>, vector<16xf32>
      %select_n3A_1358 = arith.select %lt3A_1350, %get3A_1026, %broadcast_in_dim3A_1034 : vector<16xi1>, vector<16xf32>
      %add3A_1359 = arith.addf %select_n3A_1351, %select_n3A_1352 : vector<16xf32>
      %add3A_1360 = arith.addf %add3A_1359, %select_n3A_1353 : vector<16xf32>
      %add3A_1361 = arith.addf %add3A_1360, %select_n3A_1354 : vector<16xf32>
      %add3A_1362 = arith.addf %add3A_1361, %select_n3A_1355 : vector<16xf32>
      %add3A_1363 = arith.addf %add3A_1362, %select_n3A_1356 : vector<16xf32>
      %add3A_1364 = arith.addf %add3A_1363, %select_n3A_1357 : vector<16xf32>
      %add3A_1365 = arith.addf %add3A_1364, %select_n3A_1358 : vector<16xf32>
      %div3A_1366 = arith.divf %select_n3A_1351, %add3A_1365 : vector<16xf32>
      %swap3A_1367 = arith.constant 0 : i32
      %swap3A_1368 = arith.index_cast %swap3A_1367 : i32 to index
      %swap3A_1369 = arith.constant 32 : index
      %swap3A_1370 = tpu.vector_load %arg7[%swap3A_1368, %swap3A_1369] {strides = array<i32>} : memref<8x128xf32, #tpu.memory_space<vmem>>, vector<1x16xf32>,
      %swap3A_1371 = vector.shape_cast %swap3A_1370 : vector<1x16xf32> to vector<16xf32>
      %swap3A_1372 = vector.shape_cast %div3A_1366 : vector<16xf32> to vector<1x16xf32>
      tpu.vector_store %arg7[%swap3A_1368, %swap3A_1369], %swap3A_1372 {strides = array<i32>} : memref<8x128xf32, #tpu.memory_space<vmem>>, vector<1x16xf32>,
      %div3A_1373 = arith.divf %select_n3A_1352, %add3A_1365 : vector<16xf32>
      %swap3A_1374 = arith.constant 1 : i32
      %swap3A_1375 = arith.index_cast %swap3A_1374 : i32 to index
      %swap3A_1376 = arith.constant 32 : index
      %swap3A_1377 = tpu.vector_load %arg7[%swap3A_1375, %swap3A_1376] {strides = array<i32>} : memref<8x128xf32, #tpu.memory_space<vmem>>, vector<1x16xf32>,
      %swap3A_1378 = vector.shape_cast %swap3A_1377 : vector<1x16xf32> to vector<16xf32>
      %swap3A_1379 = vector.shape_cast %div3A_1373 : vector<16xf32> to vector<1x16xf32>
      tpu.vector_store %arg7[%swap3A_1375, %swap3A_1376], %swap3A_1379 {strides = array<i32>} : memref<8x128xf32, #tpu.memory_space<vmem>>, vector<1x16xf32>,
      %div3A_1380 = arith.divf %select_n3A_1353, %add3A_1365 : vector<16xf32>
      %swap3A_1381 = arith.constant 2 : i32
      %swap3A_1382 = arith.index_cast %swap3A_1381 : i32 to index
      %swap3A_1383 = arith.constant 32 : index
      %swap3A_1384 = tpu.vector_load %arg7[%swap3A_1382, %swap3A_1383] {strides = array<i32>} : memref<8x128xf32, #tpu.memory_space<vmem>>, vector<1x16xf32>,
      %swap3A_1385 = vector.shape_cast %swap3A_1384 : vector<1x16xf32> to vector<16xf32>
      %swap3A_1386 = vector.shape_cast %div3A_1380 : vector<16xf32> to vector<1x16xf32>
      tpu.vector_store %arg7[%swap3A_1382, %swap3A_1383], %swap3A_1386 {strides = array<i32>} : memref<8x128xf32, #tpu.memory_space<vmem>>, vector<1x16xf32>,
      %div3A_1387 = arith.divf %select_n3A_1354, %add3A_1365 : vector<16xf32>
      %swap3A_1388 = arith.constant 3 : i32
      %swap3A_1389 = arith.index_cast %swap3A_1388 : i32 to index
      %swap3A_1390 = arith.constant 32 : index
      %swap3A_1391 = tpu.vector_load %arg7[%swap3A_1389, %swap3A_1390] {strides = array<i32>} : memref<8x128xf32, #tpu.memory_space<vmem>>, vector<1x16xf32>,
      %swap3A_1392 = vector.shape_cast %swap3A_1391 : vector<1x16xf32> to vector<16xf32>
      %swap3A_1393 = vector.shape_cast %div3A_1387 : vector<16xf32> to vector<1x16xf32>
      tpu.vector_store %arg7[%swap3A_1389, %swap3A_1390], %swap3A_1393 {strides = array<i32>} : memref<8x128xf32, #tpu.memory_space<vmem>>, vector<1x16xf32>,
      %div3A_1394 = arith.divf %select_n3A_1355, %add3A_1365 : vector<16xf32>
      %swap3A_1395 = arith.constant 4 : i32
      %swap3A_1396 = arith.index_cast %swap3A_1395 : i32 to index
      %swap3A_1397 = arith.constant 32 : index
      %swap3A_1398 = tpu.vector_load %arg7[%swap3A_1396, %swap3A_1397] {strides = array<i32>} : memref<8x128xf32, #tpu.memory_space<vmem>>, vector<1x16xf32>,
      %swap3A_1399 = vector.shape_cast %swap3A_1398 : vector<1x16xf32> to vector<16xf32>
      %swap3A_1400 = vector.shape_cast %div3A_1394 : vector<16xf32> to vector<1x16xf32>
      tpu.vector_store %arg7[%swap3A_1396, %swap3A_1397], %swap3A_1400 {strides = array<i32>} : memref<8x128xf32, #tpu.memory_space<vmem>>, vector<1x16xf32>,
      %div3A_1401 = arith.divf %select_n3A_1356, %add3A_1365 : vector<16xf32>
      %swap3A_1402 = arith.constant 5 : i32
      %swap3A_1403 = arith.index_cast %swap3A_1402 : i32 to index
      %swap3A_1404 = arith.constant 32 : index
      %swap3A_1405 = tpu.vector_load %arg7[%swap3A_1403, %swap3A_1404] {strides = array<i32>} : memref<8x128xf32, #tpu.memory_space<vmem>>, vector<1x16xf32>,
      %swap3A_1406 = vector.shape_cast %swap3A_1405 : vector<1x16xf32> to vector<16xf32>
      %swap3A_1407 = vector.shape_cast %div3A_1401 : vector<16xf32> to vector<1x16xf32>
      tpu.vector_store %arg7[%swap3A_1403, %swap3A_1404], %swap3A_1407 {strides = array<i32>} : memref<8x128xf32, #tpu.memory_space<vmem>>, vector<1x16xf32>,
      %div3A_1408 = arith.divf %select_n3A_1357, %add3A_1365 : vector<16xf32>
      %swap3A_1409 = arith.constant 6 : i32
      %swap3A_1410 = arith.index_cast %swap3A_1409 : i32 to index
      %swap3A_1411 = arith.constant 32 : index
      %swap3A_1412 = tpu.vector_load %arg7[%swap3A_1410, %swap3A_1411] {strides = array<i32>} : memref<8x128xf32, #tpu.memory_space<vmem>>, vector<1x16xf32>,
      %swap3A_1413 = vector.shape_cast %swap3A_1412 : vector<1x16xf32> to vector<16xf32>
      %swap3A_1414 = vector.shape_cast %div3A_1408 : vector<16xf32> to vector<1x16xf32>
      tpu.vector_store %arg7[%swap3A_1410, %swap3A_1411], %swap3A_1414 {strides = array<i32>} : memref<8x128xf32, #tpu.memory_space<vmem>>, vector<1x16xf32>,
      %div3A_1415 = arith.divf %select_n3A_1358, %add3A_1365 : vector<16xf32>
      %swap3A_1416 = arith.constant 7 : i32
      %swap3A_1417 = arith.index_cast %swap3A_1416 : i32 to index
      %swap3A_1418 = arith.constant 32 : index
      %swap3A_1419 = tpu.vector_load %arg7[%swap3A_1417, %swap3A_1418] {strides = array<i32>} : memref<8x128xf32, #tpu.memory_space<vmem>>, vector<1x16xf32>,
      %swap3A_1420 = vector.shape_cast %swap3A_1419 : vector<1x16xf32> to vector<16xf32>
      %swap3A_1421 = vector.shape_cast %div3A_1415 : vector<16xf32> to vector<1x16xf32>
      tpu.vector_store %arg7[%swap3A_1417, %swap3A_1418], %swap3A_1421 {strides = array<i32>} : memref<8x128xf32, #tpu.memory_space<vmem>>, vector<1x16xf32>,
      %get3A_1422 = arith.constant 0 : i32
      %get3A_1423 = arith.index_cast %get3A_1422 : i32 to index
      %get3A_1424 = arith.constant 48 : index
      %get3A_1425 = tpu.vector_load %arg6[%get3A_1423, %get3A_1424] {strides = array<i32>} : memref<8x128xf32, #tpu.memory_space<vmem>>, vector<1x16xf32>,
      %get3A_1426 = vector.shape_cast %get3A_1425 : vector<1x16xf32> to vector<16xf32>
      %get3A_1427 = arith.constant 1 : i32
      %get3A_1428 = arith.index_cast %get3A_1427 : i32 to index
      %get3A_1429 = arith.constant 48 : index
      %get3A_1430 = tpu.vector_load %arg6[%get3A_1428, %get3A_1429] {strides = array<i32>} : memref<8x128xf32, #tpu.memory_space<vmem>>, vector<1x16xf32>,
      %get3A_1431 = vector.shape_cast %get3A_1430 : vector<1x16xf32> to vector<16xf32>
      %get3A_1432 = arith.constant 2 : i32
      %get3A_1433 = arith.index_cast %get3A_1432 : i32 to index
      %get3A_1434 = arith.constant 48 : index
      %get3A_1435 = tpu.vector_load %arg6[%get3A_1433, %get3A_1434] {strides = array<i32>} : memref<8x128xf32, #tpu.memory_space<vmem>>, vector<1x16xf32>,
      %get3A_1436 = vector.shape_cast %get3A_1435 : vector<1x16xf32> to vector<16xf32>
      %get3A_1437 = arith.constant 3 : i32
      %get3A_1438 = arith.index_cast %get3A_1437 : i32 to index
      %get3A_1439 = arith.constant 48 : index
      %get3A_1440 = tpu.vector_load %arg6[%get3A_1438, %get3A_1439] {strides = array<i32>} : memref<8x128xf32, #tpu.memory_space<vmem>>, vector<1x16xf32>,
      %get3A_1441 = vector.shape_cast %get3A_1440 : vector<1x16xf32> to vector<16xf32>
      %get3A_1442 = arith.constant 4 : i32
      %get3A_1443 = arith.index_cast %get3A_1442 : i32 to index
      %get3A_1444 = arith.constant 48 : index
      %get3A_1445 = tpu.vector_load %arg6[%get3A_1443, %get3A_1444] {strides = array<i32>} : memref<8x128xf32, #tpu.memory_space<vmem>>, vector<1x16xf32>,
      %get3A_1446 = vector.shape_cast %get3A_1445 : vector<1x16xf32> to vector<16xf32>
      %get3A_1447 = arith.constant 5 : i32
      %get3A_1448 = arith.index_cast %get3A_1447 : i32 to index
      %get3A_1449 = arith.constant 48 : index
      %get3A_1450 = tpu.vector_load %arg6[%get3A_1448, %get3A_1449] {strides = array<i32>} : memref<8x128xf32, #tpu.memory_space<vmem>>, vector<1x16xf32>,
      %get3A_1451 = vector.shape_cast %get3A_1450 : vector<1x16xf32> to vector<16xf32>
      %get3A_1452 = arith.constant 6 : i32
      %get3A_1453 = arith.index_cast %get3A_1452 : i32 to index
      %get3A_1454 = arith.constant 48 : index
      %get3A_1455 = tpu.vector_load %arg6[%get3A_1453, %get3A_1454] {strides = array<i32>} : memref<8x128xf32, #tpu.memory_space<vmem>>, vector<1x16xf32>,
      %get3A_1456 = vector.shape_cast %get3A_1455 : vector<1x16xf32> to vector<16xf32>
      %get3A_1457 = arith.constant 7 : i32
      %get3A_1458 = arith.index_cast %get3A_1457 : i32 to index
      %get3A_1459 = arith.constant 48 : index
      %get3A_1460 = tpu.vector_load %arg6[%get3A_1458, %get3A_1459] {strides = array<i32>} : memref<8x128xf32, #tpu.memory_space<vmem>>, vector<1x16xf32>,
      %get3A_1461 = vector.shape_cast %get3A_1460 : vector<1x16xf32> to vector<16xf32>
      %get3A_1462 = arith.constant 0 : i32
      %get3A_1463 = arith.index_cast %get3A_1462 : i32 to index
      %get3A_1464 = arith.constant 48 : index
      %get3A_1465 = tpu.vector_load %arg5[%get3A_1463, %get3A_1464] {strides = array<i32>} : memref<8x128xf32, #tpu.memory_space<vmem>>, vector<1x16xf32>,
      %get3A_1466 = vector.shape_cast %get3A_1465 : vector<1x16xf32> to vector<16xf32>
      %get3A_1467 = arith.constant 1 : i32
      %get3A_1468 = arith.index_cast %get3A_1467 : i32 to index
      %get3A_1469 = arith.constant 48 : index
      %get3A_1470 = tpu.vector_load %arg5[%get3A_1468, %get3A_1469] {strides = array<i32>} : memref<8x128xf32, #tpu.memory_space<vmem>>, vector<1x16xf32>,
      %get3A_1471 = vector.shape_cast %get3A_1470 : vector<1x16xf32> to vector<16xf32>
      %get3A_1472 = arith.constant 2 : i32
      %get3A_1473 = arith.index_cast %get3A_1472 : i32 to index
      %get3A_1474 = arith.constant 48 : index
      %get3A_1475 = tpu.vector_load %arg5[%get3A_1473, %get3A_1474] {strides = array<i32>} : memref<8x128xf32, #tpu.memory_space<vmem>>, vector<1x16xf32>,
      %get3A_1476 = vector.shape_cast %get3A_1475 : vector<1x16xf32> to vector<16xf32>
      %get3A_1477 = arith.constant 3 : i32
      %get3A_1478 = arith.index_cast %get3A_1477 : i32 to index
      %get3A_1479 = arith.constant 48 : index
      %get3A_1480 = tpu.vector_load %arg5[%get3A_1478, %get3A_1479] {strides = array<i32>} : memref<8x128xf32, #tpu.memory_space<vmem>>, vector<1x16xf32>,
      %get3A_1481 = vector.shape_cast %get3A_1480 : vector<1x16xf32> to vector<16xf32>
      %get3A_1482 = arith.constant 4 : i32
      %get3A_1483 = arith.index_cast %get3A_1482 : i32 to index
      %get3A_1484 = arith.constant 48 : index
      %get3A_1485 = tpu.vector_load %arg5[%get3A_1483, %get3A_1484] {strides = array<i32>} : memref<8x128xf32, #tpu.memory_space<vmem>>, vector<1x16xf32>,
      %get3A_1486 = vector.shape_cast %get3A_1485 : vector<1x16xf32> to vector<16xf32>
      %get3A_1487 = arith.constant 5 : i32
      %get3A_1488 = arith.index_cast %get3A_1487 : i32 to index
      %get3A_1489 = arith.constant 48 : index
      %get3A_1490 = tpu.vector_load %arg5[%get3A_1488, %get3A_1489] {strides = array<i32>} : memref<8x128xf32, #tpu.memory_space<vmem>>, vector<1x16xf32>,
      %get3A_1491 = vector.shape_cast %get3A_1490 : vector<1x16xf32> to vector<16xf32>
      %get3A_1492 = arith.constant 6 : i32
      %get3A_1493 = arith.index_cast %get3A_1492 : i32 to index
      %get3A_1494 = arith.constant 48 : index
      %get3A_1495 = tpu.vector_load %arg5[%get3A_1493, %get3A_1494] {strides = array<i32>} : memref<8x128xf32, #tpu.memory_space<vmem>>, vector<1x16xf32>,
      %get3A_1496 = vector.shape_cast %get3A_1495 : vector<1x16xf32> to vector<16xf32>
      %get3A_1497 = arith.constant 7 : i32
      %get3A_1498 = arith.index_cast %get3A_1497 : i32 to index
      %get3A_1499 = arith.constant 48 : index
      %get3A_1500 = tpu.vector_load %arg5[%get3A_1498, %get3A_1499] {strides = array<i32>} : memref<8x128xf32, #tpu.memory_space<vmem>>, vector<1x16xf32>,
      %get3A_1501 = vector.shape_cast %get3A_1500 : vector<1x16xf32> to vector<16xf32>
      %add3A_1502 = arith.addf %get3A_1426, %get3A_1431 : vector<16xf32>
      %add3A_1503 = arith.addf %get3A_1436, %get3A_1441 : vector<16xf32>
      %add3A_1504 = arith.addf %get3A_1446, %get3A_1451 : vector<16xf32>
      %add3A_1505 = arith.addf %get3A_1456, %get3A_1461 : vector<16xf32>
      %broadcast_in_dim3A_1506 = arith.constant 1.000000e+00 : f32
      %broadcast_in_dim3A_1507 = vector.broadcast %broadcast_in_dim3A_1506 : f32 to vector<16xf32>
      %broadcast_in_dim3A_1508 = arith.constant 0.000000e+00 : f32
      %broadcast_in_dim3A_1509 = vector.broadcast %broadcast_in_dim3A_1508 : f32 to vector<16xf32>
      %gt3A_1510 = arith.cmpf ogt, %add3A_1503, %add3A_1502 : vector<16xf32>
      %select_n3A_1511 = arith.select %gt3A_1510, %broadcast_in_dim3A_1507, %broadcast_in_dim3A_1509 : vector<16xi1>, vector<16xf32>
      %add3A_1512 = arith.addf %broadcast_in_dim3A_1509, %select_n3A_1511 : vector<16xf32>
      %gt3A_1513 = arith.cmpf ogt, %add3A_1504, %add3A_1502 : vector<16xf32>
      %select_n3A_1514 = arith.select %gt3A_1513, %broadcast_in_dim3A_1507, %broadcast_in_dim3A_1509 : vector<16xi1>, vector<16xf32>
      %add3A_1515 = arith.addf %add3A_1512, %select_n3A_1514 : vector<16xf32>
      %gt3A_1516 = arith.cmpf ogt, %add3A_1505, %add3A_1502 : vector<16xf32>
      %select_n3A_1517 = arith.select %gt3A_1516, %broadcast_in_dim3A_1507, %broadcast_in_dim3A_1509 : vector<16xi1>, vector<16xf32>
      %add3A_1518 = arith.addf %add3A_1515, %select_n3A_1517 : vector<16xf32>
      %lt3A_1519 = arith.constant 2.000000e+00 : f32
      %lt3A_1520 = vector.broadcast %lt3A_1519 : f32 to vector<16xf32>
      %lt3A_1521 = arith.cmpf olt, %add3A_1518, %lt3A_1520 : vector<16xf32>
      %gt3A_1522 = arith.cmpf ogt, %add3A_1502, %add3A_1503 : vector<16xf32>
      %eq3A_1523 = arith.cmpf oeq, %add3A_1502, %add3A_1503 : vector<16xf32>
      %or3A_1524 = arith.ori %gt3A_1522, %eq3A_1523 : vector<16xi1>
      %select_n3A_1525 = arith.select %or3A_1524, %broadcast_in_dim3A_1507, %broadcast_in_dim3A_1509 : vector<16xi1>, vector<16xf32>
      %add3A_1526 = arith.addf %broadcast_in_dim3A_1509, %select_n3A_1525 : vector<16xf32>
      %gt3A_1527 = arith.cmpf ogt, %add3A_1504, %add3A_1503 : vector<16xf32>
      %select_n3A_1528 = arith.select %gt3A_1527, %broadcast_in_dim3A_1507, %broadcast_in_dim3A_1509 : vector<16xi1>, vector<16xf32>
      %add3A_1529 = arith.addf %add3A_1526, %select_n3A_1528 : vector<16xf32>
      %gt3A_1530 = arith.cmpf ogt, %add3A_1505, %add3A_1503 : vector<16xf32>
      %select_n3A_1531 = arith.select %gt3A_1530, %broadcast_in_dim3A_1507, %broadcast_in_dim3A_1509 : vector<16xi1>, vector<16xf32>
      %add3A_1532 = arith.addf %add3A_1529, %select_n3A_1531 : vector<16xf32>
      %lt3A_1533 = arith.constant 2.000000e+00 : f32
      %lt3A_1534 = vector.broadcast %lt3A_1533 : f32 to vector<16xf32>
      %lt3A_1535 = arith.cmpf olt, %add3A_1532, %lt3A_1534 : vector<16xf32>
      %gt3A_1536 = arith.cmpf ogt, %add3A_1502, %add3A_1504 : vector<16xf32>
      %eq3A_1537 = arith.cmpf oeq, %add3A_1502, %add3A_1504 : vector<16xf32>
      %or3A_1538 = arith.ori %gt3A_1536, %eq3A_1537 : vector<16xi1>
      %select_n3A_1539 = arith.select %or3A_1538, %broadcast_in_dim3A_1507, %broadcast_in_dim3A_1509 : vector<16xi1>, vector<16xf32>
      %add3A_1540 = arith.addf %broadcast_in_dim3A_1509, %select_n3A_1539 : vector<16xf32>
      %gt3A_1541 = arith.cmpf ogt, %add3A_1503, %add3A_1504 : vector<16xf32>
      %eq3A_1542 = arith.cmpf oeq, %add3A_1503, %add3A_1504 : vector<16xf32>
      %or3A_1543 = arith.ori %gt3A_1541, %eq3A_1542 : vector<16xi1>
      %select_n3A_1544 = arith.select %or3A_1543, %broadcast_in_dim3A_1507, %broadcast_in_dim3A_1509 : vector<16xi1>, vector<16xf32>
      %add3A_1545 = arith.addf %add3A_1540, %select_n3A_1544 : vector<16xf32>
      %gt3A_1546 = arith.cmpf ogt, %add3A_1505, %add3A_1504 : vector<16xf32>
      %select_n3A_1547 = arith.select %gt3A_1546, %broadcast_in_dim3A_1507, %broadcast_in_dim3A_1509 : vector<16xi1>, vector<16xf32>
      %add3A_1548 = arith.addf %add3A_1545, %select_n3A_1547 : vector<16xf32>
      %lt3A_1549 = arith.constant 2.000000e+00 : f32
      %lt3A_1550 = vector.broadcast %lt3A_1549 : f32 to vector<16xf32>
      %lt3A_1551 = arith.cmpf olt, %add3A_1548, %lt3A_1550 : vector<16xf32>
      %gt3A_1552 = arith.cmpf ogt, %add3A_1502, %add3A_1505 : vector<16xf32>
      %eq3A_1553 = arith.cmpf oeq, %add3A_1502, %add3A_1505 : vector<16xf32>
      %or3A_1554 = arith.ori %gt3A_1552, %eq3A_1553 : vector<16xi1>
      %select_n3A_1555 = arith.select %or3A_1554, %broadcast_in_dim3A_1507, %broadcast_in_dim3A_1509 : vector<16xi1>, vector<16xf32>
      %add3A_1556 = arith.addf %broadcast_in_dim3A_1509, %select_n3A_1555 : vector<16xf32>
      %gt3A_1557 = arith.cmpf ogt, %add3A_1503, %add3A_1505 : vector<16xf32>
      %eq3A_1558 = arith.cmpf oeq, %add3A_1503, %add3A_1505 : vector<16xf32>
      %or3A_1559 = arith.ori %gt3A_1557, %eq3A_1558 : vector<16xi1>
      %select_n3A_1560 = arith.select %or3A_1559, %broadcast_in_dim3A_1507, %broadcast_in_dim3A_1509 : vector<16xi1>, vector<16xf32>
      %add3A_1561 = arith.addf %add3A_1556, %select_n3A_1560 : vector<16xf32>
      %gt3A_1562 = arith.cmpf ogt, %add3A_1504, %add3A_1505 : vector<16xf32>
      %eq3A_1563 = arith.cmpf oeq, %add3A_1504, %add3A_1505 : vector<16xf32>
      %or3A_1564 = arith.ori %gt3A_1562, %eq3A_1563 : vector<16xi1>
      %select_n3A_1565 = arith.select %or3A_1564, %broadcast_in_dim3A_1507, %broadcast_in_dim3A_1509 : vector<16xi1>, vector<16xf32>
      %add3A_1566 = arith.addf %add3A_1561, %select_n3A_1565 : vector<16xf32>
      %lt3A_1567 = arith.constant 2.000000e+00 : f32
      %lt3A_1568 = vector.broadcast %lt3A_1567 : f32 to vector<16xf32>
      %lt3A_1569 = arith.cmpf olt, %add3A_1566, %lt3A_1568 : vector<16xf32>
      %select_n3A_1570 = arith.select %lt3A_1521, %get3A_1426, %broadcast_in_dim3A_1509 : vector<16xi1>, vector<16xf32>
      %select_n3A_1571 = arith.select %lt3A_1521, %get3A_1431, %broadcast_in_dim3A_1509 : vector<16xi1>, vector<16xf32>
      %select_n3A_1572 = arith.select %lt3A_1535, %get3A_1436, %broadcast_in_dim3A_1509 : vector<16xi1>, vector<16xf32>
      %select_n3A_1573 = arith.select %lt3A_1535, %get3A_1441, %broadcast_in_dim3A_1509 : vector<16xi1>, vector<16xf32>
      %select_n3A_1574 = arith.select %lt3A_1551, %get3A_1446, %broadcast_in_dim3A_1509 : vector<16xi1>, vector<16xf32>
      %select_n3A_1575 = arith.select %lt3A_1551, %get3A_1451, %broadcast_in_dim3A_1509 : vector<16xi1>, vector<16xf32>
      %select_n3A_1576 = arith.select %lt3A_1569, %get3A_1456, %broadcast_in_dim3A_1509 : vector<16xi1>, vector<16xf32>
      %select_n3A_1577 = arith.select %lt3A_1569, %get3A_1461, %broadcast_in_dim3A_1509 : vector<16xi1>, vector<16xf32>
      %gt3A_1578 = arith.cmpf ogt, %select_n3A_1571, %select_n3A_1570 : vector<16xf32>
      %select_n3A_1579 = arith.select %gt3A_1578, %broadcast_in_dim3A_1507, %broadcast_in_dim3A_1509 : vector<16xi1>, vector<16xf32>
      %add3A_1580 = arith.addf %broadcast_in_dim3A_1509, %select_n3A_1579 : vector<16xf32>
      %gt3A_1581 = arith.cmpf ogt, %select_n3A_1572, %select_n3A_1570 : vector<16xf32>
      %select_n3A_1582 = arith.select %gt3A_1581, %broadcast_in_dim3A_1507, %broadcast_in_dim3A_1509 : vector<16xi1>, vector<16xf32>
      %add3A_1583 = arith.addf %add3A_1580, %select_n3A_1582 : vector<16xf32>
      %gt3A_1584 = arith.cmpf ogt, %select_n3A_1573, %select_n3A_1570 : vector<16xf32>
      %select_n3A_1585 = arith.select %gt3A_1584, %broadcast_in_dim3A_1507, %broadcast_in_dim3A_1509 : vector<16xi1>, vector<16xf32>
      %add3A_1586 = arith.addf %add3A_1583, %select_n3A_1585 : vector<16xf32>
      %gt3A_1587 = arith.cmpf ogt, %select_n3A_1574, %select_n3A_1570 : vector<16xf32>
      %select_n3A_1588 = arith.select %gt3A_1587, %broadcast_in_dim3A_1507, %broadcast_in_dim3A_1509 : vector<16xi1>, vector<16xf32>
      %add3A_1589 = arith.addf %add3A_1586, %select_n3A_1588 : vector<16xf32>
      %gt3A_1590 = arith.cmpf ogt, %select_n3A_1575, %select_n3A_1570 : vector<16xf32>
      %select_n3A_1591 = arith.select %gt3A_1590, %broadcast_in_dim3A_1507, %broadcast_in_dim3A_1509 : vector<16xi1>, vector<16xf32>
      %add3A_1592 = arith.addf %add3A_1589, %select_n3A_1591 : vector<16xf32>
      %gt3A_1593 = arith.cmpf ogt, %select_n3A_1576, %select_n3A_1570 : vector<16xf32>
      %select_n3A_1594 = arith.select %gt3A_1593, %broadcast_in_dim3A_1507, %broadcast_in_dim3A_1509 : vector<16xi1>, vector<16xf32>
      %add3A_1595 = arith.addf %add3A_1592, %select_n3A_1594 : vector<16xf32>
      %gt3A_1596 = arith.cmpf ogt, %select_n3A_1577, %select_n3A_1570 : vector<16xf32>
      %select_n3A_1597 = arith.select %gt3A_1596, %broadcast_in_dim3A_1507, %broadcast_in_dim3A_1509 : vector<16xi1>, vector<16xf32>
      %add3A_1598 = arith.addf %add3A_1595, %select_n3A_1597 : vector<16xf32>
      %lt3A_1599 = arith.constant 2.000000e+00 : f32
      %lt3A_1600 = vector.broadcast %lt3A_1599 : f32 to vector<16xf32>
      %lt3A_1601 = arith.cmpf olt, %add3A_1598, %lt3A_1600 : vector<16xf32>
      %gt3A_1602 = arith.cmpf ogt, %select_n3A_1570, %select_n3A_1571 : vector<16xf32>
      %eq3A_1603 = arith.cmpf oeq, %select_n3A_1570, %select_n3A_1571 : vector<16xf32>
      %or3A_1604 = arith.ori %gt3A_1602, %eq3A_1603 : vector<16xi1>
      %select_n3A_1605 = arith.select %or3A_1604, %broadcast_in_dim3A_1507, %broadcast_in_dim3A_1509 : vector<16xi1>, vector<16xf32>
      %add3A_1606 = arith.addf %broadcast_in_dim3A_1509, %select_n3A_1605 : vector<16xf32>
      %gt3A_1607 = arith.cmpf ogt, %select_n3A_1572, %select_n3A_1571 : vector<16xf32>
      %select_n3A_1608 = arith.select %gt3A_1607, %broadcast_in_dim3A_1507, %broadcast_in_dim3A_1509 : vector<16xi1>, vector<16xf32>
      %add3A_1609 = arith.addf %add3A_1606, %select_n3A_1608 : vector<16xf32>
      %gt3A_1610 = arith.cmpf ogt, %select_n3A_1573, %select_n3A_1571 : vector<16xf32>
      %select_n3A_1611 = arith.select %gt3A_1610, %broadcast_in_dim3A_1507, %broadcast_in_dim3A_1509 : vector<16xi1>, vector<16xf32>
      %add3A_1612 = arith.addf %add3A_1609, %select_n3A_1611 : vector<16xf32>
      %gt3A_1613 = arith.cmpf ogt, %select_n3A_1574, %select_n3A_1571 : vector<16xf32>
      %select_n3A_1614 = arith.select %gt3A_1613, %broadcast_in_dim3A_1507, %broadcast_in_dim3A_1509 : vector<16xi1>, vector<16xf32>
      %add3A_1615 = arith.addf %add3A_1612, %select_n3A_1614 : vector<16xf32>
      %gt3A_1616 = arith.cmpf ogt, %select_n3A_1575, %select_n3A_1571 : vector<16xf32>
      %select_n3A_1617 = arith.select %gt3A_1616, %broadcast_in_dim3A_1507, %broadcast_in_dim3A_1509 : vector<16xi1>, vector<16xf32>
      %add3A_1618 = arith.addf %add3A_1615, %select_n3A_1617 : vector<16xf32>
      %gt3A_1619 = arith.cmpf ogt, %select_n3A_1576, %select_n3A_1571 : vector<16xf32>
      %select_n3A_1620 = arith.select %gt3A_1619, %broadcast_in_dim3A_1507, %broadcast_in_dim3A_1509 : vector<16xi1>, vector<16xf32>
      %add3A_1621 = arith.addf %add3A_1618, %select_n3A_1620 : vector<16xf32>
      %gt3A_1622 = arith.cmpf ogt, %select_n3A_1577, %select_n3A_1571 : vector<16xf32>
      %select_n3A_1623 = arith.select %gt3A_1622, %broadcast_in_dim3A_1507, %broadcast_in_dim3A_1509 : vector<16xi1>, vector<16xf32>
      %add3A_1624 = arith.addf %add3A_1621, %select_n3A_1623 : vector<16xf32>
      %lt3A_1625 = arith.constant 2.000000e+00 : f32
      %lt3A_1626 = vector.broadcast %lt3A_1625 : f32 to vector<16xf32>
      %lt3A_1627 = arith.cmpf olt, %add3A_1624, %lt3A_1626 : vector<16xf32>
      %gt3A_1628 = arith.cmpf ogt, %select_n3A_1570, %select_n3A_1572 : vector<16xf32>
      %eq3A_1629 = arith.cmpf oeq, %select_n3A_1570, %select_n3A_1572 : vector<16xf32>
      %or3A_1630 = arith.ori %gt3A_1628, %eq3A_1629 : vector<16xi1>
      %select_n3A_1631 = arith.select %or3A_1630, %broadcast_in_dim3A_1507, %broadcast_in_dim3A_1509 : vector<16xi1>, vector<16xf32>
      %add3A_1632 = arith.addf %broadcast_in_dim3A_1509, %select_n3A_1631 : vector<16xf32>
      %gt3A_1633 = arith.cmpf ogt, %select_n3A_1571, %select_n3A_1572 : vector<16xf32>
      %eq3A_1634 = arith.cmpf oeq, %select_n3A_1571, %select_n3A_1572 : vector<16xf32>
      %or3A_1635 = arith.ori %gt3A_1633, %eq3A_1634 : vector<16xi1>
      %select_n3A_1636 = arith.select %or3A_1635, %broadcast_in_dim3A_1507, %broadcast_in_dim3A_1509 : vector<16xi1>, vector<16xf32>
      %add3A_1637 = arith.addf %add3A_1632, %select_n3A_1636 : vector<16xf32>
      %gt3A_1638 = arith.cmpf ogt, %select_n3A_1573, %select_n3A_1572 : vector<16xf32>
      %select_n3A_1639 = arith.select %gt3A_1638, %broadcast_in_dim3A_1507, %broadcast_in_dim3A_1509 : vector<16xi1>, vector<16xf32>
      %add3A_1640 = arith.addf %add3A_1637, %select_n3A_1639 : vector<16xf32>
      %gt3A_1641 = arith.cmpf ogt, %select_n3A_1574, %select_n3A_1572 : vector<16xf32>
      %select_n3A_1642 = arith.select %gt3A_1641, %broadcast_in_dim3A_1507, %broadcast_in_dim3A_1509 : vector<16xi1>, vector<16xf32>
      %add3A_1643 = arith.addf %add3A_1640, %select_n3A_1642 : vector<16xf32>
      %gt3A_1644 = arith.cmpf ogt, %select_n3A_1575, %select_n3A_1572 : vector<16xf32>
      %select_n3A_1645 = arith.select %gt3A_1644, %broadcast_in_dim3A_1507, %broadcast_in_dim3A_1509 : vector<16xi1>, vector<16xf32>
      %add3A_1646 = arith.addf %add3A_1643, %select_n3A_1645 : vector<16xf32>
      %gt3A_1647 = arith.cmpf ogt, %select_n3A_1576, %select_n3A_1572 : vector<16xf32>
      %select_n3A_1648 = arith.select %gt3A_1647, %broadcast_in_dim3A_1507, %broadcast_in_dim3A_1509 : vector<16xi1>, vector<16xf32>
      %add3A_1649 = arith.addf %add3A_1646, %select_n3A_1648 : vector<16xf32>
      %gt3A_1650 = arith.cmpf ogt, %select_n3A_1577, %select_n3A_1572 : vector<16xf32>
      %select_n3A_1651 = arith.select %gt3A_1650, %broadcast_in_dim3A_1507, %broadcast_in_dim3A_1509 : vector<16xi1>, vector<16xf32>
      %add3A_1652 = arith.addf %add3A_1649, %select_n3A_1651 : vector<16xf32>
      %lt3A_1653 = arith.constant 2.000000e+00 : f32
      %lt3A_1654 = vector.broadcast %lt3A_1653 : f32 to vector<16xf32>
      %lt3A_1655 = arith.cmpf olt, %add3A_1652, %lt3A_1654 : vector<16xf32>
      %gt3A_1656 = arith.cmpf ogt, %select_n3A_1570, %select_n3A_1573 : vector<16xf32>
      %eq3A_1657 = arith.cmpf oeq, %select_n3A_1570, %select_n3A_1573 : vector<16xf32>
      %or3A_1658 = arith.ori %gt3A_1656, %eq3A_1657 : vector<16xi1>
      %select_n3A_1659 = arith.select %or3A_1658, %broadcast_in_dim3A_1507, %broadcast_in_dim3A_1509 : vector<16xi1>, vector<16xf32>
      %add3A_1660 = arith.addf %broadcast_in_dim3A_1509, %select_n3A_1659 : vector<16xf32>
      %gt3A_1661 = arith.cmpf ogt, %select_n3A_1571, %select_n3A_1573 : vector<16xf32>
      %eq3A_1662 = arith.cmpf oeq, %select_n3A_1571, %select_n3A_1573 : vector<16xf32>
      %or3A_1663 = arith.ori %gt3A_1661, %eq3A_1662 : vector<16xi1>
      %select_n3A_1664 = arith.select %or3A_1663, %broadcast_in_dim3A_1507, %broadcast_in_dim3A_1509 : vector<16xi1>, vector<16xf32>
      %add3A_1665 = arith.addf %add3A_1660, %select_n3A_1664 : vector<16xf32>
      %gt3A_1666 = arith.cmpf ogt, %select_n3A_1572, %select_n3A_1573 : vector<16xf32>
      %eq3A_1667 = arith.cmpf oeq, %select_n3A_1572, %select_n3A_1573 : vector<16xf32>
      %or3A_1668 = arith.ori %gt3A_1666, %eq3A_1667 : vector<16xi1>
      %select_n3A_1669 = arith.select %or3A_1668, %broadcast_in_dim3A_1507, %broadcast_in_dim3A_1509 : vector<16xi1>, vector<16xf32>
      %add3A_1670 = arith.addf %add3A_1665, %select_n3A_1669 : vector<16xf32>
      %gt3A_1671 = arith.cmpf ogt, %select_n3A_1574, %select_n3A_1573 : vector<16xf32>
      %select_n3A_1672 = arith.select %gt3A_1671, %broadcast_in_dim3A_1507, %broadcast_in_dim3A_1509 : vector<16xi1>, vector<16xf32>
      %add3A_1673 = arith.addf %add3A_1670, %select_n3A_1672 : vector<16xf32>
      %gt3A_1674 = arith.cmpf ogt, %select_n3A_1575, %select_n3A_1573 : vector<16xf32>
      %select_n3A_1675 = arith.select %gt3A_1674, %broadcast_in_dim3A_1507, %broadcast_in_dim3A_1509 : vector<16xi1>, vector<16xf32>
      %add3A_1676 = arith.addf %add3A_1673, %select_n3A_1675 : vector<16xf32>
      %gt3A_1677 = arith.cmpf ogt, %select_n3A_1576, %select_n3A_1573 : vector<16xf32>
      %select_n3A_1678 = arith.select %gt3A_1677, %broadcast_in_dim3A_1507, %broadcast_in_dim3A_1509 : vector<16xi1>, vector<16xf32>
      %add3A_1679 = arith.addf %add3A_1676, %select_n3A_1678 : vector<16xf32>
      %gt3A_1680 = arith.cmpf ogt, %select_n3A_1577, %select_n3A_1573 : vector<16xf32>
      %select_n3A_1681 = arith.select %gt3A_1680, %broadcast_in_dim3A_1507, %broadcast_in_dim3A_1509 : vector<16xi1>, vector<16xf32>
      %add3A_1682 = arith.addf %add3A_1679, %select_n3A_1681 : vector<16xf32>
      %lt3A_1683 = arith.constant 2.000000e+00 : f32
      %lt3A_1684 = vector.broadcast %lt3A_1683 : f32 to vector<16xf32>
      %lt3A_1685 = arith.cmpf olt, %add3A_1682, %lt3A_1684 : vector<16xf32>
      %gt3A_1686 = arith.cmpf ogt, %select_n3A_1570, %select_n3A_1574 : vector<16xf32>
      %eq3A_1687 = arith.cmpf oeq, %select_n3A_1570, %select_n3A_1574 : vector<16xf32>
      %or3A_1688 = arith.ori %gt3A_1686, %eq3A_1687 : vector<16xi1>
      %select_n3A_1689 = arith.select %or3A_1688, %broadcast_in_dim3A_1507, %broadcast_in_dim3A_1509 : vector<16xi1>, vector<16xf32>
      %add3A_1690 = arith.addf %broadcast_in_dim3A_1509, %select_n3A_1689 : vector<16xf32>
      %gt3A_1691 = arith.cmpf ogt, %select_n3A_1571, %select_n3A_1574 : vector<16xf32>
      %eq3A_1692 = arith.cmpf oeq, %select_n3A_1571, %select_n3A_1574 : vector<16xf32>
      %or3A_1693 = arith.ori %gt3A_1691, %eq3A_1692 : vector<16xi1>
      %select_n3A_1694 = arith.select %or3A_1693, %broadcast_in_dim3A_1507, %broadcast_in_dim3A_1509 : vector<16xi1>, vector<16xf32>
      %add3A_1695 = arith.addf %add3A_1690, %select_n3A_1694 : vector<16xf32>
      %gt3A_1696 = arith.cmpf ogt, %select_n3A_1572, %select_n3A_1574 : vector<16xf32>
      %eq3A_1697 = arith.cmpf oeq, %select_n3A_1572, %select_n3A_1574 : vector<16xf32>
      %or3A_1698 = arith.ori %gt3A_1696, %eq3A_1697 : vector<16xi1>
      %select_n3A_1699 = arith.select %or3A_1698, %broadcast_in_dim3A_1507, %broadcast_in_dim3A_1509 : vector<16xi1>, vector<16xf32>
      %add3A_1700 = arith.addf %add3A_1695, %select_n3A_1699 : vector<16xf32>
      %gt3A_1701 = arith.cmpf ogt, %select_n3A_1573, %select_n3A_1574 : vector<16xf32>
      %eq3A_1702 = arith.cmpf oeq, %select_n3A_1573, %select_n3A_1574 : vector<16xf32>
      %or3A_1703 = arith.ori %gt3A_1701, %eq3A_1702 : vector<16xi1>
      %select_n3A_1704 = arith.select %or3A_1703, %broadcast_in_dim3A_1507, %broadcast_in_dim3A_1509 : vector<16xi1>, vector<16xf32>
      %add3A_1705 = arith.addf %add3A_1700, %select_n3A_1704 : vector<16xf32>
      %gt3A_1706 = arith.cmpf ogt, %select_n3A_1575, %select_n3A_1574 : vector<16xf32>
      %select_n3A_1707 = arith.select %gt3A_1706, %broadcast_in_dim3A_1507, %broadcast_in_dim3A_1509 : vector<16xi1>, vector<16xf32>
      %add3A_1708 = arith.addf %add3A_1705, %select_n3A_1707 : vector<16xf32>
      %gt3A_1709 = arith.cmpf ogt, %select_n3A_1576, %select_n3A_1574 : vector<16xf32>
      %select_n3A_1710 = arith.select %gt3A_1709, %broadcast_in_dim3A_1507, %broadcast_in_dim3A_1509 : vector<16xi1>, vector<16xf32>
      %add3A_1711 = arith.addf %add3A_1708, %select_n3A_1710 : vector<16xf32>
      %gt3A_1712 = arith.cmpf ogt, %select_n3A_1577, %select_n3A_1574 : vector<16xf32>
      %select_n3A_1713 = arith.select %gt3A_1712, %broadcast_in_dim3A_1507, %broadcast_in_dim3A_1509 : vector<16xi1>, vector<16xf32>
      %add3A_1714 = arith.addf %add3A_1711, %select_n3A_1713 : vector<16xf32>
      %lt3A_1715 = arith.constant 2.000000e+00 : f32
      %lt3A_1716 = vector.broadcast %lt3A_1715 : f32 to vector<16xf32>
      %lt3A_1717 = arith.cmpf olt, %add3A_1714, %lt3A_1716 : vector<16xf32>
      %gt3A_1718 = arith.cmpf ogt, %select_n3A_1570, %select_n3A_1575 : vector<16xf32>
      %eq3A_1719 = arith.cmpf oeq, %select_n3A_1570, %select_n3A_1575 : vector<16xf32>
      %or3A_1720 = arith.ori %gt3A_1718, %eq3A_1719 : vector<16xi1>
      %select_n3A_1721 = arith.select %or3A_1720, %broadcast_in_dim3A_1507, %broadcast_in_dim3A_1509 : vector<16xi1>, vector<16xf32>
      %add3A_1722 = arith.addf %broadcast_in_dim3A_1509, %select_n3A_1721 : vector<16xf32>
      %gt3A_1723 = arith.cmpf ogt, %select_n3A_1571, %select_n3A_1575 : vector<16xf32>
      %eq3A_1724 = arith.cmpf oeq, %select_n3A_1571, %select_n3A_1575 : vector<16xf32>
      %or3A_1725 = arith.ori %gt3A_1723, %eq3A_1724 : vector<16xi1>
      %select_n3A_1726 = arith.select %or3A_1725, %broadcast_in_dim3A_1507, %broadcast_in_dim3A_1509 : vector<16xi1>, vector<16xf32>
      %add3A_1727 = arith.addf %add3A_1722, %select_n3A_1726 : vector<16xf32>
      %gt3A_1728 = arith.cmpf ogt, %select_n3A_1572, %select_n3A_1575 : vector<16xf32>
      %eq3A_1729 = arith.cmpf oeq, %select_n3A_1572, %select_n3A_1575 : vector<16xf32>
      %or3A_1730 = arith.ori %gt3A_1728, %eq3A_1729 : vector<16xi1>
      %select_n3A_1731 = arith.select %or3A_1730, %broadcast_in_dim3A_1507, %broadcast_in_dim3A_1509 : vector<16xi1>, vector<16xf32>
      %add3A_1732 = arith.addf %add3A_1727, %select_n3A_1731 : vector<16xf32>
      %gt3A_1733 = arith.cmpf ogt, %select_n3A_1573, %select_n3A_1575 : vector<16xf32>
      %eq3A_1734 = arith.cmpf oeq, %select_n3A_1573, %select_n3A_1575 : vector<16xf32>
      %or3A_1735 = arith.ori %gt3A_1733, %eq3A_1734 : vector<16xi1>
      %select_n3A_1736 = arith.select %or3A_1735, %broadcast_in_dim3A_1507, %broadcast_in_dim3A_1509 : vector<16xi1>, vector<16xf32>
      %add3A_1737 = arith.addf %add3A_1732, %select_n3A_1736 : vector<16xf32>
      %gt3A_1738 = arith.cmpf ogt, %select_n3A_1574, %select_n3A_1575 : vector<16xf32>
      %eq3A_1739 = arith.cmpf oeq, %select_n3A_1574, %select_n3A_1575 : vector<16xf32>
      %or3A_1740 = arith.ori %gt3A_1738, %eq3A_1739 : vector<16xi1>
      %select_n3A_1741 = arith.select %or3A_1740, %broadcast_in_dim3A_1507, %broadcast_in_dim3A_1509 : vector<16xi1>, vector<16xf32>
      %add3A_1742 = arith.addf %add3A_1737, %select_n3A_1741 : vector<16xf32>
      %gt3A_1743 = arith.cmpf ogt, %select_n3A_1576, %select_n3A_1575 : vector<16xf32>
      %select_n3A_1744 = arith.select %gt3A_1743, %broadcast_in_dim3A_1507, %broadcast_in_dim3A_1509 : vector<16xi1>, vector<16xf32>
      %add3A_1745 = arith.addf %add3A_1742, %select_n3A_1744 : vector<16xf32>
      %gt3A_1746 = arith.cmpf ogt, %select_n3A_1577, %select_n3A_1575 : vector<16xf32>
      %select_n3A_1747 = arith.select %gt3A_1746, %broadcast_in_dim3A_1507, %broadcast_in_dim3A_1509 : vector<16xi1>, vector<16xf32>
      %add3A_1748 = arith.addf %add3A_1745, %select_n3A_1747 : vector<16xf32>
      %lt3A_1749 = arith.constant 2.000000e+00 : f32
      %lt3A_1750 = vector.broadcast %lt3A_1749 : f32 to vector<16xf32>
      %lt3A_1751 = arith.cmpf olt, %add3A_1748, %lt3A_1750 : vector<16xf32>
      %gt3A_1752 = arith.cmpf ogt, %select_n3A_1570, %select_n3A_1576 : vector<16xf32>
      %eq3A_1753 = arith.cmpf oeq, %select_n3A_1570, %select_n3A_1576 : vector<16xf32>
      %or3A_1754 = arith.ori %gt3A_1752, %eq3A_1753 : vector<16xi1>
      %select_n3A_1755 = arith.select %or3A_1754, %broadcast_in_dim3A_1507, %broadcast_in_dim3A_1509 : vector<16xi1>, vector<16xf32>
      %add3A_1756 = arith.addf %broadcast_in_dim3A_1509, %select_n3A_1755 : vector<16xf32>
      %gt3A_1757 = arith.cmpf ogt, %select_n3A_1571, %select_n3A_1576 : vector<16xf32>
      %eq3A_1758 = arith.cmpf oeq, %select_n3A_1571, %select_n3A_1576 : vector<16xf32>
      %or3A_1759 = arith.ori %gt3A_1757, %eq3A_1758 : vector<16xi1>
      %select_n3A_1760 = arith.select %or3A_1759, %broadcast_in_dim3A_1507, %broadcast_in_dim3A_1509 : vector<16xi1>, vector<16xf32>
      %add3A_1761 = arith.addf %add3A_1756, %select_n3A_1760 : vector<16xf32>
      %gt3A_1762 = arith.cmpf ogt, %select_n3A_1572, %select_n3A_1576 : vector<16xf32>
      %eq3A_1763 = arith.cmpf oeq, %select_n3A_1572, %select_n3A_1576 : vector<16xf32>
      %or3A_1764 = arith.ori %gt3A_1762, %eq3A_1763 : vector<16xi1>
      %select_n3A_1765 = arith.select %or3A_1764, %broadcast_in_dim3A_1507, %broadcast_in_dim3A_1509 : vector<16xi1>, vector<16xf32>
      %add3A_1766 = arith.addf %add3A_1761, %select_n3A_1765 : vector<16xf32>
      %gt3A_1767 = arith.cmpf ogt, %select_n3A_1573, %select_n3A_1576 : vector<16xf32>
      %eq3A_1768 = arith.cmpf oeq, %select_n3A_1573, %select_n3A_1576 : vector<16xf32>
      %or3A_1769 = arith.ori %gt3A_1767, %eq3A_1768 : vector<16xi1>
      %select_n3A_1770 = arith.select %or3A_1769, %broadcast_in_dim3A_1507, %broadcast_in_dim3A_1509 : vector<16xi1>, vector<16xf32>
      %add3A_1771 = arith.addf %add3A_1766, %select_n3A_1770 : vector<16xf32>
      %gt3A_1772 = arith.cmpf ogt, %select_n3A_1574, %select_n3A_1576 : vector<16xf32>
      %eq3A_1773 = arith.cmpf oeq, %select_n3A_1574, %select_n3A_1576 : vector<16xf32>
      %or3A_1774 = arith.ori %gt3A_1772, %eq3A_1773 : vector<16xi1>
      %select_n3A_1775 = arith.select %or3A_1774, %broadcast_in_dim3A_1507, %broadcast_in_dim3A_1509 : vector<16xi1>, vector<16xf32>
      %add3A_1776 = arith.addf %add3A_1771, %select_n3A_1775 : vector<16xf32>
      %gt3A_1777 = arith.cmpf ogt, %select_n3A_1575, %select_n3A_1576 : vector<16xf32>
      %eq3A_1778 = arith.cmpf oeq, %select_n3A_1575, %select_n3A_1576 : vector<16xf32>
      %or3A_1779 = arith.ori %gt3A_1777, %eq3A_1778 : vector<16xi1>
      %select_n3A_1780 = arith.select %or3A_1779, %broadcast_in_dim3A_1507, %broadcast_in_dim3A_1509 : vector<16xi1>, vector<16xf32>
      %add3A_1781 = arith.addf %add3A_1776, %select_n3A_1780 : vector<16xf32>
      %gt3A_1782 = arith.cmpf ogt, %select_n3A_1577, %select_n3A_1576 : vector<16xf32>
      %select_n3A_1783 = arith.select %gt3A_1782, %broadcast_in_dim3A_1507, %broadcast_in_dim3A_1509 : vector<16xi1>, vector<16xf32>
      %add3A_1784 = arith.addf %add3A_1781, %select_n3A_1783 : vector<16xf32>
      %lt3A_1785 = arith.constant 2.000000e+00 : f32
      %lt3A_1786 = vector.broadcast %lt3A_1785 : f32 to vector<16xf32>
      %lt3A_1787 = arith.cmpf olt, %add3A_1784, %lt3A_1786 : vector<16xf32>
      %gt3A_1788 = arith.cmpf ogt, %select_n3A_1570, %select_n3A_1577 : vector<16xf32>
      %eq3A_1789 = arith.cmpf oeq, %select_n3A_1570, %select_n3A_1577 : vector<16xf32>
      %or3A_1790 = arith.ori %gt3A_1788, %eq3A_1789 : vector<16xi1>
      %select_n3A_1791 = arith.select %or3A_1790, %broadcast_in_dim3A_1507, %broadcast_in_dim3A_1509 : vector<16xi1>, vector<16xf32>
      %add3A_1792 = arith.addf %broadcast_in_dim3A_1509, %select_n3A_1791 : vector<16xf32>
      %gt3A_1793 = arith.cmpf ogt, %select_n3A_1571, %select_n3A_1577 : vector<16xf32>
      %eq3A_1794 = arith.cmpf oeq, %select_n3A_1571, %select_n3A_1577 : vector<16xf32>
      %or3A_1795 = arith.ori %gt3A_1793, %eq3A_1794 : vector<16xi1>
      %select_n3A_1796 = arith.select %or3A_1795, %broadcast_in_dim3A_1507, %broadcast_in_dim3A_1509 : vector<16xi1>, vector<16xf32>
      %add3A_1797 = arith.addf %add3A_1792, %select_n3A_1796 : vector<16xf32>
      %gt3A_1798 = arith.cmpf ogt, %select_n3A_1572, %select_n3A_1577 : vector<16xf32>
      %eq3A_1799 = arith.cmpf oeq, %select_n3A_1572, %select_n3A_1577 : vector<16xf32>
      %or3A_1800 = arith.ori %gt3A_1798, %eq3A_1799 : vector<16xi1>
      %select_n3A_1801 = arith.select %or3A_1800, %broadcast_in_dim3A_1507, %broadcast_in_dim3A_1509 : vector<16xi1>, vector<16xf32>
      %add3A_1802 = arith.addf %add3A_1797, %select_n3A_1801 : vector<16xf32>
      %gt3A_1803 = arith.cmpf ogt, %select_n3A_1573, %select_n3A_1577 : vector<16xf32>
      %eq3A_1804 = arith.cmpf oeq, %select_n3A_1573, %select_n3A_1577 : vector<16xf32>
      %or3A_1805 = arith.ori %gt3A_1803, %eq3A_1804 : vector<16xi1>
      %select_n3A_1806 = arith.select %or3A_1805, %broadcast_in_dim3A_1507, %broadcast_in_dim3A_1509 : vector<16xi1>, vector<16xf32>
      %add3A_1807 = arith.addf %add3A_1802, %select_n3A_1806 : vector<16xf32>
      %gt3A_1808 = arith.cmpf ogt, %select_n3A_1574, %select_n3A_1577 : vector<16xf32>
      %eq3A_1809 = arith.cmpf oeq, %select_n3A_1574, %select_n3A_1577 : vector<16xf32>
      %or3A_1810 = arith.ori %gt3A_1808, %eq3A_1809 : vector<16xi1>
      %select_n3A_1811 = arith.select %or3A_1810, %broadcast_in_dim3A_1507, %broadcast_in_dim3A_1509 : vector<16xi1>, vector<16xf32>
      %add3A_1812 = arith.addf %add3A_1807, %select_n3A_1811 : vector<16xf32>
      %gt3A_1813 = arith.cmpf ogt, %select_n3A_1575, %select_n3A_1577 : vector<16xf32>
      %eq3A_1814 = arith.cmpf oeq, %select_n3A_1575, %select_n3A_1577 : vector<16xf32>
      %or3A_1815 = arith.ori %gt3A_1813, %eq3A_1814 : vector<16xi1>
      %select_n3A_1816 = arith.select %or3A_1815, %broadcast_in_dim3A_1507, %broadcast_in_dim3A_1509 : vector<16xi1>, vector<16xf32>
      %add3A_1817 = arith.addf %add3A_1812, %select_n3A_1816 : vector<16xf32>
      %gt3A_1818 = arith.cmpf ogt, %select_n3A_1576, %select_n3A_1577 : vector<16xf32>
      %eq3A_1819 = arith.cmpf oeq, %select_n3A_1576, %select_n3A_1577 : vector<16xf32>
      %or3A_1820 = arith.ori %gt3A_1818, %eq3A_1819 : vector<16xi1>
      %select_n3A_1821 = arith.select %or3A_1820, %broadcast_in_dim3A_1507, %broadcast_in_dim3A_1509 : vector<16xi1>, vector<16xf32>
      %add3A_1822 = arith.addf %add3A_1817, %select_n3A_1821 : vector<16xf32>
      %lt3A_1823 = arith.constant 2.000000e+00 : f32
      %lt3A_1824 = vector.broadcast %lt3A_1823 : f32 to vector<16xf32>
      %lt3A_1825 = arith.cmpf olt, %add3A_1822, %lt3A_1824 : vector<16xf32>
      %select_n3A_1826 = arith.select %lt3A_1601, %get3A_1466, %broadcast_in_dim3A_1509 : vector<16xi1>, vector<16xf32>
      %select_n3A_1827 = arith.select %lt3A_1627, %get3A_1471, %broadcast_in_dim3A_1509 : vector<16xi1>, vector<16xf32>
      %select_n3A_1828 = arith.select %lt3A_1655, %get3A_1476, %broadcast_in_dim3A_1509 : vector<16xi1>, vector<16xf32>
      %select_n3A_1829 = arith.select %lt3A_1685, %get3A_1481, %broadcast_in_dim3A_1509 : vector<16xi1>, vector<16xf32>
      %select_n3A_1830 = arith.select %lt3A_1717, %get3A_1486, %broadcast_in_dim3A_1509 : vector<16xi1>, vector<16xf32>
      %select_n3A_1831 = arith.select %lt3A_1751, %get3A_1491, %broadcast_in_dim3A_1509 : vector<16xi1>, vector<16xf32>
      %select_n3A_1832 = arith.select %lt3A_1787, %get3A_1496, %broadcast_in_dim3A_1509 : vector<16xi1>, vector<16xf32>
      %select_n3A_1833 = arith.select %lt3A_1825, %get3A_1501, %broadcast_in_dim3A_1509 : vector<16xi1>, vector<16xf32>
      %add3A_1834 = arith.addf %select_n3A_1826, %select_n3A_1827 : vector<16xf32>
      %add3A_1835 = arith.addf %add3A_1834, %select_n3A_1828 : vector<16xf32>
      %add3A_1836 = arith.addf %add3A_1835, %select_n3A_1829 : vector<16xf32>
      %add3A_1837 = arith.addf %add3A_1836, %select_n3A_1830 : vector<16xf32>
      %add3A_1838 = arith.addf %add3A_1837, %select_n3A_1831 : vector<16xf32>
      %add3A_1839 = arith.addf %add3A_1838, %select_n3A_1832 : vector<16xf32>
      %add3A_1840 = arith.addf %add3A_1839, %select_n3A_1833 : vector<16xf32>
      %div3A_1841 = arith.divf %select_n3A_1826, %add3A_1840 : vector<16xf32>
      %swap3A_1842 = arith.constant 0 : i32
      %swap3A_1843 = arith.index_cast %swap3A_1842 : i32 to index
      %swap3A_1844 = arith.constant 48 : index
      %swap3A_1845 = tpu.vector_load %arg7[%swap3A_1843, %swap3A_1844] {strides = array<i32>} : memref<8x128xf32, #tpu.memory_space<vmem>>, vector<1x16xf32>,
      %swap3A_1846 = vector.shape_cast %swap3A_1845 : vector<1x16xf32> to vector<16xf32>
      %swap3A_1847 = vector.shape_cast %div3A_1841 : vector<16xf32> to vector<1x16xf32>
      tpu.vector_store %arg7[%swap3A_1843, %swap3A_1844], %swap3A_1847 {strides = array<i32>} : memref<8x128xf32, #tpu.memory_space<vmem>>, vector<1x16xf32>,
      %div3A_1848 = arith.divf %select_n3A_1827, %add3A_1840 : vector<16xf32>
      %swap3A_1849 = arith.constant 1 : i32
      %swap3A_1850 = arith.index_cast %swap3A_1849 : i32 to index
      %swap3A_1851 = arith.constant 48 : index
      %swap3A_1852 = tpu.vector_load %arg7[%swap3A_1850, %swap3A_1851] {strides = array<i32>} : memref<8x128xf32, #tpu.memory_space<vmem>>, vector<1x16xf32>,
      %swap3A_1853 = vector.shape_cast %swap3A_1852 : vector<1x16xf32> to vector<16xf32>
      %swap3A_1854 = vector.shape_cast %div3A_1848 : vector<16xf32> to vector<1x16xf32>
      tpu.vector_store %arg7[%swap3A_1850, %swap3A_1851], %swap3A_1854 {strides = array<i32>} : memref<8x128xf32, #tpu.memory_space<vmem>>, vector<1x16xf32>,
      %div3A_1855 = arith.divf %select_n3A_1828, %add3A_1840 : vector<16xf32>
      %swap3A_1856 = arith.constant 2 : i32
      %swap3A_1857 = arith.index_cast %swap3A_1856 : i32 to index
      %swap3A_1858 = arith.constant 48 : index
      %swap3A_1859 = tpu.vector_load %arg7[%swap3A_1857, %swap3A_1858] {strides = array<i32>} : memref<8x128xf32, #tpu.memory_space<vmem>>, vector<1x16xf32>,
      %swap3A_1860 = vector.shape_cast %swap3A_1859 : vector<1x16xf32> to vector<16xf32>
      %swap3A_1861 = vector.shape_cast %div3A_1855 : vector<16xf32> to vector<1x16xf32>
      tpu.vector_store %arg7[%swap3A_1857, %swap3A_1858], %swap3A_1861 {strides = array<i32>} : memref<8x128xf32, #tpu.memory_space<vmem>>, vector<1x16xf32>,
      %div3A_1862 = arith.divf %select_n3A_1829, %add3A_1840 : vector<16xf32>
      %swap3A_1863 = arith.constant 3 : i32
      %swap3A_1864 = arith.index_cast %swap3A_1863 : i32 to index
      %swap3A_1865 = arith.constant 48 : index
      %swap3A_1866 = tpu.vector_load %arg7[%swap3A_1864, %swap3A_1865] {strides = array<i32>} : memref<8x128xf32, #tpu.memory_space<vmem>>, vector<1x16xf32>,
      %swap3A_1867 = vector.shape_cast %swap3A_1866 : vector<1x16xf32> to vector<16xf32>
      %swap3A_1868 = vector.shape_cast %div3A_1862 : vector<16xf32> to vector<1x16xf32>
      tpu.vector_store %arg7[%swap3A_1864, %swap3A_1865], %swap3A_1868 {strides = array<i32>} : memref<8x128xf32, #tpu.memory_space<vmem>>, vector<1x16xf32>,
      %div3A_1869 = arith.divf %select_n3A_1830, %add3A_1840 : vector<16xf32>
      %swap3A_1870 = arith.constant 4 : i32
      %swap3A_1871 = arith.index_cast %swap3A_1870 : i32 to index
      %swap3A_1872 = arith.constant 48 : index
      %swap3A_1873 = tpu.vector_load %arg7[%swap3A_1871, %swap3A_1872] {strides = array<i32>} : memref<8x128xf32, #tpu.memory_space<vmem>>, vector<1x16xf32>,
      %swap3A_1874 = vector.shape_cast %swap3A_1873 : vector<1x16xf32> to vector<16xf32>
      %swap3A_1875 = vector.shape_cast %div3A_1869 : vector<16xf32> to vector<1x16xf32>
      tpu.vector_store %arg7[%swap3A_1871, %swap3A_1872], %swap3A_1875 {strides = array<i32>} : memref<8x128xf32, #tpu.memory_space<vmem>>, vector<1x16xf32>,
      %div3A_1876 = arith.divf %select_n3A_1831, %add3A_1840 : vector<16xf32>
      %swap3A_1877 = arith.constant 5 : i32
      %swap3A_1878 = arith.index_cast %swap3A_1877 : i32 to index
      %swap3A_1879 = arith.constant 48 : index
      %swap3A_1880 = tpu.vector_load %arg7[%swap3A_1878, %swap3A_1879] {strides = array<i32>} : memref<8x128xf32, #tpu.memory_space<vmem>>, vector<1x16xf32>,
      %swap3A_1881 = vector.shape_cast %swap3A_1880 : vector<1x16xf32> to vector<16xf32>
      %swap3A_1882 = vector.shape_cast %div3A_1876 : vector<16xf32> to vector<1x16xf32>
      tpu.vector_store %arg7[%swap3A_1878, %swap3A_1879], %swap3A_1882 {strides = array<i32>} : memref<8x128xf32, #tpu.memory_space<vmem>>, vector<1x16xf32>,
      %div3A_1883 = arith.divf %select_n3A_1832, %add3A_1840 : vector<16xf32>
      %swap3A_1884 = arith.constant 6 : i32
      %swap3A_1885 = arith.index_cast %swap3A_1884 : i32 to index
      %swap3A_1886 = arith.constant 48 : index
      %swap3A_1887 = tpu.vector_load %arg7[%swap3A_1885, %swap3A_1886] {strides = array<i32>} : memref<8x128xf32, #tpu.memory_space<vmem>>, vector<1x16xf32>,
      %swap3A_1888 = vector.shape_cast %swap3A_1887 : vector<1x16xf32> to vector<16xf32>
      %swap3A_1889 = vector.shape_cast %div3A_1883 : vector<16xf32> to vector<1x16xf32>
      tpu.vector_store %arg7[%swap3A_1885, %swap3A_1886], %swap3A_1889 {strides = array<i32>} : memref<8x128xf32, #tpu.memory_space<vmem>>, vector<1x16xf32>,
      %div3A_1890 = arith.divf %select_n3A_1833, %add3A_1840 : vector<16xf32>
      %swap3A_1891 = arith.constant 7 : i32
      %swap3A_1892 = arith.index_cast %swap3A_1891 : i32 to index
      %swap3A_1893 = arith.constant 48 : index
      %swap3A_1894 = tpu.vector_load %arg7[%swap3A_1892, %swap3A_1893] {strides = array<i32>} : memref<8x128xf32, #tpu.memory_space<vmem>>, vector<1x16xf32>,
      %swap3A_1895 = vector.shape_cast %swap3A_1894 : vector<1x16xf32> to vector<16xf32>
      %swap3A_1896 = vector.shape_cast %div3A_1890 : vector<16xf32> to vector<1x16xf32>
      tpu.vector_store %arg7[%swap3A_1892, %swap3A_1893], %swap3A_1896 {strides = array<i32>} : memref<8x128xf32, #tpu.memory_space<vmem>>, vector<1x16xf32>,
      %get3A_1897 = arith.constant 0 : i32
      %get3A_1898 = arith.index_cast %get3A_1897 : i32 to index
      %get3A_1899 = arith.constant 64 : index
      %get3A_1900 = tpu.vector_load %arg6[%get3A_1898, %get3A_1899] {strides = array<i32>} : memref<8x128xf32, #tpu.memory_space<vmem>>, vector<1x16xf32>,
      %get3A_1901 = vector.shape_cast %get3A_1900 : vector<1x16xf32> to vector<16xf32>
      %get3A_1902 = arith.constant 1 : i32
      %get3A_1903 = arith.index_cast %get3A_1902 : i32 to index
      %get3A_1904 = arith.constant 64 : index
      %get3A_1905 = tpu.vector_load %arg6[%get3A_1903, %get3A_1904] {strides = array<i32>} : memref<8x128xf32, #tpu.memory_space<vmem>>, vector<1x16xf32>,
      %get3A_1906 = vector.shape_cast %get3A_1905 : vector<1x16xf32> to vector<16xf32>
      %get3A_1907 = arith.constant 2 : i32
      %get3A_1908 = arith.index_cast %get3A_1907 : i32 to index
      %get3A_1909 = arith.constant 64 : index
      %get3A_1910 = tpu.vector_load %arg6[%get3A_1908, %get3A_1909] {strides = array<i32>} : memref<8x128xf32, #tpu.memory_space<vmem>>, vector<1x16xf32>,
      %get3A_1911 = vector.shape_cast %get3A_1910 : vector<1x16xf32> to vector<16xf32>
      %get3A_1912 = arith.constant 3 : i32
      %get3A_1913 = arith.index_cast %get3A_1912 : i32 to index
      %get3A_1914 = arith.constant 64 : index
      %get3A_1915 = tpu.vector_load %arg6[%get3A_1913, %get3A_1914] {strides = array<i32>} : memref<8x128xf32, #tpu.memory_space<vmem>>, vector<1x16xf32>,
      %get3A_1916 = vector.shape_cast %get3A_1915 : vector<1x16xf32> to vector<16xf32>
      %get3A_1917 = arith.constant 4 : i32
      %get3A_1918 = arith.index_cast %get3A_1917 : i32 to index
      %get3A_1919 = arith.constant 64 : index
      %get3A_1920 = tpu.vector_load %arg6[%get3A_1918, %get3A_1919] {strides = array<i32>} : memref<8x128xf32, #tpu.memory_space<vmem>>, vector<1x16xf32>,
      %get3A_1921 = vector.shape_cast %get3A_1920 : vector<1x16xf32> to vector<16xf32>
      %get3A_1922 = arith.constant 5 : i32
      %get3A_1923 = arith.index_cast %get3A_1922 : i32 to index
      %get3A_1924 = arith.constant 64 : index
      %get3A_1925 = tpu.vector_load %arg6[%get3A_1923, %get3A_1924] {strides = array<i32>} : memref<8x128xf32, #tpu.memory_space<vmem>>, vector<1x16xf32>,
      %get3A_1926 = vector.shape_cast %get3A_1925 : vector<1x16xf32> to vector<16xf32>
      %get3A_1927 = arith.constant 6 : i32
      %get3A_1928 = arith.index_cast %get3A_1927 : i32 to index
      %get3A_1929 = arith.constant 64 : index
      %get3A_1930 = tpu.vector_load %arg6[%get3A_1928, %get3A_1929] {strides = array<i32>} : memref<8x128xf32, #tpu.memory_space<vmem>>, vector<1x16xf32>,
      %get3A_1931 = vector.shape_cast %get3A_1930 : vector<1x16xf32> to vector<16xf32>
      %get3A_1932 = arith.constant 7 : i32
      %get3A_1933 = arith.index_cast %get3A_1932 : i32 to index
      %get3A_1934 = arith.constant 64 : index
      %get3A_1935 = tpu.vector_load %arg6[%get3A_1933, %get3A_1934] {strides = array<i32>} : memref<8x128xf32, #tpu.memory_space<vmem>>, vector<1x16xf32>,
      %get3A_1936 = vector.shape_cast %get3A_1935 : vector<1x16xf32> to vector<16xf32>
      %get3A_1937 = arith.constant 0 : i32
      %get3A_1938 = arith.index_cast %get3A_1937 : i32 to index
      %get3A_1939 = arith.constant 64 : index
      %get3A_1940 = tpu.vector_load %arg5[%get3A_1938, %get3A_1939] {strides = array<i32>} : memref<8x128xf32, #tpu.memory_space<vmem>>, vector<1x16xf32>,
      %get3A_1941 = vector.shape_cast %get3A_1940 : vector<1x16xf32> to vector<16xf32>
      %get3A_1942 = arith.constant 1 : i32
      %get3A_1943 = arith.index_cast %get3A_1942 : i32 to index
      %get3A_1944 = arith.constant 64 : index
      %get3A_1945 = tpu.vector_load %arg5[%get3A_1943, %get3A_1944] {strides = array<i32>} : memref<8x128xf32, #tpu.memory_space<vmem>>, vector<1x16xf32>,
      %get3A_1946 = vector.shape_cast %get3A_1945 : vector<1x16xf32> to vector<16xf32>
      %get3A_1947 = arith.constant 2 : i32
      %get3A_1948 = arith.index_cast %get3A_1947 : i32 to index
      %get3A_1949 = arith.constant 64 : index
      %get3A_1950 = tpu.vector_load %arg5[%get3A_1948, %get3A_1949] {strides = array<i32>} : memref<8x128xf32, #tpu.memory_space<vmem>>, vector<1x16xf32>,
      %get3A_1951 = vector.shape_cast %get3A_1950 : vector<1x16xf32> to vector<16xf32>
      %get3A_1952 = arith.constant 3 : i32
      %get3A_1953 = arith.index_cast %get3A_1952 : i32 to index
      %get3A_1954 = arith.constant 64 : index
      %get3A_1955 = tpu.vector_load %arg5[%get3A_1953, %get3A_1954] {strides = array<i32>} : memref<8x128xf32, #tpu.memory_space<vmem>>, vector<1x16xf32>,
      %get3A_1956 = vector.shape_cast %get3A_1955 : vector<1x16xf32> to vector<16xf32>
      %get3A_1957 = arith.constant 4 : i32
      %get3A_1958 = arith.index_cast %get3A_1957 : i32 to index
      %get3A_1959 = arith.constant 64 : index
      %get3A_1960 = tpu.vector_load %arg5[%get3A_1958, %get3A_1959] {strides = array<i32>} : memref<8x128xf32, #tpu.memory_space<vmem>>, vector<1x16xf32>,
      %get3A_1961 = vector.shape_cast %get3A_1960 : vector<1x16xf32> to vector<16xf32>
      %get3A_1962 = arith.constant 5 : i32
      %get3A_1963 = arith.index_cast %get3A_1962 : i32 to index
      %get3A_1964 = arith.constant 64 : index
      %get3A_1965 = tpu.vector_load %arg5[%get3A_1963, %get3A_1964] {strides = array<i32>} : memref<8x128xf32, #tpu.memory_space<vmem>>, vector<1x16xf32>,
      %get3A_1966 = vector.shape_cast %get3A_1965 : vector<1x16xf32> to vector<16xf32>
      %get3A_1967 = arith.constant 6 : i32
      %get3A_1968 = arith.index_cast %get3A_1967 : i32 to index
      %get3A_1969 = arith.constant 64 : index
      %get3A_1970 = tpu.vector_load %arg5[%get3A_1968, %get3A_1969] {strides = array<i32>} : memref<8x128xf32, #tpu.memory_space<vmem>>, vector<1x16xf32>,
      %get3A_1971 = vector.shape_cast %get3A_1970 : vector<1x16xf32> to vector<16xf32>
      %get3A_1972 = arith.constant 7 : i32
      %get3A_1973 = arith.index_cast %get3A_1972 : i32 to index
      %get3A_1974 = arith.constant 64 : index
      %get3A_1975 = tpu.vector_load %arg5[%get3A_1973, %get3A_1974] {strides = array<i32>} : memref<8x128xf32, #tpu.memory_space<vmem>>, vector<1x16xf32>,
      %get3A_1976 = vector.shape_cast %get3A_1975 : vector<1x16xf32> to vector<16xf32>
      %add3A_1977 = arith.addf %get3A_1901, %get3A_1906 : vector<16xf32>
      %add3A_1978 = arith.addf %get3A_1911, %get3A_1916 : vector<16xf32>
      %add3A_1979 = arith.addf %get3A_1921, %get3A_1926 : vector<16xf32>
      %add3A_1980 = arith.addf %get3A_1931, %get3A_1936 : vector<16xf32>
      %broadcast_in_dim3A_1981 = arith.constant 1.000000e+00 : f32
      %broadcast_in_dim3A_1982 = vector.broadcast %broadcast_in_dim3A_1981 : f32 to vector<16xf32>
      %broadcast_in_dim3A_1983 = arith.constant 0.000000e+00 : f32
      %broadcast_in_dim3A_1984 = vector.broadcast %broadcast_in_dim3A_1983 : f32 to vector<16xf32>
      %gt3A_1985 = arith.cmpf ogt, %add3A_1978, %add3A_1977 : vector<16xf32>
      %select_n3A_1986 = arith.select %gt3A_1985, %broadcast_in_dim3A_1982, %broadcast_in_dim3A_1984 : vector<16xi1>, vector<16xf32>
      %add3A_1987 = arith.addf %broadcast_in_dim3A_1984, %select_n3A_1986 : vector<16xf32>
      %gt3A_1988 = arith.cmpf ogt, %add3A_1979, %add3A_1977 : vector<16xf32>
      %select_n3A_1989 = arith.select %gt3A_1988, %broadcast_in_dim3A_1982, %broadcast_in_dim3A_1984 : vector<16xi1>, vector<16xf32>
      %add3A_1990 = arith.addf %add3A_1987, %select_n3A_1989 : vector<16xf32>
      %gt3A_1991 = arith.cmpf ogt, %add3A_1980, %add3A_1977 : vector<16xf32>
      %select_n3A_1992 = arith.select %gt3A_1991, %broadcast_in_dim3A_1982, %broadcast_in_dim3A_1984 : vector<16xi1>, vector<16xf32>
      %add3A_1993 = arith.addf %add3A_1990, %select_n3A_1992 : vector<16xf32>
      %lt3A_1994 = arith.constant 2.000000e+00 : f32
      %lt3A_1995 = vector.broadcast %lt3A_1994 : f32 to vector<16xf32>
      %lt3A_1996 = arith.cmpf olt, %add3A_1993, %lt3A_1995 : vector<16xf32>
      %gt3A_1997 = arith.cmpf ogt, %add3A_1977, %add3A_1978 : vector<16xf32>
      %eq3A_1998 = arith.cmpf oeq, %add3A_1977, %add3A_1978 : vector<16xf32>
      %or3A_1999 = arith.ori %gt3A_1997, %eq3A_1998 : vector<16xi1>
      %select_n3A_2000 = arith.select %or3A_1999, %broadcast_in_dim3A_1982, %broadcast_in_dim3A_1984 : vector<16xi1>, vector<16xf32>
      %add3A_2001 = arith.addf %broadcast_in_dim3A_1984, %select_n3A_2000 : vector<16xf32>
      %gt3A_2002 = arith.cmpf ogt, %add3A_1979, %add3A_1978 : vector<16xf32>
      %select_n3A_2003 = arith.select %gt3A_2002, %broadcast_in_dim3A_1982, %broadcast_in_dim3A_1984 : vector<16xi1>, vector<16xf32>
      %add3A_2004 = arith.addf %add3A_2001, %select_n3A_2003 : vector<16xf32>
      %gt3A_2005 = arith.cmpf ogt, %add3A_1980, %add3A_1978 : vector<16xf32>
      %select_n3A_2006 = arith.select %gt3A_2005, %broadcast_in_dim3A_1982, %broadcast_in_dim3A_1984 : vector<16xi1>, vector<16xf32>
      %add3A_2007 = arith.addf %add3A_2004, %select_n3A_2006 : vector<16xf32>
      %lt3A_2008 = arith.constant 2.000000e+00 : f32
      %lt3A_2009 = vector.broadcast %lt3A_2008 : f32 to vector<16xf32>
      %lt3A_2010 = arith.cmpf olt, %add3A_2007, %lt3A_2009 : vector<16xf32>
      %gt3A_2011 = arith.cmpf ogt, %add3A_1977, %add3A_1979 : vector<16xf32>
      %eq3A_2012 = arith.cmpf oeq, %add3A_1977, %add3A_1979 : vector<16xf32>
      %or3A_2013 = arith.ori %gt3A_2011, %eq3A_2012 : vector<16xi1>
      %select_n3A_2014 = arith.select %or3A_2013, %broadcast_in_dim3A_1982, %broadcast_in_dim3A_1984 : vector<16xi1>, vector<16xf32>
      %add3A_2015 = arith.addf %broadcast_in_dim3A_1984, %select_n3A_2014 : vector<16xf32>
      %gt3A_2016 = arith.cmpf ogt, %add3A_1978, %add3A_1979 : vector<16xf32>
      %eq3A_2017 = arith.cmpf oeq, %add3A_1978, %add3A_1979 : vector<16xf32>
      %or3A_2018 = arith.ori %gt3A_2016, %eq3A_2017 : vector<16xi1>
      %select_n3A_2019 = arith.select %or3A_2018, %broadcast_in_dim3A_1982, %broadcast_in_dim3A_1984 : vector<16xi1>, vector<16xf32>
      %add3A_2020 = arith.addf %add3A_2015, %select_n3A_2019 : vector<16xf32>
      %gt3A_2021 = arith.cmpf ogt, %add3A_1980, %add3A_1979 : vector<16xf32>
      %select_n3A_2022 = arith.select %gt3A_2021, %broadcast_in_dim3A_1982, %broadcast_in_dim3A_1984 : vector<16xi1>, vector<16xf32>
      %add3A_2023 = arith.addf %add3A_2020, %select_n3A_2022 : vector<16xf32>
      %lt3A_2024 = arith.constant 2.000000e+00 : f32
      %lt3A_2025 = vector.broadcast %lt3A_2024 : f32 to vector<16xf32>
      %lt3A_2026 = arith.cmpf olt, %add3A_2023, %lt3A_2025 : vector<16xf32>
      %gt3A_2027 = arith.cmpf ogt, %add3A_1977, %add3A_1980 : vector<16xf32>
      %eq3A_2028 = arith.cmpf oeq, %add3A_1977, %add3A_1980 : vector<16xf32>
      %or3A_2029 = arith.ori %gt3A_2027, %eq3A_2028 : vector<16xi1>
      %select_n3A_2030 = arith.select %or3A_2029, %broadcast_in_dim3A_1982, %broadcast_in_dim3A_1984 : vector<16xi1>, vector<16xf32>
      %add3A_2031 = arith.addf %broadcast_in_dim3A_1984, %select_n3A_2030 : vector<16xf32>
      %gt3A_2032 = arith.cmpf ogt, %add3A_1978, %add3A_1980 : vector<16xf32>
      %eq3A_2033 = arith.cmpf oeq, %add3A_1978, %add3A_1980 : vector<16xf32>
      %or3A_2034 = arith.ori %gt3A_2032, %eq3A_2033 : vector<16xi1>
      %select_n3A_2035 = arith.select %or3A_2034, %broadcast_in_dim3A_1982, %broadcast_in_dim3A_1984 : vector<16xi1>, vector<16xf32>
      %add3A_2036 = arith.addf %add3A_2031, %select_n3A_2035 : vector<16xf32>
      %gt3A_2037 = arith.cmpf ogt, %add3A_1979, %add3A_1980 : vector<16xf32>
      %eq3A_2038 = arith.cmpf oeq, %add3A_1979, %add3A_1980 : vector<16xf32>
      %or3A_2039 = arith.ori %gt3A_2037, %eq3A_2038 : vector<16xi1>
      %select_n3A_2040 = arith.select %or3A_2039, %broadcast_in_dim3A_1982, %broadcast_in_dim3A_1984 : vector<16xi1>, vector<16xf32>
      %add3A_2041 = arith.addf %add3A_2036, %select_n3A_2040 : vector<16xf32>
      %lt3A_2042 = arith.constant 2.000000e+00 : f32
      %lt3A_2043 = vector.broadcast %lt3A_2042 : f32 to vector<16xf32>
      %lt3A_2044 = arith.cmpf olt, %add3A_2041, %lt3A_2043 : vector<16xf32>
      %select_n3A_2045 = arith.select %lt3A_1996, %get3A_1901, %broadcast_in_dim3A_1984 : vector<16xi1>, vector<16xf32>
      %select_n3A_2046 = arith.select %lt3A_1996, %get3A_1906, %broadcast_in_dim3A_1984 : vector<16xi1>, vector<16xf32>
      %select_n3A_2047 = arith.select %lt3A_2010, %get3A_1911, %broadcast_in_dim3A_1984 : vector<16xi1>, vector<16xf32>
      %select_n3A_2048 = arith.select %lt3A_2010, %get3A_1916, %broadcast_in_dim3A_1984 : vector<16xi1>, vector<16xf32>
      %select_n3A_2049 = arith.select %lt3A_2026, %get3A_1921, %broadcast_in_dim3A_1984 : vector<16xi1>, vector<16xf32>
      %select_n3A_2050 = arith.select %lt3A_2026, %get3A_1926, %broadcast_in_dim3A_1984 : vector<16xi1>, vector<16xf32>
      %select_n3A_2051 = arith.select %lt3A_2044, %get3A_1931, %broadcast_in_dim3A_1984 : vector<16xi1>, vector<16xf32>
      %select_n3A_2052 = arith.select %lt3A_2044, %get3A_1936, %broadcast_in_dim3A_1984 : vector<16xi1>, vector<16xf32>
      %gt3A_2053 = arith.cmpf ogt, %select_n3A_2046, %select_n3A_2045 : vector<16xf32>
      %select_n3A_2054 = arith.select %gt3A_2053, %broadcast_in_dim3A_1982, %broadcast_in_dim3A_1984 : vector<16xi1>, vector<16xf32>
      %add3A_2055 = arith.addf %broadcast_in_dim3A_1984, %select_n3A_2054 : vector<16xf32>
      %gt3A_2056 = arith.cmpf ogt, %select_n3A_2047, %select_n3A_2045 : vector<16xf32>
      %select_n3A_2057 = arith.select %gt3A_2056, %broadcast_in_dim3A_1982, %broadcast_in_dim3A_1984 : vector<16xi1>, vector<16xf32>
      %add3A_2058 = arith.addf %add3A_2055, %select_n3A_2057 : vector<16xf32>
      %gt3A_2059 = arith.cmpf ogt, %select_n3A_2048, %select_n3A_2045 : vector<16xf32>
      %select_n3A_2060 = arith.select %gt3A_2059, %broadcast_in_dim3A_1982, %broadcast_in_dim3A_1984 : vector<16xi1>, vector<16xf32>
      %add3A_2061 = arith.addf %add3A_2058, %select_n3A_2060 : vector<16xf32>
      %gt3A_2062 = arith.cmpf ogt, %select_n3A_2049, %select_n3A_2045 : vector<16xf32>
      %select_n3A_2063 = arith.select %gt3A_2062, %broadcast_in_dim3A_1982, %broadcast_in_dim3A_1984 : vector<16xi1>, vector<16xf32>
      %add3A_2064 = arith.addf %add3A_2061, %select_n3A_2063 : vector<16xf32>
      %gt3A_2065 = arith.cmpf ogt, %select_n3A_2050, %select_n3A_2045 : vector<16xf32>
      %select_n3A_2066 = arith.select %gt3A_2065, %broadcast_in_dim3A_1982, %broadcast_in_dim3A_1984 : vector<16xi1>, vector<16xf32>
      %add3A_2067 = arith.addf %add3A_2064, %select_n3A_2066 : vector<16xf32>
      %gt3A_2068 = arith.cmpf ogt, %select_n3A_2051, %select_n3A_2045 : vector<16xf32>
      %select_n3A_2069 = arith.select %gt3A_2068, %broadcast_in_dim3A_1982, %broadcast_in_dim3A_1984 : vector<16xi1>, vector<16xf32>
      %add3A_2070 = arith.addf %add3A_2067, %select_n3A_2069 : vector<16xf32>
      %gt3A_2071 = arith.cmpf ogt, %select_n3A_2052, %select_n3A_2045 : vector<16xf32>
      %select_n3A_2072 = arith.select %gt3A_2071, %broadcast_in_dim3A_1982, %broadcast_in_dim3A_1984 : vector<16xi1>, vector<16xf32>
      %add3A_2073 = arith.addf %add3A_2070, %select_n3A_2072 : vector<16xf32>
      %lt3A_2074 = arith.constant 2.000000e+00 : f32
      %lt3A_2075 = vector.broadcast %lt3A_2074 : f32 to vector<16xf32>
      %lt3A_2076 = arith.cmpf olt, %add3A_2073, %lt3A_2075 : vector<16xf32>
      %gt3A_2077 = arith.cmpf ogt, %select_n3A_2045, %select_n3A_2046 : vector<16xf32>
      %eq3A_2078 = arith.cmpf oeq, %select_n3A_2045, %select_n3A_2046 : vector<16xf32>
      %or3A_2079 = arith.ori %gt3A_2077, %eq3A_2078 : vector<16xi1>
      %select_n3A_2080 = arith.select %or3A_2079, %broadcast_in_dim3A_1982, %broadcast_in_dim3A_1984 : vector<16xi1>, vector<16xf32>
      %add3A_2081 = arith.addf %broadcast_in_dim3A_1984, %select_n3A_2080 : vector<16xf32>
      %gt3A_2082 = arith.cmpf ogt, %select_n3A_2047, %select_n3A_2046 : vector<16xf32>
      %select_n3A_2083 = arith.select %gt3A_2082, %broadcast_in_dim3A_1982, %broadcast_in_dim3A_1984 : vector<16xi1>, vector<16xf32>
      %add3A_2084 = arith.addf %add3A_2081, %select_n3A_2083 : vector<16xf32>
      %gt3A_2085 = arith.cmpf ogt, %select_n3A_2048, %select_n3A_2046 : vector<16xf32>
      %select_n3A_2086 = arith.select %gt3A_2085, %broadcast_in_dim3A_1982, %broadcast_in_dim3A_1984 : vector<16xi1>, vector<16xf32>
      %add3A_2087 = arith.addf %add3A_2084, %select_n3A_2086 : vector<16xf32>
      %gt3A_2088 = arith.cmpf ogt, %select_n3A_2049, %select_n3A_2046 : vector<16xf32>
      %select_n3A_2089 = arith.select %gt3A_2088, %broadcast_in_dim3A_1982, %broadcast_in_dim3A_1984 : vector<16xi1>, vector<16xf32>
      %add3A_2090 = arith.addf %add3A_2087, %select_n3A_2089 : vector<16xf32>
      %gt3A_2091 = arith.cmpf ogt, %select_n3A_2050, %select_n3A_2046 : vector<16xf32>
      %select_n3A_2092 = arith.select %gt3A_2091, %broadcast_in_dim3A_1982, %broadcast_in_dim3A_1984 : vector<16xi1>, vector<16xf32>
      %add3A_2093 = arith.addf %add3A_2090, %select_n3A_2092 : vector<16xf32>
      %gt3A_2094 = arith.cmpf ogt, %select_n3A_2051, %select_n3A_2046 : vector<16xf32>
      %select_n3A_2095 = arith.select %gt3A_2094, %broadcast_in_dim3A_1982, %broadcast_in_dim3A_1984 : vector<16xi1>, vector<16xf32>
      %add3A_2096 = arith.addf %add3A_2093, %select_n3A_2095 : vector<16xf32>
      %gt3A_2097 = arith.cmpf ogt, %select_n3A_2052, %select_n3A_2046 : vector<16xf32>
      %select_n3A_2098 = arith.select %gt3A_2097, %broadcast_in_dim3A_1982, %broadcast_in_dim3A_1984 : vector<16xi1>, vector<16xf32>
      %add3A_2099 = arith.addf %add3A_2096, %select_n3A_2098 : vector<16xf32>
      %lt3A_2100 = arith.constant 2.000000e+00 : f32
      %lt3A_2101 = vector.broadcast %lt3A_2100 : f32 to vector<16xf32>
      %lt3A_2102 = arith.cmpf olt, %add3A_2099, %lt3A_2101 : vector<16xf32>
      %gt3A_2103 = arith.cmpf ogt, %select_n3A_2045, %select_n3A_2047 : vector<16xf32>
      %eq3A_2104 = arith.cmpf oeq, %select_n3A_2045, %select_n3A_2047 : vector<16xf32>
      %or3A_2105 = arith.ori %gt3A_2103, %eq3A_2104 : vector<16xi1>
      %select_n3A_2106 = arith.select %or3A_2105, %broadcast_in_dim3A_1982, %broadcast_in_dim3A_1984 : vector<16xi1>, vector<16xf32>
      %add3A_2107 = arith.addf %broadcast_in_dim3A_1984, %select_n3A_2106 : vector<16xf32>
      %gt3A_2108 = arith.cmpf ogt, %select_n3A_2046, %select_n3A_2047 : vector<16xf32>
      %eq3A_2109 = arith.cmpf oeq, %select_n3A_2046, %select_n3A_2047 : vector<16xf32>
      %or3A_2110 = arith.ori %gt3A_2108, %eq3A_2109 : vector<16xi1>
      %select_n3A_2111 = arith.select %or3A_2110, %broadcast_in_dim3A_1982, %broadcast_in_dim3A_1984 : vector<16xi1>, vector<16xf32>
      %add3A_2112 = arith.addf %add3A_2107, %select_n3A_2111 : vector<16xf32>
      %gt3A_2113 = arith.cmpf ogt, %select_n3A_2048, %select_n3A_2047 : vector<16xf32>
      %select_n3A_2114 = arith.select %gt3A_2113, %broadcast_in_dim3A_1982, %broadcast_in_dim3A_1984 : vector<16xi1>, vector<16xf32>
      %add3A_2115 = arith.addf %add3A_2112, %select_n3A_2114 : vector<16xf32>
      %gt3A_2116 = arith.cmpf ogt, %select_n3A_2049, %select_n3A_2047 : vector<16xf32>
      %select_n3A_2117 = arith.select %gt3A_2116, %broadcast_in_dim3A_1982, %broadcast_in_dim3A_1984 : vector<16xi1>, vector<16xf32>
      %add3A_2118 = arith.addf %add3A_2115, %select_n3A_2117 : vector<16xf32>
      %gt3A_2119 = arith.cmpf ogt, %select_n3A_2050, %select_n3A_2047 : vector<16xf32>
      %select_n3A_2120 = arith.select %gt3A_2119, %broadcast_in_dim3A_1982, %broadcast_in_dim3A_1984 : vector<16xi1>, vector<16xf32>
      %add3A_2121 = arith.addf %add3A_2118, %select_n3A_2120 : vector<16xf32>
      %gt3A_2122 = arith.cmpf ogt, %select_n3A_2051, %select_n3A_2047 : vector<16xf32>
      %select_n3A_2123 = arith.select %gt3A_2122, %broadcast_in_dim3A_1982, %broadcast_in_dim3A_1984 : vector<16xi1>, vector<16xf32>
      %add3A_2124 = arith.addf %add3A_2121, %select_n3A_2123 : vector<16xf32>
      %gt3A_2125 = arith.cmpf ogt, %select_n3A_2052, %select_n3A_2047 : vector<16xf32>
      %select_n3A_2126 = arith.select %gt3A_2125, %broadcast_in_dim3A_1982, %broadcast_in_dim3A_1984 : vector<16xi1>, vector<16xf32>
      %add3A_2127 = arith.addf %add3A_2124, %select_n3A_2126 : vector<16xf32>
      %lt3A_2128 = arith.constant 2.000000e+00 : f32
      %lt3A_2129 = vector.broadcast %lt3A_2128 : f32 to vector<16xf32>
      %lt3A_2130 = arith.cmpf olt, %add3A_2127, %lt3A_2129 : vector<16xf32>
      %gt3A_2131 = arith.cmpf ogt, %select_n3A_2045, %select_n3A_2048 : vector<16xf32>
      %eq3A_2132 = arith.cmpf oeq, %select_n3A_2045, %select_n3A_2048 : vector<16xf32>
      %or3A_2133 = arith.ori %gt3A_2131, %eq3A_2132 : vector<16xi1>
      %select_n3A_2134 = arith.select %or3A_2133, %broadcast_in_dim3A_1982, %broadcast_in_dim3A_1984 : vector<16xi1>, vector<16xf32>
      %add3A_2135 = arith.addf %broadcast_in_dim3A_1984, %select_n3A_2134 : vector<16xf32>
      %gt3A_2136 = arith.cmpf ogt, %select_n3A_2046, %select_n3A_2048 : vector<16xf32>
      %eq3A_2137 = arith.cmpf oeq, %select_n3A_2046, %select_n3A_2048 : vector<16xf32>
      %or3A_2138 = arith.ori %gt3A_2136, %eq3A_2137 : vector<16xi1>
      %select_n3A_2139 = arith.select %or3A_2138, %broadcast_in_dim3A_1982, %broadcast_in_dim3A_1984 : vector<16xi1>, vector<16xf32>
      %add3A_2140 = arith.addf %add3A_2135, %select_n3A_2139 : vector<16xf32>
      %gt3A_2141 = arith.cmpf ogt, %select_n3A_2047, %select_n3A_2048 : vector<16xf32>
      %eq3A_2142 = arith.cmpf oeq, %select_n3A_2047, %select_n3A_2048 : vector<16xf32>
      %or3A_2143 = arith.ori %gt3A_2141, %eq3A_2142 : vector<16xi1>
      %select_n3A_2144 = arith.select %or3A_2143, %broadcast_in_dim3A_1982, %broadcast_in_dim3A_1984 : vector<16xi1>, vector<16xf32>
      %add3A_2145 = arith.addf %add3A_2140, %select_n3A_2144 : vector<16xf32>
      %gt3A_2146 = arith.cmpf ogt, %select_n3A_2049, %select_n3A_2048 : vector<16xf32>
      %select_n3A_2147 = arith.select %gt3A_2146, %broadcast_in_dim3A_1982, %broadcast_in_dim3A_1984 : vector<16xi1>, vector<16xf32>
      %add3A_2148 = arith.addf %add3A_2145, %select_n3A_2147 : vector<16xf32>
      %gt3A_2149 = arith.cmpf ogt, %select_n3A_2050, %select_n3A_2048 : vector<16xf32>
      %select_n3A_2150 = arith.select %gt3A_2149, %broadcast_in_dim3A_1982, %broadcast_in_dim3A_1984 : vector<16xi1>, vector<16xf32>
      %add3A_2151 = arith.addf %add3A_2148, %select_n3A_2150 : vector<16xf32>
      %gt3A_2152 = arith.cmpf ogt, %select_n3A_2051, %select_n3A_2048 : vector<16xf32>
      %select_n3A_2153 = arith.select %gt3A_2152, %broadcast_in_dim3A_1982, %broadcast_in_dim3A_1984 : vector<16xi1>, vector<16xf32>
      %add3A_2154 = arith.addf %add3A_2151, %select_n3A_2153 : vector<16xf32>
      %gt3A_2155 = arith.cmpf ogt, %select_n3A_2052, %select_n3A_2048 : vector<16xf32>
      %select_n3A_2156 = arith.select %gt3A_2155, %broadcast_in_dim3A_1982, %broadcast_in_dim3A_1984 : vector<16xi1>, vector<16xf32>
      %add3A_2157 = arith.addf %add3A_2154, %select_n3A_2156 : vector<16xf32>
      %lt3A_2158 = arith.constant 2.000000e+00 : f32
      %lt3A_2159 = vector.broadcast %lt3A_2158 : f32 to vector<16xf32>
      %lt3A_2160 = arith.cmpf olt, %add3A_2157, %lt3A_2159 : vector<16xf32>
      %gt3A_2161 = arith.cmpf ogt, %select_n3A_2045, %select_n3A_2049 : vector<16xf32>
      %eq3A_2162 = arith.cmpf oeq, %select_n3A_2045, %select_n3A_2049 : vector<16xf32>
      %or3A_2163 = arith.ori %gt3A_2161, %eq3A_2162 : vector<16xi1>
      %select_n3A_2164 = arith.select %or3A_2163, %broadcast_in_dim3A_1982, %broadcast_in_dim3A_1984 : vector<16xi1>, vector<16xf32>
      %add3A_2165 = arith.addf %broadcast_in_dim3A_1984, %select_n3A_2164 : vector<16xf32>
      %gt3A_2166 = arith.cmpf ogt, %select_n3A_2046, %select_n3A_2049 : vector<16xf32>
      %eq3A_2167 = arith.cmpf oeq, %select_n3A_2046, %select_n3A_2049 : vector<16xf32>
      %or3A_2168 = arith.ori %gt3A_2166, %eq3A_2167 : vector<16xi1>
      %select_n3A_2169 = arith.select %or3A_2168, %broadcast_in_dim3A_1982, %broadcast_in_dim3A_1984 : vector<16xi1>, vector<16xf32>
      %add3A_2170 = arith.addf %add3A_2165, %select_n3A_2169 : vector<16xf32>
      %gt3A_2171 = arith.cmpf ogt, %select_n3A_2047, %select_n3A_2049 : vector<16xf32>
      %eq3A_2172 = arith.cmpf oeq, %select_n3A_2047, %select_n3A_2049 : vector<16xf32>
      %or3A_2173 = arith.ori %gt3A_2171, %eq3A_2172 : vector<16xi1>
      %select_n3A_2174 = arith.select %or3A_2173, %broadcast_in_dim3A_1982, %broadcast_in_dim3A_1984 : vector<16xi1>, vector<16xf32>
      %add3A_2175 = arith.addf %add3A_2170, %select_n3A_2174 : vector<16xf32>
      %gt3A_2176 = arith.cmpf ogt, %select_n3A_2048, %select_n3A_2049 : vector<16xf32>
      %eq3A_2177 = arith.cmpf oeq, %select_n3A_2048, %select_n3A_2049 : vector<16xf32>
      %or3A_2178 = arith.ori %gt3A_2176, %eq3A_2177 : vector<16xi1>
      %select_n3A_2179 = arith.select %or3A_2178, %broadcast_in_dim3A_1982, %broadcast_in_dim3A_1984 : vector<16xi1>, vector<16xf32>
      %add3A_2180 = arith.addf %add3A_2175, %select_n3A_2179 : vector<16xf32>
      %gt3A_2181 = arith.cmpf ogt, %select_n3A_2050, %select_n3A_2049 : vector<16xf32>
      %select_n3A_2182 = arith.select %gt3A_2181, %broadcast_in_dim3A_1982, %broadcast_in_dim3A_1984 : vector<16xi1>, vector<16xf32>
      %add3A_2183 = arith.addf %add3A_2180, %select_n3A_2182 : vector<16xf32>
      %gt3A_2184 = arith.cmpf ogt, %select_n3A_2051, %select_n3A_2049 : vector<16xf32>
      %select_n3A_2185 = arith.select %gt3A_2184, %broadcast_in_dim3A_1982, %broadcast_in_dim3A_1984 : vector<16xi1>, vector<16xf32>
      %add3A_2186 = arith.addf %add3A_2183, %select_n3A_2185 : vector<16xf32>
      %gt3A_2187 = arith.cmpf ogt, %select_n3A_2052, %select_n3A_2049 : vector<16xf32>
      %select_n3A_2188 = arith.select %gt3A_2187, %broadcast_in_dim3A_1982, %broadcast_in_dim3A_1984 : vector<16xi1>, vector<16xf32>
      %add3A_2189 = arith.addf %add3A_2186, %select_n3A_2188 : vector<16xf32>
      %lt3A_2190 = arith.constant 2.000000e+00 : f32
      %lt3A_2191 = vector.broadcast %lt3A_2190 : f32 to vector<16xf32>
      %lt3A_2192 = arith.cmpf olt, %add3A_2189, %lt3A_2191 : vector<16xf32>
      %gt3A_2193 = arith.cmpf ogt, %select_n3A_2045, %select_n3A_2050 : vector<16xf32>
      %eq3A_2194 = arith.cmpf oeq, %select_n3A_2045, %select_n3A_2050 : vector<16xf32>
      %or3A_2195 = arith.ori %gt3A_2193, %eq3A_2194 : vector<16xi1>
      %select_n3A_2196 = arith.select %or3A_2195, %broadcast_in_dim3A_1982, %broadcast_in_dim3A_1984 : vector<16xi1>, vector<16xf32>
      %add3A_2197 = arith.addf %broadcast_in_dim3A_1984, %select_n3A_2196 : vector<16xf32>
      %gt3A_2198 = arith.cmpf ogt, %select_n3A_2046, %select_n3A_2050 : vector<16xf32>
      %eq3A_2199 = arith.cmpf oeq, %select_n3A_2046, %select_n3A_2050 : vector<16xf32>
      %or3A_2200 = arith.ori %gt3A_2198, %eq3A_2199 : vector<16xi1>
      %select_n3A_2201 = arith.select %or3A_2200, %broadcast_in_dim3A_1982, %broadcast_in_dim3A_1984 : vector<16xi1>, vector<16xf32>
      %add3A_2202 = arith.addf %add3A_2197, %select_n3A_2201 : vector<16xf32>
      %gt3A_2203 = arith.cmpf ogt, %select_n3A_2047, %select_n3A_2050 : vector<16xf32>
      %eq3A_2204 = arith.cmpf oeq, %select_n3A_2047, %select_n3A_2050 : vector<16xf32>
      %or3A_2205 = arith.ori %gt3A_2203, %eq3A_2204 : vector<16xi1>
      %select_n3A_2206 = arith.select %or3A_2205, %broadcast_in_dim3A_1982, %broadcast_in_dim3A_1984 : vector<16xi1>, vector<16xf32>
      %add3A_2207 = arith.addf %add3A_2202, %select_n3A_2206 : vector<16xf32>
      %gt3A_2208 = arith.cmpf ogt, %select_n3A_2048, %select_n3A_2050 : vector<16xf32>
      %eq3A_2209 = arith.cmpf oeq, %select_n3A_2048, %select_n3A_2050 : vector<16xf32>
      %or3A_2210 = arith.ori %gt3A_2208, %eq3A_2209 : vector<16xi1>
      %select_n3A_2211 = arith.select %or3A_2210, %broadcast_in_dim3A_1982, %broadcast_in_dim3A_1984 : vector<16xi1>, vector<16xf32>
      %add3A_2212 = arith.addf %add3A_2207, %select_n3A_2211 : vector<16xf32>
      %gt3A_2213 = arith.cmpf ogt, %select_n3A_2049, %select_n3A_2050 : vector<16xf32>
      %eq3A_2214 = arith.cmpf oeq, %select_n3A_2049, %select_n3A_2050 : vector<16xf32>
      %or3A_2215 = arith.ori %gt3A_2213, %eq3A_2214 : vector<16xi1>
      %select_n3A_2216 = arith.select %or3A_2215, %broadcast_in_dim3A_1982, %broadcast_in_dim3A_1984 : vector<16xi1>, vector<16xf32>
      %add3A_2217 = arith.addf %add3A_2212, %select_n3A_2216 : vector<16xf32>
      %gt3A_2218 = arith.cmpf ogt, %select_n3A_2051, %select_n3A_2050 : vector<16xf32>
      %select_n3A_2219 = arith.select %gt3A_2218, %broadcast_in_dim3A_1982, %broadcast_in_dim3A_1984 : vector<16xi1>, vector<16xf32>
      %add3A_2220 = arith.addf %add3A_2217, %select_n3A_2219 : vector<16xf32>
      %gt3A_2221 = arith.cmpf ogt, %select_n3A_2052, %select_n3A_2050 : vector<16xf32>
      %select_n3A_2222 = arith.select %gt3A_2221, %broadcast_in_dim3A_1982, %broadcast_in_dim3A_1984 : vector<16xi1>, vector<16xf32>
      %add3A_2223 = arith.addf %add3A_2220, %select_n3A_2222 : vector<16xf32>
      %lt3A_2224 = arith.constant 2.000000e+00 : f32
      %lt3A_2225 = vector.broadcast %lt3A_2224 : f32 to vector<16xf32>
      %lt3A_2226 = arith.cmpf olt, %add3A_2223, %lt3A_2225 : vector<16xf32>
      %gt3A_2227 = arith.cmpf ogt, %select_n3A_2045, %select_n3A_2051 : vector<16xf32>
      %eq3A_2228 = arith.cmpf oeq, %select_n3A_2045, %select_n3A_2051 : vector<16xf32>
      %or3A_2229 = arith.ori %gt3A_2227, %eq3A_2228 : vector<16xi1>
      %select_n3A_2230 = arith.select %or3A_2229, %broadcast_in_dim3A_1982, %broadcast_in_dim3A_1984 : vector<16xi1>, vector<16xf32>
      %add3A_2231 = arith.addf %broadcast_in_dim3A_1984, %select_n3A_2230 : vector<16xf32>
      %gt3A_2232 = arith.cmpf ogt, %select_n3A_2046, %select_n3A_2051 : vector<16xf32>
      %eq3A_2233 = arith.cmpf oeq, %select_n3A_2046, %select_n3A_2051 : vector<16xf32>
      %or3A_2234 = arith.ori %gt3A_2232, %eq3A_2233 : vector<16xi1>
      %select_n3A_2235 = arith.select %or3A_2234, %broadcast_in_dim3A_1982, %broadcast_in_dim3A_1984 : vector<16xi1>, vector<16xf32>
      %add3A_2236 = arith.addf %add3A_2231, %select_n3A_2235 : vector<16xf32>
      %gt3A_2237 = arith.cmpf ogt, %select_n3A_2047, %select_n3A_2051 : vector<16xf32>
      %eq3A_2238 = arith.cmpf oeq, %select_n3A_2047, %select_n3A_2051 : vector<16xf32>
      %or3A_2239 = arith.ori %gt3A_2237, %eq3A_2238 : vector<16xi1>
      %select_n3A_2240 = arith.select %or3A_2239, %broadcast_in_dim3A_1982, %broadcast_in_dim3A_1984 : vector<16xi1>, vector<16xf32>
      %add3A_2241 = arith.addf %add3A_2236, %select_n3A_2240 : vector<16xf32>
      %gt3A_2242 = arith.cmpf ogt, %select_n3A_2048, %select_n3A_2051 : vector<16xf32>
      %eq3A_2243 = arith.cmpf oeq, %select_n3A_2048, %select_n3A_2051 : vector<16xf32>
      %or3A_2244 = arith.ori %gt3A_2242, %eq3A_2243 : vector<16xi1>
      %select_n3A_2245 = arith.select %or3A_2244, %broadcast_in_dim3A_1982, %broadcast_in_dim3A_1984 : vector<16xi1>, vector<16xf32>
      %add3A_2246 = arith.addf %add3A_2241, %select_n3A_2245 : vector<16xf32>
      %gt3A_2247 = arith.cmpf ogt, %select_n3A_2049, %select_n3A_2051 : vector<16xf32>
      %eq3A_2248 = arith.cmpf oeq, %select_n3A_2049, %select_n3A_2051 : vector<16xf32>
      %or3A_2249 = arith.ori %gt3A_2247, %eq3A_2248 : vector<16xi1>
      %select_n3A_2250 = arith.select %or3A_2249, %broadcast_in_dim3A_1982, %broadcast_in_dim3A_1984 : vector<16xi1>, vector<16xf32>
      %add3A_2251 = arith.addf %add3A_2246, %select_n3A_2250 : vector<16xf32>
      %gt3A_2252 = arith.cmpf ogt, %select_n3A_2050, %select_n3A_2051 : vector<16xf32>
      %eq3A_2253 = arith.cmpf oeq, %select_n3A_2050, %select_n3A_2051 : vector<16xf32>
      %or3A_2254 = arith.ori %gt3A_2252, %eq3A_2253 : vector<16xi1>
      %select_n3A_2255 = arith.select %or3A_2254, %broadcast_in_dim3A_1982, %broadcast_in_dim3A_1984 : vector<16xi1>, vector<16xf32>
      %add3A_2256 = arith.addf %add3A_2251, %select_n3A_2255 : vector<16xf32>
      %gt3A_2257 = arith.cmpf ogt, %select_n3A_2052, %select_n3A_2051 : vector<16xf32>
      %select_n3A_2258 = arith.select %gt3A_2257, %broadcast_in_dim3A_1982, %broadcast_in_dim3A_1984 : vector<16xi1>, vector<16xf32>
      %add3A_2259 = arith.addf %add3A_2256, %select_n3A_2258 : vector<16xf32>
      %lt3A_2260 = arith.constant 2.000000e+00 : f32
      %lt3A_2261 = vector.broadcast %lt3A_2260 : f32 to vector<16xf32>
      %lt3A_2262 = arith.cmpf olt, %add3A_2259, %lt3A_2261 : vector<16xf32>
      %gt3A_2263 = arith.cmpf ogt, %select_n3A_2045, %select_n3A_2052 : vector<16xf32>
      %eq3A_2264 = arith.cmpf oeq, %select_n3A_2045, %select_n3A_2052 : vector<16xf32>
      %or3A_2265 = arith.ori %gt3A_2263, %eq3A_2264 : vector<16xi1>
      %select_n3A_2266 = arith.select %or3A_2265, %broadcast_in_dim3A_1982, %broadcast_in_dim3A_1984 : vector<16xi1>, vector<16xf32>
      %add3A_2267 = arith.addf %broadcast_in_dim3A_1984, %select_n3A_2266 : vector<16xf32>
      %gt3A_2268 = arith.cmpf ogt, %select_n3A_2046, %select_n3A_2052 : vector<16xf32>
      %eq3A_2269 = arith.cmpf oeq, %select_n3A_2046, %select_n3A_2052 : vector<16xf32>
      %or3A_2270 = arith.ori %gt3A_2268, %eq3A_2269 : vector<16xi1>
      %select_n3A_2271 = arith.select %or3A_2270, %broadcast_in_dim3A_1982, %broadcast_in_dim3A_1984 : vector<16xi1>, vector<16xf32>
      %add3A_2272 = arith.addf %add3A_2267, %select_n3A_2271 : vector<16xf32>
      %gt3A_2273 = arith.cmpf ogt, %select_n3A_2047, %select_n3A_2052 : vector<16xf32>
      %eq3A_2274 = arith.cmpf oeq, %select_n3A_2047, %select_n3A_2052 : vector<16xf32>
      %or3A_2275 = arith.ori %gt3A_2273, %eq3A_2274 : vector<16xi1>
      %select_n3A_2276 = arith.select %or3A_2275, %broadcast_in_dim3A_1982, %broadcast_in_dim3A_1984 : vector<16xi1>, vector<16xf32>
      %add3A_2277 = arith.addf %add3A_2272, %select_n3A_2276 : vector<16xf32>
      %gt3A_2278 = arith.cmpf ogt, %select_n3A_2048, %select_n3A_2052 : vector<16xf32>
      %eq3A_2279 = arith.cmpf oeq, %select_n3A_2048, %select_n3A_2052 : vector<16xf32>
      %or3A_2280 = arith.ori %gt3A_2278, %eq3A_2279 : vector<16xi1>
      %select_n3A_2281 = arith.select %or3A_2280, %broadcast_in_dim3A_1982, %broadcast_in_dim3A_1984 : vector<16xi1>, vector<16xf32>
      %add3A_2282 = arith.addf %add3A_2277, %select_n3A_2281 : vector<16xf32>
      %gt3A_2283 = arith.cmpf ogt, %select_n3A_2049, %select_n3A_2052 : vector<16xf32>
      %eq3A_2284 = arith.cmpf oeq, %select_n3A_2049, %select_n3A_2052 : vector<16xf32>
      %or3A_2285 = arith.ori %gt3A_2283, %eq3A_2284 : vector<16xi1>
      %select_n3A_2286 = arith.select %or3A_2285, %broadcast_in_dim3A_1982, %broadcast_in_dim3A_1984 : vector<16xi1>, vector<16xf32>
      %add3A_2287 = arith.addf %add3A_2282, %select_n3A_2286 : vector<16xf32>
      %gt3A_2288 = arith.cmpf ogt, %select_n3A_2050, %select_n3A_2052 : vector<16xf32>
      %eq3A_2289 = arith.cmpf oeq, %select_n3A_2050, %select_n3A_2052 : vector<16xf32>
      %or3A_2290 = arith.ori %gt3A_2288, %eq3A_2289 : vector<16xi1>
      %select_n3A_2291 = arith.select %or3A_2290, %broadcast_in_dim3A_1982, %broadcast_in_dim3A_1984 : vector<16xi1>, vector<16xf32>
      %add3A_2292 = arith.addf %add3A_2287, %select_n3A_2291 : vector<16xf32>
      %gt3A_2293 = arith.cmpf ogt, %select_n3A_2051, %select_n3A_2052 : vector<16xf32>
      %eq3A_2294 = arith.cmpf oeq, %select_n3A_2051, %select_n3A_2052 : vector<16xf32>
      %or3A_2295 = arith.ori %gt3A_2293, %eq3A_2294 : vector<16xi1>
      %select_n3A_2296 = arith.select %or3A_2295, %broadcast_in_dim3A_1982, %broadcast_in_dim3A_1984 : vector<16xi1>, vector<16xf32>
      %add3A_2297 = arith.addf %add3A_2292, %select_n3A_2296 : vector<16xf32>
      %lt3A_2298 = arith.constant 2.000000e+00 : f32
      %lt3A_2299 = vector.broadcast %lt3A_2298 : f32 to vector<16xf32>
      %lt3A_2300 = arith.cmpf olt, %add3A_2297, %lt3A_2299 : vector<16xf32>
      %select_n3A_2301 = arith.select %lt3A_2076, %get3A_1941, %broadcast_in_dim3A_1984 : vector<16xi1>, vector<16xf32>
      %select_n3A_2302 = arith.select %lt3A_2102, %get3A_1946, %broadcast_in_dim3A_1984 : vector<16xi1>, vector<16xf32>
      %select_n3A_2303 = arith.select %lt3A_2130, %get3A_1951, %broadcast_in_dim3A_1984 : vector<16xi1>, vector<16xf32>
      %select_n3A_2304 = arith.select %lt3A_2160, %get3A_1956, %broadcast_in_dim3A_1984 : vector<16xi1>, vector<16xf32>
      %select_n3A_2305 = arith.select %lt3A_2192, %get3A_1961, %broadcast_in_dim3A_1984 : vector<16xi1>, vector<16xf32>
      %select_n3A_2306 = arith.select %lt3A_2226, %get3A_1966, %broadcast_in_dim3A_1984 : vector<16xi1>, vector<16xf32>
      %select_n3A_2307 = arith.select %lt3A_2262, %get3A_1971, %broadcast_in_dim3A_1984 : vector<16xi1>, vector<16xf32>
      %select_n3A_2308 = arith.select %lt3A_2300, %get3A_1976, %broadcast_in_dim3A_1984 : vector<16xi1>, vector<16xf32>
      %add3A_2309 = arith.addf %select_n3A_2301, %select_n3A_2302 : vector<16xf32>
      %add3A_2310 = arith.addf %add3A_2309, %select_n3A_2303 : vector<16xf32>
      %add3A_2311 = arith.addf %add3A_2310, %select_n3A_2304 : vector<16xf32>
      %add3A_2312 = arith.addf %add3A_2311, %select_n3A_2305 : vector<16xf32>
      %add3A_2313 = arith.addf %add3A_2312, %select_n3A_2306 : vector<16xf32>
      %add3A_2314 = arith.addf %add3A_2313, %select_n3A_2307 : vector<16xf32>
      %add3A_2315 = arith.addf %add3A_2314, %select_n3A_2308 : vector<16xf32>
      %div3A_2316 = arith.divf %select_n3A_2301, %add3A_2315 : vector<16xf32>
      %swap3A_2317 = arith.constant 0 : i32
      %swap3A_2318 = arith.index_cast %swap3A_2317 : i32 to index
      %swap3A_2319 = arith.constant 64 : index
      %swap3A_2320 = tpu.vector_load %arg7[%swap3A_2318, %swap3A_2319] {strides = array<i32>} : memref<8x128xf32, #tpu.memory_space<vmem>>, vector<1x16xf32>,
      %swap3A_2321 = vector.shape_cast %swap3A_2320 : vector<1x16xf32> to vector<16xf32>
      %swap3A_2322 = vector.shape_cast %div3A_2316 : vector<16xf32> to vector<1x16xf32>
      tpu.vector_store %arg7[%swap3A_2318, %swap3A_2319], %swap3A_2322 {strides = array<i32>} : memref<8x128xf32, #tpu.memory_space<vmem>>, vector<1x16xf32>,
      %div3A_2323 = arith.divf %select_n3A_2302, %add3A_2315 : vector<16xf32>
      %swap3A_2324 = arith.constant 1 : i32
      %swap3A_2325 = arith.index_cast %swap3A_2324 : i32 to index
      %swap3A_2326 = arith.constant 64 : index
      %swap3A_2327 = tpu.vector_load %arg7[%swap3A_2325, %swap3A_2326] {strides = array<i32>} : memref<8x128xf32, #tpu.memory_space<vmem>>, vector<1x16xf32>,
      %swap3A_2328 = vector.shape_cast %swap3A_2327 : vector<1x16xf32> to vector<16xf32>
      %swap3A_2329 = vector.shape_cast %div3A_2323 : vector<16xf32> to vector<1x16xf32>
      tpu.vector_store %arg7[%swap3A_2325, %swap3A_2326], %swap3A_2329 {strides = array<i32>} : memref<8x128xf32, #tpu.memory_space<vmem>>, vector<1x16xf32>,
      %div3A_2330 = arith.divf %select_n3A_2303, %add3A_2315 : vector<16xf32>
      %swap3A_2331 = arith.constant 2 : i32
      %swap3A_2332 = arith.index_cast %swap3A_2331 : i32 to index
      %swap3A_2333 = arith.constant 64 : index
      %swap3A_2334 = tpu.vector_load %arg7[%swap3A_2332, %swap3A_2333] {strides = array<i32>} : memref<8x128xf32, #tpu.memory_space<vmem>>, vector<1x16xf32>,
      %swap3A_2335 = vector.shape_cast %swap3A_2334 : vector<1x16xf32> to vector<16xf32>
      %swap3A_2336 = vector.shape_cast %div3A_2330 : vector<16xf32> to vector<1x16xf32>
      tpu.vector_store %arg7[%swap3A_2332, %swap3A_2333], %swap3A_2336 {strides = array<i32>} : memref<8x128xf32, #tpu.memory_space<vmem>>, vector<1x16xf32>,
      %div3A_2337 = arith.divf %select_n3A_2304, %add3A_2315 : vector<16xf32>
      %swap3A_2338 = arith.constant 3 : i32
      %swap3A_2339 = arith.index_cast %swap3A_2338 : i32 to index
      %swap3A_2340 = arith.constant 64 : index
      %swap3A_2341 = tpu.vector_load %arg7[%swap3A_2339, %swap3A_2340] {strides = array<i32>} : memref<8x128xf32, #tpu.memory_space<vmem>>, vector<1x16xf32>,
      %swap3A_2342 = vector.shape_cast %swap3A_2341 : vector<1x16xf32> to vector<16xf32>
      %swap3A_2343 = vector.shape_cast %div3A_2337 : vector<16xf32> to vector<1x16xf32>
      tpu.vector_store %arg7[%swap3A_2339, %swap3A_2340], %swap3A_2343 {strides = array<i32>} : memref<8x128xf32, #tpu.memory_space<vmem>>, vector<1x16xf32>,
      %div3A_2344 = arith.divf %select_n3A_2305, %add3A_2315 : vector<16xf32>
      %swap3A_2345 = arith.constant 4 : i32
      %swap3A_2346 = arith.index_cast %swap3A_2345 : i32 to index
      %swap3A_2347 = arith.constant 64 : index
      %swap3A_2348 = tpu.vector_load %arg7[%swap3A_2346, %swap3A_2347] {strides = array<i32>} : memref<8x128xf32, #tpu.memory_space<vmem>>, vector<1x16xf32>,
      %swap3A_2349 = vector.shape_cast %swap3A_2348 : vector<1x16xf32> to vector<16xf32>
      %swap3A_2350 = vector.shape_cast %div3A_2344 : vector<16xf32> to vector<1x16xf32>
      tpu.vector_store %arg7[%swap3A_2346, %swap3A_2347], %swap3A_2350 {strides = array<i32>} : memref<8x128xf32, #tpu.memory_space<vmem>>, vector<1x16xf32>,
      %div3A_2351 = arith.divf %select_n3A_2306, %add3A_2315 : vector<16xf32>
      %swap3A_2352 = arith.constant 5 : i32
      %swap3A_2353 = arith.index_cast %swap3A_2352 : i32 to index
      %swap3A_2354 = arith.constant 64 : index
      %swap3A_2355 = tpu.vector_load %arg7[%swap3A_2353, %swap3A_2354] {strides = array<i32>} : memref<8x128xf32, #tpu.memory_space<vmem>>, vector<1x16xf32>,
      %swap3A_2356 = vector.shape_cast %swap3A_2355 : vector<1x16xf32> to vector<16xf32>
      %swap3A_2357 = vector.shape_cast %div3A_2351 : vector<16xf32> to vector<1x16xf32>
      tpu.vector_store %arg7[%swap3A_2353, %swap3A_2354], %swap3A_2357 {strides = array<i32>} : memref<8x128xf32, #tpu.memory_space<vmem>>, vector<1x16xf32>,
      %div3A_2358 = arith.divf %select_n3A_2307, %add3A_2315 : vector<16xf32>
      %swap3A_2359 = arith.constant 6 : i32
      %swap3A_2360 = arith.index_cast %swap3A_2359 : i32 to index
      %swap3A_2361 = arith.constant 64 : index
      %swap3A_2362 = tpu.vector_load %arg7[%swap3A_2360, %swap3A_2361] {strides = array<i32>} : memref<8x128xf32, #tpu.memory_space<vmem>>, vector<1x16xf32>,
      %swap3A_2363 = vector.shape_cast %swap3A_2362 : vector<1x16xf32> to vector<16xf32>
      %swap3A_2364 = vector.shape_cast %div3A_2358 : vector<16xf32> to vector<1x16xf32>
      tpu.vector_store %arg7[%swap3A_2360, %swap3A_2361], %swap3A_2364 {strides = array<i32>} : memref<8x128xf32, #tpu.memory_space<vmem>>, vector<1x16xf32>,
      %div3A_2365 = arith.divf %select_n3A_2308, %add3A_2315 : vector<16xf32>
      %swap3A_2366 = arith.constant 7 : i32
      %swap3A_2367 = arith.index_cast %swap3A_2366 : i32 to index
      %swap3A_2368 = arith.constant 64 : index
      %swap3A_2369 = tpu.vector_load %arg7[%swap3A_2367, %swap3A_2368] {strides = array<i32>} : memref<8x128xf32, #tpu.memory_space<vmem>>, vector<1x16xf32>,
      %swap3A_2370 = vector.shape_cast %swap3A_2369 : vector<1x16xf32> to vector<16xf32>
      %swap3A_2371 = vector.shape_cast %div3A_2365 : vector<16xf32> to vector<1x16xf32>
      tpu.vector_store %arg7[%swap3A_2367, %swap3A_2368], %swap3A_2371 {strides = array<i32>} : memref<8x128xf32, #tpu.memory_space<vmem>>, vector<1x16xf32>,
      %get3A_2372 = arith.constant 0 : i32
      %get3A_2373 = arith.index_cast %get3A_2372 : i32 to index
      %get3A_2374 = arith.constant 80 : index
      %get3A_2375 = tpu.vector_load %arg6[%get3A_2373, %get3A_2374] {strides = array<i32>} : memref<8x128xf32, #tpu.memory_space<vmem>>, vector<1x16xf32>,
      %get3A_2376 = vector.shape_cast %get3A_2375 : vector<1x16xf32> to vector<16xf32>
      %get3A_2377 = arith.constant 1 : i32
      %get3A_2378 = arith.index_cast %get3A_2377 : i32 to index
      %get3A_2379 = arith.constant 80 : index
      %get3A_2380 = tpu.vector_load %arg6[%get3A_2378, %get3A_2379] {strides = array<i32>} : memref<8x128xf32, #tpu.memory_space<vmem>>, vector<1x16xf32>,
      %get3A_2381 = vector.shape_cast %get3A_2380 : vector<1x16xf32> to vector<16xf32>
      %get3A_2382 = arith.constant 2 : i32
      %get3A_2383 = arith.index_cast %get3A_2382 : i32 to index
      %get3A_2384 = arith.constant 80 : index
      %get3A_2385 = tpu.vector_load %arg6[%get3A_2383, %get3A_2384] {strides = array<i32>} : memref<8x128xf32, #tpu.memory_space<vmem>>, vector<1x16xf32>,
      %get3A_2386 = vector.shape_cast %get3A_2385 : vector<1x16xf32> to vector<16xf32>
      %get3A_2387 = arith.constant 3 : i32
      %get3A_2388 = arith.index_cast %get3A_2387 : i32 to index
      %get3A_2389 = arith.constant 80 : index
      %get3A_2390 = tpu.vector_load %arg6[%get3A_2388, %get3A_2389] {strides = array<i32>} : memref<8x128xf32, #tpu.memory_space<vmem>>, vector<1x16xf32>,
      %get3A_2391 = vector.shape_cast %get3A_2390 : vector<1x16xf32> to vector<16xf32>
      %get3A_2392 = arith.constant 4 : i32
      %get3A_2393 = arith.index_cast %get3A_2392 : i32 to index
      %get3A_2394 = arith.constant 80 : index
      %get3A_2395 = tpu.vector_load %arg6[%get3A_2393, %get3A_2394] {strides = array<i32>} : memref<8x128xf32, #tpu.memory_space<vmem>>, vector<1x16xf32>,
      %get3A_2396 = vector.shape_cast %get3A_2395 : vector<1x16xf32> to vector<16xf32>
      %get3A_2397 = arith.constant 5 : i32
      %get3A_2398 = arith.index_cast %get3A_2397 : i32 to index
      %get3A_2399 = arith.constant 80 : index
      %get3A_2400 = tpu.vector_load %arg6[%get3A_2398, %get3A_2399] {strides = array<i32>} : memref<8x128xf32, #tpu.memory_space<vmem>>, vector<1x16xf32>,
      %get3A_2401 = vector.shape_cast %get3A_2400 : vector<1x16xf32> to vector<16xf32>
      %get3A_2402 = arith.constant 6 : i32
      %get3A_2403 = arith.index_cast %get3A_2402 : i32 to index
      %get3A_2404 = arith.constant 80 : index
      %get3A_2405 = tpu.vector_load %arg6[%get3A_2403, %get3A_2404] {strides = array<i32>} : memref<8x128xf32, #tpu.memory_space<vmem>>, vector<1x16xf32>,
      %get3A_2406 = vector.shape_cast %get3A_2405 : vector<1x16xf32> to vector<16xf32>
      %get3A_2407 = arith.constant 7 : i32
      %get3A_2408 = arith.index_cast %get3A_2407 : i32 to index
      %get3A_2409 = arith.constant 80 : index
      %get3A_2410 = tpu.vector_load %arg6[%get3A_2408, %get3A_2409] {strides = array<i32>} : memref<8x128xf32, #tpu.memory_space<vmem>>, vector<1x16xf32>,
      %get3A_2411 = vector.shape_cast %get3A_2410 : vector<1x16xf32> to vector<16xf32>
      %get3A_2412 = arith.constant 0 : i32
      %get3A_2413 = arith.index_cast %get3A_2412 : i32 to index
      %get3A_2414 = arith.constant 80 : index
      %get3A_2415 = tpu.vector_load %arg5[%get3A_2413, %get3A_2414] {strides = array<i32>} : memref<8x128xf32, #tpu.memory_space<vmem>>, vector<1x16xf32>,
      %get3A_2416 = vector.shape_cast %get3A_2415 : vector<1x16xf32> to vector<16xf32>
      %get3A_2417 = arith.constant 1 : i32
      %get3A_2418 = arith.index_cast %get3A_2417 : i32 to index
      %get3A_2419 = arith.constant 80 : index
      %get3A_2420 = tpu.vector_load %arg5[%get3A_2418, %get3A_2419] {strides = array<i32>} : memref<8x128xf32, #tpu.memory_space<vmem>>, vector<1x16xf32>,
      %get3A_2421 = vector.shape_cast %get3A_2420 : vector<1x16xf32> to vector<16xf32>
      %get3A_2422 = arith.constant 2 : i32
      %get3A_2423 = arith.index_cast %get3A_2422 : i32 to index
      %get3A_2424 = arith.constant 80 : index
      %get3A_2425 = tpu.vector_load %arg5[%get3A_2423, %get3A_2424] {strides = array<i32>} : memref<8x128xf32, #tpu.memory_space<vmem>>, vector<1x16xf32>,
      %get3A_2426 = vector.shape_cast %get3A_2425 : vector<1x16xf32> to vector<16xf32>
      %get3A_2427 = arith.constant 3 : i32
      %get3A_2428 = arith.index_cast %get3A_2427 : i32 to index
      %get3A_2429 = arith.constant 80 : index
      %get3A_2430 = tpu.vector_load %arg5[%get3A_2428, %get3A_2429] {strides = array<i32>} : memref<8x128xf32, #tpu.memory_space<vmem>>, vector<1x16xf32>,
      %get3A_2431 = vector.shape_cast %get3A_2430 : vector<1x16xf32> to vector<16xf32>
      %get3A_2432 = arith.constant 4 : i32
      %get3A_2433 = arith.index_cast %get3A_2432 : i32 to index
      %get3A_2434 = arith.constant 80 : index
      %get3A_2435 = tpu.vector_load %arg5[%get3A_2433, %get3A_2434] {strides = array<i32>} : memref<8x128xf32, #tpu.memory_space<vmem>>, vector<1x16xf32>,
      %get3A_2436 = vector.shape_cast %get3A_2435 : vector<1x16xf32> to vector<16xf32>
      %get3A_2437 = arith.constant 5 : i32
      %get3A_2438 = arith.index_cast %get3A_2437 : i32 to index
      %get3A_2439 = arith.constant 80 : index
      %get3A_2440 = tpu.vector_load %arg5[%get3A_2438, %get3A_2439] {strides = array<i32>} : memref<8x128xf32, #tpu.memory_space<vmem>>, vector<1x16xf32>,
      %get3A_2441 = vector.shape_cast %get3A_2440 : vector<1x16xf32> to vector<16xf32>
      %get3A_2442 = arith.constant 6 : i32
      %get3A_2443 = arith.index_cast %get3A_2442 : i32 to index
      %get3A_2444 = arith.constant 80 : index
      %get3A_2445 = tpu.vector_load %arg5[%get3A_2443, %get3A_2444] {strides = array<i32>} : memref<8x128xf32, #tpu.memory_space<vmem>>, vector<1x16xf32>,
      %get3A_2446 = vector.shape_cast %get3A_2445 : vector<1x16xf32> to vector<16xf32>
      %get3A_2447 = arith.constant 7 : i32
      %get3A_2448 = arith.index_cast %get3A_2447 : i32 to index
      %get3A_2449 = arith.constant 80 : index
      %get3A_2450 = tpu.vector_load %arg5[%get3A_2448, %get3A_2449] {strides = array<i32>} : memref<8x128xf32, #tpu.memory_space<vmem>>, vector<1x16xf32>,
      %get3A_2451 = vector.shape_cast %get3A_2450 : vector<1x16xf32> to vector<16xf32>
      %add3A_2452 = arith.addf %get3A_2376, %get3A_2381 : vector<16xf32>
      %add3A_2453 = arith.addf %get3A_2386, %get3A_2391 : vector<16xf32>
      %add3A_2454 = arith.addf %get3A_2396, %get3A_2401 : vector<16xf32>
      %add3A_2455 = arith.addf %get3A_2406, %get3A_2411 : vector<16xf32>
      %broadcast_in_dim3A_2456 = arith.constant 1.000000e+00 : f32
      %broadcast_in_dim3A_2457 = vector.broadcast %broadcast_in_dim3A_2456 : f32 to vector<16xf32>
      %broadcast_in_dim3A_2458 = arith.constant 0.000000e+00 : f32
      %broadcast_in_dim3A_2459 = vector.broadcast %broadcast_in_dim3A_2458 : f32 to vector<16xf32>
      %gt3A_2460 = arith.cmpf ogt, %add3A_2453, %add3A_2452 : vector<16xf32>
      %select_n3A_2461 = arith.select %gt3A_2460, %broadcast_in_dim3A_2457, %broadcast_in_dim3A_2459 : vector<16xi1>, vector<16xf32>
      %add3A_2462 = arith.addf %broadcast_in_dim3A_2459, %select_n3A_2461 : vector<16xf32>
      %gt3A_2463 = arith.cmpf ogt, %add3A_2454, %add3A_2452 : vector<16xf32>
      %select_n3A_2464 = arith.select %gt3A_2463, %broadcast_in_dim3A_2457, %broadcast_in_dim3A_2459 : vector<16xi1>, vector<16xf32>
      %add3A_2465 = arith.addf %add3A_2462, %select_n3A_2464 : vector<16xf32>
      %gt3A_2466 = arith.cmpf ogt, %add3A_2455, %add3A_2452 : vector<16xf32>
      %select_n3A_2467 = arith.select %gt3A_2466, %broadcast_in_dim3A_2457, %broadcast_in_dim3A_2459 : vector<16xi1>, vector<16xf32>
      %add3A_2468 = arith.addf %add3A_2465, %select_n3A_2467 : vector<16xf32>
      %lt3A_2469 = arith.constant 2.000000e+00 : f32
      %lt3A_2470 = vector.broadcast %lt3A_2469 : f32 to vector<16xf32>
      %lt3A_2471 = arith.cmpf olt, %add3A_2468, %lt3A_2470 : vector<16xf32>
      %gt3A_2472 = arith.cmpf ogt, %add3A_2452, %add3A_2453 : vector<16xf32>
      %eq3A_2473 = arith.cmpf oeq, %add3A_2452, %add3A_2453 : vector<16xf32>
      %or3A_2474 = arith.ori %gt3A_2472, %eq3A_2473 : vector<16xi1>
      %select_n3A_2475 = arith.select %or3A_2474, %broadcast_in_dim3A_2457, %broadcast_in_dim3A_2459 : vector<16xi1>, vector<16xf32>
      %add3A_2476 = arith.addf %broadcast_in_dim3A_2459, %select_n3A_2475 : vector<16xf32>
      %gt3A_2477 = arith.cmpf ogt, %add3A_2454, %add3A_2453 : vector<16xf32>
      %select_n3A_2478 = arith.select %gt3A_2477, %broadcast_in_dim3A_2457, %broadcast_in_dim3A_2459 : vector<16xi1>, vector<16xf32>
      %add3A_2479 = arith.addf %add3A_2476, %select_n3A_2478 : vector<16xf32>
      %gt3A_2480 = arith.cmpf ogt, %add3A_2455, %add3A_2453 : vector<16xf32>
      %select_n3A_2481 = arith.select %gt3A_2480, %broadcast_in_dim3A_2457, %broadcast_in_dim3A_2459 : vector<16xi1>, vector<16xf32>
      %add3A_2482 = arith.addf %add3A_2479, %select_n3A_2481 : vector<16xf32>
      %lt3A_2483 = arith.constant 2.000000e+00 : f32
      %lt3A_2484 = vector.broadcast %lt3A_2483 : f32 to vector<16xf32>
      %lt3A_2485 = arith.cmpf olt, %add3A_2482, %lt3A_2484 : vector<16xf32>
      %gt3A_2486 = arith.cmpf ogt, %add3A_2452, %add3A_2454 : vector<16xf32>
      %eq3A_2487 = arith.cmpf oeq, %add3A_2452, %add3A_2454 : vector<16xf32>
      %or3A_2488 = arith.ori %gt3A_2486, %eq3A_2487 : vector<16xi1>
      %select_n3A_2489 = arith.select %or3A_2488, %broadcast_in_dim3A_2457, %broadcast_in_dim3A_2459 : vector<16xi1>, vector<16xf32>
      %add3A_2490 = arith.addf %broadcast_in_dim3A_2459, %select_n3A_2489 : vector<16xf32>
      %gt3A_2491 = arith.cmpf ogt, %add3A_2453, %add3A_2454 : vector<16xf32>
      %eq3A_2492 = arith.cmpf oeq, %add3A_2453, %add3A_2454 : vector<16xf32>
      %or3A_2493 = arith.ori %gt3A_2491, %eq3A_2492 : vector<16xi1>
      %select_n3A_2494 = arith.select %or3A_2493, %broadcast_in_dim3A_2457, %broadcast_in_dim3A_2459 : vector<16xi1>, vector<16xf32>
      %add3A_2495 = arith.addf %add3A_2490, %select_n3A_2494 : vector<16xf32>
      %gt3A_2496 = arith.cmpf ogt, %add3A_2455, %add3A_2454 : vector<16xf32>
      %select_n3A_2497 = arith.select %gt3A_2496, %broadcast_in_dim3A_2457, %broadcast_in_dim3A_2459 : vector<16xi1>, vector<16xf32>
      %add3A_2498 = arith.addf %add3A_2495, %select_n3A_2497 : vector<16xf32>
      %lt3A_2499 = arith.constant 2.000000e+00 : f32
      %lt3A_2500 = vector.broadcast %lt3A_2499 : f32 to vector<16xf32>
      %lt3A_2501 = arith.cmpf olt, %add3A_2498, %lt3A_2500 : vector<16xf32>
      %gt3A_2502 = arith.cmpf ogt, %add3A_2452, %add3A_2455 : vector<16xf32>
      %eq3A_2503 = arith.cmpf oeq, %add3A_2452, %add3A_2455 : vector<16xf32>
      %or3A_2504 = arith.ori %gt3A_2502, %eq3A_2503 : vector<16xi1>
      %select_n3A_2505 = arith.select %or3A_2504, %broadcast_in_dim3A_2457, %broadcast_in_dim3A_2459 : vector<16xi1>, vector<16xf32>
      %add3A_2506 = arith.addf %broadcast_in_dim3A_2459, %select_n3A_2505 : vector<16xf32>
      %gt3A_2507 = arith.cmpf ogt, %add3A_2453, %add3A_2455 : vector<16xf32>
      %eq3A_2508 = arith.cmpf oeq, %add3A_2453, %add3A_2455 : vector<16xf32>
      %or3A_2509 = arith.ori %gt3A_2507, %eq3A_2508 : vector<16xi1>
      %select_n3A_2510 = arith.select %or3A_2509, %broadcast_in_dim3A_2457, %broadcast_in_dim3A_2459 : vector<16xi1>, vector<16xf32>
      %add3A_2511 = arith.addf %add3A_2506, %select_n3A_2510 : vector<16xf32>
      %gt3A_2512 = arith.cmpf ogt, %add3A_2454, %add3A_2455 : vector<16xf32>
      %eq3A_2513 = arith.cmpf oeq, %add3A_2454, %add3A_2455 : vector<16xf32>
      %or3A_2514 = arith.ori %gt3A_2512, %eq3A_2513 : vector<16xi1>
      %select_n3A_2515 = arith.select %or3A_2514, %broadcast_in_dim3A_2457, %broadcast_in_dim3A_2459 : vector<16xi1>, vector<16xf32>
      %add3A_2516 = arith.addf %add3A_2511, %select_n3A_2515 : vector<16xf32>
      %lt3A_2517 = arith.constant 2.000000e+00 : f32
      %lt3A_2518 = vector.broadcast %lt3A_2517 : f32 to vector<16xf32>
      %lt3A_2519 = arith.cmpf olt, %add3A_2516, %lt3A_2518 : vector<16xf32>
      %select_n3A_2520 = arith.select %lt3A_2471, %get3A_2376, %broadcast_in_dim3A_2459 : vector<16xi1>, vector<16xf32>
      %select_n3A_2521 = arith.select %lt3A_2471, %get3A_2381, %broadcast_in_dim3A_2459 : vector<16xi1>, vector<16xf32>
      %select_n3A_2522 = arith.select %lt3A_2485, %get3A_2386, %broadcast_in_dim3A_2459 : vector<16xi1>, vector<16xf32>
      %select_n3A_2523 = arith.select %lt3A_2485, %get3A_2391, %broadcast_in_dim3A_2459 : vector<16xi1>, vector<16xf32>
      %select_n3A_2524 = arith.select %lt3A_2501, %get3A_2396, %broadcast_in_dim3A_2459 : vector<16xi1>, vector<16xf32>
      %select_n3A_2525 = arith.select %lt3A_2501, %get3A_2401, %broadcast_in_dim3A_2459 : vector<16xi1>, vector<16xf32>
      %select_n3A_2526 = arith.select %lt3A_2519, %get3A_2406, %broadcast_in_dim3A_2459 : vector<16xi1>, vector<16xf32>
      %select_n3A_2527 = arith.select %lt3A_2519, %get3A_2411, %broadcast_in_dim3A_2459 : vector<16xi1>, vector<16xf32>
      %gt3A_2528 = arith.cmpf ogt, %select_n3A_2521, %select_n3A_2520 : vector<16xf32>
      %select_n3A_2529 = arith.select %gt3A_2528, %broadcast_in_dim3A_2457, %broadcast_in_dim3A_2459 : vector<16xi1>, vector<16xf32>
      %add3A_2530 = arith.addf %broadcast_in_dim3A_2459, %select_n3A_2529 : vector<16xf32>
      %gt3A_2531 = arith.cmpf ogt, %select_n3A_2522, %select_n3A_2520 : vector<16xf32>
      %select_n3A_2532 = arith.select %gt3A_2531, %broadcast_in_dim3A_2457, %broadcast_in_dim3A_2459 : vector<16xi1>, vector<16xf32>
      %add3A_2533 = arith.addf %add3A_2530, %select_n3A_2532 : vector<16xf32>
      %gt3A_2534 = arith.cmpf ogt, %select_n3A_2523, %select_n3A_2520 : vector<16xf32>
      %select_n3A_2535 = arith.select %gt3A_2534, %broadcast_in_dim3A_2457, %broadcast_in_dim3A_2459 : vector<16xi1>, vector<16xf32>
      %add3A_2536 = arith.addf %add3A_2533, %select_n3A_2535 : vector<16xf32>
      %gt3A_2537 = arith.cmpf ogt, %select_n3A_2524, %select_n3A_2520 : vector<16xf32>
      %select_n3A_2538 = arith.select %gt3A_2537, %broadcast_in_dim3A_2457, %broadcast_in_dim3A_2459 : vector<16xi1>, vector<16xf32>
      %add3A_2539 = arith.addf %add3A_2536, %select_n3A_2538 : vector<16xf32>
      %gt3A_2540 = arith.cmpf ogt, %select_n3A_2525, %select_n3A_2520 : vector<16xf32>
      %select_n3A_2541 = arith.select %gt3A_2540, %broadcast_in_dim3A_2457, %broadcast_in_dim3A_2459 : vector<16xi1>, vector<16xf32>
      %add3A_2542 = arith.addf %add3A_2539, %select_n3A_2541 : vector<16xf32>
      %gt3A_2543 = arith.cmpf ogt, %select_n3A_2526, %select_n3A_2520 : vector<16xf32>
      %select_n3A_2544 = arith.select %gt3A_2543, %broadcast_in_dim3A_2457, %broadcast_in_dim3A_2459 : vector<16xi1>, vector<16xf32>
      %add3A_2545 = arith.addf %add3A_2542, %select_n3A_2544 : vector<16xf32>
      %gt3A_2546 = arith.cmpf ogt, %select_n3A_2527, %select_n3A_2520 : vector<16xf32>
      %select_n3A_2547 = arith.select %gt3A_2546, %broadcast_in_dim3A_2457, %broadcast_in_dim3A_2459 : vector<16xi1>, vector<16xf32>
      %add3A_2548 = arith.addf %add3A_2545, %select_n3A_2547 : vector<16xf32>
      %lt3A_2549 = arith.constant 2.000000e+00 : f32
      %lt3A_2550 = vector.broadcast %lt3A_2549 : f32 to vector<16xf32>
      %lt3A_2551 = arith.cmpf olt, %add3A_2548, %lt3A_2550 : vector<16xf32>
      %gt3A_2552 = arith.cmpf ogt, %select_n3A_2520, %select_n3A_2521 : vector<16xf32>
      %eq3A_2553 = arith.cmpf oeq, %select_n3A_2520, %select_n3A_2521 : vector<16xf32>
      %or3A_2554 = arith.ori %gt3A_2552, %eq3A_2553 : vector<16xi1>
      %select_n3A_2555 = arith.select %or3A_2554, %broadcast_in_dim3A_2457, %broadcast_in_dim3A_2459 : vector<16xi1>, vector<16xf32>
      %add3A_2556 = arith.addf %broadcast_in_dim3A_2459, %select_n3A_2555 : vector<16xf32>
      %gt3A_2557 = arith.cmpf ogt, %select_n3A_2522, %select_n3A_2521 : vector<16xf32>
      %select_n3A_2558 = arith.select %gt3A_2557, %broadcast_in_dim3A_2457, %broadcast_in_dim3A_2459 : vector<16xi1>, vector<16xf32>
      %add3A_2559 = arith.addf %add3A_2556, %select_n3A_2558 : vector<16xf32>
      %gt3A_2560 = arith.cmpf ogt, %select_n3A_2523, %select_n3A_2521 : vector<16xf32>
      %select_n3A_2561 = arith.select %gt3A_2560, %broadcast_in_dim3A_2457, %broadcast_in_dim3A_2459 : vector<16xi1>, vector<16xf32>
      %add3A_2562 = arith.addf %add3A_2559, %select_n3A_2561 : vector<16xf32>
      %gt3A_2563 = arith.cmpf ogt, %select_n3A_2524, %select_n3A_2521 : vector<16xf32>
      %select_n3A_2564 = arith.select %gt3A_2563, %broadcast_in_dim3A_2457, %broadcast_in_dim3A_2459 : vector<16xi1>, vector<16xf32>
      %add3A_2565 = arith.addf %add3A_2562, %select_n3A_2564 : vector<16xf32>
      %gt3A_2566 = arith.cmpf ogt, %select_n3A_2525, %select_n3A_2521 : vector<16xf32>
      %select_n3A_2567 = arith.select %gt3A_2566, %broadcast_in_dim3A_2457, %broadcast_in_dim3A_2459 : vector<16xi1>, vector<16xf32>
      %add3A_2568 = arith.addf %add3A_2565, %select_n3A_2567 : vector<16xf32>
      %gt3A_2569 = arith.cmpf ogt, %select_n3A_2526, %select_n3A_2521 : vector<16xf32>
      %select_n3A_2570 = arith.select %gt3A_2569, %broadcast_in_dim3A_2457, %broadcast_in_dim3A_2459 : vector<16xi1>, vector<16xf32>
      %add3A_2571 = arith.addf %add3A_2568, %select_n3A_2570 : vector<16xf32>
      %gt3A_2572 = arith.cmpf ogt, %select_n3A_2527, %select_n3A_2521 : vector<16xf32>
      %select_n3A_2573 = arith.select %gt3A_2572, %broadcast_in_dim3A_2457, %broadcast_in_dim3A_2459 : vector<16xi1>, vector<16xf32>
      %add3A_2574 = arith.addf %add3A_2571, %select_n3A_2573 : vector<16xf32>
      %lt3A_2575 = arith.constant 2.000000e+00 : f32
      %lt3A_2576 = vector.broadcast %lt3A_2575 : f32 to vector<16xf32>
      %lt3A_2577 = arith.cmpf olt, %add3A_2574, %lt3A_2576 : vector<16xf32>
      %gt3A_2578 = arith.cmpf ogt, %select_n3A_2520, %select_n3A_2522 : vector<16xf32>
      %eq3A_2579 = arith.cmpf oeq, %select_n3A_2520, %select_n3A_2522 : vector<16xf32>
      %or3A_2580 = arith.ori %gt3A_2578, %eq3A_2579 : vector<16xi1>
      %select_n3A_2581 = arith.select %or3A_2580, %broadcast_in_dim3A_2457, %broadcast_in_dim3A_2459 : vector<16xi1>, vector<16xf32>
      %add3A_2582 = arith.addf %broadcast_in_dim3A_2459, %select_n3A_2581 : vector<16xf32>
      %gt3A_2583 = arith.cmpf ogt, %select_n3A_2521, %select_n3A_2522 : vector<16xf32>
      %eq3A_2584 = arith.cmpf oeq, %select_n3A_2521, %select_n3A_2522 : vector<16xf32>
      %or3A_2585 = arith.ori %gt3A_2583, %eq3A_2584 : vector<16xi1>
      %select_n3A_2586 = arith.select %or3A_2585, %broadcast_in_dim3A_2457, %broadcast_in_dim3A_2459 : vector<16xi1>, vector<16xf32>
      %add3A_2587 = arith.addf %add3A_2582, %select_n3A_2586 : vector<16xf32>
      %gt3A_2588 = arith.cmpf ogt, %select_n3A_2523, %select_n3A_2522 : vector<16xf32>
      %select_n3A_2589 = arith.select %gt3A_2588, %broadcast_in_dim3A_2457, %broadcast_in_dim3A_2459 : vector<16xi1>, vector<16xf32>
      %add3A_2590 = arith.addf %add3A_2587, %select_n3A_2589 : vector<16xf32>
      %gt3A_2591 = arith.cmpf ogt, %select_n3A_2524, %select_n3A_2522 : vector<16xf32>
      %select_n3A_2592 = arith.select %gt3A_2591, %broadcast_in_dim3A_2457, %broadcast_in_dim3A_2459 : vector<16xi1>, vector<16xf32>
      %add3A_2593 = arith.addf %add3A_2590, %select_n3A_2592 : vector<16xf32>
      %gt3A_2594 = arith.cmpf ogt, %select_n3A_2525, %select_n3A_2522 : vector<16xf32>
      %select_n3A_2595 = arith.select %gt3A_2594, %broadcast_in_dim3A_2457, %broadcast_in_dim3A_2459 : vector<16xi1>, vector<16xf32>
      %add3A_2596 = arith.addf %add3A_2593, %select_n3A_2595 : vector<16xf32>
      %gt3A_2597 = arith.cmpf ogt, %select_n3A_2526, %select_n3A_2522 : vector<16xf32>
      %select_n3A_2598 = arith.select %gt3A_2597, %broadcast_in_dim3A_2457, %broadcast_in_dim3A_2459 : vector<16xi1>, vector<16xf32>
      %add3A_2599 = arith.addf %add3A_2596, %select_n3A_2598 : vector<16xf32>
      %gt3A_2600 = arith.cmpf ogt, %select_n3A_2527, %select_n3A_2522 : vector<16xf32>
      %select_n3A_2601 = arith.select %gt3A_2600, %broadcast_in_dim3A_2457, %broadcast_in_dim3A_2459 : vector<16xi1>, vector<16xf32>
      %add3A_2602 = arith.addf %add3A_2599, %select_n3A_2601 : vector<16xf32>
      %lt3A_2603 = arith.constant 2.000000e+00 : f32
      %lt3A_2604 = vector.broadcast %lt3A_2603 : f32 to vector<16xf32>
      %lt3A_2605 = arith.cmpf olt, %add3A_2602, %lt3A_2604 : vector<16xf32>
      %gt3A_2606 = arith.cmpf ogt, %select_n3A_2520, %select_n3A_2523 : vector<16xf32>
      %eq3A_2607 = arith.cmpf oeq, %select_n3A_2520, %select_n3A_2523 : vector<16xf32>
      %or3A_2608 = arith.ori %gt3A_2606, %eq3A_2607 : vector<16xi1>
      %select_n3A_2609 = arith.select %or3A_2608, %broadcast_in_dim3A_2457, %broadcast_in_dim3A_2459 : vector<16xi1>, vector<16xf32>
      %add3A_2610 = arith.addf %broadcast_in_dim3A_2459, %select_n3A_2609 : vector<16xf32>
      %gt3A_2611 = arith.cmpf ogt, %select_n3A_2521, %select_n3A_2523 : vector<16xf32>
      %eq3A_2612 = arith.cmpf oeq, %select_n3A_2521, %select_n3A_2523 : vector<16xf32>
      %or3A_2613 = arith.ori %gt3A_2611, %eq3A_2612 : vector<16xi1>
      %select_n3A_2614 = arith.select %or3A_2613, %broadcast_in_dim3A_2457, %broadcast_in_dim3A_2459 : vector<16xi1>, vector<16xf32>
      %add3A_2615 = arith.addf %add3A_2610, %select_n3A_2614 : vector<16xf32>
      %gt3A_2616 = arith.cmpf ogt, %select_n3A_2522, %select_n3A_2523 : vector<16xf32>
      %eq3A_2617 = arith.cmpf oeq, %select_n3A_2522, %select_n3A_2523 : vector<16xf32>
      %or3A_2618 = arith.ori %gt3A_2616, %eq3A_2617 : vector<16xi1>
      %select_n3A_2619 = arith.select %or3A_2618, %broadcast_in_dim3A_2457, %broadcast_in_dim3A_2459 : vector<16xi1>, vector<16xf32>
      %add3A_2620 = arith.addf %add3A_2615, %select_n3A_2619 : vector<16xf32>
      %gt3A_2621 = arith.cmpf ogt, %select_n3A_2524, %select_n3A_2523 : vector<16xf32>
      %select_n3A_2622 = arith.select %gt3A_2621, %broadcast_in_dim3A_2457, %broadcast_in_dim3A_2459 : vector<16xi1>, vector<16xf32>
      %add3A_2623 = arith.addf %add3A_2620, %select_n3A_2622 : vector<16xf32>
      %gt3A_2624 = arith.cmpf ogt, %select_n3A_2525, %select_n3A_2523 : vector<16xf32>
      %select_n3A_2625 = arith.select %gt3A_2624, %broadcast_in_dim3A_2457, %broadcast_in_dim3A_2459 : vector<16xi1>, vector<16xf32>
      %add3A_2626 = arith.addf %add3A_2623, %select_n3A_2625 : vector<16xf32>
      %gt3A_2627 = arith.cmpf ogt, %select_n3A_2526, %select_n3A_2523 : vector<16xf32>
      %select_n3A_2628 = arith.select %gt3A_2627, %broadcast_in_dim3A_2457, %broadcast_in_dim3A_2459 : vector<16xi1>, vector<16xf32>
      %add3A_2629 = arith.addf %add3A_2626, %select_n3A_2628 : vector<16xf32>
      %gt3A_2630 = arith.cmpf ogt, %select_n3A_2527, %select_n3A_2523 : vector<16xf32>
      %select_n3A_2631 = arith.select %gt3A_2630, %broadcast_in_dim3A_2457, %broadcast_in_dim3A_2459 : vector<16xi1>, vector<16xf32>
      %add3A_2632 = arith.addf %add3A_2629, %select_n3A_2631 : vector<16xf32>
      %lt3A_2633 = arith.constant 2.000000e+00 : f32
      %lt3A_2634 = vector.broadcast %lt3A_2633 : f32 to vector<16xf32>
      %lt3A_2635 = arith.cmpf olt, %add3A_2632, %lt3A_2634 : vector<16xf32>
      %gt3A_2636 = arith.cmpf ogt, %select_n3A_2520, %select_n3A_2524 : vector<16xf32>
      %eq3A_2637 = arith.cmpf oeq, %select_n3A_2520, %select_n3A_2524 : vector<16xf32>
      %or3A_2638 = arith.ori %gt3A_2636, %eq3A_2637 : vector<16xi1>
      %select_n3A_2639 = arith.select %or3A_2638, %broadcast_in_dim3A_2457, %broadcast_in_dim3A_2459 : vector<16xi1>, vector<16xf32>
      %add3A_2640 = arith.addf %broadcast_in_dim3A_2459, %select_n3A_2639 : vector<16xf32>
      %gt3A_2641 = arith.cmpf ogt, %select_n3A_2521, %select_n3A_2524 : vector<16xf32>
      %eq3A_2642 = arith.cmpf oeq, %select_n3A_2521, %select_n3A_2524 : vector<16xf32>
      %or3A_2643 = arith.ori %gt3A_2641, %eq3A_2642 : vector<16xi1>
      %select_n3A_2644 = arith.select %or3A_2643, %broadcast_in_dim3A_2457, %broadcast_in_dim3A_2459 : vector<16xi1>, vector<16xf32>
      %add3A_2645 = arith.addf %add3A_2640, %select_n3A_2644 : vector<16xf32>
      %gt3A_2646 = arith.cmpf ogt, %select_n3A_2522, %select_n3A_2524 : vector<16xf32>
      %eq3A_2647 = arith.cmpf oeq, %select_n3A_2522, %select_n3A_2524 : vector<16xf32>
      %or3A_2648 = arith.ori %gt3A_2646, %eq3A_2647 : vector<16xi1>
      %select_n3A_2649 = arith.select %or3A_2648, %broadcast_in_dim3A_2457, %broadcast_in_dim3A_2459 : vector<16xi1>, vector<16xf32>
      %add3A_2650 = arith.addf %add3A_2645, %select_n3A_2649 : vector<16xf32>
      %gt3A_2651 = arith.cmpf ogt, %select_n3A_2523, %select_n3A_2524 : vector<16xf32>
      %eq3A_2652 = arith.cmpf oeq, %select_n3A_2523, %select_n3A_2524 : vector<16xf32>
      %or3A_2653 = arith.ori %gt3A_2651, %eq3A_2652 : vector<16xi1>
      %select_n3A_2654 = arith.select %or3A_2653, %broadcast_in_dim3A_2457, %broadcast_in_dim3A_2459 : vector<16xi1>, vector<16xf32>
      %add3A_2655 = arith.addf %add3A_2650, %select_n3A_2654 : vector<16xf32>
      %gt3A_2656 = arith.cmpf ogt, %select_n3A_2525, %select_n3A_2524 : vector<16xf32>
      %select_n3A_2657 = arith.select %gt3A_2656, %broadcast_in_dim3A_2457, %broadcast_in_dim3A_2459 : vector<16xi1>, vector<16xf32>
      %add3A_2658 = arith.addf %add3A_2655, %select_n3A_2657 : vector<16xf32>
      %gt3A_2659 = arith.cmpf ogt, %select_n3A_2526, %select_n3A_2524 : vector<16xf32>
      %select_n3A_2660 = arith.select %gt3A_2659, %broadcast_in_dim3A_2457, %broadcast_in_dim3A_2459 : vector<16xi1>, vector<16xf32>
      %add3A_2661 = arith.addf %add3A_2658, %select_n3A_2660 : vector<16xf32>
      %gt3A_2662 = arith.cmpf ogt, %select_n3A_2527, %select_n3A_2524 : vector<16xf32>
      %select_n3A_2663 = arith.select %gt3A_2662, %broadcast_in_dim3A_2457, %broadcast_in_dim3A_2459 : vector<16xi1>, vector<16xf32>
      %add3A_2664 = arith.addf %add3A_2661, %select_n3A_2663 : vector<16xf32>
      %lt3A_2665 = arith.constant 2.000000e+00 : f32
      %lt3A_2666 = vector.broadcast %lt3A_2665 : f32 to vector<16xf32>
      %lt3A_2667 = arith.cmpf olt, %add3A_2664, %lt3A_2666 : vector<16xf32>
      %gt3A_2668 = arith.cmpf ogt, %select_n3A_2520, %select_n3A_2525 : vector<16xf32>
      %eq3A_2669 = arith.cmpf oeq, %select_n3A_2520, %select_n3A_2525 : vector<16xf32>
      %or3A_2670 = arith.ori %gt3A_2668, %eq3A_2669 : vector<16xi1>
      %select_n3A_2671 = arith.select %or3A_2670, %broadcast_in_dim3A_2457, %broadcast_in_dim3A_2459 : vector<16xi1>, vector<16xf32>
      %add3A_2672 = arith.addf %broadcast_in_dim3A_2459, %select_n3A_2671 : vector<16xf32>
      %gt3A_2673 = arith.cmpf ogt, %select_n3A_2521, %select_n3A_2525 : vector<16xf32>
      %eq3A_2674 = arith.cmpf oeq, %select_n3A_2521, %select_n3A_2525 : vector<16xf32>
      %or3A_2675 = arith.ori %gt3A_2673, %eq3A_2674 : vector<16xi1>
      %select_n3A_2676 = arith.select %or3A_2675, %broadcast_in_dim3A_2457, %broadcast_in_dim3A_2459 : vector<16xi1>, vector<16xf32>
      %add3A_2677 = arith.addf %add3A_2672, %select_n3A_2676 : vector<16xf32>
      %gt3A_2678 = arith.cmpf ogt, %select_n3A_2522, %select_n3A_2525 : vector<16xf32>
      %eq3A_2679 = arith.cmpf oeq, %select_n3A_2522, %select_n3A_2525 : vector<16xf32>
      %or3A_2680 = arith.ori %gt3A_2678, %eq3A_2679 : vector<16xi1>
      %select_n3A_2681 = arith.select %or3A_2680, %broadcast_in_dim3A_2457, %broadcast_in_dim3A_2459 : vector<16xi1>, vector<16xf32>
      %add3A_2682 = arith.addf %add3A_2677, %select_n3A_2681 : vector<16xf32>
      %gt3A_2683 = arith.cmpf ogt, %select_n3A_2523, %select_n3A_2525 : vector<16xf32>
      %eq3A_2684 = arith.cmpf oeq, %select_n3A_2523, %select_n3A_2525 : vector<16xf32>
      %or3A_2685 = arith.ori %gt3A_2683, %eq3A_2684 : vector<16xi1>
      %select_n3A_2686 = arith.select %or3A_2685, %broadcast_in_dim3A_2457, %broadcast_in_dim3A_2459 : vector<16xi1>, vector<16xf32>
      %add3A_2687 = arith.addf %add3A_2682, %select_n3A_2686 : vector<16xf32>
      %gt3A_2688 = arith.cmpf ogt, %select_n3A_2524, %select_n3A_2525 : vector<16xf32>
      %eq3A_2689 = arith.cmpf oeq, %select_n3A_2524, %select_n3A_2525 : vector<16xf32>
      %or3A_2690 = arith.ori %gt3A_2688, %eq3A_2689 : vector<16xi1>
      %select_n3A_2691 = arith.select %or3A_2690, %broadcast_in_dim3A_2457, %broadcast_in_dim3A_2459 : vector<16xi1>, vector<16xf32>
      %add3A_2692 = arith.addf %add3A_2687, %select_n3A_2691 : vector<16xf32>
      %gt3A_2693 = arith.cmpf ogt, %select_n3A_2526, %select_n3A_2525 : vector<16xf32>
      %select_n3A_2694 = arith.select %gt3A_2693, %broadcast_in_dim3A_2457, %broadcast_in_dim3A_2459 : vector<16xi1>, vector<16xf32>
      %add3A_2695 = arith.addf %add3A_2692, %select_n3A_2694 : vector<16xf32>
      %gt3A_2696 = arith.cmpf ogt, %select_n3A_2527, %select_n3A_2525 : vector<16xf32>
      %select_n3A_2697 = arith.select %gt3A_2696, %broadcast_in_dim3A_2457, %broadcast_in_dim3A_2459 : vector<16xi1>, vector<16xf32>
      %add3A_2698 = arith.addf %add3A_2695, %select_n3A_2697 : vector<16xf32>
      %lt3A_2699 = arith.constant 2.000000e+00 : f32
      %lt3A_2700 = vector.broadcast %lt3A_2699 : f32 to vector<16xf32>
      %lt3A_2701 = arith.cmpf olt, %add3A_2698, %lt3A_2700 : vector<16xf32>
      %gt3A_2702 = arith.cmpf ogt, %select_n3A_2520, %select_n3A_2526 : vector<16xf32>
      %eq3A_2703 = arith.cmpf oeq, %select_n3A_2520, %select_n3A_2526 : vector<16xf32>
      %or3A_2704 = arith.ori %gt3A_2702, %eq3A_2703 : vector<16xi1>
      %select_n3A_2705 = arith.select %or3A_2704, %broadcast_in_dim3A_2457, %broadcast_in_dim3A_2459 : vector<16xi1>, vector<16xf32>
      %add3A_2706 = arith.addf %broadcast_in_dim3A_2459, %select_n3A_2705 : vector<16xf32>
      %gt3A_2707 = arith.cmpf ogt, %select_n3A_2521, %select_n3A_2526 : vector<16xf32>
      %eq3A_2708 = arith.cmpf oeq, %select_n3A_2521, %select_n3A_2526 : vector<16xf32>
      %or3A_2709 = arith.ori %gt3A_2707, %eq3A_2708 : vector<16xi1>
      %select_n3A_2710 = arith.select %or3A_2709, %broadcast_in_dim3A_2457, %broadcast_in_dim3A_2459 : vector<16xi1>, vector<16xf32>
      %add3A_2711 = arith.addf %add3A_2706, %select_n3A_2710 : vector<16xf32>
      %gt3A_2712 = arith.cmpf ogt, %select_n3A_2522, %select_n3A_2526 : vector<16xf32>
      %eq3A_2713 = arith.cmpf oeq, %select_n3A_2522, %select_n3A_2526 : vector<16xf32>
      %or3A_2714 = arith.ori %gt3A_2712, %eq3A_2713 : vector<16xi1>
      %select_n3A_2715 = arith.select %or3A_2714, %broadcast_in_dim3A_2457, %broadcast_in_dim3A_2459 : vector<16xi1>, vector<16xf32>
      %add3A_2716 = arith.addf %add3A_2711, %select_n3A_2715 : vector<16xf32>
      %gt3A_2717 = arith.cmpf ogt, %select_n3A_2523, %select_n3A_2526 : vector<16xf32>
      %eq3A_2718 = arith.cmpf oeq, %select_n3A_2523, %select_n3A_2526 : vector<16xf32>
      %or3A_2719 = arith.ori %gt3A_2717, %eq3A_2718 : vector<16xi1>
      %select_n3A_2720 = arith.select %or3A_2719, %broadcast_in_dim3A_2457, %broadcast_in_dim3A_2459 : vector<16xi1>, vector<16xf32>
      %add3A_2721 = arith.addf %add3A_2716, %select_n3A_2720 : vector<16xf32>
      %gt3A_2722 = arith.cmpf ogt, %select_n3A_2524, %select_n3A_2526 : vector<16xf32>
      %eq3A_2723 = arith.cmpf oeq, %select_n3A_2524, %select_n3A_2526 : vector<16xf32>
      %or3A_2724 = arith.ori %gt3A_2722, %eq3A_2723 : vector<16xi1>
      %select_n3A_2725 = arith.select %or3A_2724, %broadcast_in_dim3A_2457, %broadcast_in_dim3A_2459 : vector<16xi1>, vector<16xf32>
      %add3A_2726 = arith.addf %add3A_2721, %select_n3A_2725 : vector<16xf32>
      %gt3A_2727 = arith.cmpf ogt, %select_n3A_2525, %select_n3A_2526 : vector<16xf32>
      %eq3A_2728 = arith.cmpf oeq, %select_n3A_2525, %select_n3A_2526 : vector<16xf32>
      %or3A_2729 = arith.ori %gt3A_2727, %eq3A_2728 : vector<16xi1>
      %select_n3A_2730 = arith.select %or3A_2729, %broadcast_in_dim3A_2457, %broadcast_in_dim3A_2459 : vector<16xi1>, vector<16xf32>
      %add3A_2731 = arith.addf %add3A_2726, %select_n3A_2730 : vector<16xf32>
      %gt3A_2732 = arith.cmpf ogt, %select_n3A_2527, %select_n3A_2526 : vector<16xf32>
      %select_n3A_2733 = arith.select %gt3A_2732, %broadcast_in_dim3A_2457, %broadcast_in_dim3A_2459 : vector<16xi1>, vector<16xf32>
      %add3A_2734 = arith.addf %add3A_2731, %select_n3A_2733 : vector<16xf32>
      %lt3A_2735 = arith.constant 2.000000e+00 : f32
      %lt3A_2736 = vector.broadcast %lt3A_2735 : f32 to vector<16xf32>
      %lt3A_2737 = arith.cmpf olt, %add3A_2734, %lt3A_2736 : vector<16xf32>
      %gt3A_2738 = arith.cmpf ogt, %select_n3A_2520, %select_n3A_2527 : vector<16xf32>
      %eq3A_2739 = arith.cmpf oeq, %select_n3A_2520, %select_n3A_2527 : vector<16xf32>
      %or3A_2740 = arith.ori %gt3A_2738, %eq3A_2739 : vector<16xi1>
      %select_n3A_2741 = arith.select %or3A_2740, %broadcast_in_dim3A_2457, %broadcast_in_dim3A_2459 : vector<16xi1>, vector<16xf32>
      %add3A_2742 = arith.addf %broadcast_in_dim3A_2459, %select_n3A_2741 : vector<16xf32>
      %gt3A_2743 = arith.cmpf ogt, %select_n3A_2521, %select_n3A_2527 : vector<16xf32>
      %eq3A_2744 = arith.cmpf oeq, %select_n3A_2521, %select_n3A_2527 : vector<16xf32>
      %or3A_2745 = arith.ori %gt3A_2743, %eq3A_2744 : vector<16xi1>
      %select_n3A_2746 = arith.select %or3A_2745, %broadcast_in_dim3A_2457, %broadcast_in_dim3A_2459 : vector<16xi1>, vector<16xf32>
      %add3A_2747 = arith.addf %add3A_2742, %select_n3A_2746 : vector<16xf32>
      %gt3A_2748 = arith.cmpf ogt, %select_n3A_2522, %select_n3A_2527 : vector<16xf32>
      %eq3A_2749 = arith.cmpf oeq, %select_n3A_2522, %select_n3A_2527 : vector<16xf32>
      %or3A_2750 = arith.ori %gt3A_2748, %eq3A_2749 : vector<16xi1>
      %select_n3A_2751 = arith.select %or3A_2750, %broadcast_in_dim3A_2457, %broadcast_in_dim3A_2459 : vector<16xi1>, vector<16xf32>
      %add3A_2752 = arith.addf %add3A_2747, %select_n3A_2751 : vector<16xf32>
      %gt3A_2753 = arith.cmpf ogt, %select_n3A_2523, %select_n3A_2527 : vector<16xf32>
      %eq3A_2754 = arith.cmpf oeq, %select_n3A_2523, %select_n3A_2527 : vector<16xf32>
      %or3A_2755 = arith.ori %gt3A_2753, %eq3A_2754 : vector<16xi1>
      %select_n3A_2756 = arith.select %or3A_2755, %broadcast_in_dim3A_2457, %broadcast_in_dim3A_2459 : vector<16xi1>, vector<16xf32>
      %add3A_2757 = arith.addf %add3A_2752, %select_n3A_2756 : vector<16xf32>
      %gt3A_2758 = arith.cmpf ogt, %select_n3A_2524, %select_n3A_2527 : vector<16xf32>
      %eq3A_2759 = arith.cmpf oeq, %select_n3A_2524, %select_n3A_2527 : vector<16xf32>
      %or3A_2760 = arith.ori %gt3A_2758, %eq3A_2759 : vector<16xi1>
      %select_n3A_2761 = arith.select %or3A_2760, %broadcast_in_dim3A_2457, %broadcast_in_dim3A_2459 : vector<16xi1>, vector<16xf32>
      %add3A_2762 = arith.addf %add3A_2757, %select_n3A_2761 : vector<16xf32>
      %gt3A_2763 = arith.cmpf ogt, %select_n3A_2525, %select_n3A_2527 : vector<16xf32>
      %eq3A_2764 = arith.cmpf oeq, %select_n3A_2525, %select_n3A_2527 : vector<16xf32>
      %or3A_2765 = arith.ori %gt3A_2763, %eq3A_2764 : vector<16xi1>
      %select_n3A_2766 = arith.select %or3A_2765, %broadcast_in_dim3A_2457, %broadcast_in_dim3A_2459 : vector<16xi1>, vector<16xf32>
      %add3A_2767 = arith.addf %add3A_2762, %select_n3A_2766 : vector<16xf32>
      %gt3A_2768 = arith.cmpf ogt, %select_n3A_2526, %select_n3A_2527 : vector<16xf32>
      %eq3A_2769 = arith.cmpf oeq, %select_n3A_2526, %select_n3A_2527 : vector<16xf32>
      %or3A_2770 = arith.ori %gt3A_2768, %eq3A_2769 : vector<16xi1>
      %select_n3A_2771 = arith.select %or3A_2770, %broadcast_in_dim3A_2457, %broadcast_in_dim3A_2459 : vector<16xi1>, vector<16xf32>
      %add3A_2772 = arith.addf %add3A_2767, %select_n3A_2771 : vector<16xf32>
      %lt3A_2773 = arith.constant 2.000000e+00 : f32
      %lt3A_2774 = vector.broadcast %lt3A_2773 : f32 to vector<16xf32>
      %lt3A_2775 = arith.cmpf olt, %add3A_2772, %lt3A_2774 : vector<16xf32>
      %select_n3A_2776 = arith.select %lt3A_2551, %get3A_2416, %broadcast_in_dim3A_2459 : vector<16xi1>, vector<16xf32>
      %select_n3A_2777 = arith.select %lt3A_2577, %get3A_2421, %broadcast_in_dim3A_2459 : vector<16xi1>, vector<16xf32>
      %select_n3A_2778 = arith.select %lt3A_2605, %get3A_2426, %broadcast_in_dim3A_2459 : vector<16xi1>, vector<16xf32>
      %select_n3A_2779 = arith.select %lt3A_2635, %get3A_2431, %broadcast_in_dim3A_2459 : vector<16xi1>, vector<16xf32>
      %select_n3A_2780 = arith.select %lt3A_2667, %get3A_2436, %broadcast_in_dim3A_2459 : vector<16xi1>, vector<16xf32>
      %select_n3A_2781 = arith.select %lt3A_2701, %get3A_2441, %broadcast_in_dim3A_2459 : vector<16xi1>, vector<16xf32>
      %select_n3A_2782 = arith.select %lt3A_2737, %get3A_2446, %broadcast_in_dim3A_2459 : vector<16xi1>, vector<16xf32>
      %select_n3A_2783 = arith.select %lt3A_2775, %get3A_2451, %broadcast_in_dim3A_2459 : vector<16xi1>, vector<16xf32>
      %add3A_2784 = arith.addf %select_n3A_2776, %select_n3A_2777 : vector<16xf32>
      %add3A_2785 = arith.addf %add3A_2784, %select_n3A_2778 : vector<16xf32>
      %add3A_2786 = arith.addf %add3A_2785, %select_n3A_2779 : vector<16xf32>
      %add3A_2787 = arith.addf %add3A_2786, %select_n3A_2780 : vector<16xf32>
      %add3A_2788 = arith.addf %add3A_2787, %select_n3A_2781 : vector<16xf32>
      %add3A_2789 = arith.addf %add3A_2788, %select_n3A_2782 : vector<16xf32>
      %add3A_2790 = arith.addf %add3A_2789, %select_n3A_2783 : vector<16xf32>
      %div3A_2791 = arith.divf %select_n3A_2776, %add3A_2790 : vector<16xf32>
      %swap3A_2792 = arith.constant 0 : i32
      %swap3A_2793 = arith.index_cast %swap3A_2792 : i32 to index
      %swap3A_2794 = arith.constant 80 : index
      %swap3A_2795 = tpu.vector_load %arg7[%swap3A_2793, %swap3A_2794] {strides = array<i32>} : memref<8x128xf32, #tpu.memory_space<vmem>>, vector<1x16xf32>,
      %swap3A_2796 = vector.shape_cast %swap3A_2795 : vector<1x16xf32> to vector<16xf32>
      %swap3A_2797 = vector.shape_cast %div3A_2791 : vector<16xf32> to vector<1x16xf32>
      tpu.vector_store %arg7[%swap3A_2793, %swap3A_2794], %swap3A_2797 {strides = array<i32>} : memref<8x128xf32, #tpu.memory_space<vmem>>, vector<1x16xf32>,
      %div3A_2798 = arith.divf %select_n3A_2777, %add3A_2790 : vector<16xf32>
      %swap3A_2799 = arith.constant 1 : i32
      %swap3A_2800 = arith.index_cast %swap3A_2799 : i32 to index
      %swap3A_2801 = arith.constant 80 : index
      %swap3A_2802 = tpu.vector_load %arg7[%swap3A_2800, %swap3A_2801] {strides = array<i32>} : memref<8x128xf32, #tpu.memory_space<vmem>>, vector<1x16xf32>,
      %swap3A_2803 = vector.shape_cast %swap3A_2802 : vector<1x16xf32> to vector<16xf32>
      %swap3A_2804 = vector.shape_cast %div3A_2798 : vector<16xf32> to vector<1x16xf32>
      tpu.vector_store %arg7[%swap3A_2800, %swap3A_2801], %swap3A_2804 {strides = array<i32>} : memref<8x128xf32, #tpu.memory_space<vmem>>, vector<1x16xf32>,
      %div3A_2805 = arith.divf %select_n3A_2778, %add3A_2790 : vector<16xf32>
      %swap3A_2806 = arith.constant 2 : i32
      %swap3A_2807 = arith.index_cast %swap3A_2806 : i32 to index
      %swap3A_2808 = arith.constant 80 : index
      %swap3A_2809 = tpu.vector_load %arg7[%swap3A_2807, %swap3A_2808] {strides = array<i32>} : memref<8x128xf32, #tpu.memory_space<vmem>>, vector<1x16xf32>,
      %swap3A_2810 = vector.shape_cast %swap3A_2809 : vector<1x16xf32> to vector<16xf32>
      %swap3A_2811 = vector.shape_cast %div3A_2805 : vector<16xf32> to vector<1x16xf32>
      tpu.vector_store %arg7[%swap3A_2807, %swap3A_2808], %swap3A_2811 {strides = array<i32>} : memref<8x128xf32, #tpu.memory_space<vmem>>, vector<1x16xf32>,
      %div3A_2812 = arith.divf %select_n3A_2779, %add3A_2790 : vector<16xf32>
      %swap3A_2813 = arith.constant 3 : i32
      %swap3A_2814 = arith.index_cast %swap3A_2813 : i32 to index
      %swap3A_2815 = arith.constant 80 : index
      %swap3A_2816 = tpu.vector_load %arg7[%swap3A_2814, %swap3A_2815] {strides = array<i32>} : memref<8x128xf32, #tpu.memory_space<vmem>>, vector<1x16xf32>,
      %swap3A_2817 = vector.shape_cast %swap3A_2816 : vector<1x16xf32> to vector<16xf32>
      %swap3A_2818 = vector.shape_cast %div3A_2812 : vector<16xf32> to vector<1x16xf32>
      tpu.vector_store %arg7[%swap3A_2814, %swap3A_2815], %swap3A_2818 {strides = array<i32>} : memref<8x128xf32, #tpu.memory_space<vmem>>, vector<1x16xf32>,
      %div3A_2819 = arith.divf %select_n3A_2780, %add3A_2790 : vector<16xf32>
      %swap3A_2820 = arith.constant 4 : i32
      %swap3A_2821 = arith.index_cast %swap3A_2820 : i32 to index
      %swap3A_2822 = arith.constant 80 : index
      %swap3A_2823 = tpu.vector_load %arg7[%swap3A_2821, %swap3A_2822] {strides = array<i32>} : memref<8x128xf32, #tpu.memory_space<vmem>>, vector<1x16xf32>,
      %swap3A_2824 = vector.shape_cast %swap3A_2823 : vector<1x16xf32> to vector<16xf32>
      %swap3A_2825 = vector.shape_cast %div3A_2819 : vector<16xf32> to vector<1x16xf32>
      tpu.vector_store %arg7[%swap3A_2821, %swap3A_2822], %swap3A_2825 {strides = array<i32>} : memref<8x128xf32, #tpu.memory_space<vmem>>, vector<1x16xf32>,
      %div3A_2826 = arith.divf %select_n3A_2781, %add3A_2790 : vector<16xf32>
      %swap3A_2827 = arith.constant 5 : i32
      %swap3A_2828 = arith.index_cast %swap3A_2827 : i32 to index
      %swap3A_2829 = arith.constant 80 : index
      %swap3A_2830 = tpu.vector_load %arg7[%swap3A_2828, %swap3A_2829] {strides = array<i32>} : memref<8x128xf32, #tpu.memory_space<vmem>>, vector<1x16xf32>,
      %swap3A_2831 = vector.shape_cast %swap3A_2830 : vector<1x16xf32> to vector<16xf32>
      %swap3A_2832 = vector.shape_cast %div3A_2826 : vector<16xf32> to vector<1x16xf32>
      tpu.vector_store %arg7[%swap3A_2828, %swap3A_2829], %swap3A_2832 {strides = array<i32>} : memref<8x128xf32, #tpu.memory_space<vmem>>, vector<1x16xf32>,
      %div3A_2833 = arith.divf %select_n3A_2782, %add3A_2790 : vector<16xf32>
      %swap3A_2834 = arith.constant 6 : i32
      %swap3A_2835 = arith.index_cast %swap3A_2834 : i32 to index
      %swap3A_2836 = arith.constant 80 : index
      %swap3A_2837 = tpu.vector_load %arg7[%swap3A_2835, %swap3A_2836] {strides = array<i32>} : memref<8x128xf32, #tpu.memory_space<vmem>>, vector<1x16xf32>,
      %swap3A_2838 = vector.shape_cast %swap3A_2837 : vector<1x16xf32> to vector<16xf32>
      %swap3A_2839 = vector.shape_cast %div3A_2833 : vector<16xf32> to vector<1x16xf32>
      tpu.vector_store %arg7[%swap3A_2835, %swap3A_2836], %swap3A_2839 {strides = array<i32>} : memref<8x128xf32, #tpu.memory_space<vmem>>, vector<1x16xf32>,
      %div3A_2840 = arith.divf %select_n3A_2783, %add3A_2790 : vector<16xf32>
      %swap3A_2841 = arith.constant 7 : i32
      %swap3A_2842 = arith.index_cast %swap3A_2841 : i32 to index
      %swap3A_2843 = arith.constant 80 : index
      %swap3A_2844 = tpu.vector_load %arg7[%swap3A_2842, %swap3A_2843] {strides = array<i32>} : memref<8x128xf32, #tpu.memory_space<vmem>>, vector<1x16xf32>,
      %swap3A_2845 = vector.shape_cast %swap3A_2844 : vector<1x16xf32> to vector<16xf32>
      %swap3A_2846 = vector.shape_cast %div3A_2840 : vector<16xf32> to vector<1x16xf32>
      tpu.vector_store %arg7[%swap3A_2842, %swap3A_2843], %swap3A_2846 {strides = array<i32>} : memref<8x128xf32, #tpu.memory_space<vmem>>, vector<1x16xf32>,
      %get3A_2847 = arith.constant 0 : i32
      %get3A_2848 = arith.index_cast %get3A_2847 : i32 to index
      %get3A_2849 = arith.constant 96 : index
      %get3A_2850 = tpu.vector_load %arg6[%get3A_2848, %get3A_2849] {strides = array<i32>} : memref<8x128xf32, #tpu.memory_space<vmem>>, vector<1x16xf32>,
      %get3A_2851 = vector.shape_cast %get3A_2850 : vector<1x16xf32> to vector<16xf32>
      %get3A_2852 = arith.constant 1 : i32
      %get3A_2853 = arith.index_cast %get3A_2852 : i32 to index
      %get3A_2854 = arith.constant 96 : index
      %get3A_2855 = tpu.vector_load %arg6[%get3A_2853, %get3A_2854] {strides = array<i32>} : memref<8x128xf32, #tpu.memory_space<vmem>>, vector<1x16xf32>,
      %get3A_2856 = vector.shape_cast %get3A_2855 : vector<1x16xf32> to vector<16xf32>
      %get3A_2857 = arith.constant 2 : i32
      %get3A_2858 = arith.index_cast %get3A_2857 : i32 to index
      %get3A_2859 = arith.constant 96 : index
      %get3A_2860 = tpu.vector_load %arg6[%get3A_2858, %get3A_2859] {strides = array<i32>} : memref<8x128xf32, #tpu.memory_space<vmem>>, vector<1x16xf32>,
      %get3A_2861 = vector.shape_cast %get3A_2860 : vector<1x16xf32> to vector<16xf32>
      %get3A_2862 = arith.constant 3 : i32
      %get3A_2863 = arith.index_cast %get3A_2862 : i32 to index
      %get3A_2864 = arith.constant 96 : index
      %get3A_2865 = tpu.vector_load %arg6[%get3A_2863, %get3A_2864] {strides = array<i32>} : memref<8x128xf32, #tpu.memory_space<vmem>>, vector<1x16xf32>,
      %get3A_2866 = vector.shape_cast %get3A_2865 : vector<1x16xf32> to vector<16xf32>
      %get3A_2867 = arith.constant 4 : i32
      %get3A_2868 = arith.index_cast %get3A_2867 : i32 to index
      %get3A_2869 = arith.constant 96 : index
      %get3A_2870 = tpu.vector_load %arg6[%get3A_2868, %get3A_2869] {strides = array<i32>} : memref<8x128xf32, #tpu.memory_space<vmem>>, vector<1x16xf32>,
      %get3A_2871 = vector.shape_cast %get3A_2870 : vector<1x16xf32> to vector<16xf32>
      %get3A_2872 = arith.constant 5 : i32
      %get3A_2873 = arith.index_cast %get3A_2872 : i32 to index
      %get3A_2874 = arith.constant 96 : index
      %get3A_2875 = tpu.vector_load %arg6[%get3A_2873, %get3A_2874] {strides = array<i32>} : memref<8x128xf32, #tpu.memory_space<vmem>>, vector<1x16xf32>,
      %get3A_2876 = vector.shape_cast %get3A_2875 : vector<1x16xf32> to vector<16xf32>
      %get3A_2877 = arith.constant 6 : i32
      %get3A_2878 = arith.index_cast %get3A_2877 : i32 to index
      %get3A_2879 = arith.constant 96 : index
      %get3A_2880 = tpu.vector_load %arg6[%get3A_2878, %get3A_2879] {strides = array<i32>} : memref<8x128xf32, #tpu.memory_space<vmem>>, vector<1x16xf32>,
      %get3A_2881 = vector.shape_cast %get3A_2880 : vector<1x16xf32> to vector<16xf32>
      %get3A_2882 = arith.constant 7 : i32
      %get3A_2883 = arith.index_cast %get3A_2882 : i32 to index
      %get3A_2884 = arith.constant 96 : index
      %get3A_2885 = tpu.vector_load %arg6[%get3A_2883, %get3A_2884] {strides = array<i32>} : memref<8x128xf32, #tpu.memory_space<vmem>>, vector<1x16xf32>,
      %get3A_2886 = vector.shape_cast %get3A_2885 : vector<1x16xf32> to vector<16xf32>
      %get3A_2887 = arith.constant 0 : i32
      %get3A_2888 = arith.index_cast %get3A_2887 : i32 to index
      %get3A_2889 = arith.constant 96 : index
      %get3A_2890 = tpu.vector_load %arg5[%get3A_2888, %get3A_2889] {strides = array<i32>} : memref<8x128xf32, #tpu.memory_space<vmem>>, vector<1x16xf32>,
      %get3A_2891 = vector.shape_cast %get3A_2890 : vector<1x16xf32> to vector<16xf32>
      %get3A_2892 = arith.constant 1 : i32
      %get3A_2893 = arith.index_cast %get3A_2892 : i32 to index
      %get3A_2894 = arith.constant 96 : index
      %get3A_2895 = tpu.vector_load %arg5[%get3A_2893, %get3A_2894] {strides = array<i32>} : memref<8x128xf32, #tpu.memory_space<vmem>>, vector<1x16xf32>,
      %get3A_2896 = vector.shape_cast %get3A_2895 : vector<1x16xf32> to vector<16xf32>
      %get3A_2897 = arith.constant 2 : i32
      %get3A_2898 = arith.index_cast %get3A_2897 : i32 to index
      %get3A_2899 = arith.constant 96 : index
      %get3A_2900 = tpu.vector_load %arg5[%get3A_2898, %get3A_2899] {strides = array<i32>} : memref<8x128xf32, #tpu.memory_space<vmem>>, vector<1x16xf32>,
      %get3A_2901 = vector.shape_cast %get3A_2900 : vector<1x16xf32> to vector<16xf32>
      %get3A_2902 = arith.constant 3 : i32
      %get3A_2903 = arith.index_cast %get3A_2902 : i32 to index
      %get3A_2904 = arith.constant 96 : index
      %get3A_2905 = tpu.vector_load %arg5[%get3A_2903, %get3A_2904] {strides = array<i32>} : memref<8x128xf32, #tpu.memory_space<vmem>>, vector<1x16xf32>,
      %get3A_2906 = vector.shape_cast %get3A_2905 : vector<1x16xf32> to vector<16xf32>
      %get3A_2907 = arith.constant 4 : i32
      %get3A_2908 = arith.index_cast %get3A_2907 : i32 to index
      %get3A_2909 = arith.constant 96 : index
      %get3A_2910 = tpu.vector_load %arg5[%get3A_2908, %get3A_2909] {strides = array<i32>} : memref<8x128xf32, #tpu.memory_space<vmem>>, vector<1x16xf32>,
      %get3A_2911 = vector.shape_cast %get3A_2910 : vector<1x16xf32> to vector<16xf32>
      %get3A_2912 = arith.constant 5 : i32
      %get3A_2913 = arith.index_cast %get3A_2912 : i32 to index
      %get3A_2914 = arith.constant 96 : index
      %get3A_2915 = tpu.vector_load %arg5[%get3A_2913, %get3A_2914] {strides = array<i32>} : memref<8x128xf32, #tpu.memory_space<vmem>>, vector<1x16xf32>,
      %get3A_2916 = vector.shape_cast %get3A_2915 : vector<1x16xf32> to vector<16xf32>
      %get3A_2917 = arith.constant 6 : i32
      %get3A_2918 = arith.index_cast %get3A_2917 : i32 to index
      %get3A_2919 = arith.constant 96 : index
      %get3A_2920 = tpu.vector_load %arg5[%get3A_2918, %get3A_2919] {strides = array<i32>} : memref<8x128xf32, #tpu.memory_space<vmem>>, vector<1x16xf32>,
      %get3A_2921 = vector.shape_cast %get3A_2920 : vector<1x16xf32> to vector<16xf32>
      %get3A_2922 = arith.constant 7 : i32
      %get3A_2923 = arith.index_cast %get3A_2922 : i32 to index
      %get3A_2924 = arith.constant 96 : index
      %get3A_2925 = tpu.vector_load %arg5[%get3A_2923, %get3A_2924] {strides = array<i32>} : memref<8x128xf32, #tpu.memory_space<vmem>>, vector<1x16xf32>,
      %get3A_2926 = vector.shape_cast %get3A_2925 : vector<1x16xf32> to vector<16xf32>
      %add3A_2927 = arith.addf %get3A_2851, %get3A_2856 : vector<16xf32>
      %add3A_2928 = arith.addf %get3A_2861, %get3A_2866 : vector<16xf32>
      %add3A_2929 = arith.addf %get3A_2871, %get3A_2876 : vector<16xf32>
      %add3A_2930 = arith.addf %get3A_2881, %get3A_2886 : vector<16xf32>
      %broadcast_in_dim3A_2931 = arith.constant 1.000000e+00 : f32
      %broadcast_in_dim3A_2932 = vector.broadcast %broadcast_in_dim3A_2931 : f32 to vector<16xf32>
      %broadcast_in_dim3A_2933 = arith.constant 0.000000e+00 : f32
      %broadcast_in_dim3A_2934 = vector.broadcast %broadcast_in_dim3A_2933 : f32 to vector<16xf32>
      %gt3A_2935 = arith.cmpf ogt, %add3A_2928, %add3A_2927 : vector<16xf32>
      %select_n3A_2936 = arith.select %gt3A_2935, %broadcast_in_dim3A_2932, %broadcast_in_dim3A_2934 : vector<16xi1>, vector<16xf32>
      %add3A_2937 = arith.addf %broadcast_in_dim3A_2934, %select_n3A_2936 : vector<16xf32>
      %gt3A_2938 = arith.cmpf ogt, %add3A_2929, %add3A_2927 : vector<16xf32>
      %select_n3A_2939 = arith.select %gt3A_2938, %broadcast_in_dim3A_2932, %broadcast_in_dim3A_2934 : vector<16xi1>, vector<16xf32>
      %add3A_2940 = arith.addf %add3A_2937, %select_n3A_2939 : vector<16xf32>
      %gt3A_2941 = arith.cmpf ogt, %add3A_2930, %add3A_2927 : vector<16xf32>
      %select_n3A_2942 = arith.select %gt3A_2941, %broadcast_in_dim3A_2932, %broadcast_in_dim3A_2934 : vector<16xi1>, vector<16xf32>
      %add3A_2943 = arith.addf %add3A_2940, %select_n3A_2942 : vector<16xf32>
      %lt3A_2944 = arith.constant 2.000000e+00 : f32
      %lt3A_2945 = vector.broadcast %lt3A_2944 : f32 to vector<16xf32>
      %lt3A_2946 = arith.cmpf olt, %add3A_2943, %lt3A_2945 : vector<16xf32>
      %gt3A_2947 = arith.cmpf ogt, %add3A_2927, %add3A_2928 : vector<16xf32>
      %eq3A_2948 = arith.cmpf oeq, %add3A_2927, %add3A_2928 : vector<16xf32>
      %or3A_2949 = arith.ori %gt3A_2947, %eq3A_2948 : vector<16xi1>
      %select_n3A_2950 = arith.select %or3A_2949, %broadcast_in_dim3A_2932, %broadcast_in_dim3A_2934 : vector<16xi1>, vector<16xf32>
      %add3A_2951 = arith.addf %broadcast_in_dim3A_2934, %select_n3A_2950 : vector<16xf32>
      %gt3A_2952 = arith.cmpf ogt, %add3A_2929, %add3A_2928 : vector<16xf32>
      %select_n3A_2953 = arith.select %gt3A_2952, %broadcast_in_dim3A_2932, %broadcast_in_dim3A_2934 : vector<16xi1>, vector<16xf32>
      %add3A_2954 = arith.addf %add3A_2951, %select_n3A_2953 : vector<16xf32>
      %gt3A_2955 = arith.cmpf ogt, %add3A_2930, %add3A_2928 : vector<16xf32>
      %select_n3A_2956 = arith.select %gt3A_2955, %broadcast_in_dim3A_2932, %broadcast_in_dim3A_2934 : vector<16xi1>, vector<16xf32>
      %add3A_2957 = arith.addf %add3A_2954, %select_n3A_2956 : vector<16xf32>
      %lt3A_2958 = arith.constant 2.000000e+00 : f32
      %lt3A_2959 = vector.broadcast %lt3A_2958 : f32 to vector<16xf32>
      %lt3A_2960 = arith.cmpf olt, %add3A_2957, %lt3A_2959 : vector<16xf32>
      %gt3A_2961 = arith.cmpf ogt, %add3A_2927, %add3A_2929 : vector<16xf32>
      %eq3A_2962 = arith.cmpf oeq, %add3A_2927, %add3A_2929 : vector<16xf32>
      %or3A_2963 = arith.ori %gt3A_2961, %eq3A_2962 : vector<16xi1>
      %select_n3A_2964 = arith.select %or3A_2963, %broadcast_in_dim3A_2932, %broadcast_in_dim3A_2934 : vector<16xi1>, vector<16xf32>
      %add3A_2965 = arith.addf %broadcast_in_dim3A_2934, %select_n3A_2964 : vector<16xf32>
      %gt3A_2966 = arith.cmpf ogt, %add3A_2928, %add3A_2929 : vector<16xf32>
      %eq3A_2967 = arith.cmpf oeq, %add3A_2928, %add3A_2929 : vector<16xf32>
      %or3A_2968 = arith.ori %gt3A_2966, %eq3A_2967 : vector<16xi1>
      %select_n3A_2969 = arith.select %or3A_2968, %broadcast_in_dim3A_2932, %broadcast_in_dim3A_2934 : vector<16xi1>, vector<16xf32>
      %add3A_2970 = arith.addf %add3A_2965, %select_n3A_2969 : vector<16xf32>
      %gt3A_2971 = arith.cmpf ogt, %add3A_2930, %add3A_2929 : vector<16xf32>
      %select_n3A_2972 = arith.select %gt3A_2971, %broadcast_in_dim3A_2932, %broadcast_in_dim3A_2934 : vector<16xi1>, vector<16xf32>
      %add3A_2973 = arith.addf %add3A_2970, %select_n3A_2972 : vector<16xf32>
      %lt3A_2974 = arith.constant 2.000000e+00 : f32
      %lt3A_2975 = vector.broadcast %lt3A_2974 : f32 to vector<16xf32>
      %lt3A_2976 = arith.cmpf olt, %add3A_2973, %lt3A_2975 : vector<16xf32>
      %gt3A_2977 = arith.cmpf ogt, %add3A_2927, %add3A_2930 : vector<16xf32>
      %eq3A_2978 = arith.cmpf oeq, %add3A_2927, %add3A_2930 : vector<16xf32>
      %or3A_2979 = arith.ori %gt3A_2977, %eq3A_2978 : vector<16xi1>
      %select_n3A_2980 = arith.select %or3A_2979, %broadcast_in_dim3A_2932, %broadcast_in_dim3A_2934 : vector<16xi1>, vector<16xf32>
      %add3A_2981 = arith.addf %broadcast_in_dim3A_2934, %select_n3A_2980 : vector<16xf32>
      %gt3A_2982 = arith.cmpf ogt, %add3A_2928, %add3A_2930 : vector<16xf32>
      %eq3A_2983 = arith.cmpf oeq, %add3A_2928, %add3A_2930 : vector<16xf32>
      %or3A_2984 = arith.ori %gt3A_2982, %eq3A_2983 : vector<16xi1>
      %select_n3A_2985 = arith.select %or3A_2984, %broadcast_in_dim3A_2932, %broadcast_in_dim3A_2934 : vector<16xi1>, vector<16xf32>
      %add3A_2986 = arith.addf %add3A_2981, %select_n3A_2985 : vector<16xf32>
      %gt3A_2987 = arith.cmpf ogt, %add3A_2929, %add3A_2930 : vector<16xf32>
      %eq3A_2988 = arith.cmpf oeq, %add3A_2929, %add3A_2930 : vector<16xf32>
      %or3A_2989 = arith.ori %gt3A_2987, %eq3A_2988 : vector<16xi1>
      %select_n3A_2990 = arith.select %or3A_2989, %broadcast_in_dim3A_2932, %broadcast_in_dim3A_2934 : vector<16xi1>, vector<16xf32>
      %add3A_2991 = arith.addf %add3A_2986, %select_n3A_2990 : vector<16xf32>
      %lt3A_2992 = arith.constant 2.000000e+00 : f32
      %lt3A_2993 = vector.broadcast %lt3A_2992 : f32 to vector<16xf32>
      %lt3A_2994 = arith.cmpf olt, %add3A_2991, %lt3A_2993 : vector<16xf32>
      %select_n3A_2995 = arith.select %lt3A_2946, %get3A_2851, %broadcast_in_dim3A_2934 : vector<16xi1>, vector<16xf32>
      %select_n3A_2996 = arith.select %lt3A_2946, %get3A_2856, %broadcast_in_dim3A_2934 : vector<16xi1>, vector<16xf32>
      %select_n3A_2997 = arith.select %lt3A_2960, %get3A_2861, %broadcast_in_dim3A_2934 : vector<16xi1>, vector<16xf32>
      %select_n3A_2998 = arith.select %lt3A_2960, %get3A_2866, %broadcast_in_dim3A_2934 : vector<16xi1>, vector<16xf32>
      %select_n3A_2999 = arith.select %lt3A_2976, %get3A_2871, %broadcast_in_dim3A_2934 : vector<16xi1>, vector<16xf32>
      %select_n3A_3000 = arith.select %lt3A_2976, %get3A_2876, %broadcast_in_dim3A_2934 : vector<16xi1>, vector<16xf32>
      %select_n3A_3001 = arith.select %lt3A_2994, %get3A_2881, %broadcast_in_dim3A_2934 : vector<16xi1>, vector<16xf32>
      %select_n3A_3002 = arith.select %lt3A_2994, %get3A_2886, %broadcast_in_dim3A_2934 : vector<16xi1>, vector<16xf32>
      %gt3A_3003 = arith.cmpf ogt, %select_n3A_2996, %select_n3A_2995 : vector<16xf32>
      %select_n3A_3004 = arith.select %gt3A_3003, %broadcast_in_dim3A_2932, %broadcast_in_dim3A_2934 : vector<16xi1>, vector<16xf32>
      %add3A_3005 = arith.addf %broadcast_in_dim3A_2934, %select_n3A_3004 : vector<16xf32>
      %gt3A_3006 = arith.cmpf ogt, %select_n3A_2997, %select_n3A_2995 : vector<16xf32>
      %select_n3A_3007 = arith.select %gt3A_3006, %broadcast_in_dim3A_2932, %broadcast_in_dim3A_2934 : vector<16xi1>, vector<16xf32>
      %add3A_3008 = arith.addf %add3A_3005, %select_n3A_3007 : vector<16xf32>
      %gt3A_3009 = arith.cmpf ogt, %select_n3A_2998, %select_n3A_2995 : vector<16xf32>
      %select_n3A_3010 = arith.select %gt3A_3009, %broadcast_in_dim3A_2932, %broadcast_in_dim3A_2934 : vector<16xi1>, vector<16xf32>
      %add3A_3011 = arith.addf %add3A_3008, %select_n3A_3010 : vector<16xf32>
      %gt3A_3012 = arith.cmpf ogt, %select_n3A_2999, %select_n3A_2995 : vector<16xf32>
      %select_n3A_3013 = arith.select %gt3A_3012, %broadcast_in_dim3A_2932, %broadcast_in_dim3A_2934 : vector<16xi1>, vector<16xf32>
      %add3A_3014 = arith.addf %add3A_3011, %select_n3A_3013 : vector<16xf32>
      %gt3A_3015 = arith.cmpf ogt, %select_n3A_3000, %select_n3A_2995 : vector<16xf32>
      %select_n3A_3016 = arith.select %gt3A_3015, %broadcast_in_dim3A_2932, %broadcast_in_dim3A_2934 : vector<16xi1>, vector<16xf32>
      %add3A_3017 = arith.addf %add3A_3014, %select_n3A_3016 : vector<16xf32>
      %gt3A_3018 = arith.cmpf ogt, %select_n3A_3001, %select_n3A_2995 : vector<16xf32>
      %select_n3A_3019 = arith.select %gt3A_3018, %broadcast_in_dim3A_2932, %broadcast_in_dim3A_2934 : vector<16xi1>, vector<16xf32>
      %add3A_3020 = arith.addf %add3A_3017, %select_n3A_3019 : vector<16xf32>
      %gt3A_3021 = arith.cmpf ogt, %select_n3A_3002, %select_n3A_2995 : vector<16xf32>
      %select_n3A_3022 = arith.select %gt3A_3021, %broadcast_in_dim3A_2932, %broadcast_in_dim3A_2934 : vector<16xi1>, vector<16xf32>
      %add3A_3023 = arith.addf %add3A_3020, %select_n3A_3022 : vector<16xf32>
      %lt3A_3024 = arith.constant 2.000000e+00 : f32
      %lt3A_3025 = vector.broadcast %lt3A_3024 : f32 to vector<16xf32>
      %lt3A_3026 = arith.cmpf olt, %add3A_3023, %lt3A_3025 : vector<16xf32>
      %gt3A_3027 = arith.cmpf ogt, %select_n3A_2995, %select_n3A_2996 : vector<16xf32>
      %eq3A_3028 = arith.cmpf oeq, %select_n3A_2995, %select_n3A_2996 : vector<16xf32>
      %or3A_3029 = arith.ori %gt3A_3027, %eq3A_3028 : vector<16xi1>
      %select_n3A_3030 = arith.select %or3A_3029, %broadcast_in_dim3A_2932, %broadcast_in_dim3A_2934 : vector<16xi1>, vector<16xf32>
      %add3A_3031 = arith.addf %broadcast_in_dim3A_2934, %select_n3A_3030 : vector<16xf32>
      %gt3A_3032 = arith.cmpf ogt, %select_n3A_2997, %select_n3A_2996 : vector<16xf32>
      %select_n3A_3033 = arith.select %gt3A_3032, %broadcast_in_dim3A_2932, %broadcast_in_dim3A_2934 : vector<16xi1>, vector<16xf32>
      %add3A_3034 = arith.addf %add3A_3031, %select_n3A_3033 : vector<16xf32>
      %gt3A_3035 = arith.cmpf ogt, %select_n3A_2998, %select_n3A_2996 : vector<16xf32>
      %select_n3A_3036 = arith.select %gt3A_3035, %broadcast_in_dim3A_2932, %broadcast_in_dim3A_2934 : vector<16xi1>, vector<16xf32>
      %add3A_3037 = arith.addf %add3A_3034, %select_n3A_3036 : vector<16xf32>
      %gt3A_3038 = arith.cmpf ogt, %select_n3A_2999, %select_n3A_2996 : vector<16xf32>
      %select_n3A_3039 = arith.select %gt3A_3038, %broadcast_in_dim3A_2932, %broadcast_in_dim3A_2934 : vector<16xi1>, vector<16xf32>
      %add3A_3040 = arith.addf %add3A_3037, %select_n3A_3039 : vector<16xf32>
      %gt3A_3041 = arith.cmpf ogt, %select_n3A_3000, %select_n3A_2996 : vector<16xf32>
      %select_n3A_3042 = arith.select %gt3A_3041, %broadcast_in_dim3A_2932, %broadcast_in_dim3A_2934 : vector<16xi1>, vector<16xf32>
      %add3A_3043 = arith.addf %add3A_3040, %select_n3A_3042 : vector<16xf32>
      %gt3A_3044 = arith.cmpf ogt, %select_n3A_3001, %select_n3A_2996 : vector<16xf32>
      %select_n3A_3045 = arith.select %gt3A_3044, %broadcast_in_dim3A_2932, %broadcast_in_dim3A_2934 : vector<16xi1>, vector<16xf32>
      %add3A_3046 = arith.addf %add3A_3043, %select_n3A_3045 : vector<16xf32>
      %gt3A_3047 = arith.cmpf ogt, %select_n3A_3002, %select_n3A_2996 : vector<16xf32>
      %select_n3A_3048 = arith.select %gt3A_3047, %broadcast_in_dim3A_2932, %broadcast_in_dim3A_2934 : vector<16xi1>, vector<16xf32>
      %add3A_3049 = arith.addf %add3A_3046, %select_n3A_3048 : vector<16xf32>
      %lt3A_3050 = arith.constant 2.000000e+00 : f32
      %lt3A_3051 = vector.broadcast %lt3A_3050 : f32 to vector<16xf32>
      %lt3A_3052 = arith.cmpf olt, %add3A_3049, %lt3A_3051 : vector<16xf32>
      %gt3A_3053 = arith.cmpf ogt, %select_n3A_2995, %select_n3A_2997 : vector<16xf32>
      %eq3A_3054 = arith.cmpf oeq, %select_n3A_2995, %select_n3A_2997 : vector<16xf32>
      %or3A_3055 = arith.ori %gt3A_3053, %eq3A_3054 : vector<16xi1>
      %select_n3A_3056 = arith.select %or3A_3055, %broadcast_in_dim3A_2932, %broadcast_in_dim3A_2934 : vector<16xi1>, vector<16xf32>
      %add3A_3057 = arith.addf %broadcast_in_dim3A_2934, %select_n3A_3056 : vector<16xf32>
      %gt3A_3058 = arith.cmpf ogt, %select_n3A_2996, %select_n3A_2997 : vector<16xf32>
      %eq3A_3059 = arith.cmpf oeq, %select_n3A_2996, %select_n3A_2997 : vector<16xf32>
      %or3A_3060 = arith.ori %gt3A_3058, %eq3A_3059 : vector<16xi1>
      %select_n3A_3061 = arith.select %or3A_3060, %broadcast_in_dim3A_2932, %broadcast_in_dim3A_2934 : vector<16xi1>, vector<16xf32>
      %add3A_3062 = arith.addf %add3A_3057, %select_n3A_3061 : vector<16xf32>
      %gt3A_3063 = arith.cmpf ogt, %select_n3A_2998, %select_n3A_2997 : vector<16xf32>
      %select_n3A_3064 = arith.select %gt3A_3063, %broadcast_in_dim3A_2932, %broadcast_in_dim3A_2934 : vector<16xi1>, vector<16xf32>
      %add3A_3065 = arith.addf %add3A_3062, %select_n3A_3064 : vector<16xf32>
      %gt3A_3066 = arith.cmpf ogt, %select_n3A_2999, %select_n3A_2997 : vector<16xf32>
      %select_n3A_3067 = arith.select %gt3A_3066, %broadcast_in_dim3A_2932, %broadcast_in_dim3A_2934 : vector<16xi1>, vector<16xf32>
      %add3A_3068 = arith.addf %add3A_3065, %select_n3A_3067 : vector<16xf32>
      %gt3A_3069 = arith.cmpf ogt, %select_n3A_3000, %select_n3A_2997 : vector<16xf32>
      %select_n3A_3070 = arith.select %gt3A_3069, %broadcast_in_dim3A_2932, %broadcast_in_dim3A_2934 : vector<16xi1>, vector<16xf32>
      %add3A_3071 = arith.addf %add3A_3068, %select_n3A_3070 : vector<16xf32>
      %gt3A_3072 = arith.cmpf ogt, %select_n3A_3001, %select_n3A_2997 : vector<16xf32>
      %select_n3A_3073 = arith.select %gt3A_3072, %broadcast_in_dim3A_2932, %broadcast_in_dim3A_2934 : vector<16xi1>, vector<16xf32>
      %add3A_3074 = arith.addf %add3A_3071, %select_n3A_3073 : vector<16xf32>
      %gt3A_3075 = arith.cmpf ogt, %select_n3A_3002, %select_n3A_2997 : vector<16xf32>
      %select_n3A_3076 = arith.select %gt3A_3075, %broadcast_in_dim3A_2932, %broadcast_in_dim3A_2934 : vector<16xi1>, vector<16xf32>
      %add3A_3077 = arith.addf %add3A_3074, %select_n3A_3076 : vector<16xf32>
      %lt3A_3078 = arith.constant 2.000000e+00 : f32
      %lt3A_3079 = vector.broadcast %lt3A_3078 : f32 to vector<16xf32>
      %lt3A_3080 = arith.cmpf olt, %add3A_3077, %lt3A_3079 : vector<16xf32>
      %gt3A_3081 = arith.cmpf ogt, %select_n3A_2995, %select_n3A_2998 : vector<16xf32>
      %eq3A_3082 = arith.cmpf oeq, %select_n3A_2995, %select_n3A_2998 : vector<16xf32>
      %or3A_3083 = arith.ori %gt3A_3081, %eq3A_3082 : vector<16xi1>
      %select_n3A_3084 = arith.select %or3A_3083, %broadcast_in_dim3A_2932, %broadcast_in_dim3A_2934 : vector<16xi1>, vector<16xf32>
      %add3A_3085 = arith.addf %broadcast_in_dim3A_2934, %select_n3A_3084 : vector<16xf32>
      %gt3A_3086 = arith.cmpf ogt, %select_n3A_2996, %select_n3A_2998 : vector<16xf32>
      %eq3A_3087 = arith.cmpf oeq, %select_n3A_2996, %select_n3A_2998 : vector<16xf32>
      %or3A_3088 = arith.ori %gt3A_3086, %eq3A_3087 : vector<16xi1>
      %select_n3A_3089 = arith.select %or3A_3088, %broadcast_in_dim3A_2932, %broadcast_in_dim3A_2934 : vector<16xi1>, vector<16xf32>
      %add3A_3090 = arith.addf %add3A_3085, %select_n3A_3089 : vector<16xf32>
      %gt3A_3091 = arith.cmpf ogt, %select_n3A_2997, %select_n3A_2998 : vector<16xf32>
      %eq3A_3092 = arith.cmpf oeq, %select_n3A_2997, %select_n3A_2998 : vector<16xf32>
      %or3A_3093 = arith.ori %gt3A_3091, %eq3A_3092 : vector<16xi1>
      %select_n3A_3094 = arith.select %or3A_3093, %broadcast_in_dim3A_2932, %broadcast_in_dim3A_2934 : vector<16xi1>, vector<16xf32>
      %add3A_3095 = arith.addf %add3A_3090, %select_n3A_3094 : vector<16xf32>
      %gt3A_3096 = arith.cmpf ogt, %select_n3A_2999, %select_n3A_2998 : vector<16xf32>
      %select_n3A_3097 = arith.select %gt3A_3096, %broadcast_in_dim3A_2932, %broadcast_in_dim3A_2934 : vector<16xi1>, vector<16xf32>
      %add3A_3098 = arith.addf %add3A_3095, %select_n3A_3097 : vector<16xf32>
      %gt3A_3099 = arith.cmpf ogt, %select_n3A_3000, %select_n3A_2998 : vector<16xf32>
      %select_n3A_3100 = arith.select %gt3A_3099, %broadcast_in_dim3A_2932, %broadcast_in_dim3A_2934 : vector<16xi1>, vector<16xf32>
      %add3A_3101 = arith.addf %add3A_3098, %select_n3A_3100 : vector<16xf32>
      %gt3A_3102 = arith.cmpf ogt, %select_n3A_3001, %select_n3A_2998 : vector<16xf32>
      %select_n3A_3103 = arith.select %gt3A_3102, %broadcast_in_dim3A_2932, %broadcast_in_dim3A_2934 : vector<16xi1>, vector<16xf32>
      %add3A_3104 = arith.addf %add3A_3101, %select_n3A_3103 : vector<16xf32>
      %gt3A_3105 = arith.cmpf ogt, %select_n3A_3002, %select_n3A_2998 : vector<16xf32>
      %select_n3A_3106 = arith.select %gt3A_3105, %broadcast_in_dim3A_2932, %broadcast_in_dim3A_2934 : vector<16xi1>, vector<16xf32>
      %add3A_3107 = arith.addf %add3A_3104, %select_n3A_3106 : vector<16xf32>
      %lt3A_3108 = arith.constant 2.000000e+00 : f32
      %lt3A_3109 = vector.broadcast %lt3A_3108 : f32 to vector<16xf32>
      %lt3A_3110 = arith.cmpf olt, %add3A_3107, %lt3A_3109 : vector<16xf32>
      %gt3A_3111 = arith.cmpf ogt, %select_n3A_2995, %select_n3A_2999 : vector<16xf32>
      %eq3A_3112 = arith.cmpf oeq, %select_n3A_2995, %select_n3A_2999 : vector<16xf32>
      %or3A_3113 = arith.ori %gt3A_3111, %eq3A_3112 : vector<16xi1>
      %select_n3A_3114 = arith.select %or3A_3113, %broadcast_in_dim3A_2932, %broadcast_in_dim3A_2934 : vector<16xi1>, vector<16xf32>
      %add3A_3115 = arith.addf %broadcast_in_dim3A_2934, %select_n3A_3114 : vector<16xf32>
      %gt3A_3116 = arith.cmpf ogt, %select_n3A_2996, %select_n3A_2999 : vector<16xf32>
      %eq3A_3117 = arith.cmpf oeq, %select_n3A_2996, %select_n3A_2999 : vector<16xf32>
      %or3A_3118 = arith.ori %gt3A_3116, %eq3A_3117 : vector<16xi1>
      %select_n3A_3119 = arith.select %or3A_3118, %broadcast_in_dim3A_2932, %broadcast_in_dim3A_2934 : vector<16xi1>, vector<16xf32>
      %add3A_3120 = arith.addf %add3A_3115, %select_n3A_3119 : vector<16xf32>
      %gt3A_3121 = arith.cmpf ogt, %select_n3A_2997, %select_n3A_2999 : vector<16xf32>
      %eq3A_3122 = arith.cmpf oeq, %select_n3A_2997, %select_n3A_2999 : vector<16xf32>
      %or3A_3123 = arith.ori %gt3A_3121, %eq3A_3122 : vector<16xi1>
      %select_n3A_3124 = arith.select %or3A_3123, %broadcast_in_dim3A_2932, %broadcast_in_dim3A_2934 : vector<16xi1>, vector<16xf32>
      %add3A_3125 = arith.addf %add3A_3120, %select_n3A_3124 : vector<16xf32>
      %gt3A_3126 = arith.cmpf ogt, %select_n3A_2998, %select_n3A_2999 : vector<16xf32>
      %eq3A_3127 = arith.cmpf oeq, %select_n3A_2998, %select_n3A_2999 : vector<16xf32>
      %or3A_3128 = arith.ori %gt3A_3126, %eq3A_3127 : vector<16xi1>
      %select_n3A_3129 = arith.select %or3A_3128, %broadcast_in_dim3A_2932, %broadcast_in_dim3A_2934 : vector<16xi1>, vector<16xf32>
      %add3A_3130 = arith.addf %add3A_3125, %select_n3A_3129 : vector<16xf32>
      %gt3A_3131 = arith.cmpf ogt, %select_n3A_3000, %select_n3A_2999 : vector<16xf32>
      %select_n3A_3132 = arith.select %gt3A_3131, %broadcast_in_dim3A_2932, %broadcast_in_dim3A_2934 : vector<16xi1>, vector<16xf32>
      %add3A_3133 = arith.addf %add3A_3130, %select_n3A_3132 : vector<16xf32>
      %gt3A_3134 = arith.cmpf ogt, %select_n3A_3001, %select_n3A_2999 : vector<16xf32>
      %select_n3A_3135 = arith.select %gt3A_3134, %broadcast_in_dim3A_2932, %broadcast_in_dim3A_2934 : vector<16xi1>, vector<16xf32>
      %add3A_3136 = arith.addf %add3A_3133, %select_n3A_3135 : vector<16xf32>
      %gt3A_3137 = arith.cmpf ogt, %select_n3A_3002, %select_n3A_2999 : vector<16xf32>
      %select_n3A_3138 = arith.select %gt3A_3137, %broadcast_in_dim3A_2932, %broadcast_in_dim3A_2934 : vector<16xi1>, vector<16xf32>
      %add3A_3139 = arith.addf %add3A_3136, %select_n3A_3138 : vector<16xf32>
      %lt3A_3140 = arith.constant 2.000000e+00 : f32
      %lt3A_3141 = vector.broadcast %lt3A_3140 : f32 to vector<16xf32>
      %lt3A_3142 = arith.cmpf olt, %add3A_3139, %lt3A_3141 : vector<16xf32>
      %gt3A_3143 = arith.cmpf ogt, %select_n3A_2995, %select_n3A_3000 : vector<16xf32>
      %eq3A_3144 = arith.cmpf oeq, %select_n3A_2995, %select_n3A_3000 : vector<16xf32>
      %or3A_3145 = arith.ori %gt3A_3143, %eq3A_3144 : vector<16xi1>
      %select_n3A_3146 = arith.select %or3A_3145, %broadcast_in_dim3A_2932, %broadcast_in_dim3A_2934 : vector<16xi1>, vector<16xf32>
      %add3A_3147 = arith.addf %broadcast_in_dim3A_2934, %select_n3A_3146 : vector<16xf32>
      %gt3A_3148 = arith.cmpf ogt, %select_n3A_2996, %select_n3A_3000 : vector<16xf32>
      %eq3A_3149 = arith.cmpf oeq, %select_n3A_2996, %select_n3A_3000 : vector<16xf32>
      %or3A_3150 = arith.ori %gt3A_3148, %eq3A_3149 : vector<16xi1>
      %select_n3A_3151 = arith.select %or3A_3150, %broadcast_in_dim3A_2932, %broadcast_in_dim3A_2934 : vector<16xi1>, vector<16xf32>
      %add3A_3152 = arith.addf %add3A_3147, %select_n3A_3151 : vector<16xf32>
      %gt3A_3153 = arith.cmpf ogt, %select_n3A_2997, %select_n3A_3000 : vector<16xf32>
      %eq3A_3154 = arith.cmpf oeq, %select_n3A_2997, %select_n3A_3000 : vector<16xf32>
      %or3A_3155 = arith.ori %gt3A_3153, %eq3A_3154 : vector<16xi1>
      %select_n3A_3156 = arith.select %or3A_3155, %broadcast_in_dim3A_2932, %broadcast_in_dim3A_2934 : vector<16xi1>, vector<16xf32>
      %add3A_3157 = arith.addf %add3A_3152, %select_n3A_3156 : vector<16xf32>
      %gt3A_3158 = arith.cmpf ogt, %select_n3A_2998, %select_n3A_3000 : vector<16xf32>
      %eq3A_3159 = arith.cmpf oeq, %select_n3A_2998, %select_n3A_3000 : vector<16xf32>
      %or3A_3160 = arith.ori %gt3A_3158, %eq3A_3159 : vector<16xi1>
      %select_n3A_3161 = arith.select %or3A_3160, %broadcast_in_dim3A_2932, %broadcast_in_dim3A_2934 : vector<16xi1>, vector<16xf32>
      %add3A_3162 = arith.addf %add3A_3157, %select_n3A_3161 : vector<16xf32>
      %gt3A_3163 = arith.cmpf ogt, %select_n3A_2999, %select_n3A_3000 : vector<16xf32>
      %eq3A_3164 = arith.cmpf oeq, %select_n3A_2999, %select_n3A_3000 : vector<16xf32>
      %or3A_3165 = arith.ori %gt3A_3163, %eq3A_3164 : vector<16xi1>
      %select_n3A_3166 = arith.select %or3A_3165, %broadcast_in_dim3A_2932, %broadcast_in_dim3A_2934 : vector<16xi1>, vector<16xf32>
      %add3A_3167 = arith.addf %add3A_3162, %select_n3A_3166 : vector<16xf32>
      %gt3A_3168 = arith.cmpf ogt, %select_n3A_3001, %select_n3A_3000 : vector<16xf32>
      %select_n3A_3169 = arith.select %gt3A_3168, %broadcast_in_dim3A_2932, %broadcast_in_dim3A_2934 : vector<16xi1>, vector<16xf32>
      %add3A_3170 = arith.addf %add3A_3167, %select_n3A_3169 : vector<16xf32>
      %gt3A_3171 = arith.cmpf ogt, %select_n3A_3002, %select_n3A_3000 : vector<16xf32>
      %select_n3A_3172 = arith.select %gt3A_3171, %broadcast_in_dim3A_2932, %broadcast_in_dim3A_2934 : vector<16xi1>, vector<16xf32>
      %add3A_3173 = arith.addf %add3A_3170, %select_n3A_3172 : vector<16xf32>
      %lt3A_3174 = arith.constant 2.000000e+00 : f32
      %lt3A_3175 = vector.broadcast %lt3A_3174 : f32 to vector<16xf32>
      %lt3A_3176 = arith.cmpf olt, %add3A_3173, %lt3A_3175 : vector<16xf32>
      %gt3A_3177 = arith.cmpf ogt, %select_n3A_2995, %select_n3A_3001 : vector<16xf32>
      %eq3A_3178 = arith.cmpf oeq, %select_n3A_2995, %select_n3A_3001 : vector<16xf32>
      %or3A_3179 = arith.ori %gt3A_3177, %eq3A_3178 : vector<16xi1>
      %select_n3A_3180 = arith.select %or3A_3179, %broadcast_in_dim3A_2932, %broadcast_in_dim3A_2934 : vector<16xi1>, vector<16xf32>
      %add3A_3181 = arith.addf %broadcast_in_dim3A_2934, %select_n3A_3180 : vector<16xf32>
      %gt3A_3182 = arith.cmpf ogt, %select_n3A_2996, %select_n3A_3001 : vector<16xf32>
      %eq3A_3183 = arith.cmpf oeq, %select_n3A_2996, %select_n3A_3001 : vector<16xf32>
      %or3A_3184 = arith.ori %gt3A_3182, %eq3A_3183 : vector<16xi1>
      %select_n3A_3185 = arith.select %or3A_3184, %broadcast_in_dim3A_2932, %broadcast_in_dim3A_2934 : vector<16xi1>, vector<16xf32>
      %add3A_3186 = arith.addf %add3A_3181, %select_n3A_3185 : vector<16xf32>
      %gt3A_3187 = arith.cmpf ogt, %select_n3A_2997, %select_n3A_3001 : vector<16xf32>
      %eq3A_3188 = arith.cmpf oeq, %select_n3A_2997, %select_n3A_3001 : vector<16xf32>
      %or3A_3189 = arith.ori %gt3A_3187, %eq3A_3188 : vector<16xi1>
      %select_n3A_3190 = arith.select %or3A_3189, %broadcast_in_dim3A_2932, %broadcast_in_dim3A_2934 : vector<16xi1>, vector<16xf32>
      %add3A_3191 = arith.addf %add3A_3186, %select_n3A_3190 : vector<16xf32>
      %gt3A_3192 = arith.cmpf ogt, %select_n3A_2998, %select_n3A_3001 : vector<16xf32>
      %eq3A_3193 = arith.cmpf oeq, %select_n3A_2998, %select_n3A_3001 : vector<16xf32>
      %or3A_3194 = arith.ori %gt3A_3192, %eq3A_3193 : vector<16xi1>
      %select_n3A_3195 = arith.select %or3A_3194, %broadcast_in_dim3A_2932, %broadcast_in_dim3A_2934 : vector<16xi1>, vector<16xf32>
      %add3A_3196 = arith.addf %add3A_3191, %select_n3A_3195 : vector<16xf32>
      %gt3A_3197 = arith.cmpf ogt, %select_n3A_2999, %select_n3A_3001 : vector<16xf32>
      %eq3A_3198 = arith.cmpf oeq, %select_n3A_2999, %select_n3A_3001 : vector<16xf32>
      %or3A_3199 = arith.ori %gt3A_3197, %eq3A_3198 : vector<16xi1>
      %select_n3A_3200 = arith.select %or3A_3199, %broadcast_in_dim3A_2932, %broadcast_in_dim3A_2934 : vector<16xi1>, vector<16xf32>
      %add3A_3201 = arith.addf %add3A_3196, %select_n3A_3200 : vector<16xf32>
      %gt3A_3202 = arith.cmpf ogt, %select_n3A_3000, %select_n3A_3001 : vector<16xf32>
      %eq3A_3203 = arith.cmpf oeq, %select_n3A_3000, %select_n3A_3001 : vector<16xf32>
      %or3A_3204 = arith.ori %gt3A_3202, %eq3A_3203 : vector<16xi1>
      %select_n3A_3205 = arith.select %or3A_3204, %broadcast_in_dim3A_2932, %broadcast_in_dim3A_2934 : vector<16xi1>, vector<16xf32>
      %add3A_3206 = arith.addf %add3A_3201, %select_n3A_3205 : vector<16xf32>
      %gt3A_3207 = arith.cmpf ogt, %select_n3A_3002, %select_n3A_3001 : vector<16xf32>
      %select_n3A_3208 = arith.select %gt3A_3207, %broadcast_in_dim3A_2932, %broadcast_in_dim3A_2934 : vector<16xi1>, vector<16xf32>
      %add3A_3209 = arith.addf %add3A_3206, %select_n3A_3208 : vector<16xf32>
      %lt3A_3210 = arith.constant 2.000000e+00 : f32
      %lt3A_3211 = vector.broadcast %lt3A_3210 : f32 to vector<16xf32>
      %lt3A_3212 = arith.cmpf olt, %add3A_3209, %lt3A_3211 : vector<16xf32>
      %gt3A_3213 = arith.cmpf ogt, %select_n3A_2995, %select_n3A_3002 : vector<16xf32>
      %eq3A_3214 = arith.cmpf oeq, %select_n3A_2995, %select_n3A_3002 : vector<16xf32>
      %or3A_3215 = arith.ori %gt3A_3213, %eq3A_3214 : vector<16xi1>
      %select_n3A_3216 = arith.select %or3A_3215, %broadcast_in_dim3A_2932, %broadcast_in_dim3A_2934 : vector<16xi1>, vector<16xf32>
      %add3A_3217 = arith.addf %broadcast_in_dim3A_2934, %select_n3A_3216 : vector<16xf32>
      %gt3A_3218 = arith.cmpf ogt, %select_n3A_2996, %select_n3A_3002 : vector<16xf32>
      %eq3A_3219 = arith.cmpf oeq, %select_n3A_2996, %select_n3A_3002 : vector<16xf32>
      %or3A_3220 = arith.ori %gt3A_3218, %eq3A_3219 : vector<16xi1>
      %select_n3A_3221 = arith.select %or3A_3220, %broadcast_in_dim3A_2932, %broadcast_in_dim3A_2934 : vector<16xi1>, vector<16xf32>
      %add3A_3222 = arith.addf %add3A_3217, %select_n3A_3221 : vector<16xf32>
      %gt3A_3223 = arith.cmpf ogt, %select_n3A_2997, %select_n3A_3002 : vector<16xf32>
      %eq3A_3224 = arith.cmpf oeq, %select_n3A_2997, %select_n3A_3002 : vector<16xf32>
      %or3A_3225 = arith.ori %gt3A_3223, %eq3A_3224 : vector<16xi1>
      %select_n3A_3226 = arith.select %or3A_3225, %broadcast_in_dim3A_2932, %broadcast_in_dim3A_2934 : vector<16xi1>, vector<16xf32>
      %add3A_3227 = arith.addf %add3A_3222, %select_n3A_3226 : vector<16xf32>
      %gt3A_3228 = arith.cmpf ogt, %select_n3A_2998, %select_n3A_3002 : vector<16xf32>
      %eq3A_3229 = arith.cmpf oeq, %select_n3A_2998, %select_n3A_3002 : vector<16xf32>
      %or3A_3230 = arith.ori %gt3A_3228, %eq3A_3229 : vector<16xi1>
      %select_n3A_3231 = arith.select %or3A_3230, %broadcast_in_dim3A_2932, %broadcast_in_dim3A_2934 : vector<16xi1>, vector<16xf32>
      %add3A_3232 = arith.addf %add3A_3227, %select_n3A_3231 : vector<16xf32>
      %gt3A_3233 = arith.cmpf ogt, %select_n3A_2999, %select_n3A_3002 : vector<16xf32>
      %eq3A_3234 = arith.cmpf oeq, %select_n3A_2999, %select_n3A_3002 : vector<16xf32>
      %or3A_3235 = arith.ori %gt3A_3233, %eq3A_3234 : vector<16xi1>
      %select_n3A_3236 = arith.select %or3A_3235, %broadcast_in_dim3A_2932, %broadcast_in_dim3A_2934 : vector<16xi1>, vector<16xf32>
      %add3A_3237 = arith.addf %add3A_3232, %select_n3A_3236 : vector<16xf32>
      %gt3A_3238 = arith.cmpf ogt, %select_n3A_3000, %select_n3A_3002 : vector<16xf32>
      %eq3A_3239 = arith.cmpf oeq, %select_n3A_3000, %select_n3A_3002 : vector<16xf32>
      %or3A_3240 = arith.ori %gt3A_3238, %eq3A_3239 : vector<16xi1>
      %select_n3A_3241 = arith.select %or3A_3240, %broadcast_in_dim3A_2932, %broadcast_in_dim3A_2934 : vector<16xi1>, vector<16xf32>
      %add3A_3242 = arith.addf %add3A_3237, %select_n3A_3241 : vector<16xf32>
      %gt3A_3243 = arith.cmpf ogt, %select_n3A_3001, %select_n3A_3002 : vector<16xf32>
      %eq3A_3244 = arith.cmpf oeq, %select_n3A_3001, %select_n3A_3002 : vector<16xf32>
      %or3A_3245 = arith.ori %gt3A_3243, %eq3A_3244 : vector<16xi1>
      %select_n3A_3246 = arith.select %or3A_3245, %broadcast_in_dim3A_2932, %broadcast_in_dim3A_2934 : vector<16xi1>, vector<16xf32>
      %add3A_3247 = arith.addf %add3A_3242, %select_n3A_3246 : vector<16xf32>
      %lt3A_3248 = arith.constant 2.000000e+00 : f32
      %lt3A_3249 = vector.broadcast %lt3A_3248 : f32 to vector<16xf32>
      %lt3A_3250 = arith.cmpf olt, %add3A_3247, %lt3A_3249 : vector<16xf32>
      %select_n3A_3251 = arith.select %lt3A_3026, %get3A_2891, %broadcast_in_dim3A_2934 : vector<16xi1>, vector<16xf32>
      %select_n3A_3252 = arith.select %lt3A_3052, %get3A_2896, %broadcast_in_dim3A_2934 : vector<16xi1>, vector<16xf32>
      %select_n3A_3253 = arith.select %lt3A_3080, %get3A_2901, %broadcast_in_dim3A_2934 : vector<16xi1>, vector<16xf32>
      %select_n3A_3254 = arith.select %lt3A_3110, %get3A_2906, %broadcast_in_dim3A_2934 : vector<16xi1>, vector<16xf32>
      %select_n3A_3255 = arith.select %lt3A_3142, %get3A_2911, %broadcast_in_dim3A_2934 : vector<16xi1>, vector<16xf32>
      %select_n3A_3256 = arith.select %lt3A_3176, %get3A_2916, %broadcast_in_dim3A_2934 : vector<16xi1>, vector<16xf32>
      %select_n3A_3257 = arith.select %lt3A_3212, %get3A_2921, %broadcast_in_dim3A_2934 : vector<16xi1>, vector<16xf32>
      %select_n3A_3258 = arith.select %lt3A_3250, %get3A_2926, %broadcast_in_dim3A_2934 : vector<16xi1>, vector<16xf32>
      %add3A_3259 = arith.addf %select_n3A_3251, %select_n3A_3252 : vector<16xf32>
      %add3A_3260 = arith.addf %add3A_3259, %select_n3A_3253 : vector<16xf32>
      %add3A_3261 = arith.addf %add3A_3260, %select_n3A_3254 : vector<16xf32>
      %add3A_3262 = arith.addf %add3A_3261, %select_n3A_3255 : vector<16xf32>
      %add3A_3263 = arith.addf %add3A_3262, %select_n3A_3256 : vector<16xf32>
      %add3A_3264 = arith.addf %add3A_3263, %select_n3A_3257 : vector<16xf32>
      %add3A_3265 = arith.addf %add3A_3264, %select_n3A_3258 : vector<16xf32>
      %div3A_3266 = arith.divf %select_n3A_3251, %add3A_3265 : vector<16xf32>
      %swap3A_3267 = arith.constant 0 : i32
      %swap3A_3268 = arith.index_cast %swap3A_3267 : i32 to index
      %swap3A_3269 = arith.constant 96 : index
      %swap3A_3270 = tpu.vector_load %arg7[%swap3A_3268, %swap3A_3269] {strides = array<i32>} : memref<8x128xf32, #tpu.memory_space<vmem>>, vector<1x16xf32>,
      %swap3A_3271 = vector.shape_cast %swap3A_3270 : vector<1x16xf32> to vector<16xf32>
      %swap3A_3272 = vector.shape_cast %div3A_3266 : vector<16xf32> to vector<1x16xf32>
      tpu.vector_store %arg7[%swap3A_3268, %swap3A_3269], %swap3A_3272 {strides = array<i32>} : memref<8x128xf32, #tpu.memory_space<vmem>>, vector<1x16xf32>,
      %div3A_3273 = arith.divf %select_n3A_3252, %add3A_3265 : vector<16xf32>
      %swap3A_3274 = arith.constant 1 : i32
      %swap3A_3275 = arith.index_cast %swap3A_3274 : i32 to index
      %swap3A_3276 = arith.constant 96 : index
      %swap3A_3277 = tpu.vector_load %arg7[%swap3A_3275, %swap3A_3276] {strides = array<i32>} : memref<8x128xf32, #tpu.memory_space<vmem>>, vector<1x16xf32>,
      %swap3A_3278 = vector.shape_cast %swap3A_3277 : vector<1x16xf32> to vector<16xf32>
      %swap3A_3279 = vector.shape_cast %div3A_3273 : vector<16xf32> to vector<1x16xf32>
      tpu.vector_store %arg7[%swap3A_3275, %swap3A_3276], %swap3A_3279 {strides = array<i32>} : memref<8x128xf32, #tpu.memory_space<vmem>>, vector<1x16xf32>,
      %div3A_3280 = arith.divf %select_n3A_3253, %add3A_3265 : vector<16xf32>
      %swap3A_3281 = arith.constant 2 : i32
      %swap3A_3282 = arith.index_cast %swap3A_3281 : i32 to index
      %swap3A_3283 = arith.constant 96 : index
      %swap3A_3284 = tpu.vector_load %arg7[%swap3A_3282, %swap3A_3283] {strides = array<i32>} : memref<8x128xf32, #tpu.memory_space<vmem>>, vector<1x16xf32>,
      %swap3A_3285 = vector.shape_cast %swap3A_3284 : vector<1x16xf32> to vector<16xf32>
      %swap3A_3286 = vector.shape_cast %div3A_3280 : vector<16xf32> to vector<1x16xf32>
      tpu.vector_store %arg7[%swap3A_3282, %swap3A_3283], %swap3A_3286 {strides = array<i32>} : memref<8x128xf32, #tpu.memory_space<vmem>>, vector<1x16xf32>,
      %div3A_3287 = arith.divf %select_n3A_3254, %add3A_3265 : vector<16xf32>
      %swap3A_3288 = arith.constant 3 : i32
      %swap3A_3289 = arith.index_cast %swap3A_3288 : i32 to index
      %swap3A_3290 = arith.constant 96 : index
      %swap3A_3291 = tpu.vector_load %arg7[%swap3A_3289, %swap3A_3290] {strides = array<i32>} : memref<8x128xf32, #tpu.memory_space<vmem>>, vector<1x16xf32>,
      %swap3A_3292 = vector.shape_cast %swap3A_3291 : vector<1x16xf32> to vector<16xf32>
      %swap3A_3293 = vector.shape_cast %div3A_3287 : vector<16xf32> to vector<1x16xf32>
      tpu.vector_store %arg7[%swap3A_3289, %swap3A_3290], %swap3A_3293 {strides = array<i32>} : memref<8x128xf32, #tpu.memory_space<vmem>>, vector<1x16xf32>,
      %div3A_3294 = arith.divf %select_n3A_3255, %add3A_3265 : vector<16xf32>
      %swap3A_3295 = arith.constant 4 : i32
      %swap3A_3296 = arith.index_cast %swap3A_3295 : i32 to index
      %swap3A_3297 = arith.constant 96 : index
      %swap3A_3298 = tpu.vector_load %arg7[%swap3A_3296, %swap3A_3297] {strides = array<i32>} : memref<8x128xf32, #tpu.memory_space<vmem>>, vector<1x16xf32>,
      %swap3A_3299 = vector.shape_cast %swap3A_3298 : vector<1x16xf32> to vector<16xf32>
      %swap3A_3300 = vector.shape_cast %div3A_3294 : vector<16xf32> to vector<1x16xf32>
      tpu.vector_store %arg7[%swap3A_3296, %swap3A_3297], %swap3A_3300 {strides = array<i32>} : memref<8x128xf32, #tpu.memory_space<vmem>>, vector<1x16xf32>,
      %div3A_3301 = arith.divf %select_n3A_3256, %add3A_3265 : vector<16xf32>
      %swap3A_3302 = arith.constant 5 : i32
      %swap3A_3303 = arith.index_cast %swap3A_3302 : i32 to index
      %swap3A_3304 = arith.constant 96 : index
      %swap3A_3305 = tpu.vector_load %arg7[%swap3A_3303, %swap3A_3304] {strides = array<i32>} : memref<8x128xf32, #tpu.memory_space<vmem>>, vector<1x16xf32>,
      %swap3A_3306 = vector.shape_cast %swap3A_3305 : vector<1x16xf32> to vector<16xf32>
      %swap3A_3307 = vector.shape_cast %div3A_3301 : vector<16xf32> to vector<1x16xf32>
      tpu.vector_store %arg7[%swap3A_3303, %swap3A_3304], %swap3A_3307 {strides = array<i32>} : memref<8x128xf32, #tpu.memory_space<vmem>>, vector<1x16xf32>,
      %div3A_3308 = arith.divf %select_n3A_3257, %add3A_3265 : vector<16xf32>
      %swap3A_3309 = arith.constant 6 : i32
      %swap3A_3310 = arith.index_cast %swap3A_3309 : i32 to index
      %swap3A_3311 = arith.constant 96 : index
      %swap3A_3312 = tpu.vector_load %arg7[%swap3A_3310, %swap3A_3311] {strides = array<i32>} : memref<8x128xf32, #tpu.memory_space<vmem>>, vector<1x16xf32>,
      %swap3A_3313 = vector.shape_cast %swap3A_3312 : vector<1x16xf32> to vector<16xf32>
      %swap3A_3314 = vector.shape_cast %div3A_3308 : vector<16xf32> to vector<1x16xf32>
      tpu.vector_store %arg7[%swap3A_3310, %swap3A_3311], %swap3A_3314 {strides = array<i32>} : memref<8x128xf32, #tpu.memory_space<vmem>>, vector<1x16xf32>,
      %div3A_3315 = arith.divf %select_n3A_3258, %add3A_3265 : vector<16xf32>
      %swap3A_3316 = arith.constant 7 : i32
      %swap3A_3317 = arith.index_cast %swap3A_3316 : i32 to index
      %swap3A_3318 = arith.constant 96 : index
      %swap3A_3319 = tpu.vector_load %arg7[%swap3A_3317, %swap3A_3318] {strides = array<i32>} : memref<8x128xf32, #tpu.memory_space<vmem>>, vector<1x16xf32>,
      %swap3A_3320 = vector.shape_cast %swap3A_3319 : vector<1x16xf32> to vector<16xf32>
      %swap3A_3321 = vector.shape_cast %div3A_3315 : vector<16xf32> to vector<1x16xf32>
      tpu.vector_store %arg7[%swap3A_3317, %swap3A_3318], %swap3A_3321 {strides = array<i32>} : memref<8x128xf32, #tpu.memory_space<vmem>>, vector<1x16xf32>,
      %get3A_3322 = arith.constant 0 : i32
      %get3A_3323 = arith.index_cast %get3A_3322 : i32 to index
      %get3A_3324 = arith.constant 112 : index
      %get3A_3325 = tpu.vector_load %arg6[%get3A_3323, %get3A_3324] {strides = array<i32>} : memref<8x128xf32, #tpu.memory_space<vmem>>, vector<1x16xf32>,
      %get3A_3326 = vector.shape_cast %get3A_3325 : vector<1x16xf32> to vector<16xf32>
      %get3A_3327 = arith.constant 1 : i32
      %get3A_3328 = arith.index_cast %get3A_3327 : i32 to index
      %get3A_3329 = arith.constant 112 : index
      %get3A_3330 = tpu.vector_load %arg6[%get3A_3328, %get3A_3329] {strides = array<i32>} : memref<8x128xf32, #tpu.memory_space<vmem>>, vector<1x16xf32>,
      %get3A_3331 = vector.shape_cast %get3A_3330 : vector<1x16xf32> to vector<16xf32>
      %get3A_3332 = arith.constant 2 : i32
      %get3A_3333 = arith.index_cast %get3A_3332 : i32 to index
      %get3A_3334 = arith.constant 112 : index
      %get3A_3335 = tpu.vector_load %arg6[%get3A_3333, %get3A_3334] {strides = array<i32>} : memref<8x128xf32, #tpu.memory_space<vmem>>, vector<1x16xf32>,
      %get3A_3336 = vector.shape_cast %get3A_3335 : vector<1x16xf32> to vector<16xf32>
      %get3A_3337 = arith.constant 3 : i32
      %get3A_3338 = arith.index_cast %get3A_3337 : i32 to index
      %get3A_3339 = arith.constant 112 : index
      %get3A_3340 = tpu.vector_load %arg6[%get3A_3338, %get3A_3339] {strides = array<i32>} : memref<8x128xf32, #tpu.memory_space<vmem>>, vector<1x16xf32>,
      %get3A_3341 = vector.shape_cast %get3A_3340 : vector<1x16xf32> to vector<16xf32>
      %get3A_3342 = arith.constant 4 : i32
      %get3A_3343 = arith.index_cast %get3A_3342 : i32 to index
      %get3A_3344 = arith.constant 112 : index
      %get3A_3345 = tpu.vector_load %arg6[%get3A_3343, %get3A_3344] {strides = array<i32>} : memref<8x128xf32, #tpu.memory_space<vmem>>, vector<1x16xf32>,
      %get3A_3346 = vector.shape_cast %get3A_3345 : vector<1x16xf32> to vector<16xf32>
      %get3A_3347 = arith.constant 5 : i32
      %get3A_3348 = arith.index_cast %get3A_3347 : i32 to index
      %get3A_3349 = arith.constant 112 : index
      %get3A_3350 = tpu.vector_load %arg6[%get3A_3348, %get3A_3349] {strides = array<i32>} : memref<8x128xf32, #tpu.memory_space<vmem>>, vector<1x16xf32>,
      %get3A_3351 = vector.shape_cast %get3A_3350 : vector<1x16xf32> to vector<16xf32>
      %get3A_3352 = arith.constant 6 : i32
      %get3A_3353 = arith.index_cast %get3A_3352 : i32 to index
      %get3A_3354 = arith.constant 112 : index
      %get3A_3355 = tpu.vector_load %arg6[%get3A_3353, %get3A_3354] {strides = array<i32>} : memref<8x128xf32, #tpu.memory_space<vmem>>, vector<1x16xf32>,
      %get3A_3356 = vector.shape_cast %get3A_3355 : vector<1x16xf32> to vector<16xf32>
      %get3A_3357 = arith.constant 7 : i32
      %get3A_3358 = arith.index_cast %get3A_3357 : i32 to index
      %get3A_3359 = arith.constant 112 : index
      %get3A_3360 = tpu.vector_load %arg6[%get3A_3358, %get3A_3359] {strides = array<i32>} : memref<8x128xf32, #tpu.memory_space<vmem>>, vector<1x16xf32>,
      %get3A_3361 = vector.shape_cast %get3A_3360 : vector<1x16xf32> to vector<16xf32>
      %get3A_3362 = arith.constant 0 : i32
      %get3A_3363 = arith.index_cast %get3A_3362 : i32 to index
      %get3A_3364 = arith.constant 112 : index
      %get3A_3365 = tpu.vector_load %arg5[%get3A_3363, %get3A_3364] {strides = array<i32>} : memref<8x128xf32, #tpu.memory_space<vmem>>, vector<1x16xf32>,
      %get3A_3366 = vector.shape_cast %get3A_3365 : vector<1x16xf32> to vector<16xf32>
      %get3A_3367 = arith.constant 1 : i32
      %get3A_3368 = arith.index_cast %get3A_3367 : i32 to index
      %get3A_3369 = arith.constant 112 : index
      %get3A_3370 = tpu.vector_load %arg5[%get3A_3368, %get3A_3369] {strides = array<i32>} : memref<8x128xf32, #tpu.memory_space<vmem>>, vector<1x16xf32>,
      %get3A_3371 = vector.shape_cast %get3A_3370 : vector<1x16xf32> to vector<16xf32>
      %get3A_3372 = arith.constant 2 : i32
      %get3A_3373 = arith.index_cast %get3A_3372 : i32 to index
      %get3A_3374 = arith.constant 112 : index
      %get3A_3375 = tpu.vector_load %arg5[%get3A_3373, %get3A_3374] {strides = array<i32>} : memref<8x128xf32, #tpu.memory_space<vmem>>, vector<1x16xf32>,
      %get3A_3376 = vector.shape_cast %get3A_3375 : vector<1x16xf32> to vector<16xf32>
      %get3A_3377 = arith.constant 3 : i32
      %get3A_3378 = arith.index_cast %get3A_3377 : i32 to index
      %get3A_3379 = arith.constant 112 : index
      %get3A_3380 = tpu.vector_load %arg5[%get3A_3378, %get3A_3379] {strides = array<i32>} : memref<8x128xf32, #tpu.memory_space<vmem>>, vector<1x16xf32>,
      %get3A_3381 = vector.shape_cast %get3A_3380 : vector<1x16xf32> to vector<16xf32>
      %get3A_3382 = arith.constant 4 : i32
      %get3A_3383 = arith.index_cast %get3A_3382 : i32 to index
      %get3A_3384 = arith.constant 112 : index
      %get3A_3385 = tpu.vector_load %arg5[%get3A_3383, %get3A_3384] {strides = array<i32>} : memref<8x128xf32, #tpu.memory_space<vmem>>, vector<1x16xf32>,
      %get3A_3386 = vector.shape_cast %get3A_3385 : vector<1x16xf32> to vector<16xf32>
      %get3A_3387 = arith.constant 5 : i32
      %get3A_3388 = arith.index_cast %get3A_3387 : i32 to index
      %get3A_3389 = arith.constant 112 : index
      %get3A_3390 = tpu.vector_load %arg5[%get3A_3388, %get3A_3389] {strides = array<i32>} : memref<8x128xf32, #tpu.memory_space<vmem>>, vector<1x16xf32>,
      %get3A_3391 = vector.shape_cast %get3A_3390 : vector<1x16xf32> to vector<16xf32>
      %get3A_3392 = arith.constant 6 : i32
      %get3A_3393 = arith.index_cast %get3A_3392 : i32 to index
      %get3A_3394 = arith.constant 112 : index
      %get3A_3395 = tpu.vector_load %arg5[%get3A_3393, %get3A_3394] {strides = array<i32>} : memref<8x128xf32, #tpu.memory_space<vmem>>, vector<1x16xf32>,
      %get3A_3396 = vector.shape_cast %get3A_3395 : vector<1x16xf32> to vector<16xf32>
      %get3A_3397 = arith.constant 7 : i32
      %get3A_3398 = arith.index_cast %get3A_3397 : i32 to index
      %get3A_3399 = arith.constant 112 : index
      %get3A_3400 = tpu.vector_load %arg5[%get3A_3398, %get3A_3399] {strides = array<i32>} : memref<8x128xf32, #tpu.memory_space<vmem>>, vector<1x16xf32>,
      %get3A_3401 = vector.shape_cast %get3A_3400 : vector<1x16xf32> to vector<16xf32>
      %add3A_3402 = arith.addf %get3A_3326, %get3A_3331 : vector<16xf32>
      %add3A_3403 = arith.addf %get3A_3336, %get3A_3341 : vector<16xf32>
      %add3A_3404 = arith.addf %get3A_3346, %get3A_3351 : vector<16xf32>
      %add3A_3405 = arith.addf %get3A_3356, %get3A_3361 : vector<16xf32>
      %broadcast_in_dim3A_3406 = arith.constant 1.000000e+00 : f32
      %broadcast_in_dim3A_3407 = vector.broadcast %broadcast_in_dim3A_3406 : f32 to vector<16xf32>
      %broadcast_in_dim3A_3408 = arith.constant 0.000000e+00 : f32
      %broadcast_in_dim3A_3409 = vector.broadcast %broadcast_in_dim3A_3408 : f32 to vector<16xf32>
      %gt3A_3410 = arith.cmpf ogt, %add3A_3403, %add3A_3402 : vector<16xf32>
      %select_n3A_3411 = arith.select %gt3A_3410, %broadcast_in_dim3A_3407, %broadcast_in_dim3A_3409 : vector<16xi1>, vector<16xf32>
      %add3A_3412 = arith.addf %broadcast_in_dim3A_3409, %select_n3A_3411 : vector<16xf32>
      %gt3A_3413 = arith.cmpf ogt, %add3A_3404, %add3A_3402 : vector<16xf32>
      %select_n3A_3414 = arith.select %gt3A_3413, %broadcast_in_dim3A_3407, %broadcast_in_dim3A_3409 : vector<16xi1>, vector<16xf32>
      %add3A_3415 = arith.addf %add3A_3412, %select_n3A_3414 : vector<16xf32>
      %gt3A_3416 = arith.cmpf ogt, %add3A_3405, %add3A_3402 : vector<16xf32>
      %select_n3A_3417 = arith.select %gt3A_3416, %broadcast_in_dim3A_3407, %broadcast_in_dim3A_3409 : vector<16xi1>, vector<16xf32>
      %add3A_3418 = arith.addf %add3A_3415, %select_n3A_3417 : vector<16xf32>
      %lt3A_3419 = arith.constant 2.000000e+00 : f32
      %lt3A_3420 = vector.broadcast %lt3A_3419 : f32 to vector<16xf32>
      %lt3A_3421 = arith.cmpf olt, %add3A_3418, %lt3A_3420 : vector<16xf32>
      %gt3A_3422 = arith.cmpf ogt, %add3A_3402, %add3A_3403 : vector<16xf32>
      %eq3A_3423 = arith.cmpf oeq, %add3A_3402, %add3A_3403 : vector<16xf32>
      %or3A_3424 = arith.ori %gt3A_3422, %eq3A_3423 : vector<16xi1>
      %select_n3A_3425 = arith.select %or3A_3424, %broadcast_in_dim3A_3407, %broadcast_in_dim3A_3409 : vector<16xi1>, vector<16xf32>
      %add3A_3426 = arith.addf %broadcast_in_dim3A_3409, %select_n3A_3425 : vector<16xf32>
      %gt3A_3427 = arith.cmpf ogt, %add3A_3404, %add3A_3403 : vector<16xf32>
      %select_n3A_3428 = arith.select %gt3A_3427, %broadcast_in_dim3A_3407, %broadcast_in_dim3A_3409 : vector<16xi1>, vector<16xf32>
      %add3A_3429 = arith.addf %add3A_3426, %select_n3A_3428 : vector<16xf32>
      %gt3A_3430 = arith.cmpf ogt, %add3A_3405, %add3A_3403 : vector<16xf32>
      %select_n3A_3431 = arith.select %gt3A_3430, %broadcast_in_dim3A_3407, %broadcast_in_dim3A_3409 : vector<16xi1>, vector<16xf32>
      %add3A_3432 = arith.addf %add3A_3429, %select_n3A_3431 : vector<16xf32>
      %lt3A_3433 = arith.constant 2.000000e+00 : f32
      %lt3A_3434 = vector.broadcast %lt3A_3433 : f32 to vector<16xf32>
      %lt3A_3435 = arith.cmpf olt, %add3A_3432, %lt3A_3434 : vector<16xf32>
      %gt3A_3436 = arith.cmpf ogt, %add3A_3402, %add3A_3404 : vector<16xf32>
      %eq3A_3437 = arith.cmpf oeq, %add3A_3402, %add3A_3404 : vector<16xf32>
      %or3A_3438 = arith.ori %gt3A_3436, %eq3A_3437 : vector<16xi1>
      %select_n3A_3439 = arith.select %or3A_3438, %broadcast_in_dim3A_3407, %broadcast_in_dim3A_3409 : vector<16xi1>, vector<16xf32>
      %add3A_3440 = arith.addf %broadcast_in_dim3A_3409, %select_n3A_3439 : vector<16xf32>
      %gt3A_3441 = arith.cmpf ogt, %add3A_3403, %add3A_3404 : vector<16xf32>
      %eq3A_3442 = arith.cmpf oeq, %add3A_3403, %add3A_3404 : vector<16xf32>
      %or3A_3443 = arith.ori %gt3A_3441, %eq3A_3442 : vector<16xi1>
      %select_n3A_3444 = arith.select %or3A_3443, %broadcast_in_dim3A_3407, %broadcast_in_dim3A_3409 : vector<16xi1>, vector<16xf32>
      %add3A_3445 = arith.addf %add3A_3440, %select_n3A_3444 : vector<16xf32>
      %gt3A_3446 = arith.cmpf ogt, %add3A_3405, %add3A_3404 : vector<16xf32>
      %select_n3A_3447 = arith.select %gt3A_3446, %broadcast_in_dim3A_3407, %broadcast_in_dim3A_3409 : vector<16xi1>, vector<16xf32>
      %add3A_3448 = arith.addf %add3A_3445, %select_n3A_3447 : vector<16xf32>
      %lt3A_3449 = arith.constant 2.000000e+00 : f32
      %lt3A_3450 = vector.broadcast %lt3A_3449 : f32 to vector<16xf32>
      %lt3A_3451 = arith.cmpf olt, %add3A_3448, %lt3A_3450 : vector<16xf32>
      %gt3A_3452 = arith.cmpf ogt, %add3A_3402, %add3A_3405 : vector<16xf32>
      %eq3A_3453 = arith.cmpf oeq, %add3A_3402, %add3A_3405 : vector<16xf32>
      %or3A_3454 = arith.ori %gt3A_3452, %eq3A_3453 : vector<16xi1>
      %select_n3A_3455 = arith.select %or3A_3454, %broadcast_in_dim3A_3407, %broadcast_in_dim3A_3409 : vector<16xi1>, vector<16xf32>
      %add3A_3456 = arith.addf %broadcast_in_dim3A_3409, %select_n3A_3455 : vector<16xf32>
      %gt3A_3457 = arith.cmpf ogt, %add3A_3403, %add3A_3405 : vector<16xf32>
      %eq3A_3458 = arith.cmpf oeq, %add3A_3403, %add3A_3405 : vector<16xf32>
      %or3A_3459 = arith.ori %gt3A_3457, %eq3A_3458 : vector<16xi1>
      %select_n3A_3460 = arith.select %or3A_3459, %broadcast_in_dim3A_3407, %broadcast_in_dim3A_3409 : vector<16xi1>, vector<16xf32>
      %add3A_3461 = arith.addf %add3A_3456, %select_n3A_3460 : vector<16xf32>
      %gt3A_3462 = arith.cmpf ogt, %add3A_3404, %add3A_3405 : vector<16xf32>
      %eq3A_3463 = arith.cmpf oeq, %add3A_3404, %add3A_3405 : vector<16xf32>
      %or3A_3464 = arith.ori %gt3A_3462, %eq3A_3463 : vector<16xi1>
      %select_n3A_3465 = arith.select %or3A_3464, %broadcast_in_dim3A_3407, %broadcast_in_dim3A_3409 : vector<16xi1>, vector<16xf32>
      %add3A_3466 = arith.addf %add3A_3461, %select_n3A_3465 : vector<16xf32>
      %lt3A_3467 = arith.constant 2.000000e+00 : f32
      %lt3A_3468 = vector.broadcast %lt3A_3467 : f32 to vector<16xf32>
      %lt3A_3469 = arith.cmpf olt, %add3A_3466, %lt3A_3468 : vector<16xf32>
      %select_n3A_3470 = arith.select %lt3A_3421, %get3A_3326, %broadcast_in_dim3A_3409 : vector<16xi1>, vector<16xf32>
      %select_n3A_3471 = arith.select %lt3A_3421, %get3A_3331, %broadcast_in_dim3A_3409 : vector<16xi1>, vector<16xf32>
      %select_n3A_3472 = arith.select %lt3A_3435, %get3A_3336, %broadcast_in_dim3A_3409 : vector<16xi1>, vector<16xf32>
      %select_n3A_3473 = arith.select %lt3A_3435, %get3A_3341, %broadcast_in_dim3A_3409 : vector<16xi1>, vector<16xf32>
      %select_n3A_3474 = arith.select %lt3A_3451, %get3A_3346, %broadcast_in_dim3A_3409 : vector<16xi1>, vector<16xf32>
      %select_n3A_3475 = arith.select %lt3A_3451, %get3A_3351, %broadcast_in_dim3A_3409 : vector<16xi1>, vector<16xf32>
      %select_n3A_3476 = arith.select %lt3A_3469, %get3A_3356, %broadcast_in_dim3A_3409 : vector<16xi1>, vector<16xf32>
      %select_n3A_3477 = arith.select %lt3A_3469, %get3A_3361, %broadcast_in_dim3A_3409 : vector<16xi1>, vector<16xf32>
      %gt3A_3478 = arith.cmpf ogt, %select_n3A_3471, %select_n3A_3470 : vector<16xf32>
      %select_n3A_3479 = arith.select %gt3A_3478, %broadcast_in_dim3A_3407, %broadcast_in_dim3A_3409 : vector<16xi1>, vector<16xf32>
      %add3A_3480 = arith.addf %broadcast_in_dim3A_3409, %select_n3A_3479 : vector<16xf32>
      %gt3A_3481 = arith.cmpf ogt, %select_n3A_3472, %select_n3A_3470 : vector<16xf32>
      %select_n3A_3482 = arith.select %gt3A_3481, %broadcast_in_dim3A_3407, %broadcast_in_dim3A_3409 : vector<16xi1>, vector<16xf32>
      %add3A_3483 = arith.addf %add3A_3480, %select_n3A_3482 : vector<16xf32>
      %gt3A_3484 = arith.cmpf ogt, %select_n3A_3473, %select_n3A_3470 : vector<16xf32>
      %select_n3A_3485 = arith.select %gt3A_3484, %broadcast_in_dim3A_3407, %broadcast_in_dim3A_3409 : vector<16xi1>, vector<16xf32>
      %add3A_3486 = arith.addf %add3A_3483, %select_n3A_3485 : vector<16xf32>
      %gt3A_3487 = arith.cmpf ogt, %select_n3A_3474, %select_n3A_3470 : vector<16xf32>
      %select_n3A_3488 = arith.select %gt3A_3487, %broadcast_in_dim3A_3407, %broadcast_in_dim3A_3409 : vector<16xi1>, vector<16xf32>
      %add3A_3489 = arith.addf %add3A_3486, %select_n3A_3488 : vector<16xf32>
      %gt3A_3490 = arith.cmpf ogt, %select_n3A_3475, %select_n3A_3470 : vector<16xf32>
      %select_n3A_3491 = arith.select %gt3A_3490, %broadcast_in_dim3A_3407, %broadcast_in_dim3A_3409 : vector<16xi1>, vector<16xf32>
      %add3A_3492 = arith.addf %add3A_3489, %select_n3A_3491 : vector<16xf32>
      %gt3A_3493 = arith.cmpf ogt, %select_n3A_3476, %select_n3A_3470 : vector<16xf32>
      %select_n3A_3494 = arith.select %gt3A_3493, %broadcast_in_dim3A_3407, %broadcast_in_dim3A_3409 : vector<16xi1>, vector<16xf32>
      %add3A_3495 = arith.addf %add3A_3492, %select_n3A_3494 : vector<16xf32>
      %gt3A_3496 = arith.cmpf ogt, %select_n3A_3477, %select_n3A_3470 : vector<16xf32>
      %select_n3A_3497 = arith.select %gt3A_3496, %broadcast_in_dim3A_3407, %broadcast_in_dim3A_3409 : vector<16xi1>, vector<16xf32>
      %add3A_3498 = arith.addf %add3A_3495, %select_n3A_3497 : vector<16xf32>
      %lt3A_3499 = arith.constant 2.000000e+00 : f32
      %lt3A_3500 = vector.broadcast %lt3A_3499 : f32 to vector<16xf32>
      %lt3A_3501 = arith.cmpf olt, %add3A_3498, %lt3A_3500 : vector<16xf32>
      %gt3A_3502 = arith.cmpf ogt, %select_n3A_3470, %select_n3A_3471 : vector<16xf32>
      %eq3A_3503 = arith.cmpf oeq, %select_n3A_3470, %select_n3A_3471 : vector<16xf32>
      %or3A_3504 = arith.ori %gt3A_3502, %eq3A_3503 : vector<16xi1>
      %select_n3A_3505 = arith.select %or3A_3504, %broadcast_in_dim3A_3407, %broadcast_in_dim3A_3409 : vector<16xi1>, vector<16xf32>
      %add3A_3506 = arith.addf %broadcast_in_dim3A_3409, %select_n3A_3505 : vector<16xf32>
      %gt3A_3507 = arith.cmpf ogt, %select_n3A_3472, %select_n3A_3471 : vector<16xf32>
      %select_n3A_3508 = arith.select %gt3A_3507, %broadcast_in_dim3A_3407, %broadcast_in_dim3A_3409 : vector<16xi1>, vector<16xf32>
      %add3A_3509 = arith.addf %add3A_3506, %select_n3A_3508 : vector<16xf32>
      %gt3A_3510 = arith.cmpf ogt, %select_n3A_3473, %select_n3A_3471 : vector<16xf32>
      %select_n3A_3511 = arith.select %gt3A_3510, %broadcast_in_dim3A_3407, %broadcast_in_dim3A_3409 : vector<16xi1>, vector<16xf32>
      %add3A_3512 = arith.addf %add3A_3509, %select_n3A_3511 : vector<16xf32>
      %gt3A_3513 = arith.cmpf ogt, %select_n3A_3474, %select_n3A_3471 : vector<16xf32>
      %select_n3A_3514 = arith.select %gt3A_3513, %broadcast_in_dim3A_3407, %broadcast_in_dim3A_3409 : vector<16xi1>, vector<16xf32>
      %add3A_3515 = arith.addf %add3A_3512, %select_n3A_3514 : vector<16xf32>
      %gt3A_3516 = arith.cmpf ogt, %select_n3A_3475, %select_n3A_3471 : vector<16xf32>
      %select_n3A_3517 = arith.select %gt3A_3516, %broadcast_in_dim3A_3407, %broadcast_in_dim3A_3409 : vector<16xi1>, vector<16xf32>
      %add3A_3518 = arith.addf %add3A_3515, %select_n3A_3517 : vector<16xf32>
      %gt3A_3519 = arith.cmpf ogt, %select_n3A_3476, %select_n3A_3471 : vector<16xf32>
      %select_n3A_3520 = arith.select %gt3A_3519, %broadcast_in_dim3A_3407, %broadcast_in_dim3A_3409 : vector<16xi1>, vector<16xf32>
      %add3A_3521 = arith.addf %add3A_3518, %select_n3A_3520 : vector<16xf32>
      %gt3A_3522 = arith.cmpf ogt, %select_n3A_3477, %select_n3A_3471 : vector<16xf32>
      %select_n3A_3523 = arith.select %gt3A_3522, %broadcast_in_dim3A_3407, %broadcast_in_dim3A_3409 : vector<16xi1>, vector<16xf32>
      %add3A_3524 = arith.addf %add3A_3521, %select_n3A_3523 : vector<16xf32>
      %lt3A_3525 = arith.constant 2.000000e+00 : f32
      %lt3A_3526 = vector.broadcast %lt3A_3525 : f32 to vector<16xf32>
      %lt3A_3527 = arith.cmpf olt, %add3A_3524, %lt3A_3526 : vector<16xf32>
      %gt3A_3528 = arith.cmpf ogt, %select_n3A_3470, %select_n3A_3472 : vector<16xf32>
      %eq3A_3529 = arith.cmpf oeq, %select_n3A_3470, %select_n3A_3472 : vector<16xf32>
      %or3A_3530 = arith.ori %gt3A_3528, %eq3A_3529 : vector<16xi1>
      %select_n3A_3531 = arith.select %or3A_3530, %broadcast_in_dim3A_3407, %broadcast_in_dim3A_3409 : vector<16xi1>, vector<16xf32>
      %add3A_3532 = arith.addf %broadcast_in_dim3A_3409, %select_n3A_3531 : vector<16xf32>
      %gt3A_3533 = arith.cmpf ogt, %select_n3A_3471, %select_n3A_3472 : vector<16xf32>
      %eq3A_3534 = arith.cmpf oeq, %select_n3A_3471, %select_n3A_3472 : vector<16xf32>
      %or3A_3535 = arith.ori %gt3A_3533, %eq3A_3534 : vector<16xi1>
      %select_n3A_3536 = arith.select %or3A_3535, %broadcast_in_dim3A_3407, %broadcast_in_dim3A_3409 : vector<16xi1>, vector<16xf32>
      %add3A_3537 = arith.addf %add3A_3532, %select_n3A_3536 : vector<16xf32>
      %gt3A_3538 = arith.cmpf ogt, %select_n3A_3473, %select_n3A_3472 : vector<16xf32>
      %select_n3A_3539 = arith.select %gt3A_3538, %broadcast_in_dim3A_3407, %broadcast_in_dim3A_3409 : vector<16xi1>, vector<16xf32>
      %add3A_3540 = arith.addf %add3A_3537, %select_n3A_3539 : vector<16xf32>
      %gt3A_3541 = arith.cmpf ogt, %select_n3A_3474, %select_n3A_3472 : vector<16xf32>
      %select_n3A_3542 = arith.select %gt3A_3541, %broadcast_in_dim3A_3407, %broadcast_in_dim3A_3409 : vector<16xi1>, vector<16xf32>
      %add3A_3543 = arith.addf %add3A_3540, %select_n3A_3542 : vector<16xf32>
      %gt3A_3544 = arith.cmpf ogt, %select_n3A_3475, %select_n3A_3472 : vector<16xf32>
      %select_n3A_3545 = arith.select %gt3A_3544, %broadcast_in_dim3A_3407, %broadcast_in_dim3A_3409 : vector<16xi1>, vector<16xf32>
      %add3A_3546 = arith.addf %add3A_3543, %select_n3A_3545 : vector<16xf32>
      %gt3A_3547 = arith.cmpf ogt, %select_n3A_3476, %select_n3A_3472 : vector<16xf32>
      %select_n3A_3548 = arith.select %gt3A_3547, %broadcast_in_dim3A_3407, %broadcast_in_dim3A_3409 : vector<16xi1>, vector<16xf32>
      %add3A_3549 = arith.addf %add3A_3546, %select_n3A_3548 : vector<16xf32>
      %gt3A_3550 = arith.cmpf ogt, %select_n3A_3477, %select_n3A_3472 : vector<16xf32>
      %select_n3A_3551 = arith.select %gt3A_3550, %broadcast_in_dim3A_3407, %broadcast_in_dim3A_3409 : vector<16xi1>, vector<16xf32>
      %add3A_3552 = arith.addf %add3A_3549, %select_n3A_3551 : vector<16xf32>
      %lt3A_3553 = arith.constant 2.000000e+00 : f32
      %lt3A_3554 = vector.broadcast %lt3A_3553 : f32 to vector<16xf32>
      %lt3A_3555 = arith.cmpf olt, %add3A_3552, %lt3A_3554 : vector<16xf32>
      %gt3A_3556 = arith.cmpf ogt, %select_n3A_3470, %select_n3A_3473 : vector<16xf32>
      %eq3A_3557 = arith.cmpf oeq, %select_n3A_3470, %select_n3A_3473 : vector<16xf32>
      %or3A_3558 = arith.ori %gt3A_3556, %eq3A_3557 : vector<16xi1>
      %select_n3A_3559 = arith.select %or3A_3558, %broadcast_in_dim3A_3407, %broadcast_in_dim3A_3409 : vector<16xi1>, vector<16xf32>
      %add3A_3560 = arith.addf %broadcast_in_dim3A_3409, %select_n3A_3559 : vector<16xf32>
      %gt3A_3561 = arith.cmpf ogt, %select_n3A_3471, %select_n3A_3473 : vector<16xf32>
      %eq3A_3562 = arith.cmpf oeq, %select_n3A_3471, %select_n3A_3473 : vector<16xf32>
      %or3A_3563 = arith.ori %gt3A_3561, %eq3A_3562 : vector<16xi1>
      %select_n3A_3564 = arith.select %or3A_3563, %broadcast_in_dim3A_3407, %broadcast_in_dim3A_3409 : vector<16xi1>, vector<16xf32>
      %add3A_3565 = arith.addf %add3A_3560, %select_n3A_3564 : vector<16xf32>
      %gt3A_3566 = arith.cmpf ogt, %select_n3A_3472, %select_n3A_3473 : vector<16xf32>
      %eq3A_3567 = arith.cmpf oeq, %select_n3A_3472, %select_n3A_3473 : vector<16xf32>
      %or3A_3568 = arith.ori %gt3A_3566, %eq3A_3567 : vector<16xi1>
      %select_n3A_3569 = arith.select %or3A_3568, %broadcast_in_dim3A_3407, %broadcast_in_dim3A_3409 : vector<16xi1>, vector<16xf32>
      %add3A_3570 = arith.addf %add3A_3565, %select_n3A_3569 : vector<16xf32>
      %gt3A_3571 = arith.cmpf ogt, %select_n3A_3474, %select_n3A_3473 : vector<16xf32>
      %select_n3A_3572 = arith.select %gt3A_3571, %broadcast_in_dim3A_3407, %broadcast_in_dim3A_3409 : vector<16xi1>, vector<16xf32>
      %add3A_3573 = arith.addf %add3A_3570, %select_n3A_3572 : vector<16xf32>
      %gt3A_3574 = arith.cmpf ogt, %select_n3A_3475, %select_n3A_3473 : vector<16xf32>
      %select_n3A_3575 = arith.select %gt3A_3574, %broadcast_in_dim3A_3407, %broadcast_in_dim3A_3409 : vector<16xi1>, vector<16xf32>
      %add3A_3576 = arith.addf %add3A_3573, %select_n3A_3575 : vector<16xf32>
      %gt3A_3577 = arith.cmpf ogt, %select_n3A_3476, %select_n3A_3473 : vector<16xf32>
      %select_n3A_3578 = arith.select %gt3A_3577, %broadcast_in_dim3A_3407, %broadcast_in_dim3A_3409 : vector<16xi1>, vector<16xf32>
      %add3A_3579 = arith.addf %add3A_3576, %select_n3A_3578 : vector<16xf32>
      %gt3A_3580 = arith.cmpf ogt, %select_n3A_3477, %select_n3A_3473 : vector<16xf32>
      %select_n3A_3581 = arith.select %gt3A_3580, %broadcast_in_dim3A_3407, %broadcast_in_dim3A_3409 : vector<16xi1>, vector<16xf32>
      %add3A_3582 = arith.addf %add3A_3579, %select_n3A_3581 : vector<16xf32>
      %lt3A_3583 = arith.constant 2.000000e+00 : f32
      %lt3A_3584 = vector.broadcast %lt3A_3583 : f32 to vector<16xf32>
      %lt3A_3585 = arith.cmpf olt, %add3A_3582, %lt3A_3584 : vector<16xf32>
      %gt3A_3586 = arith.cmpf ogt, %select_n3A_3470, %select_n3A_3474 : vector<16xf32>
      %eq3A_3587 = arith.cmpf oeq, %select_n3A_3470, %select_n3A_3474 : vector<16xf32>
      %or3A_3588 = arith.ori %gt3A_3586, %eq3A_3587 : vector<16xi1>
      %select_n3A_3589 = arith.select %or3A_3588, %broadcast_in_dim3A_3407, %broadcast_in_dim3A_3409 : vector<16xi1>, vector<16xf32>
      %add3A_3590 = arith.addf %broadcast_in_dim3A_3409, %select_n3A_3589 : vector<16xf32>
      %gt3A_3591 = arith.cmpf ogt, %select_n3A_3471, %select_n3A_3474 : vector<16xf32>
      %eq3A_3592 = arith.cmpf oeq, %select_n3A_3471, %select_n3A_3474 : vector<16xf32>
      %or3A_3593 = arith.ori %gt3A_3591, %eq3A_3592 : vector<16xi1>
      %select_n3A_3594 = arith.select %or3A_3593, %broadcast_in_dim3A_3407, %broadcast_in_dim3A_3409 : vector<16xi1>, vector<16xf32>
      %add3A_3595 = arith.addf %add3A_3590, %select_n3A_3594 : vector<16xf32>
      %gt3A_3596 = arith.cmpf ogt, %select_n3A_3472, %select_n3A_3474 : vector<16xf32>
      %eq3A_3597 = arith.cmpf oeq, %select_n3A_3472, %select_n3A_3474 : vector<16xf32>
      %or3A_3598 = arith.ori %gt3A_3596, %eq3A_3597 : vector<16xi1>
      %select_n3A_3599 = arith.select %or3A_3598, %broadcast_in_dim3A_3407, %broadcast_in_dim3A_3409 : vector<16xi1>, vector<16xf32>
      %add3A_3600 = arith.addf %add3A_3595, %select_n3A_3599 : vector<16xf32>
      %gt3A_3601 = arith.cmpf ogt, %select_n3A_3473, %select_n3A_3474 : vector<16xf32>
      %eq3A_3602 = arith.cmpf oeq, %select_n3A_3473, %select_n3A_3474 : vector<16xf32>
      %or3A_3603 = arith.ori %gt3A_3601, %eq3A_3602 : vector<16xi1>
      %select_n3A_3604 = arith.select %or3A_3603, %broadcast_in_dim3A_3407, %broadcast_in_dim3A_3409 : vector<16xi1>, vector<16xf32>
      %add3A_3605 = arith.addf %add3A_3600, %select_n3A_3604 : vector<16xf32>
      %gt3A_3606 = arith.cmpf ogt, %select_n3A_3475, %select_n3A_3474 : vector<16xf32>
      %select_n3A_3607 = arith.select %gt3A_3606, %broadcast_in_dim3A_3407, %broadcast_in_dim3A_3409 : vector<16xi1>, vector<16xf32>
      %add3A_3608 = arith.addf %add3A_3605, %select_n3A_3607 : vector<16xf32>
      %gt3A_3609 = arith.cmpf ogt, %select_n3A_3476, %select_n3A_3474 : vector<16xf32>
      %select_n3A_3610 = arith.select %gt3A_3609, %broadcast_in_dim3A_3407, %broadcast_in_dim3A_3409 : vector<16xi1>, vector<16xf32>
      %add3A_3611 = arith.addf %add3A_3608, %select_n3A_3610 : vector<16xf32>
      %gt3A_3612 = arith.cmpf ogt, %select_n3A_3477, %select_n3A_3474 : vector<16xf32>
      %select_n3A_3613 = arith.select %gt3A_3612, %broadcast_in_dim3A_3407, %broadcast_in_dim3A_3409 : vector<16xi1>, vector<16xf32>
      %add3A_3614 = arith.addf %add3A_3611, %select_n3A_3613 : vector<16xf32>
      %lt3A_3615 = arith.constant 2.000000e+00 : f32
      %lt3A_3616 = vector.broadcast %lt3A_3615 : f32 to vector<16xf32>
      %lt3A_3617 = arith.cmpf olt, %add3A_3614, %lt3A_3616 : vector<16xf32>
      %gt3A_3618 = arith.cmpf ogt, %select_n3A_3470, %select_n3A_3475 : vector<16xf32>
      %eq3A_3619 = arith.cmpf oeq, %select_n3A_3470, %select_n3A_3475 : vector<16xf32>
      %or3A_3620 = arith.ori %gt3A_3618, %eq3A_3619 : vector<16xi1>
      %select_n3A_3621 = arith.select %or3A_3620, %broadcast_in_dim3A_3407, %broadcast_in_dim3A_3409 : vector<16xi1>, vector<16xf32>
      %add3A_3622 = arith.addf %broadcast_in_dim3A_3409, %select_n3A_3621 : vector<16xf32>
      %gt3A_3623 = arith.cmpf ogt, %select_n3A_3471, %select_n3A_3475 : vector<16xf32>
      %eq3A_3624 = arith.cmpf oeq, %select_n3A_3471, %select_n3A_3475 : vector<16xf32>
      %or3A_3625 = arith.ori %gt3A_3623, %eq3A_3624 : vector<16xi1>
      %select_n3A_3626 = arith.select %or3A_3625, %broadcast_in_dim3A_3407, %broadcast_in_dim3A_3409 : vector<16xi1>, vector<16xf32>
      %add3A_3627 = arith.addf %add3A_3622, %select_n3A_3626 : vector<16xf32>
      %gt3A_3628 = arith.cmpf ogt, %select_n3A_3472, %select_n3A_3475 : vector<16xf32>
      %eq3A_3629 = arith.cmpf oeq, %select_n3A_3472, %select_n3A_3475 : vector<16xf32>
      %or3A_3630 = arith.ori %gt3A_3628, %eq3A_3629 : vector<16xi1>
      %select_n3A_3631 = arith.select %or3A_3630, %broadcast_in_dim3A_3407, %broadcast_in_dim3A_3409 : vector<16xi1>, vector<16xf32>
      %add3A_3632 = arith.addf %add3A_3627, %select_n3A_3631 : vector<16xf32>
      %gt3A_3633 = arith.cmpf ogt, %select_n3A_3473, %select_n3A_3475 : vector<16xf32>
      %eq3A_3634 = arith.cmpf oeq, %select_n3A_3473, %select_n3A_3475 : vector<16xf32>
      %or3A_3635 = arith.ori %gt3A_3633, %eq3A_3634 : vector<16xi1>
      %select_n3A_3636 = arith.select %or3A_3635, %broadcast_in_dim3A_3407, %broadcast_in_dim3A_3409 : vector<16xi1>, vector<16xf32>
      %add3A_3637 = arith.addf %add3A_3632, %select_n3A_3636 : vector<16xf32>
      %gt3A_3638 = arith.cmpf ogt, %select_n3A_3474, %select_n3A_3475 : vector<16xf32>
      %eq3A_3639 = arith.cmpf oeq, %select_n3A_3474, %select_n3A_3475 : vector<16xf32>
      %or3A_3640 = arith.ori %gt3A_3638, %eq3A_3639 : vector<16xi1>
      %select_n3A_3641 = arith.select %or3A_3640, %broadcast_in_dim3A_3407, %broadcast_in_dim3A_3409 : vector<16xi1>, vector<16xf32>
      %add3A_3642 = arith.addf %add3A_3637, %select_n3A_3641 : vector<16xf32>
      %gt3A_3643 = arith.cmpf ogt, %select_n3A_3476, %select_n3A_3475 : vector<16xf32>
      %select_n3A_3644 = arith.select %gt3A_3643, %broadcast_in_dim3A_3407, %broadcast_in_dim3A_3409 : vector<16xi1>, vector<16xf32>
      %add3A_3645 = arith.addf %add3A_3642, %select_n3A_3644 : vector<16xf32>
      %gt3A_3646 = arith.cmpf ogt, %select_n3A_3477, %select_n3A_3475 : vector<16xf32>
      %select_n3A_3647 = arith.select %gt3A_3646, %broadcast_in_dim3A_3407, %broadcast_in_dim3A_3409 : vector<16xi1>, vector<16xf32>
      %add3A_3648 = arith.addf %add3A_3645, %select_n3A_3647 : vector<16xf32>
      %lt3A_3649 = arith.constant 2.000000e+00 : f32
      %lt3A_3650 = vector.broadcast %lt3A_3649 : f32 to vector<16xf32>
      %lt3A_3651 = arith.cmpf olt, %add3A_3648, %lt3A_3650 : vector<16xf32>
      %gt3A_3652 = arith.cmpf ogt, %select_n3A_3470, %select_n3A_3476 : vector<16xf32>
      %eq3A_3653 = arith.cmpf oeq, %select_n3A_3470, %select_n3A_3476 : vector<16xf32>
      %or3A_3654 = arith.ori %gt3A_3652, %eq3A_3653 : vector<16xi1>
      %select_n3A_3655 = arith.select %or3A_3654, %broadcast_in_dim3A_3407, %broadcast_in_dim3A_3409 : vector<16xi1>, vector<16xf32>
      %add3A_3656 = arith.addf %broadcast_in_dim3A_3409, %select_n3A_3655 : vector<16xf32>
      %gt3A_3657 = arith.cmpf ogt, %select_n3A_3471, %select_n3A_3476 : vector<16xf32>
      %eq3A_3658 = arith.cmpf oeq, %select_n3A_3471, %select_n3A_3476 : vector<16xf32>
      %or3A_3659 = arith.ori %gt3A_3657, %eq3A_3658 : vector<16xi1>
      %select_n3A_3660 = arith.select %or3A_3659, %broadcast_in_dim3A_3407, %broadcast_in_dim3A_3409 : vector<16xi1>, vector<16xf32>
      %add3A_3661 = arith.addf %add3A_3656, %select_n3A_3660 : vector<16xf32>
      %gt3A_3662 = arith.cmpf ogt, %select_n3A_3472, %select_n3A_3476 : vector<16xf32>
      %eq3A_3663 = arith.cmpf oeq, %select_n3A_3472, %select_n3A_3476 : vector<16xf32>
      %or3A_3664 = arith.ori %gt3A_3662, %eq3A_3663 : vector<16xi1>
      %select_n3A_3665 = arith.select %or3A_3664, %broadcast_in_dim3A_3407, %broadcast_in_dim3A_3409 : vector<16xi1>, vector<16xf32>
      %add3A_3666 = arith.addf %add3A_3661, %select_n3A_3665 : vector<16xf32>
      %gt3A_3667 = arith.cmpf ogt, %select_n3A_3473, %select_n3A_3476 : vector<16xf32>
      %eq3A_3668 = arith.cmpf oeq, %select_n3A_3473, %select_n3A_3476 : vector<16xf32>
      %or3A_3669 = arith.ori %gt3A_3667, %eq3A_3668 : vector<16xi1>
      %select_n3A_3670 = arith.select %or3A_3669, %broadcast_in_dim3A_3407, %broadcast_in_dim3A_3409 : vector<16xi1>, vector<16xf32>
      %add3A_3671 = arith.addf %add3A_3666, %select_n3A_3670 : vector<16xf32>
      %gt3A_3672 = arith.cmpf ogt, %select_n3A_3474, %select_n3A_3476 : vector<16xf32>
      %eq3A_3673 = arith.cmpf oeq, %select_n3A_3474, %select_n3A_3476 : vector<16xf32>
      %or3A_3674 = arith.ori %gt3A_3672, %eq3A_3673 : vector<16xi1>
      %select_n3A_3675 = arith.select %or3A_3674, %broadcast_in_dim3A_3407, %broadcast_in_dim3A_3409 : vector<16xi1>, vector<16xf32>
      %add3A_3676 = arith.addf %add3A_3671, %select_n3A_3675 : vector<16xf32>
      %gt3A_3677 = arith.cmpf ogt, %select_n3A_3475, %select_n3A_3476 : vector<16xf32>
      %eq3A_3678 = arith.cmpf oeq, %select_n3A_3475, %select_n3A_3476 : vector<16xf32>
      %or3A_3679 = arith.ori %gt3A_3677, %eq3A_3678 : vector<16xi1>
      %select_n3A_3680 = arith.select %or3A_3679, %broadcast_in_dim3A_3407, %broadcast_in_dim3A_3409 : vector<16xi1>, vector<16xf32>
      %add3A_3681 = arith.addf %add3A_3676, %select_n3A_3680 : vector<16xf32>
      %gt3A_3682 = arith.cmpf ogt, %select_n3A_3477, %select_n3A_3476 : vector<16xf32>
      %select_n3A_3683 = arith.select %gt3A_3682, %broadcast_in_dim3A_3407, %broadcast_in_dim3A_3409 : vector<16xi1>, vector<16xf32>
      %add3A_3684 = arith.addf %add3A_3681, %select_n3A_3683 : vector<16xf32>
      %lt3A_3685 = arith.constant 2.000000e+00 : f32
      %lt3A_3686 = vector.broadcast %lt3A_3685 : f32 to vector<16xf32>
      %lt3A_3687 = arith.cmpf olt, %add3A_3684, %lt3A_3686 : vector<16xf32>
      %gt3A_3688 = arith.cmpf ogt, %select_n3A_3470, %select_n3A_3477 : vector<16xf32>
      %eq3A_3689 = arith.cmpf oeq, %select_n3A_3470, %select_n3A_3477 : vector<16xf32>
      %or3A_3690 = arith.ori %gt3A_3688, %eq3A_3689 : vector<16xi1>
      %select_n3A_3691 = arith.select %or3A_3690, %broadcast_in_dim3A_3407, %broadcast_in_dim3A_3409 : vector<16xi1>, vector<16xf32>
      %add3A_3692 = arith.addf %broadcast_in_dim3A_3409, %select_n3A_3691 : vector<16xf32>
      %gt3A_3693 = arith.cmpf ogt, %select_n3A_3471, %select_n3A_3477 : vector<16xf32>
      %eq3A_3694 = arith.cmpf oeq, %select_n3A_3471, %select_n3A_3477 : vector<16xf32>
      %or3A_3695 = arith.ori %gt3A_3693, %eq3A_3694 : vector<16xi1>
      %select_n3A_3696 = arith.select %or3A_3695, %broadcast_in_dim3A_3407, %broadcast_in_dim3A_3409 : vector<16xi1>, vector<16xf32>
      %add3A_3697 = arith.addf %add3A_3692, %select_n3A_3696 : vector<16xf32>
      %gt3A_3698 = arith.cmpf ogt, %select_n3A_3472, %select_n3A_3477 : vector<16xf32>
      %eq3A_3699 = arith.cmpf oeq, %select_n3A_3472, %select_n3A_3477 : vector<16xf32>
      %or3A_3700 = arith.ori %gt3A_3698, %eq3A_3699 : vector<16xi1>
      %select_n3A_3701 = arith.select %or3A_3700, %broadcast_in_dim3A_3407, %broadcast_in_dim3A_3409 : vector<16xi1>, vector<16xf32>
      %add3A_3702 = arith.addf %add3A_3697, %select_n3A_3701 : vector<16xf32>
      %gt3A_3703 = arith.cmpf ogt, %select_n3A_3473, %select_n3A_3477 : vector<16xf32>
      %eq3A_3704 = arith.cmpf oeq, %select_n3A_3473, %select_n3A_3477 : vector<16xf32>
      %or3A_3705 = arith.ori %gt3A_3703, %eq3A_3704 : vector<16xi1>
      %select_n3A_3706 = arith.select %or3A_3705, %broadcast_in_dim3A_3407, %broadcast_in_dim3A_3409 : vector<16xi1>, vector<16xf32>
      %add3A_3707 = arith.addf %add3A_3702, %select_n3A_3706 : vector<16xf32>
      %gt3A_3708 = arith.cmpf ogt, %select_n3A_3474, %select_n3A_3477 : vector<16xf32>
      %eq3A_3709 = arith.cmpf oeq, %select_n3A_3474, %select_n3A_3477 : vector<16xf32>
      %or3A_3710 = arith.ori %gt3A_3708, %eq3A_3709 : vector<16xi1>
      %select_n3A_3711 = arith.select %or3A_3710, %broadcast_in_dim3A_3407, %broadcast_in_dim3A_3409 : vector<16xi1>, vector<16xf32>
      %add3A_3712 = arith.addf %add3A_3707, %select_n3A_3711 : vector<16xf32>
      %gt3A_3713 = arith.cmpf ogt, %select_n3A_3475, %select_n3A_3477 : vector<16xf32>
      %eq3A_3714 = arith.cmpf oeq, %select_n3A_3475, %select_n3A_3477 : vector<16xf32>
      %or3A_3715 = arith.ori %gt3A_3713, %eq3A_3714 : vector<16xi1>
      %select_n3A_3716 = arith.select %or3A_3715, %broadcast_in_dim3A_3407, %broadcast_in_dim3A_3409 : vector<16xi1>, vector<16xf32>
      %add3A_3717 = arith.addf %add3A_3712, %select_n3A_3716 : vector<16xf32>
      %gt3A_3718 = arith.cmpf ogt, %select_n3A_3476, %select_n3A_3477 : vector<16xf32>
      %eq3A_3719 = arith.cmpf oeq, %select_n3A_3476, %select_n3A_3477 : vector<16xf32>
      %or3A_3720 = arith.ori %gt3A_3718, %eq3A_3719 : vector<16xi1>
      %select_n3A_3721 = arith.select %or3A_3720, %broadcast_in_dim3A_3407, %broadcast_in_dim3A_3409 : vector<16xi1>, vector<16xf32>
      %add3A_3722 = arith.addf %add3A_3717, %select_n3A_3721 : vector<16xf32>
      %lt3A_3723 = arith.constant 2.000000e+00 : f32
      %lt3A_3724 = vector.broadcast %lt3A_3723 : f32 to vector<16xf32>
      %lt3A_3725 = arith.cmpf olt, %add3A_3722, %lt3A_3724 : vector<16xf32>
      %select_n3A_3726 = arith.select %lt3A_3501, %get3A_3366, %broadcast_in_dim3A_3409 : vector<16xi1>, vector<16xf32>
      %select_n3A_3727 = arith.select %lt3A_3527, %get3A_3371, %broadcast_in_dim3A_3409 : vector<16xi1>, vector<16xf32>
      %select_n3A_3728 = arith.select %lt3A_3555, %get3A_3376, %broadcast_in_dim3A_3409 : vector<16xi1>, vector<16xf32>
      %select_n3A_3729 = arith.select %lt3A_3585, %get3A_3381, %broadcast_in_dim3A_3409 : vector<16xi1>, vector<16xf32>
      %select_n3A_3730 = arith.select %lt3A_3617, %get3A_3386, %broadcast_in_dim3A_3409 : vector<16xi1>, vector<16xf32>
      %select_n3A_3731 = arith.select %lt3A_3651, %get3A_3391, %broadcast_in_dim3A_3409 : vector<16xi1>, vector<16xf32>
      %select_n3A_3732 = arith.select %lt3A_3687, %get3A_3396, %broadcast_in_dim3A_3409 : vector<16xi1>, vector<16xf32>
      %select_n3A_3733 = arith.select %lt3A_3725, %get3A_3401, %broadcast_in_dim3A_3409 : vector<16xi1>, vector<16xf32>
      %add3A_3734 = arith.addf %select_n3A_3726, %select_n3A_3727 : vector<16xf32>
      %add3A_3735 = arith.addf %add3A_3734, %select_n3A_3728 : vector<16xf32>
      %add3A_3736 = arith.addf %add3A_3735, %select_n3A_3729 : vector<16xf32>
      %add3A_3737 = arith.addf %add3A_3736, %select_n3A_3730 : vector<16xf32>
      %add3A_3738 = arith.addf %add3A_3737, %select_n3A_3731 : vector<16xf32>
      %add3A_3739 = arith.addf %add3A_3738, %select_n3A_3732 : vector<16xf32>
      %add3A_3740 = arith.addf %add3A_3739, %select_n3A_3733 : vector<16xf32>
      %div3A_3741 = arith.divf %select_n3A_3726, %add3A_3740 : vector<16xf32>
      %swap3A_3742 = arith.constant 0 : i32
      %swap3A_3743 = arith.index_cast %swap3A_3742 : i32 to index
      %swap3A_3744 = arith.constant 112 : index
      %swap3A_3745 = tpu.vector_load %arg7[%swap3A_3743, %swap3A_3744] {strides = array<i32>} : memref<8x128xf32, #tpu.memory_space<vmem>>, vector<1x16xf32>,
      %swap3A_3746 = vector.shape_cast %swap3A_3745 : vector<1x16xf32> to vector<16xf32>
      %swap3A_3747 = vector.shape_cast %div3A_3741 : vector<16xf32> to vector<1x16xf32>
      tpu.vector_store %arg7[%swap3A_3743, %swap3A_3744], %swap3A_3747 {strides = array<i32>} : memref<8x128xf32, #tpu.memory_space<vmem>>, vector<1x16xf32>,
      %div3A_3748 = arith.divf %select_n3A_3727, %add3A_3740 : vector<16xf32>
      %swap3A_3749 = arith.constant 1 : i32
      %swap3A_3750 = arith.index_cast %swap3A_3749 : i32 to index
      %swap3A_3751 = arith.constant 112 : index
      %swap3A_3752 = tpu.vector_load %arg7[%swap3A_3750, %swap3A_3751] {strides = array<i32>} : memref<8x128xf32, #tpu.memory_space<vmem>>, vector<1x16xf32>,
      %swap3A_3753 = vector.shape_cast %swap3A_3752 : vector<1x16xf32> to vector<16xf32>
      %swap3A_3754 = vector.shape_cast %div3A_3748 : vector<16xf32> to vector<1x16xf32>
      tpu.vector_store %arg7[%swap3A_3750, %swap3A_3751], %swap3A_3754 {strides = array<i32>} : memref<8x128xf32, #tpu.memory_space<vmem>>, vector<1x16xf32>,
      %div3A_3755 = arith.divf %select_n3A_3728, %add3A_3740 : vector<16xf32>
      %swap3A_3756 = arith.constant 2 : i32
      %swap3A_3757 = arith.index_cast %swap3A_3756 : i32 to index
      %swap3A_3758 = arith.constant 112 : index
      %swap3A_3759 = tpu.vector_load %arg7[%swap3A_3757, %swap3A_3758] {strides = array<i32>} : memref<8x128xf32, #tpu.memory_space<vmem>>, vector<1x16xf32>,
      %swap3A_3760 = vector.shape_cast %swap3A_3759 : vector<1x16xf32> to vector<16xf32>
      %swap3A_3761 = vector.shape_cast %div3A_3755 : vector<16xf32> to vector<1x16xf32>
      tpu.vector_store %arg7[%swap3A_3757, %swap3A_3758], %swap3A_3761 {strides = array<i32>} : memref<8x128xf32, #tpu.memory_space<vmem>>, vector<1x16xf32>,
      %div3A_3762 = arith.divf %select_n3A_3729, %add3A_3740 : vector<16xf32>
      %swap3A_3763 = arith.constant 3 : i32
      %swap3A_3764 = arith.index_cast %swap3A_3763 : i32 to index
      %swap3A_3765 = arith.constant 112 : index
      %swap3A_3766 = tpu.vector_load %arg7[%swap3A_3764, %swap3A_3765] {strides = array<i32>} : memref<8x128xf32, #tpu.memory_space<vmem>>, vector<1x16xf32>,
      %swap3A_3767 = vector.shape_cast %swap3A_3766 : vector<1x16xf32> to vector<16xf32>
      %swap3A_3768 = vector.shape_cast %div3A_3762 : vector<16xf32> to vector<1x16xf32>
      tpu.vector_store %arg7[%swap3A_3764, %swap3A_3765], %swap3A_3768 {strides = array<i32>} : memref<8x128xf32, #tpu.memory_space<vmem>>, vector<1x16xf32>,
      %div3A_3769 = arith.divf %select_n3A_3730, %add3A_3740 : vector<16xf32>
      %swap3A_3770 = arith.constant 4 : i32
      %swap3A_3771 = arith.index_cast %swap3A_3770 : i32 to index
      %swap3A_3772 = arith.constant 112 : index
      %swap3A_3773 = tpu.vector_load %arg7[%swap3A_3771, %swap3A_3772] {strides = array<i32>} : memref<8x128xf32, #tpu.memory_space<vmem>>, vector<1x16xf32>,
      %swap3A_3774 = vector.shape_cast %swap3A_3773 : vector<1x16xf32> to vector<16xf32>
      %swap3A_3775 = vector.shape_cast %div3A_3769 : vector<16xf32> to vector<1x16xf32>
      tpu.vector_store %arg7[%swap3A_3771, %swap3A_3772], %swap3A_3775 {strides = array<i32>} : memref<8x128xf32, #tpu.memory_space<vmem>>, vector<1x16xf32>,
      %div3A_3776 = arith.divf %select_n3A_3731, %add3A_3740 : vector<16xf32>
      %swap3A_3777 = arith.constant 5 : i32
      %swap3A_3778 = arith.index_cast %swap3A_3777 : i32 to index
      %swap3A_3779 = arith.constant 112 : index
      %swap3A_3780 = tpu.vector_load %arg7[%swap3A_3778, %swap3A_3779] {strides = array<i32>} : memref<8x128xf32, #tpu.memory_space<vmem>>, vector<1x16xf32>,
      %swap3A_3781 = vector.shape_cast %swap3A_3780 : vector<1x16xf32> to vector<16xf32>
      %swap3A_3782 = vector.shape_cast %div3A_3776 : vector<16xf32> to vector<1x16xf32>
      tpu.vector_store %arg7[%swap3A_3778, %swap3A_3779], %swap3A_3782 {strides = array<i32>} : memref<8x128xf32, #tpu.memory_space<vmem>>, vector<1x16xf32>,
      %div3A_3783 = arith.divf %select_n3A_3732, %add3A_3740 : vector<16xf32>
      %swap3A_3784 = arith.constant 6 : i32
      %swap3A_3785 = arith.index_cast %swap3A_3784 : i32 to index
      %swap3A_3786 = arith.constant 112 : index
      %swap3A_3787 = tpu.vector_load %arg7[%swap3A_3785, %swap3A_3786] {strides = array<i32>} : memref<8x128xf32, #tpu.memory_space<vmem>>, vector<1x16xf32>,
      %swap3A_3788 = vector.shape_cast %swap3A_3787 : vector<1x16xf32> to vector<16xf32>
      %swap3A_3789 = vector.shape_cast %div3A_3783 : vector<16xf32> to vector<1x16xf32>
      tpu.vector_store %arg7[%swap3A_3785, %swap3A_3786], %swap3A_3789 {strides = array<i32>} : memref<8x128xf32, #tpu.memory_space<vmem>>, vector<1x16xf32>,
      %div3A_3790 = arith.divf %select_n3A_3733, %add3A_3740 : vector<16xf32>
      %swap3A_3791 = arith.constant 7 : i32
      %swap3A_3792 = arith.index_cast %swap3A_3791 : i32 to index
      %swap3A_3793 = arith.constant 112 : index
      %swap3A_3794 = tpu.vector_load %arg7[%swap3A_3792, %swap3A_3793] {strides = array<i32>} : memref<8x128xf32, #tpu.memory_space<vmem>>, vector<1x16xf32>,
      %swap3A_3795 = vector.shape_cast %swap3A_3794 : vector<1x16xf32> to vector<16xf32>
      %swap3A_3796 = vector.shape_cast %div3A_3790 : vector<16xf32> to vector<1x16xf32>
      tpu.vector_store %arg7[%swap3A_3792, %swap3A_3793], %swap3A_3796 {strides = array<i32>} : memref<8x128xf32, #tpu.memory_space<vmem>>, vector<1x16xf32>,
      "tpu.region"() ({
        %run_scoped3A = tpu.sem_alloc : memref<!tpu.dma_semaphore, #tpu.memory_space<semaphore_mem>>
        %dma_start3A = arith.constant 0 : i32
        %dma_start3A_3797 = tpu.memref_slice %arg4[%dma_start3A, %mul3A_4] : memref<8x2048xf32, #tpu.memory_space<hbm>> -> memref<8x128xf32, #tpu.memory_space<hbm>>
        %dma_start3A_3798 = arith.constant 0 : i32
        %dma_start3A_3799 = tpu.memref_slice %arg4[%dma_start3A_3798, %mul3A_4] : memref<8x2048xf32, #tpu.memory_space<hbm>> -> memref<8x128xf32, #tpu.memory_space<hbm>>
        tpu.enqueue_dma source(%arg7 : memref<8x128xf32, #tpu.memory_space<vmem>>) target(%dma_start3A_3799 : memref<8x128xf32, #tpu.memory_space<hbm>>) target_semaphore(%run_scoped3A : memref<!tpu.dma_semaphore, #tpu.memory_space<semaphore_mem>>)
        %dma_wait3A = arith.constant 0 : i32
        %dma_wait3A_3800 = tpu.memref_slice %arg4[%dma_wait3A, %mul3A_4] : memref<8x2048xf32, #tpu.memory_space<hbm>> -> memref<8x128xf32, #tpu.memory_space<hbm>>
        %dma_wait3A_3801 = arith.constant 0 : i32
        %dma_wait3A_3802 = tpu.memref_slice %arg4[%dma_wait3A_3801, %mul3A_4] : memref<8x2048xf32, #tpu.memory_space<hbm>> -> memref<8x128xf32, #tpu.memory_space<hbm>>
        tpu.wait_dma2 semaphore(%run_scoped3A : memref<!tpu.dma_semaphore, #tpu.memory_space<semaphore_mem>>) src(%arg7 : memref<8x128xf32, #tpu.memory_space<vmem>>) dst(%dma_wait3A_3802 : memref<8x128xf32, #tpu.memory_space<hbm>>)
        tpu.yield
      }) : () -> ()
    } else {
    }
    return
  }
}

module attributes {stable_mosaic.version = 14 : i64} {
  func.func @_head_shared_body(%arg0: i32, %arg1: memref<512x768xf32, #tpu.memory_space<vmem>>, %arg2: memref<8x768xf32, #tpu.memory_space<vmem>>, %arg3: memref<8x1xf32, #tpu.memory_space<vmem>>, %arg4: memref<768x768xf32, #tpu.memory_space<vmem>>, %arg5: memref<768x384xf32, #tpu.memory_space<vmem>>, %arg6: memref<512x768xf32, #tpu.memory_space<vmem>>, %arg7: memref<8x512xf32, #tpu.memory_space<vmem>>, %arg8: memref<8x512xf32, #tpu.memory_space<vmem>>) attributes {dimension_semantics = [#tpu.dimension_semantics<arbitrary>], iteration_bounds = array<i64: 4>, scalar_prefetch = 0 : i64, scratch_operands = 0 : i64, tpu.core_type = #tpu.core_type<tc>, window_params = [{transform_indices = @transform_0, window_bounds = array<i64: 512, 768>}, {pipeline_mode = #tpu.pipeline_mode<synchronous>, transform_indices = @transform_1, window_bounds = array<i64: 8, 768>}, {pipeline_mode = #tpu.pipeline_mode<synchronous>, transform_indices = @transform_2, window_bounds = array<i64: 8, 1>}, {pipeline_mode = #tpu.pipeline_mode<synchronous>, transform_indices = @transform_3, window_bounds = array<i64: 768, 768>}, {pipeline_mode = #tpu.pipeline_mode<synchronous>, transform_indices = @transform_4, window_bounds = array<i64: 768, 384>}, {transform_indices = @transform_5, window_bounds = array<i64: 512, 768>}, {transform_indices = @transform_6, window_bounds = array<i64: 8, 512>}, {transform_indices = @transform_7, window_bounds = array<i64: 8, 512>}]} {
    %get3A = arith.constant 0 : index
    %get3A_0 = arith.constant 0 : index
    %get3A_1 = vector.load %arg1[%get3A, %get3A_0] : memref<512x768xf32, #tpu.memory_space<vmem>>, vector<512x768xf32>
    %get3A_2 = arith.constant 0 : index
    %get3A_3 = arith.constant 0 : index
    %get3A_4 = vector.load %arg2[%get3A_2, %get3A_3] : memref<8x768xf32, #tpu.memory_space<vmem>>, vector<8x768xf32>
    %dot_general3A = arith.constant dense<0.000000e+00> : vector<8x512xf32>
    %dot_general3A_5 = tpu.matmul %get3A_4, %get3A_1, %dot_general3A {dimension_numbers = #tpu.dot_dimension_numbers<[1], [1], [0], [0], [0, 0, 1, 0], [], []>, transpose_lhs_hint = false} : vector<8x768xf32>, vector<512x768xf32>, vector<8x512xf32> -> vector<8x512xf32>
    %logistic3A = arith.negf %dot_general3A_5 : vector<8x512xf32>
    %logistic3A_6 = math.exp %logistic3A : vector<8x512xf32>
    %logistic3A_7 = arith.constant 1.000000e+00 : f32
    %logistic3A_8 = vector.broadcast %logistic3A_7 : f32 to vector<8x512xf32>
    %logistic3A_9 = arith.addf %logistic3A_8, %logistic3A_6 : vector<8x512xf32>
    %logistic3A_10 = arith.divf %logistic3A_8, %logistic3A_9 : vector<8x512xf32>
    %swap3A = arith.constant 0 : index
    %swap3A_11 = arith.constant 0 : index
    %swap3A_12 = vector.load %arg7[%swap3A, %swap3A_11] : memref<8x512xf32, #tpu.memory_space<vmem>>, vector<8x512xf32>
    tpu.vector_store %arg7[%swap3A, %swap3A_11], %logistic3A_10 {strides = array<i32>} : memref<8x512xf32, #tpu.memory_space<vmem>>, vector<8x512xf32>,
    %get3A_13 = arith.constant 0 : index
    %get3A_14 = arith.constant 0 : index
    %get3A_15 = vector.load %arg3[%get3A_13, %get3A_14] : memref<8x1xf32, #tpu.memory_space<vmem>>, vector<8x1xf32>
    %add3A = vector.broadcast %get3A_15 : vector<8x1xf32> to vector<8x512xf32>
    %add3A_16 = arith.addf %logistic3A_10, %add3A : vector<8x512xf32>
    %swap3A_17 = arith.constant 0 : index
    %swap3A_18 = arith.constant 0 : index
    %swap3A_19 = vector.load %arg8[%swap3A_17, %swap3A_18] : memref<8x512xf32, #tpu.memory_space<vmem>>, vector<8x512xf32>
    tpu.vector_store %arg8[%swap3A_17, %swap3A_18], %add3A_16 {strides = array<i32>} : memref<8x512xf32, #tpu.memory_space<vmem>>, vector<8x512xf32>,
    %get3A_20 = arith.constant 0 : index
    %get3A_21 = arith.constant 0 : index
    %get3A_22 = vector.load %arg4[%get3A_20, %get3A_21] : memref<768x768xf32, #tpu.memory_space<vmem>>, vector<768x768xf32>
    %dot_general3A_23 = arith.constant dense<0.000000e+00> : vector<512x768xf32>
    %dot_general3A_24 = tpu.matmul %get3A_1, %get3A_22, %dot_general3A_23 {dimension_numbers = #tpu.dot_dimension_numbers<[1], [1], [0], [0], [0, 0, 1, 0], [], []>, transpose_lhs_hint = false} : vector<512x768xf32>, vector<768x768xf32>, vector<512x768xf32> -> vector<512x768xf32>
    %slice3A = vector.extract_strided_slice %dot_general3A_24 {offsets = [0, 0], sizes = [512, 384], strides = [1, 1]} : vector<512x768xf32> to vector<512x384xf32>
    %slice3A_25 = vector.extract_strided_slice %dot_general3A_24 {offsets = [0, 384], sizes = [512, 384], strides = [1, 1]} : vector<512x768xf32> to vector<512x384xf32>
    %logistic3A_26 = arith.negf %slice3A : vector<512x384xf32>
    %logistic3A_27 = math.exp %logistic3A_26 : vector<512x384xf32>
    %logistic3A_28 = arith.constant 1.000000e+00 : f32
    %logistic3A_29 = vector.broadcast %logistic3A_28 : f32 to vector<512x384xf32>
    %logistic3A_30 = arith.addf %logistic3A_29, %logistic3A_27 : vector<512x384xf32>
    %logistic3A_31 = arith.divf %logistic3A_29, %logistic3A_30 : vector<512x384xf32>
    %mul3A = arith.mulf %slice3A, %logistic3A_31 : vector<512x384xf32>
    %mul3A_32 = arith.mulf %mul3A, %slice3A_25 : vector<512x384xf32>
    %convert_element_type3A = arith.truncf %mul3A_32 : vector<512x384xf32> to vector<512x384xbf16>
    %get3A_33 = arith.constant 0 : index
    %get3A_34 = arith.constant 0 : index
    %get3A_35 = vector.load %arg5[%get3A_33, %get3A_34] : memref<768x384xf32, #tpu.memory_space<vmem>>, vector<768x384xf32>
    %dot_general3A_36 = arith.constant dense<0.000000e+00> : vector<512x768xf32>
    %dot_general3A_37 = tpu.matmul %convert_element_type3A, %get3A_35, %dot_general3A_36 {dimension_numbers = #tpu.dot_dimension_numbers<[1], [1], [0], [0], [0, 0, 1, 0], [], []>, transpose_lhs_hint = false} : vector<512x384xbf16>, vector<768x384xf32>, vector<512x768xf32> -> vector<512x768xf32>
    %swap3A_38 = arith.constant 0 : index
    %swap3A_39 = arith.constant 0 : index
    %swap3A_40 = vector.load %arg6[%swap3A_38, %swap3A_39] : memref<512x768xf32, #tpu.memory_space<vmem>>, vector<512x768xf32>
    tpu.vector_store %arg6[%swap3A_38, %swap3A_39], %dot_general3A_37 {strides = array<i32>} : memref<512x768xf32, #tpu.memory_space<vmem>>, vector<512x768xf32>,
    return
  }
  func.func @transform_0(%arg0: i32) -> (i32, i32) {
    %c0_i32 = arith.constant 0 : i32
    %c0_i32_0 = arith.constant 0 : i32
    return %arg0, %c0_i32 : i32, i32
  }
  func.func @transform_1(%arg0: i32) -> (i32, i32) {
    %c0_i32 = arith.constant 0 : i32
    %c0_i32_0 = arith.constant 0 : i32
    %c0_i32_1 = arith.constant 0 : i32
    return %c0_i32, %c0_i32_0 : i32, i32
  }
  func.func @transform_2(%arg0: i32) -> (i32, i32) {
    %c0_i32 = arith.constant 0 : i32
    %c0_i32_0 = arith.constant 0 : i32
    %c0_i32_1 = arith.constant 0 : i32
    return %c0_i32, %c0_i32_0 : i32, i32
  }
  func.func @transform_3(%arg0: i32) -> (i32, i32) {
    %c0_i32 = arith.constant 0 : i32
    %c0_i32_0 = arith.constant 0 : i32
    %c0_i32_1 = arith.constant 0 : i32
    return %c0_i32, %c0_i32_0 : i32, i32
  }
  func.func @transform_4(%arg0: i32) -> (i32, i32) {
    %c0_i32 = arith.constant 0 : i32
    %c0_i32_0 = arith.constant 0 : i32
    %c0_i32_1 = arith.constant 0 : i32
    return %c0_i32, %c0_i32_0 : i32, i32
  }
  func.func @transform_5(%arg0: i32) -> (i32, i32) {
    %c0_i32 = arith.constant 0 : i32
    %c0_i32_0 = arith.constant 0 : i32
    return %arg0, %c0_i32 : i32, i32
  }
  func.func @transform_6(%arg0: i32) -> (i32, i32) {
    %c0_i32 = arith.constant 0 : i32
    %c0_i32_0 = arith.constant 0 : i32
    return %c0_i32, %arg0 : i32, i32
  }
  func.func @transform_7(%arg0: i32) -> (i32, i32) {
    %c0_i32 = arith.constant 0 : i32
    %c0_i32_0 = arith.constant 0 : i32
    return %c0_i32, %arg0 : i32, i32
  }
}

module attributes {stable_mosaic.version = 14 : i64} {
  func.func @_moe_body(%arg0: i32, %arg1: memref<256x768xf32, #tpu.memory_space<vmem>>, %arg2: memref<8x256xf32, #tpu.memory_space<vmem>>, %arg3: memref<256x768xf32, #tpu.memory_space<vmem>>, %arg4: memref<6144x768xf32, #tpu.memory_space<vmem>>, %arg5: memref<8x768x384xf32, #tpu.memory_space<vmem>>, %arg6: memref<256x768xf32, #tpu.memory_space<vmem>>) attributes {dimension_semantics = [#tpu.dimension_semantics<arbitrary>], iteration_bounds = array<i64: 8>, scalar_prefetch = 0 : i64, scratch_operands = 0 : i64, tpu.core_type = #tpu.core_type<tc>, window_params = [{transform_indices = @transform_0, window_bounds = array<i64: 256, 768>}, {transform_indices = @transform_1, window_bounds = array<i64: 8, 256>}, {transform_indices = @transform_2, window_bounds = array<i64: 256, 768>}, {pipeline_mode = #tpu.pipeline_mode<synchronous>, transform_indices = @transform_3, window_bounds = array<i64: 6144, 768>}, {pipeline_mode = #tpu.pipeline_mode<synchronous>, transform_indices = @transform_4, window_bounds = array<i64: 8, 768, 384>}, {transform_indices = @transform_5, window_bounds = array<i64: 256, 768>}]} {
    %get3A = arith.constant 0 : index
    %get3A_0 = arith.constant 0 : index
    %get3A_1 = vector.load %arg1[%get3A, %get3A_0] : memref<256x768xf32, #tpu.memory_space<vmem>>, vector<256x768xf32>
    %get3A_2 = arith.constant 0 : index
    %get3A_3 = arith.constant 0 : index
    %get3A_4 = vector.load %arg4[%get3A_2, %get3A_3] : memref<6144x768xf32, #tpu.memory_space<vmem>>, vector<6144x768xf32>
    %dot_general3A = arith.constant dense<0.000000e+00> : vector<256x6144xf32>
    %dot_general3A_5 = tpu.matmul %get3A_1, %get3A_4, %dot_general3A {dimension_numbers = #tpu.dot_dimension_numbers<[1], [1], [0], [0], [0, 0, 1, 0], [], []>, transpose_lhs_hint = false} : vector<256x768xf32>, vector<6144x768xf32>, vector<256x6144xf32> -> vector<256x6144xf32>
    %get3A_6 = arith.constant 0 : index
    %get3A_7 = arith.constant 0 : index
    %get3A_8 = vector.load %arg2[%get3A_6, %get3A_7] : memref<8x256xf32, #tpu.memory_space<vmem>>, vector<8x256xf32>
    %transpose3A = tpu.transpose %get3A_8, [1, 0] : vector<8x256xf32> -> vector<256x8xf32>
    %mul3A = arith.constant 2.500000e+00 : f32
    %mul3A_9 = vector.broadcast %mul3A : f32 to vector<256x8xf32>
    %mul3A_10 = arith.mulf %transpose3A, %mul3A_9 : vector<256x8xf32>
    %get3A_11 = arith.constant 0 : index
    %get3A_12 = arith.constant 0 : index
    %get3A_13 = vector.load %arg3[%get3A_11, %get3A_12] : memref<256x768xf32, #tpu.memory_space<vmem>>, vector<256x768xf32>
    %slice3A = vector.extract_strided_slice %dot_general3A_5 {offsets = [0, 0], sizes = [256, 384], strides = [1, 1]} : vector<256x6144xf32> to vector<256x384xf32>
    %slice3A_14 = vector.extract_strided_slice %dot_general3A_5 {offsets = [0, 384], sizes = [256, 384], strides = [1, 1]} : vector<256x6144xf32> to vector<256x384xf32>
    %logistic3A = arith.negf %slice3A : vector<256x384xf32>
    %logistic3A_15 = math.exp %logistic3A : vector<256x384xf32>
    %logistic3A_16 = arith.constant 1.000000e+00 : f32
    %logistic3A_17 = vector.broadcast %logistic3A_16 : f32 to vector<256x384xf32>
    %logistic3A_18 = arith.addf %logistic3A_17, %logistic3A_15 : vector<256x384xf32>
    %logistic3A_19 = arith.divf %logistic3A_17, %logistic3A_18 : vector<256x384xf32>
    %mul3A_20 = arith.mulf %slice3A, %logistic3A_19 : vector<256x384xf32>
    %mul3A_21 = arith.mulf %mul3A_20, %slice3A_14 : vector<256x384xf32>
    %slice3A_22 = vector.extract_strided_slice %mul3A_10 {offsets = [0, 0], sizes = [256, 1], strides = [1, 1]} : vector<256x8xf32> to vector<256x1xf32>
    %mul3A_23 = vector.broadcast %slice3A_22 : vector<256x1xf32> to vector<256x384xf32>
    %mul3A_24 = arith.mulf %mul3A_21, %mul3A_23 : vector<256x384xf32>
    %convert_element_type3A = arith.truncf %mul3A_24 : vector<256x384xf32> to vector<256x384xbf16>
    %get3A_25 = arith.constant 0 : index
    %get3A_26 = arith.constant 0 : index
    %get3A_27 = arith.constant 0 : index
    %get3A_28 = vector.load %arg5[%get3A_25, %get3A_26, %get3A_27] : memref<8x768x384xf32, #tpu.memory_space<vmem>>, vector<1x768x384xf32>
    %get3A_29 = vector.shape_cast %get3A_28 : vector<1x768x384xf32> to vector<768x384xf32>
    %dot_general3A_30 = arith.constant dense<0.000000e+00> : vector<256x768xf32>
    %dot_general3A_31 = tpu.matmul %convert_element_type3A, %get3A_29, %dot_general3A_30 {dimension_numbers = #tpu.dot_dimension_numbers<[1], [1], [0], [0], [0, 0, 1, 0], [], []>, transpose_lhs_hint = false} : vector<256x384xbf16>, vector<768x384xf32>, vector<256x768xf32> -> vector<256x768xf32>
    %add3A = arith.addf %get3A_13, %dot_general3A_31 : vector<256x768xf32>
    %slice3A_32 = vector.extract_strided_slice %dot_general3A_5 {offsets = [0, 768], sizes = [256, 384], strides = [1, 1]} : vector<256x6144xf32> to vector<256x384xf32>
    %slice3A_33 = vector.extract_strided_slice %dot_general3A_5 {offsets = [0, 1152], sizes = [256, 384], strides = [1, 1]} : vector<256x6144xf32> to vector<256x384xf32>
    %logistic3A_34 = arith.negf %slice3A_32 : vector<256x384xf32>
    %logistic3A_35 = math.exp %logistic3A_34 : vector<256x384xf32>
    %logistic3A_36 = arith.constant 1.000000e+00 : f32
    %logistic3A_37 = vector.broadcast %logistic3A_36 : f32 to vector<256x384xf32>
    %logistic3A_38 = arith.addf %logistic3A_37, %logistic3A_35 : vector<256x384xf32>
    %logistic3A_39 = arith.divf %logistic3A_37, %logistic3A_38 : vector<256x384xf32>
    %mul3A_40 = arith.mulf %slice3A_32, %logistic3A_39 : vector<256x384xf32>
    %mul3A_41 = arith.mulf %mul3A_40, %slice3A_33 : vector<256x384xf32>
    %slice3A_42 = vector.extract_strided_slice %mul3A_10 {offsets = [0, 1], sizes = [256, 1], strides = [1, 1]} : vector<256x8xf32> to vector<256x1xf32>
    %mul3A_43 = vector.broadcast %slice3A_42 : vector<256x1xf32> to vector<256x384xf32>
    %mul3A_44 = arith.mulf %mul3A_41, %mul3A_43 : vector<256x384xf32>
    %convert_element_type3A_45 = arith.truncf %mul3A_44 : vector<256x384xf32> to vector<256x384xbf16>
    %get3A_46 = arith.constant 1 : index
    %get3A_47 = arith.constant 0 : index
    %get3A_48 = arith.constant 0 : index
    %get3A_49 = vector.load %arg5[%get3A_46, %get3A_47, %get3A_48] : memref<8x768x384xf32, #tpu.memory_space<vmem>>, vector<1x768x384xf32>
    %get3A_50 = vector.shape_cast %get3A_49 : vector<1x768x384xf32> to vector<768x384xf32>
    %dot_general3A_51 = arith.constant dense<0.000000e+00> : vector<256x768xf32>
    %dot_general3A_52 = tpu.matmul %convert_element_type3A_45, %get3A_50, %dot_general3A_51 {dimension_numbers = #tpu.dot_dimension_numbers<[1], [1], [0], [0], [0, 0, 1, 0], [], []>, transpose_lhs_hint = false} : vector<256x384xbf16>, vector<768x384xf32>, vector<256x768xf32> -> vector<256x768xf32>
    %add3A_53 = arith.addf %add3A, %dot_general3A_52 : vector<256x768xf32>
    %slice3A_54 = vector.extract_strided_slice %dot_general3A_5 {offsets = [0, 1536], sizes = [256, 384], strides = [1, 1]} : vector<256x6144xf32> to vector<256x384xf32>
    %slice3A_55 = vector.extract_strided_slice %dot_general3A_5 {offsets = [0, 1920], sizes = [256, 384], strides = [1, 1]} : vector<256x6144xf32> to vector<256x384xf32>
    %logistic3A_56 = arith.negf %slice3A_54 : vector<256x384xf32>
    %logistic3A_57 = math.exp %logistic3A_56 : vector<256x384xf32>
    %logistic3A_58 = arith.constant 1.000000e+00 : f32
    %logistic3A_59 = vector.broadcast %logistic3A_58 : f32 to vector<256x384xf32>
    %logistic3A_60 = arith.addf %logistic3A_59, %logistic3A_57 : vector<256x384xf32>
    %logistic3A_61 = arith.divf %logistic3A_59, %logistic3A_60 : vector<256x384xf32>
    %mul3A_62 = arith.mulf %slice3A_54, %logistic3A_61 : vector<256x384xf32>
    %mul3A_63 = arith.mulf %mul3A_62, %slice3A_55 : vector<256x384xf32>
    %slice3A_64 = vector.extract_strided_slice %mul3A_10 {offsets = [0, 2], sizes = [256, 1], strides = [1, 1]} : vector<256x8xf32> to vector<256x1xf32>
    %mul3A_65 = vector.broadcast %slice3A_64 : vector<256x1xf32> to vector<256x384xf32>
    %mul3A_66 = arith.mulf %mul3A_63, %mul3A_65 : vector<256x384xf32>
    %convert_element_type3A_67 = arith.truncf %mul3A_66 : vector<256x384xf32> to vector<256x384xbf16>
    %get3A_68 = arith.constant 2 : index
    %get3A_69 = arith.constant 0 : index
    %get3A_70 = arith.constant 0 : index
    %get3A_71 = vector.load %arg5[%get3A_68, %get3A_69, %get3A_70] : memref<8x768x384xf32, #tpu.memory_space<vmem>>, vector<1x768x384xf32>
    %get3A_72 = vector.shape_cast %get3A_71 : vector<1x768x384xf32> to vector<768x384xf32>
    %dot_general3A_73 = arith.constant dense<0.000000e+00> : vector<256x768xf32>
    %dot_general3A_74 = tpu.matmul %convert_element_type3A_67, %get3A_72, %dot_general3A_73 {dimension_numbers = #tpu.dot_dimension_numbers<[1], [1], [0], [0], [0, 0, 1, 0], [], []>, transpose_lhs_hint = false} : vector<256x384xbf16>, vector<768x384xf32>, vector<256x768xf32> -> vector<256x768xf32>
    %add3A_75 = arith.addf %add3A_53, %dot_general3A_74 : vector<256x768xf32>
    %slice3A_76 = vector.extract_strided_slice %dot_general3A_5 {offsets = [0, 2304], sizes = [256, 384], strides = [1, 1]} : vector<256x6144xf32> to vector<256x384xf32>
    %slice3A_77 = vector.extract_strided_slice %dot_general3A_5 {offsets = [0, 2688], sizes = [256, 384], strides = [1, 1]} : vector<256x6144xf32> to vector<256x384xf32>
    %logistic3A_78 = arith.negf %slice3A_76 : vector<256x384xf32>
    %logistic3A_79 = math.exp %logistic3A_78 : vector<256x384xf32>
    %logistic3A_80 = arith.constant 1.000000e+00 : f32
    %logistic3A_81 = vector.broadcast %logistic3A_80 : f32 to vector<256x384xf32>
    %logistic3A_82 = arith.addf %logistic3A_81, %logistic3A_79 : vector<256x384xf32>
    %logistic3A_83 = arith.divf %logistic3A_81, %logistic3A_82 : vector<256x384xf32>
    %mul3A_84 = arith.mulf %slice3A_76, %logistic3A_83 : vector<256x384xf32>
    %mul3A_85 = arith.mulf %mul3A_84, %slice3A_77 : vector<256x384xf32>
    %slice3A_86 = vector.extract_strided_slice %mul3A_10 {offsets = [0, 3], sizes = [256, 1], strides = [1, 1]} : vector<256x8xf32> to vector<256x1xf32>
    %mul3A_87 = vector.broadcast %slice3A_86 : vector<256x1xf32> to vector<256x384xf32>
    %mul3A_88 = arith.mulf %mul3A_85, %mul3A_87 : vector<256x384xf32>
    %convert_element_type3A_89 = arith.truncf %mul3A_88 : vector<256x384xf32> to vector<256x384xbf16>
    %get3A_90 = arith.constant 3 : index
    %get3A_91 = arith.constant 0 : index
    %get3A_92 = arith.constant 0 : index
    %get3A_93 = vector.load %arg5[%get3A_90, %get3A_91, %get3A_92] : memref<8x768x384xf32, #tpu.memory_space<vmem>>, vector<1x768x384xf32>
    %get3A_94 = vector.shape_cast %get3A_93 : vector<1x768x384xf32> to vector<768x384xf32>
    %dot_general3A_95 = arith.constant dense<0.000000e+00> : vector<256x768xf32>
    %dot_general3A_96 = tpu.matmul %convert_element_type3A_89, %get3A_94, %dot_general3A_95 {dimension_numbers = #tpu.dot_dimension_numbers<[1], [1], [0], [0], [0, 0, 1, 0], [], []>, transpose_lhs_hint = false} : vector<256x384xbf16>, vector<768x384xf32>, vector<256x768xf32> -> vector<256x768xf32>
    %add3A_97 = arith.addf %add3A_75, %dot_general3A_96 : vector<256x768xf32>
    %slice3A_98 = vector.extract_strided_slice %dot_general3A_5 {offsets = [0, 3072], sizes = [256, 384], strides = [1, 1]} : vector<256x6144xf32> to vector<256x384xf32>
    %slice3A_99 = vector.extract_strided_slice %dot_general3A_5 {offsets = [0, 3456], sizes = [256, 384], strides = [1, 1]} : vector<256x6144xf32> to vector<256x384xf32>
    %logistic3A_100 = arith.negf %slice3A_98 : vector<256x384xf32>
    %logistic3A_101 = math.exp %logistic3A_100 : vector<256x384xf32>
    %logistic3A_102 = arith.constant 1.000000e+00 : f32
    %logistic3A_103 = vector.broadcast %logistic3A_102 : f32 to vector<256x384xf32>
    %logistic3A_104 = arith.addf %logistic3A_103, %logistic3A_101 : vector<256x384xf32>
    %logistic3A_105 = arith.divf %logistic3A_103, %logistic3A_104 : vector<256x384xf32>
    %mul3A_106 = arith.mulf %slice3A_98, %logistic3A_105 : vector<256x384xf32>
    %mul3A_107 = arith.mulf %mul3A_106, %slice3A_99 : vector<256x384xf32>
    %slice3A_108 = vector.extract_strided_slice %mul3A_10 {offsets = [0, 4], sizes = [256, 1], strides = [1, 1]} : vector<256x8xf32> to vector<256x1xf32>
    %mul3A_109 = vector.broadcast %slice3A_108 : vector<256x1xf32> to vector<256x384xf32>
    %mul3A_110 = arith.mulf %mul3A_107, %mul3A_109 : vector<256x384xf32>
    %convert_element_type3A_111 = arith.truncf %mul3A_110 : vector<256x384xf32> to vector<256x384xbf16>
    %get3A_112 = arith.constant 4 : index
    %get3A_113 = arith.constant 0 : index
    %get3A_114 = arith.constant 0 : index
    %get3A_115 = vector.load %arg5[%get3A_112, %get3A_113, %get3A_114] : memref<8x768x384xf32, #tpu.memory_space<vmem>>, vector<1x768x384xf32>
    %get3A_116 = vector.shape_cast %get3A_115 : vector<1x768x384xf32> to vector<768x384xf32>
    %dot_general3A_117 = arith.constant dense<0.000000e+00> : vector<256x768xf32>
    %dot_general3A_118 = tpu.matmul %convert_element_type3A_111, %get3A_116, %dot_general3A_117 {dimension_numbers = #tpu.dot_dimension_numbers<[1], [1], [0], [0], [0, 0, 1, 0], [], []>, transpose_lhs_hint = false} : vector<256x384xbf16>, vector<768x384xf32>, vector<256x768xf32> -> vector<256x768xf32>
    %add3A_119 = arith.addf %add3A_97, %dot_general3A_118 : vector<256x768xf32>
    %slice3A_120 = vector.extract_strided_slice %dot_general3A_5 {offsets = [0, 3840], sizes = [256, 384], strides = [1, 1]} : vector<256x6144xf32> to vector<256x384xf32>
    %slice3A_121 = vector.extract_strided_slice %dot_general3A_5 {offsets = [0, 4224], sizes = [256, 384], strides = [1, 1]} : vector<256x6144xf32> to vector<256x384xf32>
    %logistic3A_122 = arith.negf %slice3A_120 : vector<256x384xf32>
    %logistic3A_123 = math.exp %logistic3A_122 : vector<256x384xf32>
    %logistic3A_124 = arith.constant 1.000000e+00 : f32
    %logistic3A_125 = vector.broadcast %logistic3A_124 : f32 to vector<256x384xf32>
    %logistic3A_126 = arith.addf %logistic3A_125, %logistic3A_123 : vector<256x384xf32>
    %logistic3A_127 = arith.divf %logistic3A_125, %logistic3A_126 : vector<256x384xf32>
    %mul3A_128 = arith.mulf %slice3A_120, %logistic3A_127 : vector<256x384xf32>
    %mul3A_129 = arith.mulf %mul3A_128, %slice3A_121 : vector<256x384xf32>
    %slice3A_130 = vector.extract_strided_slice %mul3A_10 {offsets = [0, 5], sizes = [256, 1], strides = [1, 1]} : vector<256x8xf32> to vector<256x1xf32>
    %mul3A_131 = vector.broadcast %slice3A_130 : vector<256x1xf32> to vector<256x384xf32>
    %mul3A_132 = arith.mulf %mul3A_129, %mul3A_131 : vector<256x384xf32>
    %convert_element_type3A_133 = arith.truncf %mul3A_132 : vector<256x384xf32> to vector<256x384xbf16>
    %get3A_134 = arith.constant 5 : index
    %get3A_135 = arith.constant 0 : index
    %get3A_136 = arith.constant 0 : index
    %get3A_137 = vector.load %arg5[%get3A_134, %get3A_135, %get3A_136] : memref<8x768x384xf32, #tpu.memory_space<vmem>>, vector<1x768x384xf32>
    %get3A_138 = vector.shape_cast %get3A_137 : vector<1x768x384xf32> to vector<768x384xf32>
    %dot_general3A_139 = arith.constant dense<0.000000e+00> : vector<256x768xf32>
    %dot_general3A_140 = tpu.matmul %convert_element_type3A_133, %get3A_138, %dot_general3A_139 {dimension_numbers = #tpu.dot_dimension_numbers<[1], [1], [0], [0], [0, 0, 1, 0], [], []>, transpose_lhs_hint = false} : vector<256x384xbf16>, vector<768x384xf32>, vector<256x768xf32> -> vector<256x768xf32>
    %add3A_141 = arith.addf %add3A_119, %dot_general3A_140 : vector<256x768xf32>
    %slice3A_142 = vector.extract_strided_slice %dot_general3A_5 {offsets = [0, 4608], sizes = [256, 384], strides = [1, 1]} : vector<256x6144xf32> to vector<256x384xf32>
    %slice3A_143 = vector.extract_strided_slice %dot_general3A_5 {offsets = [0, 4992], sizes = [256, 384], strides = [1, 1]} : vector<256x6144xf32> to vector<256x384xf32>
    %logistic3A_144 = arith.negf %slice3A_142 : vector<256x384xf32>
    %logistic3A_145 = math.exp %logistic3A_144 : vector<256x384xf32>
    %logistic3A_146 = arith.constant 1.000000e+00 : f32
    %logistic3A_147 = vector.broadcast %logistic3A_146 : f32 to vector<256x384xf32>
    %logistic3A_148 = arith.addf %logistic3A_147, %logistic3A_145 : vector<256x384xf32>
    %logistic3A_149 = arith.divf %logistic3A_147, %logistic3A_148 : vector<256x384xf32>
    %mul3A_150 = arith.mulf %slice3A_142, %logistic3A_149 : vector<256x384xf32>
    %mul3A_151 = arith.mulf %mul3A_150, %slice3A_143 : vector<256x384xf32>
    %slice3A_152 = vector.extract_strided_slice %mul3A_10 {offsets = [0, 6], sizes = [256, 1], strides = [1, 1]} : vector<256x8xf32> to vector<256x1xf32>
    %mul3A_153 = vector.broadcast %slice3A_152 : vector<256x1xf32> to vector<256x384xf32>
    %mul3A_154 = arith.mulf %mul3A_151, %mul3A_153 : vector<256x384xf32>
    %convert_element_type3A_155 = arith.truncf %mul3A_154 : vector<256x384xf32> to vector<256x384xbf16>
    %get3A_156 = arith.constant 6 : index
    %get3A_157 = arith.constant 0 : index
    %get3A_158 = arith.constant 0 : index
    %get3A_159 = vector.load %arg5[%get3A_156, %get3A_157, %get3A_158] : memref<8x768x384xf32, #tpu.memory_space<vmem>>, vector<1x768x384xf32>
    %get3A_160 = vector.shape_cast %get3A_159 : vector<1x768x384xf32> to vector<768x384xf32>
    %dot_general3A_161 = arith.constant dense<0.000000e+00> : vector<256x768xf32>
    %dot_general3A_162 = tpu.matmul %convert_element_type3A_155, %get3A_160, %dot_general3A_161 {dimension_numbers = #tpu.dot_dimension_numbers<[1], [1], [0], [0], [0, 0, 1, 0], [], []>, transpose_lhs_hint = false} : vector<256x384xbf16>, vector<768x384xf32>, vector<256x768xf32> -> vector<256x768xf32>
    %add3A_163 = arith.addf %add3A_141, %dot_general3A_162 : vector<256x768xf32>
    %slice3A_164 = vector.extract_strided_slice %dot_general3A_5 {offsets = [0, 5376], sizes = [256, 384], strides = [1, 1]} : vector<256x6144xf32> to vector<256x384xf32>
    %slice3A_165 = vector.extract_strided_slice %dot_general3A_5 {offsets = [0, 5760], sizes = [256, 384], strides = [1, 1]} : vector<256x6144xf32> to vector<256x384xf32>
    %logistic3A_166 = arith.negf %slice3A_164 : vector<256x384xf32>
    %logistic3A_167 = math.exp %logistic3A_166 : vector<256x384xf32>
    %logistic3A_168 = arith.constant 1.000000e+00 : f32
    %logistic3A_169 = vector.broadcast %logistic3A_168 : f32 to vector<256x384xf32>
    %logistic3A_170 = arith.addf %logistic3A_169, %logistic3A_167 : vector<256x384xf32>
    %logistic3A_171 = arith.divf %logistic3A_169, %logistic3A_170 : vector<256x384xf32>
    %mul3A_172 = arith.mulf %slice3A_164, %logistic3A_171 : vector<256x384xf32>
    %mul3A_173 = arith.mulf %mul3A_172, %slice3A_165 : vector<256x384xf32>
    %slice3A_174 = vector.extract_strided_slice %mul3A_10 {offsets = [0, 7], sizes = [256, 1], strides = [1, 1]} : vector<256x8xf32> to vector<256x1xf32>
    %mul3A_175 = vector.broadcast %slice3A_174 : vector<256x1xf32> to vector<256x384xf32>
    %mul3A_176 = arith.mulf %mul3A_173, %mul3A_175 : vector<256x384xf32>
    %convert_element_type3A_177 = arith.truncf %mul3A_176 : vector<256x384xf32> to vector<256x384xbf16>
    %get3A_178 = arith.constant 7 : index
    %get3A_179 = arith.constant 0 : index
    %get3A_180 = arith.constant 0 : index
    %get3A_181 = vector.load %arg5[%get3A_178, %get3A_179, %get3A_180] : memref<8x768x384xf32, #tpu.memory_space<vmem>>, vector<1x768x384xf32>
    %get3A_182 = vector.shape_cast %get3A_181 : vector<1x768x384xf32> to vector<768x384xf32>
    %dot_general3A_183 = arith.constant dense<0.000000e+00> : vector<256x768xf32>
    %dot_general3A_184 = tpu.matmul %convert_element_type3A_177, %get3A_182, %dot_general3A_183 {dimension_numbers = #tpu.dot_dimension_numbers<[1], [1], [0], [0], [0, 0, 1, 0], [], []>, transpose_lhs_hint = false} : vector<256x384xbf16>, vector<768x384xf32>, vector<256x768xf32> -> vector<256x768xf32>
    %add3A_185 = arith.addf %add3A_163, %dot_general3A_184 : vector<256x768xf32>
    %swap3A = arith.constant 0 : index
    %swap3A_186 = arith.constant 0 : index
    %swap3A_187 = vector.load %arg6[%swap3A, %swap3A_186] : memref<256x768xf32, #tpu.memory_space<vmem>>, vector<256x768xf32>
    tpu.vector_store %arg6[%swap3A, %swap3A_186], %add3A_185 {strides = array<i32>} : memref<256x768xf32, #tpu.memory_space<vmem>>, vector<256x768xf32>,
    return
  }
  func.func @transform_0(%arg0: i32) -> (i32, i32) {
    %c0_i32 = arith.constant 0 : i32
    %c0_i32_0 = arith.constant 0 : i32
    return %arg0, %c0_i32 : i32, i32
  }
  func.func @transform_1(%arg0: i32) -> (i32, i32) {
    %c0_i32 = arith.constant 0 : i32
    %c0_i32_0 = arith.constant 0 : i32
    return %c0_i32, %arg0 : i32, i32
  }
  func.func @transform_2(%arg0: i32) -> (i32, i32) {
    %c0_i32 = arith.constant 0 : i32
    %c0_i32_0 = arith.constant 0 : i32
    return %arg0, %c0_i32 : i32, i32
  }
  func.func @transform_3(%arg0: i32) -> (i32, i32) {
    %c0_i32 = arith.constant 0 : i32
    %c0_i32_0 = arith.constant 0 : i32
    %c0_i32_1 = arith.constant 0 : i32
    return %c0_i32, %c0_i32_0 : i32, i32
  }
  func.func @transform_4(%arg0: i32) -> (i32, i32, i32) {
    %c0_i32 = arith.constant 0 : i32
    %c0_i32_0 = arith.constant 0 : i32
    %c0_i32_1 = arith.constant 0 : i32
    %c0_i32_2 = arith.constant 0 : i32
    return %c0_i32, %c0_i32_0, %c0_i32_1 : i32, i32, i32
  }
  func.func @transform_5(%arg0: i32) -> (i32, i32) {
    %c0_i32 = arith.constant 0 : i32
    %c0_i32_0 = arith.constant 0 : i32
    return %arg0, %c0_i32 : i32, i32
  }
}

</mosaic_0001>

<sc_bundles>
// kernel: kernel.5.cloned.1.call-start
scs
__scs_entry_jumppad:
0x0: {  	(pc) =	sbr.rel $0x88, $3  }
0x1: {  	(tag) =	ssettag $0x0;
	lr =	simm.s32 $0x1  }
0x2: {  	[smem:$0x3F9A] =	sst lr;
	_ =	strace $0xD0000000  }
0x3: {  	_ = 	snop  }
0x4: {  	_ = 	snop  }
0x5: {  	_ = 	snop  }
0x6: {  	_ = 	snop  }
0x7: {  	_ = 	snop  }
__scs_overlays_trampoline_lowered:
0x8: {  	[smem:$0x3FA9] =	sst s0  }
0x9: {  	[smem:$0x3FAA] =	sst s1  }
0xa: {  	[smem:$0x3FAB] =	sst s2  }
0xb: {  	[smem:$0x3FAC] =	sst s3  }
0xc: {  	[smem:$0x3FAD] =	sst s4  }
0xd: {  	[smem:$0x3FAE] =	sst s5  }
0xe: {  	[smem:$0x3FAF] =	sst s6  }
0xf: {  	[smem:$0x3FB0] =	sst s7  }
0x10: {  	[smem:$0x3FB1] =	sst s8  }
0x11: {  	[smem:$0x3FB2] =	sst s9;
	s0 =	simm.s32 @!p0 $0x0  }
0x12: {  	s1 =	sld [smem:$0x3F98];
	s0 =	simm.s32 @p0 $0x1  }
0x13: {  	[smem:$0x3FB3] =	sst s0;
	s0 =	simm.s32 @!p1 $0x0  }
0x14: {  	s2 =	sld [smem:$0x3F97];
	s0 =	simm.s32 @p1 $0x1  }
0x15: {  	[smem:$0x3FB4] =	sst s0;
	s0 =	simm.s32 @!p2 $0x0  }
0x16: {  	s3 =	sld [smem:$0x3FDB];
	s0 =	simm.s32 @p2 $0x1  }
0x17: {  	s4 =	simm.s32 $0x1BF5;
	[smem:$0x3FB6] =	sst s0  }
0x18: {  	s0 =	sld [smem:$0x3F99];
	_ =	swait.ge [sflag:s4], $0x0  }
0x19: {  	s7 =	sld [smem:$0x3F9A]  }
0x1a: {  	s8 =	sadd.s32 $0xFFFFE003, lr  }
0x1b: {  	s9 =	sadd.s32 $0xFFFFFEF7, lr;
	s5 =	simm.s32 $0xFFFFFFFF;
	p2 =	slt.u32 s8, $0xFFFFF086  }
0x1c: {  	p1 =	slt.u32 s9, $0xF7A;
	s5 =	simm.s32 @!p2 $0x0  }
0x1d: {  	s5 =	simm.s32 @p1 $0x1;
	p0 =	seq.s32 s7, s2  }
0x1e: {  	s7 =	smul.u32 @!p0 $0xF7A, s2;
	p2 =	seq.s32 @!p0 s5, $0x0  }
0x1f: {  	s9 =	smul.u32 $0xF7A, s1;
	s8 =	simm.s32 @!p0 $0x1BF5;
	p2 =	por !p2, p0  }
0x20: {  	[sflag:s8] =	ssyncset.s32 @!p0 $0xFFFFF086;
	s6 =	sadd.s32 @!p0 s3, s7;
	s7 =	simm.s32 @!p0 $0x108  }
0x21: {  	s3 =	sadd.s32 s3, s9;
	s6 =	sadd.s32 @!p0 $0x88, s6;
	s7 =	simm.s32 @p2 $0x1082  }
0x22: {  	[simem:s7], [sflag:s8] =	dma.local @!p0 [hbm:s6], $0xF7A  }
0x23: {  	s9 =	sor.u32 $0xD0000000, s2;
	s6 =	simm.s32 $0x108;
	_ =	swait.ge @!p0 [sflag:s8], $0x0  }
0x24: {  	s3 =	sadd.s32 $0x88, s3;
	s6 =	simm.s32 @!p1 $0x1082;
	[sflag:s4] =	ssyncset.s32 $0xFFFFF086  }
0x25: {  	[simem:s6], [sflag:s4] =	dma.local [hbm:s3], $0xF7A  }
0x26: {  	[smem:$0x3F9A] =	sst s1;
	(tag) =	ssettag s2;
	_ =	strace s9  }
0x27: {  	s1 =	sld [smem:$0x3FAA]  }
0x28: {  	s2 =	sld [smem:$0x3FAB]  }
0x29: {  	s4 =	sld [smem:$0x3FAD]  }
0x2a: {  	p0 =	seq.s32 s5, $0x0;
	s5 =	sld [smem:$0x3FAE]  }
0x2b: {  	s6 =	sld [smem:$0x3FAF]  }
0x2c: {  	s7 =	sld [smem:$0x3FB0]  }
0x2d: {  	s3 =	simm.s32 $0x108;
	s8 =	sld [smem:$0x3FB1]  }
0x2e: {  	s3 =	simm.s32 @!p0 $0x1082;
	s9 =	sld [smem:$0x3FB2]  }
0x2f: {  	lr =	sadd.s32 s0, s3;
	s0 =	sld [smem:$0x3FA9]  }
0x30: {  	s3 =	sld [smem:$0x3FAC]  }
0x31: {  	[smem:$0x3FB5] =	sst s10  }
0x32: {  	s10 =	sld [smem:$0x3FB3];
	_ =	sdelay $0x3  }
0x33: {  	p0 =	seq.s32 s10, $0x1;
	s10 =	sld [smem:$0x3FB5];
	_ =	sdelay $0x3  }
0x34: {  	[smem:$0x3FB5] =	sst s10  }
0x35: {  	s10 =	sld [smem:$0x3FB4];
	_ =	sdelay $0x3  }
0x36: {  	p1 =	seq.s32 s10, $0x1;
	s10 =	sld [smem:$0x3FB5];
	_ =	sdelay $0x3  }
0x37: {  	[smem:$0x3FB5] =	sst s10  }
0x38: {  	s10 =	sld [smem:$0x3FB6]  }
0x39: {  	_ = 	snop;
	(pc) =	sbr.ind lr, $3  }
0x3a: {  	_ = 	snop  }
0x3b: {  	_ = 	snop  }
0x3c: {  	p2 =	seq.s32 s10, $0x1;
	s10 =	sld [smem:$0x3FB5]  }
0x3d: {  	_ =	shalt  }
0x3e: {  	_ =	shalt  }
0x3f: {  	_ =	shalt  }
0x40: {  	_ =	shalt  }
0x41: {  	_ =	shalt  }
0x42: {  	_ =	shalt  }
0x43: {  	_ =	shalt  }
0x44: {  	_ =	shalt  }
0x45: {  	_ =	shalt  }
0x46: {  	_ =	shalt  }
0x47: {  	_ =	shalt  }
0x48: {  	_ =	shalt  }
0x49: {  	_ =	shalt  }
0x4a: {  	_ =	shalt  }
0x4b: {  	_ =	shalt  }
0x4c: {  	_ =	shalt  }
0x4d: {  	_ =	shalt  }
0x4e: {  	_ =	shalt  }
0x4f: {  	_ =	shalt  }
0x50: {  	_ =	shalt  }
0x51: {  	_ =	shalt  }
0x52: {  	_ =	shalt  }
0x53: {  	_ =	shalt  }
0x54: {  	_ =	shalt  }
0x55: {  	_ =	shalt  }
0x56: {  	_ =	shalt  }
0x57: {  	_ =	shalt  }
0x58: {  	_ =	shalt  }
0x59: {  	_ =	shalt  }
0x5a: {  	_ =	shalt  }
0x5b: {  	_ =	shalt  }
0x5c: {  	_ =	shalt  }
0x5d: {  	_ =	shalt  }
0x5e: {  	_ =	shalt  }
0x5f: {  	_ =	shalt  }
0x60: {  	_ =	shalt  }
0x61: {  	_ =	shalt  }
0x62: {  	_ =	shalt  }
0x63: {  	_ =	shalt  }
0x64: {  	_ =	shalt  }
0x65: {  	_ =	shalt  }
0x66: {  	_ =	shalt  }
0x67: {  	_ =	shalt  }
0x68: {  	_ =	shalt  }
0x69: {  	_ =	shalt  }
0x6a: {  	_ =	shalt  }
0x6b: {  	_ =	shalt  }
0x6c: {  	_ =	shalt  }
0x6d: {  	_ =	shalt  }
0x6e: {  	_ =	shalt  }
0x6f: {  	_ =	shalt  }
0x70: {  	_ =	shalt  }
0x71: {  	_ =	shalt  }
0x72: {  	_ =	shalt  }
0x73: {  	_ =	shalt  }
0x74: {  	_ =	shalt  }
0x75: {  	_ =	shalt  }
0x76: {  	_ =	shalt  }
0x77: {  	_ =	shalt  }
0x78: {  	_ =	shalt  }
0x79: {  	_ =	shalt  }
0x7a: {  	_ =	shalt  }
0x7b: {  	_ =	shalt  }
0x7c: {  	_ =	shalt  }
0x7d: {  	_ =	shalt  }
0x7e: {  	_ =	shalt  }
0x7f: {  	_ =	shalt  }
0x80: {  	_ =	shalt  }
0x81: {  	_ =	shalt  }
0x82: {  	_ =	shalt  }
0x83: {  	_ =	shalt  }
0x84: {  	_ =	shalt  }
0x85: {  	_ =	shalt  }
0x86: {  	_ =	shalt  }
0x87: {  	_ =	shalt  }
.Lfunc_end0:
.L_simem_size_0:
called_computation_lowered:
.L_overlay_start_0:
0x88: {  	s2 =	sld [smem:$0x3FD9]  }
0x89: {  	s3 =	sld [smem:$0x3FFE];
	_ =	sdelay $0x1  }
0x8a: {  	s1 =	srdreg.scid  }
0x8b: {  	s0 =	sand.u32 $0x1, s1  }
0x8c: {  	s16 =	sshll.u32 s0, $0xA;
	s2 =	sadd.s32 s3, s2  }
0x8d: {  	s2 =	sadd.s32 s2, s16  }
0x8e: {  	[smem:$0x3FC1] =	sst s2  }
0x8f: {  	_ = 	snop  }
0x90: {  	(tm) =	ssettm $0x1  }
0x91: {  	s17 =	sld [smem:$0x3FFB];
	_ =	sdelay $0x3  }
0x92: {  	_ =	strace s17  }
0x93: {  	s2 =	sld [smem:$0x3FFC];
	_ =	sdelay $0x3  }
0x94: {  	_ =	strace s2  }
0x95: {  	s2 =	sld [smem:$0x3FFD];
	_ =	sdelay $0x3  }
0x96: {  	_ =	strace s2  }
0x97: {  	_ =	strace $0x8FFFFFFF  }
0x98: {  	s18 =	sld [smem:$0x3FDB];
	_ =	sdelay $0x1  }
0x99: {  	s19 =	simm.s32 $_scs_section_size  }
0x9a: {  	s4 =	simm.s32 $_size__tile_overlayer_lowered;
	s5 =	simm.s32 $_tile_overlayer_lowered  }
0x9b: {  	s22 =	simm.s32 $0x1BFF;
	s21 =	sshll.u32 s5, $0x1;
	s2 =	sadd.s32 s19, s18  }
0x9c: {  	s6 =	simm.s32 $0x0;
	s20 =	sshll.u32 s4, $0x1;
	s4 =	sadd.s32 s21, s2  }
0x9d: {  	[timem:s6], [sflag:s22] =	dma.local [hbm:s4], s20  }
0x9e: {  	_ =	swait.ge [sflag:s22], s20  }
0x9f: {  	s3 =	ssub.s32 $0x0, s20;
	[sflag:s22] =	ssyncset.done $0x0  }
0xa0: {  	[sflag:s22] =	ssyncadd.s32 s3;
	_ =	sdelay $0x1  }
0xa1: {  	s23 =	simm.s32 $0x1B8B  }
0xa2: {  	_ =	swait.ge [sflag:s23], $0x1  }
0xa3: {  	[sflag:s23] =	ssyncset.done $0x0  }
0xa4: {  	s25 =	simm.s32 $0x1B8E;
	s24 =	sld [smem:$0x3FFE];
	[sflag:s23] =	ssyncadd.s32 $0xFFFFFFFF  }
0xa5: {  	s26 =	simm.s32 $execute0_lowered;
	[smem:$0x3FD2] =	sst s25  }
0xa6: {  	s4 =	sshll.u32 s26, $0x1;
	_ =	strace $0x80000046;
	[dreg:$0x1] =	wrdreg $0xFFFFFFFF  }
0xa7: {  	s28 =	simm.s32 $_size_execute0_lowered;
	s2 =	sadd.s32 s2, s4;
	[dreg:$0x0] =	wrdreg $0x0  }
0xa8: {  	s4 =	sshll.u32 s28, $0x1;
	[dreg:$0x2] =	wrdreg s2  }
0xa9: {  	[dreg:$0x3] =	wrdreg s4  }
0xaa: {  	[dreg:$0x4] =	wrdreg $0xC0  }
0xab: {  	_ =	task [dreg:s6], $0x5FFFF  }
0xac: {  	[dreg:$0x1] =	wrdreg $0xFFFFFFFF  }
0xad: {  	[dreg:$0x0] =	wrdreg $0x60  }
0xae: {  	[dreg:$0x2] =	wrdreg s24  }
0xaf: {  	[dreg:$0x3] =	wrdreg $0x9  }
0xb0: {  	_ =	task.clear_ibuf [dreg:s6], $0x4FFFF;
	_ =	strace $0x90000046  }
0xb1: {  	s29 =	simm.s32 $0x9;
	_ =	strace $0x80000048  }
0xb2: {  	_ =	swait.ge [sflag:s29], $0x1  }
0xb3: {  	[sflag:s29] =	ssyncadd.s32 $0xFFFFFFFF  }
0xb4: {  	_ =	strace $0x90000048  }
0xb5: {  	_ =	sfence  }
0xb6: {  	s30 =	sld [smem:$0x0];
	_ =	sdelay $0x2  }
0xb7: {  	s31 =	sshll.u32 s1, $0xD;
	s1 =	sshrl.u32 s1, $0x2  }
0xb8: {  	s3 =	sand.u32 $0x4000, s31;
	s1 =	sadd.s32 s1, s30  }
0xb9: {  	s0 =	sor.u32 s3, s0;
	s1 =	sshll.u32 s1, $0x11  }
0xba: {  	s0 =	sor.u32 s1, s0  }
0xbb: {  	s0 =	sadd.s32 $0x8F2B, s0  }
0xbc: {  	[sflag:s0] =	ssyncadd.remote.s32 $0x1  }
0xbd: {  	_ =	sfence.sel $0xFFFF  }
0xbe: {  	[dreg:$0x0] =	wrdreg $0xFFFFFFFF;
	(pc) =	sbr.abs _section_cstart, $3  }
0xbf: {  	[dreg:$0x1] =	wrdreg $0xFFFFFFFF  }
0xc0: {  	_ =	task.clear_ibuf [dreg:s6], $0x2FFFF;
	_ =	strace $0x9FFFFFFF  }
0xc1: {  	(tm) =	ssettm $0x7FFFFFFF  }
tec
execute0_lowered:
.L_overlay_start_1:
0x0: {  	(tag) =	ssettag $0x1  }
0x1: {  	s1 =	stileid.u32  }
0x2: {  	p0 =	sgt.u32 s1, $0x7  }
.Ltmp0:
0x3: {  	_ = 	snop;
	(pc) =	sbr.rel @p0 .LBB2_3-.Ltmp0, $4  }
0x4: {  	_ = 	snop  }
0x5: {  	s3 =	rddreg [dreg:$0x0];
	s2 =	simm.s32 $0x0  }
0x6: {  	[smem:$0x7FF] =	sst s2  }
0x7: {  	s0 =	rddreg [dreg:$0x1];
	_ =	strace $0x80000047  }
0x8: {  	s4 =	srdreg.scid  }
0x9: {  	s4 =	sand.u32 $0x1, s4  }
0xa: {  	s5 =	sshll.u32 s1, $0x8;
	s6 =	sshll.u32 s4, $0x7;
	s4 =	ssub.s32 $0x2, s4  }
0xb: {  	s8 =	sadd.s32 $0x1C00, s3;
	s5 =	sor.u32 s6, s5;
	s7 =	sshrl.u32 s4, $0x1  }
0xc: {  	s9 =	simm.s32 $0x800;
	s6 =	sadd.s32 s5, s3;
	s7 =	ssub.s32 s4, s7  }
0xd: {  	s5 =	sadd.s32 s8, s5;
	s8 =	simm.s32 $0x400;
	s3 =	sadd.s32 $0x2400, s6  }
0xe: {  	v0 =	vimm.f32 $0.0e+00;
	s4 =	sadd.s32 $0x2C00, s6;
	s6 =	smax.u32 s7, $0x1;
	s7 =	simm.s32 $0x1  }
.LBB2_2:
0xf: {  	[tilespmem:s2], [sflag:$0x1] =	stream.linear.gather [hbm4b:s5+s2], $0x400, $0x38;
	[tilespmem:$0xC00] =	vst v63  }
0x10: {  	_ =	swait.ge [sflag:s7], $0x400  }
0x11: {  	[sflag:s7] =	ssyncset.done $0x0  }
0x12: {  	[sflag:s7] =	ssyncadd.s32 $0xFFFFFC00  }
0x13: {  	[tilespmem:s8], [sflag:$0x1] =	stream.linear.gather [hbm4b:s3+s2], $0x400, $0x38;
	[tilespmem:$0xC00] =	vst v63  }
0x14: {  	_ =	swait.ge [sflag:s7], $0x400  }
0x15: {  	[sflag:s7] =	ssyncset.done $0x0  }
0x16: {  	[sflag:s7] =	ssyncadd.s32 $0xFFFFFC00  }
0x17: {  	v1 =	vld [tilespmem:$0x400]  }
0x18: {  	v2 =	vld [tilespmem:$0x480]  }
0x19: {  	v3 =	vld [tilespmem:$0x500]  }
0x1a: {  	v4 =	vld [tilespmem:$0x580]  }
0x1b: {  	v5 =	vld [tilespmem:$0x600]  }
0x1c: {  	v9 =	vld [tilespmem:$0x680]  }
0x1d: {  	v10 =	vld [tilespmem:$0x700]  }
0x1e: {  	v11 =	vld [tilespmem:$0x780];
	_ =	sdelay $0x2  }
0x1f: {  	v6 =	vadd.f32 v2, v1;
	v7 =	vadd.f32 v4, v3  }
0x20: {  	v8 =	vadd.f32 v9, v5  }
0x21: {  	v12 =	vadd.f32 v11, v10;
	vm0 =	vgt.f32 v7, v6  }
0x22: {  	vm1 =	vgt.f32 v8, v6;
	vm7 =	vge.f32 v6, v7;
	vm8 =	vgt.f32 v8, v7  }
0x23: {  	vm2 =	vgt.f32 v12, v6;
	vm9 =	vgt.f32 v12, v7;
	vm10 =	vge.f32 v6, v8  }
0x24: {  	vm11 =	vge.f32 v7, v8;
	vm14 =	vgt.f32 v12, v8;
	vm15 =	vge.f32 v6, v12  }
0x25: {  	vm3 =	vge.f32 v7, v12;
	vm4 =	vge.f32 v8, v12;
	v13 =	vsel vm0, $0x3F800000, v0  }
0x26: {  	v14 =	vsel vm1, $0x3F800000, v0;
	v36 =	vsel vm7, $0x3F800000, v0;
	v15 =	vsel vm8, $0x3F800000, v0  }
0x27: {  	v16 =	vsel vm2, $0x3F800000, v0;
	v13 =	vadd.f32 v14, v13;
	v14 =	vadd.f32 v15, v36  }
0x28: {  	v37 =	vsel vm9, $0x3F800000, v0;
	v38 =	vsel vm10, $0x3F800000, v0;
	v39 =	vsel vm11, $0x3F800000, v0  }
0x29: {  	v40 =	vsel vm14, $0x3F800000, v0;
	v13 =	vadd.f32 v16, v13;
	v14 =	vadd.f32 v37, v14  }
0x2a: {  	v6 =	vsel vm15, $0x3F800000, v0;
	v7 =	vsel vm3, $0x3F800000, v0;
	v43 =	vsel vm4, $0x3F800000, v0  }
0x2b: {  	v42 =	vadd.f32 v7, v6;
	vm12 =	vlt.f32 v13, $2.000000000e+00;
	vm13 =	vlt.f32 v14, $2.000000000e+00  }
0x2c: {  	v13 =	vadd.f32 v39, v38;
	v7 =	vnsel vm12, $0x0, v1;
	v8 =	vnsel vm12, $0x0, v2  }
0x2d: {  	v6 =	vnsel vm13, $0x0, v3;
	v1 =	vadd.f32 v42, v43;
	v4 =	vnsel vm13, $0x0, v4  }
0x2e: {  	v41 =	vadd.f32 v40, v13;
	vm5 =	vgt.f32 v8, v7;
	vm6 =	vgt.f32 v6, v7  }
0x2f: {  	vm8 =	vgt.f32 v4, v7;
	vm11 =	vge.f32 v7, v8;
	vm12 =	vgt.f32 v6, v8  }
0x30: {  	vm14 =	vgt.f32 v4, v8;
	v2 =	vsel vm5, $0x3F800000, v0;
	v3 =	vsel vm6, $0x3F800000, v0  }
0x31: {  	vm9 =	vlt.f32 v1, $2.000000000e+00;
	v1 =	vsel vm8, $0x3F800000, v0;
	v46 =	vsel vm11, $0x3F800000, v0  }
0x32: {  	v47 =	vsel vm12, $0x3F800000, v0;
	v49 =	vsel vm14, $0x3F800000, v0;
	vm8 =	vge.f32 v8, v6  }
0x33: {  	vm14 =	vge.f32 v8, v4;
	vm7 =	vlt.f32 v41, $2.000000000e+00;
	v2 =	vadd.f32 v3, v2  }
0x34: {  	v55 =	vsel vm8, $0x3F800000, v0;
	v62 =	vsel vm14, $0x3F800000, v0;
	v5 =	vnsel vm7, $0x0, v5  }
0x35: {  	v3 =	vnsel vm7, $0x0, v9;
	vm7 =	vge.f32 v7, v6;
	v44 =	vadd.f32 v2, v1  }
0x36: {  	vm10 =	vgt.f32 v5, v7;
	v1 =	vnsel vm9, $0x0, v10;
	v2 =	vnsel vm9, $0x0, v11  }
0x37: {  	vm13 =	vgt.f32 v3, v7;
	v10 =	vadd.f32 v47, v46;
	vm4 =	vgt.f32 v5, v8  }
0x38: {  	vm6 =	vgt.f32 v3, v8;
	v54 =	vsel vm7, $0x3F800000, v0;
	vm12 =	vgt.f32 v5, v6  }
0x39: {  	vm7 =	vgt.f32 v5, v4;
	vm14 =	vge.f32 v4, v5;
	v45 =	vsel vm10, $0x3F800000, v0  }
0x3a: {  	v48 =	vsel vm13, $0x3F800000, v0;
	vm15 =	vgt.f32 v1, v7;
	vm5 =	vgt.f32 v2, v7  }
0x3b: {  	v51 =	vsel vm4, $0x3F800000, v0;
	v53 =	vsel vm6, $0x3F800000, v0;
	vm9 =	vgt.f32 v1, v8  }
0x3c: {  	v11 =	vadd.f32 v55, v54;
	vm10 =	vgt.f32 v4, v6;
	vm11 =	vgt.f32 v2, v8  }
0x3d: {  	v60 =	vsel vm12, $0x3F800000, v0;
	vm13 =	vge.f32 v7, v4;
	vm6 =	vgt.f32 v1, v6  }
0x3e: {  	vm8 =	vgt.f32 v2, v6;
	v18 =	vsel vm7, $0x3F800000, v0;
	vm4 =	vgt.f32 v1, v4  }
0x3f: {  	vm12 =	vge.f32 v6, v5;
	v28 =	vsel vm14, $0x3F800000, v0;
	vm14 =	vge.f32 v7, v1  }
0x40: {  	vm7 =	vge.f32 v4, v1;
	v9 =	vadd.f32 v44, v45;
	v50 =	vsel vm15, $0x3F800000, v0  }
0x41: {  	v10 =	vadd.f32 v10, v49;
	v52 =	vsel vm5, $0x3F800000, v0;
	v56 =	vsel vm9, $0x3F800000, v0  }
0x42: {  	v57 =	vsel vm10, $0x3F800000, v0;
	v58 =	vsel vm11, $0x3F800000, v0;
	vm15 =	vgt.f32 v3, v6  }
0x43: {  	v61 =	vsel vm13, $0x3F800000, v0;
	vm5 =	vge.f32 v6, v4;
	v17 =	vsel vm6, $0x3F800000, v0  }
0x44: {  	v19 =	vsel vm8, $0x3F800000, v0;
	vm9 =	vgt.f32 v3, v4;
	vm10 =	vge.f32 v7, v5  }
0x45: {  	vm11 =	vge.f32 v8, v5;
	v24 =	vsel vm4, $0x3F800000, v0;
	vm13 =	vgt.f32 v2, v4  }
0x46: {  	v25 =	vsel vm12, $0x3F800000, v0;
	vm8 =	vge.f32 v8, v3;
	vm12 =	vgt.f32 v2, v5  }
0x47: {  	vm6 =	vgt.f32 v1, v3;
	v38 =	vsel vm14, $0x3F800000, v0;
	vm14 =	vge.f32 v4, v2  }
0x48: {  	v11 =	vadd.f32 v11, v57;
	v63 =	vsel vm15, $0x3F800000, v0;
	v16 =	vsel vm5, $0x3F800000, v0  }
0x49: {  	v21 =	vsel vm9, $0x3F800000, v0;
	v22 =	vsel vm10, $0x3F800000, v0;
	v23 =	vsel vm11, $0x3F800000, v0  }
0x4a: {  	v26 =	vsel vm13, $0x3F800000, v0;
	vm15 =	vge.f32 v7, v3;
	vm5 =	vgt.f32 v3, v5  }
0x4b: {  	v30 =	vsel vm8, $0x3F800000, v0;
	vm9 =	vge.f32 v6, v3;
	vm10 =	vgt.f32 v1, v5  }
0x4c: {  	vm11 =	vge.f32 v4, v3;
	v35 =	vsel vm12, $0x3F800000, v0;
	vm13 =	vge.f32 v5, v3  }
0x4d: {  	v40 =	vsel vm6, $0x3F800000, v0;
	vm8 =	vge.f32 v6, v1;
	vm12 =	vge.f32 v6, v2  }
0x4e: {  	v9 =	vadd.f32 v9, v48;
	v10 =	vadd.f32 v10, v51;
	v29 =	vsel vm15, $0x3F800000, v0  }
0x4f: {  	v31 =	vsel vm5, $0x3F800000, v0;
	v32 =	vsel vm9, $0x3F800000, v0;
	v33 =	vsel vm10, $0x3F800000, v0  }
0x50: {  	v34 =	vsel vm11, $0x3F800000, v0;
	v37 =	vsel vm13, $0x3F800000, v0;
	v10 =	vadd.f32 v10, v53  }
0x51: {  	vm15 =	vge.f32 v8, v1;
	vm9 =	vgt.f32 v2, v3;
	v42 =	vsel vm8, $0x3F800000, v0  }
0x52: {  	vm10 =	vge.f32 v7, v2;
	vm11 =	vge.f32 v8, v2;
	v10 =	vadd.f32 v10, v56  }
0x53: {  	vm13 =	vge.f32 v5, v1;
	vm8 =	vge.f32 v5, v2;
	v39 =	vsel vm15, $0x3F800000, v0  }
0x54: {  	v45 =	vsel vm10, $0x3F800000, v0;
	v46 =	vsel vm11, $0x3F800000, v0;
	v59 =	vadd.f32 v10, v58  }
0x55: {  	vm15 =	vge.f32 v3, v1;
	v10 =	vadd.f32 v11, v60;
	v11 =	vadd.f32 v62, v61  }
0x56: {  	v43 =	vld [tilespmem:$0x80];
	v57 =	vsel vm9, $0x3F800000, v0;
	v9 =	vadd.f32 v9, v50;
	v8 =	vadd.f32 v46, v45  }
0x57: {  	v41 =	vld [tilespmem:$0x0];
	v50 =	vsel vm12, $0x3F800000, v0;
	v10 =	vadd.f32 v10, v63;
	v11 =	vadd.f32 v11, v16  }
0x58: {  	v54 =	vld [tilespmem:$0x410];
	vm9 =	vgt.f32 v2, v1;
	vm10 =	vge.f32 v3, v2;
	v8 =	vadd.f32 v8, v50  }
0x59: {  	v53 =	vsel vm14, $0x3F800000, v0;
	v56 =	vld [tilespmem:$0x490];
	v10 =	vadd.f32 v10, v17;
	v11 =	vadd.f32 v11, v18  }
0x5a: {  	v9 =	vadd.f32 v9, v52;
	v8 =	vadd.f32 v8, v53;
	vm1 =	vlt.f32 v59, $2.000000000e+00;
	v59 =	vld [tilespmem:$0x590]  }
0x5b: {  	vm11 =	vge.f32 v1, v2;
	v63 =	vld [tilespmem:$0x690];
	v20 =	vadd.f32 v10, v19;
	v10 =	vadd.f32 v11, v21  }
0x5c: {  	vm0 =	vlt.f32 v9, $2.000000000e+00;
	v58 =	vsel vm8, $0x3F800000, v0;
	v18 =	vld [tilespmem:$0x510];
	v11 =	vadd.f32 v23, v22  }
0x5d: {  	v61 =	vsel vm10, $0x3F800000, v0;
	v8 =	vadd.f32 v8, v58;
	v19 =	vld [tilespmem:$0x610];
	v10 =	vadd.f32 v10, v24  }
0x5e: {  	v2 =	vnsel vm0, $0x0, v41;
	v1 =	vnsel vm1, $0x0, v43;
	v21 =	vld [tilespmem:$0x790];
	v11 =	vadd.f32 v11, v25  }
0x5f: {  	v62 =	vadd.f32 v8, v61;
	vm2 =	vlt.f32 v20, $2.000000000e+00;
	v20 =	vld [tilespmem:$0x710];
	v27 =	vadd.f32 v10, v26  }
0x60: {  	v10 =	vadd.f32 v11, v28;
	v11 =	vadd.f32 v30, v29;
	v28 =	vsel vm11, $0x3F800000, v0  }
0x61: {  	v48 =	vsel vm7, $0x3F800000, v0;
	v29 =	vadd.f32 v1, v2;
	v5 =	vadd.f32 v62, v28  }
0x62: {  	v55 =	vsel vm15, $0x3F800000, v0;
	v22 =	vadd.f32 v63, v19;
	v10 =	vadd.f32 v10, v31  }
0x63: {  	v60 =	vsel vm9, $0x3F800000, v0;
	v11 =	vadd.f32 v11, v32;
	v31 =	vadd.f32 v56, v54  }
0x64: {  	v17 =	vsel vm13, $0x3F800000, v0;
	v32 =	vadd.f32 v59, v18;
	v23 =	vadd.f32 v21, v20  }
0x65: {  	vm15 =	vlt.f32 v5, $2.000000000e+00;
	v10 =	vadd.f32 v10, v33;
	v11 =	vadd.f32 v11, v34  }
0x66: {  	vm4 =	vgt.f32 v32, v31;
	vm6 =	vgt.f32 v22, v31;
	vm8 =	vge.f32 v31, v32  }
0x67: {  	vm9 =	vgt.f32 v22, v32;
	vm10 =	vge.f32 v31, v22;
	vm11 =	vge.f32 v32, v22  }
0x68: {  	v33 =	vsel vm4, $0x3F800000, v0;
	v34 =	vsel vm6, $0x3F800000, v0;
	vm7 =	vgt.f32 v23, v31  }
0x69: {  	v24 =	vsel vm9, $0x3F800000, v0;
	v25 =	vsel vm11, $0x3F800000, v0;
	v36 =	vadd.f32 v10, v35  }
0x6a: {  	v49 =	vld [tilespmem:$0x200];
	vm9 =	vge.f32 v32, v23;
	v10 =	vadd.f32 v11, v37;
	v11 =	vadd.f32 v39, v38  }
0x6b: {  	v38 =	vsel vm7, $0x3F800000, v0;
	v39 =	vsel vm8, $0x3F800000, v0;
	vm8 =	vge.f32 v31, v23  }
0x6c: {  	v46 =	vsel vm9, $0x3F800000, v0;
	v24 =	vadd.f32 v24, v39;
	v11 =	vadd.f32 v11, v42  }
0x6d: {  	v51 =	vld [tilespmem:$0x280];
	v45 =	vsel vm8, $0x3F800000, v0;
	v10 =	vadd.f32 v10, v40;
	vm12 =	vlt.f32 v36, $2.000000000e+00  }
0x6e: {  	v36 =	vadd.f32 v34, v33;
	v40 =	vsel vm10, $0x3F800000, v0;
	v11 =	vadd.f32 v11, v48  }
0x6f: {  	v44 =	vld [tilespmem:$0x100];
	v9 =	vadd.f32 v46, v45;
	v6 =	vnsel vm12, $0x0, v49;
	v3 =	vadd.f32 v10, v57  }
0x70: {  	vm12 =	vgt.f32 v23, v32;
	v25 =	vadd.f32 v25, v40;
	v52 =	vadd.f32 v11, v17  }
0x71: {  	v26 =	vsel vm12, $0x3F800000, v0;
	vm12 =	vge.f32 v22, v23;
	vm13 =	vlt.f32 v3, $2.000000000e+00  }
0x72: {  	v47 =	vld [tilespmem:$0x180];
	v5 =	vnsel vm13, $0x0, v51;
	vm13 =	vgt.f32 v23, v22;
	v4 =	vadd.f32 v52, v55  }
0x73: {  	v30 =	vld [tilespmem:$0x300];
	v15 =	vadd.f32 v38, v36;
	v49 =	vsel vm12, $0x3F800000, v0;
	v42 =	vsel vm13, $0x3F800000, v0  }
0x74: {  	v3 =	vnsel vm2, $0x0, v44;
	v44 =	vadd.f32 v42, v25;
	v4 =	vadd.f32 v4, v60  }
0x75: {  	vm3 =	vlt.f32 v27, $2.000000000e+00;
	v37 =	vld [tilespmem:$0x380];
	v41 =	vadd.f32 v26, v24;
	v9 =	vadd.f32 v9, v49  }
0x76: {  	v7 =	vadd.f32 v29, v3;
	vm10 =	vlt.f32 v44, $2.000000000e+00;
	vm14 =	vlt.f32 v4, $2.000000000e+00  }
0x77: {  	v4 =	vnsel vm3, $0x0, v47;
	v13 =	vnsel vm10, $0x0, v19;
	v10 =	vnsel vm10, $0x0, v63  }
0x78: {  	v8 =	vadd.f32 v7, v4;
	v7 =	vnsel vm14, $0x0, v30;
	vm14 =	vlt.f32 v15, $2.000000000e+00  }
0x79: {  	v15 =	vnsel vm14, $0x0, v54;
	v16 =	vnsel vm14, $0x0, v56;
	vm14 =	vlt.f32 v9, $2.000000000e+00  }
0x7a: {  	v35 =	vadd.f32 v8, v6;
	v8 =	vnsel vm15, $0x0, v37;
	vm15 =	vlt.f32 v41, $2.000000000e+00  }
0x7b: {  	vm0 =	vgt.f32 v16, v15;
	vm13 =	vgt.f32 v13, v15;
	v9 =	vnsel vm14, $0x0, v20  }
0x7c: {  	vm5 =	vge.f32 v15, v16;
	vm9 =	vgt.f32 v13, v16;
	vm12 =	vgt.f32 v10, v16  }
0x7d: {  	v14 =	vnsel vm15, $0x0, v18;
	v12 =	vnsel vm15, $0x0, v59;
	v47 =	vsel vm0, $0x3F800000, v0  }
0x7e: {  	v52 =	vsel vm13, $0x3F800000, v0;
	vm15 =	vgt.f32 v10, v15;
	vm4 =	vgt.f32 v9, v15  }
0x7f: {  	v55 =	vsel vm5, $0x3F800000, v0;
	v61 =	vsel vm9, $0x3F800000, v0;
	v24 =	vsel vm12, $0x3F800000, v0  }
0x80: {  	v43 =	vadd.f32 v35, v5;
	vm11 =	vgt.f32 v14, v15;
	vm1 =	vgt.f32 v12, v15  }
0x81: {  	v53 =	vsel vm15, $0x3F800000, v0;
	v54 =	vsel vm4, $0x3F800000, v0;
	vm6 =	vgt.f32 v14, v16  }
0x82: {  	vm8 =	vgt.f32 v12, v16;
	vm10 =	vge.f32 v15, v14;
	vm13 =	vgt.f32 v12, v14  }
0x83: {  	vm15 =	vgt.f32 v13, v14;
	vm5 =	vgt.f32 v10, v14;
	vm9 =	vge.f32 v14, v12  }
0x84: {  	vm12 =	vgt.f32 v10, v12;
	v48 =	vsel vm11, $0x3F800000, v0;
	v50 =	vsel vm1, $0x3F800000, v0  }
0x85: {  	v56 =	vsel vm6, $0x3F800000, v0;
	v58 =	vsel vm8, $0x3F800000, v0;
	vm11 =	vge.f32 v16, v14  }
0x86: {  	v62 =	vsel vm10, $0x3F800000, v0;
	v25 =	vsel vm13, $0x3F800000, v0;
	v27 =	vsel vm15, $0x3F800000, v0  }
0x87: {  	v29 =	vsel vm5, $0x3F800000, v0;
	vm6 =	vge.f32 v15, v12;
	vm8 =	vgt.f32 v9, v14  }
0x88: {  	v33 =	vsel vm9, $0x3F800000, v0;
	v38 =	vsel vm12, $0x3F800000, v0;
	vm13 =	vge.f32 v15, v13  }
0x89: {  	vm15 =	vgt.f32 v9, v12;
	vm9 =	vge.f32 v15, v10;
	v11 =	vadd.f32 v48, v47  }
0x8a: {  	vm12 =	vge.f32 v14, v10;
	v51 =	vadd.f32 v43, v7;
	v19 =	vadd.f32 v56, v55  }
0x8b: {  	v63 =	vsel vm11, $0x3F800000, v0;
	v30 =	vsel vm6, $0x3F800000, v0;
	v32 =	vsel vm8, $0x3F800000, v0  }
0x8c: {  	vm11 =	vgt.f32 v13, v12;
	v39 =	vsel vm13, $0x3F800000, v0;
	v41 =	vsel vm15, $0x3F800000, v0  }
0x8d: {  	vm8 =	vge.f32 v14, v13;
	v43 =	vsel vm9, $0x3F800000, v0;
	vm13 =	vgt.f32 v10, v13  }
0x8e: {  	v46 =	vsel vm12, $0x3F800000, v0;
	vm15 =	vgt.f32 v9, v13;
	vm9 =	vgt.f32 v9, v10  }
0x8f: {  	vm12 =	vge.f32 v16, v9;
	v20 =	vadd.f32 v63, v62;
	v36 =	vsel vm11, $0x3F800000, v0  }
0x90: {  	v42 =	vsel vm8, $0x3F800000, v0;
	vm11 =	vge.f32 v12, v13;
	v47 =	vsel vm13, $0x3F800000, v0  }
0x91: {  	v49 =	vsel vm15, $0x3F800000, v0;
	v56 =	vsel vm12, $0x3F800000, v0;
	v11 =	vadd.f32 v11, v50  }
0x92: {  	vm15 =	vge.f32 v14, v9;
	v17 =	vadd.f32 v51, v8;
	v60 =	vadd.f32 v19, v58  }
0x93: {  	v45 =	vsel vm11, $0x3F800000, v0;
	vm11 =	vge.f32 v15, v9;
	v62 =	vsel vm15, $0x3F800000, v0  }
0x94: {  	v20 =	vadd.f32 v20, v25;
	v55 =	vsel vm11, $0x3F800000, v0;
	vm11 =	vge.f32 v13, v9  }
0x95: {  	v18 =	vadd.f32 v11, v52;
	v11 =	vnsel vm14, $0x0, v21;
	vm14 =	vgt.f32 v9, v16  }
0x96: {  	(erf) = vrcp.f32 v17;
	vm7 =	vgt.f32 v11, v15;
	v26 =	vsel vm14, $0x3F800000, v0  }
0x97: {  	vm4 =	vgt.f32 v11, v16;
	v20 =	vadd.f32 v20, v27;
	vm10 =	vgt.f32 v11, v14  }
0x98: {  	vm14 =	vge.f32 v16, v13;
	vm8 =	vgt.f32 v11, v13;
	vm13 =	vge.f32 v15, v11  }
0x99: {  	vm12 =	vge.f32 v13, v11;
	vm15 =	vgt.f32 v11, v9;
	v18 =	vadd.f32 v18, v53  }
0x9a: {  	v57 =	vsel vm7, $0x3F800000, v0;
	v28 =	vsel vm4, $0x3F800000, v0;
	vm7 =	vge.f32 v16, v12  }
0x9b: {  	v34 =	vsel vm10, $0x3F800000, v0;
	v40 =	vsel vm14, $0x3F800000, v0;
	vm4 =	vgt.f32 v11, v12  }
0x9c: {  	vm10 =	vge.f32 v16, v10;
	vm14 =	vge.f32 v12, v10;
	v52 =	vsel vm8, $0x3F800000, v0  }
0x9d: {  	v53 =	vsel vm9, $0x3F800000, v0;
	vm8 =	vge.f32 v14, v11;
	vm9 =	vge.f32 v12, v9  }
0x9e: {  	v20 =	vadd.f32 v20, v29;
	v31 =	vsel vm7, $0x3F800000, v0;
	v44 =	vsel vm10, $0x3F800000, v0  }
0x9f: {  	v48 =	vsel vm14, $0x3F800000, v0;
	vm7 =	vge.f32 v13, v10;
	v50 =	vsel vm4, $0x3F800000, v0  }
0xa0: {  	vm10 =	vgt.f32 v11, v10;
	vm14 =	vge.f32 v16, v11;
	v18 =	vadd.f32 v18, v54  }
0xa1: {  	v21 =	vadd.f32 v31, v30;
	v19 =	vadd.f32 v44, v43;
	v51 =	vsel vm7, $0x3F800000, v0  }
0xa2: {  	v54 =	vsel vm10, $0x3F800000, v0;
	v20 =	vadd.f32 v20, v32;
	v59 =	vadd.f32 v18, v57  }
0xa3: {  	vm10 =	vge.f32 v12, v11;
	v18 =	vadd.f32 v60, v61;
	v21 =	vadd.f32 v21, v33  }
0xa4: {  	v31 =	vld [tilespmem:$0x620];
	v19 =	vadd.f32 v19, v46;
	v60 =	vsel vm14, $0x3F800000, v0;
	vm14 =	vge.f32 v10, v11  }
0xa5: {  	v32 =	vld [tilespmem:$0x720];
	v35 =	vadd.f32 v20, v34;
	v20 =	vadd.f32 v56, v55;
	v46 =	vsel vm14, $0x3F800000, v0  }
0xa6: {  	v33 =	vld [tilespmem:$0x7A0];
	v18 =	vadd.f32 v18, v24;
	vm1 =	vlt.f32 v59, $2.000000000e+00;
	v37 =	vadd.f32 v21, v36  }
0xa7: {  	v57 =	vld [tilespmem:$0x10];
	v19 =	vadd.f32 v19, v48;
	v59 =	vsel vm13, $0x3F800000, v0;
	vm13 =	vge.f32 v10, v9  }
0xa8: {  	v48 =	vld [tilespmem:$0x6A0];
	vm0 =	vlt.f32 v35, $2.000000000e+00;
	v16 =	vadd.f32 v60, v59;
	v20 =	vadd.f32 v20, v62  }
0xa9: {  	v63 =	vld [tilespmem:$0x190];
	v35 =	vsel vm8, $0x3F800000, v0;
	v18 =	vadd.f32 v18, v26;
	v17 =	vadd.f32 v37, v38  }
0xaa: {  	v30 =	vld [tilespmem:$0x520];
	v19 =	vadd.f32 v19, v51;
	v37 =	vsel vm9, $0x3F800000, v0;
	v16 =	vadd.f32 v16, v35  }
0xab: {  	v44 =	vld [tilespmem:$0x5A0];
	v43 =	vsel vm13, $0x3F800000, v0;
	v38 =	vadd.f32 v20, v37;
	v56 =	vadd.f32 v33, v32  }
0xac: {  	v58 =	vld [tilespmem:$0x90];
	vm8 =	vge.f32 v9, v11;
	v18 =	vadd.f32 v18, v28;
	v17 =	vadd.f32 v17, v41  }
0xad: {  	v61 =	vld [tilespmem:$0x110];
	v10 =	vnsel vm1, $0x0, v57;
	v19 =	vadd.f32 v19, v53;
	v55 =	vadd.f32 v48, v31  }
0xae: {  	v21 =	vld [tilespmem:$0x420];
	vm2 =	vlt.f32 v18, $2.000000000e+00;
	v18 =	vadd.f32 v40, v39;
	v17 =	vadd.f32 v17, v50  }
0xaf: {  	v41 =	vld [tilespmem:$0x4A0];
	v19 =	vadd.f32 v19, v54;
	v39 =	vsel vm10, $0x3F800000, v0;
	v40 =	vsel vm11, $0x3F800000, v0  }
0xb0: {  	v51 =	vld [tilespmem:$0x290];
	v50 =	vsel vm8, $0x3F800000, v0;
	v54 =	vadd.f32 v44, v30;
	v16 =	vadd.f32 v16, v39  }
0xb1: {  	v12 =	vadd.f32 v38, v40;
	v9 =	vnsel vm2, $0x0, v58;
	v18 =	vadd.f32 v18, v42  }
0xb2: {  	v42 =	vsel vm12, $0x3F800000, v0;
	vm9 =	vlt.f32 v17, $2.000000000e+00;
	vm11 =	vlt.f32 v19, $2.000000000e+00  }
0xb3: {  	v19 =	vnsel vm0, $0x0, v61;
	vm4 =	vgt.f32 v55, v54;
	vm5 =	vgt.f32 v56, v54  }
0xb4: {  	vm7 =	vge.f32 v54, v55;
	v16 =	vadd.f32 v16, v42;
	v53 =	vadd.f32 v41, v21  }
0xb5: {  	v25 =	vnsel vm9, $0x0, v63;
	v27 =	vnsel vm11, $0x0, v51;
	v61 =	vsel vm4, $0x3F800000, v0  }
0xb6: {  	v63 =	vsel vm5, $0x3F800000, v0;
	v34 =	vsel vm7, $0x3F800000, v0;
	vm9 =	vge.f32 v54, v56  }
0xb7: {  	vm11 =	vge.f32 v55, v56;
	v18 =	vadd.f32 v18, v45;
	v45 =	vadd.f32 v12, v43  }
0xb8: {  	v39 =	vsel vm11, $0x3F800000, v0;
	v12 =	vadd.f32 v16, v46;
	vm12 =	vgt.f32 v54, v53  }
0xb9: {  	vm13 =	vgt.f32 v55, v53;
	vm14 =	vgt.f32 v56, v53;
	vm6 =	vge.f32 v53, v55  }
0xba: {  	vm8 =	vge.f32 v53, v56;
	v18 =	vadd.f32 v18, v47;
	v47 =	vsel vm15, $0x3F800000, v0  }
0xbb: {  	v57 =	vsel vm12, $0x3F800000, v0;
	v58 =	vsel vm13, $0x3F800000, v0;
	vm15 =	vge.f32 v53, v54  }
0xbc: {  	v29 =	vld [tilespmem:$0x390];
	v28 =	vsel vm6, $0x3F800000, v0;
	v12 =	vadd.f32 v12, v50;
	v16 =	vadd.f32 v58, v57  }
0xbd: {  	v60 =	vsel vm15, $0x3F800000, v0;
	v34 =	vadd.f32 v34, v28;
	v18 =	vadd.f32 v18, v49  }
0xbe: {  	v36 =	vld [tilespmem:$0x210];
	v59 =	vsel vm14, $0x3F800000, v0;
	v49 =	vadd.f32 v45, v47;
	v22 =	vadd.f32 v61, v60  }
0xbf: {  	v35 =	vsel vm8, $0x3F800000, v0;
	v16 =	vadd.f32 v59, v16;
	v18 =	vadd.f32 v18, v52  }
0xc0: {  	vm1 =	vlt.f32 v12, $2.000000000e+00;
	v52 =	vadd.f32 v9, v10;
	v37 =	vadd.f32 v63, v22  }
0xc1: {  	v62 =	vld [tilespmem:$0x310];
	vm3 =	vlt.f32 v49, $2.000000000e+00;
	v29 =	vnsel vm1, $0x0, v29;
	vm12 =	vlt.f32 v16, $2.000000000e+00  }
0xc2: {  	vm10 =	vlt.f32 v18, $2.000000000e+00;
	v12 =	vadd.f32 v52, v19;
	vm13 =	vlt.f32 v37, $2.000000000e+00  }
0xc3: {  	v26 =	vnsel vm10, $0x0, v36;
	v36 =	vsel vm9, $0x3F800000, v0;
	vm10 =	vgt.f32 v56, v55  }
0xc4: {  	v18 =	vnsel vm12, $0x0, v41;
	v17 =	vadd.f32 v36, v35;
	v38 =	vsel vm10, $0x3F800000, v0  }
0xc5: {  	v16 =	vnsel vm13, $0x0, v30;
	v12 =	vadd.f32 v12, v25;
	v15 =	vadd.f32 v38, v34  }
0xc6: {  	v28 =	vnsel vm3, $0x0, v62;
	vm8 =	vgt.f32 v16, v18;
	v17 =	vadd.f32 v17, v39  }
0xc7: {  	v40 =	vadd.f32 v12, v26;
	vm14 =	vlt.f32 v15, $2.000000000e+00;
	v15 =	vnsel vm13, $0x0, v44  }
0xc8: {  	v44 =	vsel vm8, $0x3F800000, v0;
	vm8 =	vge.f32 v18, v16;
	vm15 =	vlt.f32 v17, $2.000000000e+00  }
0xc9: {  	v17 =	vnsel vm12, $0x0, v21;
	v14 =	vnsel vm14, $0x0, v31;
	v13 =	vnsel vm14, $0x0, v48  }
0xca: {  	vm10 =	vgt.f32 v15, v18;
	v22 =	vadd.f32 v40, v27;
	v56 =	vsel vm8, $0x3F800000, v0  }
0xcb: {  	v11 =	vnsel vm15, $0x0, v32;
	vm0 =	vgt.f32 v18, v17;
	vm6 =	vgt.f32 v16, v17  }
0xcc: {  	v12 =	vnsel vm15, $0x0, v33;
	vm7 =	vge.f32 v17, v18;
	vm9 =	vgt.f32 v15, v17  }
0xcd: {  	vm11 =	vgt.f32 v14, v17;
	v46 =	vsel vm10, $0x3F800000, v0;
	vm12 =	vgt.f32 v14, v18  }
0xce: {  	vm13 =	vgt.f32 v13, v17;
	vm14 =	vgt.f32 v13, v18;
	vm10 =	vge.f32 v17, v15  }
0xcf: {  	v41 =	vsel vm0, $0x3F800000, v0;
	v42 =	vsel vm6, $0x3F800000, v0;
	v43 =	vsel vm7, $0x3F800000, v0  }
0xd0: {  	v45 =	vsel vm9, $0x3F800000, v0;
	v47 =	vsel vm11, $0x3F800000, v0;
	v48 =	vsel vm12, $0x3F800000, v0  }
0xd1: {  	v49 =	vsel vm13, $0x3F800000, v0;
	vm15 =	vgt.f32 v11, v17;
	v50 =	vsel vm14, $0x3F800000, v0  }
0xd2: {  	vm4 =	vgt.f32 v11, v18;
	vm5 =	vgt.f32 v12, v17;
	vm6 =	vgt.f32 v12, v18  }
0xd3: {  	vm7 =	vge.f32 v17, v16;
	v22 =	vadd.f32 v22, v28;
	vm9 =	vgt.f32 v15, v16  }
0xd4: {  	vm11 =	vge.f32 v18, v15;
	v59 =	vsel vm10, $0x3F800000, v0;
	vm12 =	vgt.f32 v14, v16  }
0xd5: {  	vm13 =	vge.f32 v16, v15;
	vm14 =	vgt.f32 v13, v16;
	vm8 =	vgt.f32 v12, v16  }
0xd6: {  	vm10 =	vge.f32 v17, v14;
	v20 =	vadd.f32 v42, v41;
	v21 =	vadd.f32 v44, v43  }
0xd7: {  	v51 =	vsel vm15, $0x3F800000, v0;
	v52 =	vsel vm4, $0x3F800000, v0;
	v53 =	vsel vm5, $0x3F800000, v0  }
0xd8: {  	v54 =	vsel vm6, $0x3F800000, v0;
	v55 =	vsel vm7, $0x3F800000, v0;
	v58 =	vsel vm9, $0x3F800000, v0  }
0xd9: {  	v60 =	vsel vm11, $0x3F800000, v0;
	v61 =	vsel vm12, $0x3F800000, v0;
	v62 =	vsel vm13, $0x3F800000, v0  }
0xda: {  	vm15 =	vgt.f32 v14, v15;
	v63 =	vsel vm14, $0x3F800000, v0;
	vm6 =	vgt.f32 v11, v16  }
0xdb: {  	vm7 =	vgt.f32 v13, v15;
	vm9 =	vgt.f32 v11, v15;
	v33 =	vsel vm8, $0x3F800000, v0  }
0xdc: {  	vm11 =	vge.f32 v18, v14;
	vm12 =	vgt.f32 v12, v15;
	v35 =	vsel vm10, $0x3F800000, v0  }
0xdd: {  	vm13 =	vge.f32 v16, v14;
	vm14 =	vge.f32 v17, v13;
	vm8 =	vge.f32 v15, v14  }
0xde: {  	vm10 =	vgt.f32 v13, v14;
	v57 =	vadd.f32 v56, v55;
	v23 =	vadd.f32 v60, v59  }
0xdf: {  	v30 =	vsel vm15, $0x3F800000, v0;
	v31 =	vsel vm6, $0x3F800000, v0;
	v32 =	vsel vm7, $0x3F800000, v0  }
0xe0: {  	v34 =	vsel vm9, $0x3F800000, v0;
	v36 =	vsel vm11, $0x3F800000, v0;
	v37 =	vsel vm12, $0x3F800000, v0  }
0xe1: {  	v39 =	vsel vm13, $0x3F800000, v0;
	vm15 =	vge.f32 v18, v13;
	v40 =	vsel vm14, $0x3F800000, v0  }
0xe2: {  	v42 =	vsel vm8, $0x3F800000, v0;
	vm9 =	vge.f32 v16, v13;
	v44 =	vsel vm10, $0x3F800000, v0  }
0xe3: {  	vm11 =	vge.f32 v15, v13;
	vm12 =	vgt.f32 v11, v14;
	vm13 =	vge.f32 v14, v13  }
0xe4: {  	vm14 =	vgt.f32 v12, v14;
	vm8 =	vge.f32 v18, v11;
	v20 =	vadd.f32 v20, v45  }
0xe5: {  	vm10 =	vge.f32 v16, v11;
	v21 =	vadd.f32 v21, v46;
	v24 =	vadd.f32 v36, v35  }
0xe6: {  	v41 =	vsel vm15, $0x3F800000, v0;
	v43 =	vsel vm9, $0x3F800000, v0;
	v45 =	vsel vm11, $0x3F800000, v0  }
0xe7: {  	v46 =	vsel vm12, $0x3F800000, v0;
	vm15 =	vge.f32 v17, v11;
	vm9 =	vgt.f32 v11, v13  }
0xe8: {  	vm11 =	vgt.f32 v12, v13;
	vm12 =	vge.f32 v15, v11;
	v23 =	vadd.f32 v23, v62  }
0xe9: {  	v20 =	vadd.f32 v20, v47;
	v21 =	vadd.f32 v21, v48;
	v47 =	vsel vm13, $0x3F800000, v0  }
0xea: {  	v48 =	vsel vm15, $0x3F800000, v0;
	vm13 =	vge.f32 v14, v11;
	vm15 =	vge.f32 v17, v12  }
0xeb: {  	v23 =	vadd.f32 v23, v30;
	v60 =	vsel vm15, $0x3F800000, v0;
	vm15 =	vge.f32 v13, v12  }
0xec: {  	v20 =	vadd.f32 v20, v49;
	v21 =	vadd.f32 v21, v50;
	v49 =	vsel vm8, $0x3F800000, v0  }
0xed: {  	v50 =	vsel vm9, $0x3F800000, v0;
	vm8 =	vge.f32 v18, v12;
	v23 =	vadd.f32 v23, v32  }
0xee: {  	v30 =	vadd.f32 v49, v48;
	v48 =	vsel vm15, $0x3F800000, v0;
	v20 =	vadd.f32 v20, v51  }
0xef: {  	v21 =	vadd.f32 v21, v52;
	v51 =	vsel vm14, $0x3F800000, v0;
	v52 =	vsel vm10, $0x3F800000, v0  }
0xf0: {  	vm14 =	vge.f32 v13, v11;
	v23 =	vadd.f32 v23, v34;
	v30 =	vadd.f32 v30, v52  }
0xf1: {  	v59 =	vsel vm14, $0x3F800000, v0;
	vm14 =	vge.f32 v14, v12;
	v20 =	vadd.f32 v20, v53  }
0xf2: {  	v21 =	vadd.f32 v21, v54;
	v53 =	vsel vm11, $0x3F800000, v0;
	v54 =	vsel vm12, $0x3F800000, v0  }
0xf3: {  	vm11 =	vge.f32 v16, v12;
	v38 =	vadd.f32 v23, v37;
	v23 =	vadd.f32 v24, v39  }
0xf4: {  	v24 =	vadd.f32 v41, v40;
	vm0 =	vlt.f32 v20, $2.000000000e+00;
	v20 =	vadd.f32 v57, v58  }
0xf5: {  	vm12 =	vge.f32 v15, v12;
	v30 =	vadd.f32 v30, v54;
	v23 =	vadd.f32 v23, v42  }
0xf6: {  	v16 =	vsel vm11, $0x3F800000, v0;
	v40 =	vsel vm12, $0x3F800000, v0;
	v20 =	vadd.f32 v20, v61  }
0xf7: {  	v55 =	vld [tilespmem:$0x20];
	vm1 =	vlt.f32 v21, $2.000000000e+00;
	v24 =	vadd.f32 v24, v43;
	v23 =	vadd.f32 v23, v44  }
0xf8: {  	v56 =	vld [tilespmem:$0xA0];
	v57 =	vsel vm13, $0x3F800000, v0;
	vm13 =	vgt.f32 v12, v11;
	v20 =	vadd.f32 v20, v63  }
0xf9: {  	v61 =	vsel vm8, $0x3F800000, v0;
	v24 =	vadd.f32 v24, v45;
	v23 =	vadd.f32 v23, v46  }
0xfa: {  	v58 =	vld [tilespmem:$0x120];
	vm5 =	vlt.f32 v38, $2.000000000e+00;
	v18 =	vadd.f32 v61, v60;
	v20 =	vadd.f32 v20, v31  }
0xfb: {  	v43 =	vsel vm13, $0x3F800000, v0;
	v23 =	vadd.f32 v23, v51;
	v51 =	vadd.f32 v22, v29  }
0xfc: {  	v62 =	vld [tilespmem:$0x1A0];
	v63 =	vnsel vm0, $0x0, v55;
	v24 =	vadd.f32 v24, v47;
	v20 =	vadd.f32 v20, v33  }
0xfd: {  	v16 =	vadd.f32 v18, v16;
	v31 =	vnsel vm1, $0x0, v56;
	(erf) = vrcp.f32 v51  }
0xfe: {  	v38 =	vld [tilespmem:$0x220];
	v24 =	vadd.f32 v24, v50;
	v39 =	vadd.f32 v31, v63;
	vm4 =	vlt.f32 v20, $2.000000000e+00  }
0xff: {  	v36 =	vld [tilespmem:$0x530];
	v16 =	vadd.f32 v16, v40;
	v20 =	vadd.f32 v30, v57;
	v33 =	vnsel vm4, $0x0, v58  }
0x100: {  	v41 =	vld [tilespmem:$0x2A0];
	v44 =	vsel vm14, $0x3F800000, v0;
	v24 =	vadd.f32 v24, v53;
	v42 =	vadd.f32 v39, v33  }
0x101: {  	v35 =	vpop (erf);
	v49 =	vld [tilespmem:$0x3A0];
	v16 =	vadd.f32 v16, v44;
	v17 =	vadd.f32 v20, v59;
	v20 =	vnsel vm5, $0x0, v62  }
0x102: {  	v45 =	vld [tilespmem:$0x320];
	v18 =	vmul.f32 v35, v2;
	vm3 =	vlt.f32 v23, $2.000000000e+00;
	v46 =	vadd.f32 v42, v20  }
0x103: {  	v54 =	vld [tilespmem:$0x4B0];
	v21 =	vnsel vm3, $0x0, v38;
	vm2 =	vlt.f32 v24, $2.000000000e+00;
	v15 =	vadd.f32 v16, v48  }
0x104: {  	v2 =	vld [tilespmem:$0x5B0];
	vm4 =	vge.f32 v11, v12;
	v47 =	vadd.f32 v17, v43;
	v50 =	vadd.f32 v46, v21  }
0x105: {  	v56 =	vld [tilespmem:$0x730];
	v52 =	vsel vm4, $0x3F800000, v0;
	v22 =	vnsel vm2, $0x0, v41  }
0x106: {  	v53 =	vld [tilespmem:$0x430];
	v13 =	vadd.f32 v15, v52;
	vm5 =	vlt.f32 v47, $2.000000000e+00;
	v11 =	vadd.f32 v50, v22;
	v55 =	vpop (erf)  }
0x107: {  	v57 =	vld [tilespmem:$0x7B0];
	v16 =	vmul.f32 v35, v3;
	v24 =	vnsel vm5, $0x0, v45;
	v3 =	vmul.f32 v55, v10  }
0x108: {  	v14 =	vmul.f32 v35, v6;
	v37 =	vld [tilespmem:$0x6B0];
	vm6 =	vlt.f32 v13, $2.000000000e+00;
	v11 =	vadd.f32 v11, v24  }
0x109: {  	v17 =	vmul.f32 v35, v1;
	v1 =	vld [tilespmem:$0x630];
	v23 =	vnsel vm6, $0x0, v49;
	[tilespmem:$0x1FF60] =	vst v3;
	v3 =	vmul.f32 v55, v9  }
0x10a: {  	v12 =	vmul.f32 v35, v7;
	v59 =	vadd.f32 v2, v36;
	v11 =	vadd.f32 v11, v23  }
0x10b: {  	v15 =	vmul.f32 v35, v4;
	v58 =	vadd.f32 v54, v53;
	[tilespmem:$0x1FF70] =	vst v3;
	v3 =	vmul.f32 v55, v19  }
0x10c: {  	v13 =	vmul.f32 v35, v5;
	v60 =	vadd.f32 v57, v56;
	(erf) = vrcp.f32 v11  }
0x10d: {  	vm7 =	vgt.f32 v59, v58;
	vm9 =	vge.f32 v58, v59;
	[tilespmem:$0x1FF80] =	vst v3;
	v3 =	vmul.f32 v55, v25  }
0x10e: {  	v61 =	vsel vm7, $0x3F800000, v0;
	vm11 =	vgt.f32 v60, v58;
	v38 =	vadd.f32 v37, v1  }
0x10f: {  	vm12 =	vgt.f32 v60, v59;
	v39 =	vsel vm11, $0x3F800000, v0;
	[tilespmem:$0x1FF90] =	vst v3;
	v3 =	vmul.f32 v55, v26  }
0x110: {  	v6 =	vsel vm12, $0x3F800000, v0;
	vm8 =	vgt.f32 v38, v58;
	vm10 =	vgt.f32 v38, v59  }
0x111: {  	vm13 =	vge.f32 v58, v38;
	vm14 =	vge.f32 v59, v38;
	[tilespmem:$0x1FFA0] =	vst v3;
	v3 =	vmul.f32 v55, v27  }
0x112: {  	vm7 =	vgt.f32 v60, v38;
	v62 =	vsel vm8, $0x3F800000, v0;
	v5 =	vsel vm10, $0x3F800000, v0  }
0x113: {  	v7 =	vsel vm13, $0x3F800000, v0;
	vm10 =	vge.f32 v38, v60;
	[tilespmem:$0x1FFB0] =	vst v3;
	v3 =	vmul.f32 v55, v28  }
0x114: {  	v9 =	vsel vm7, $0x3F800000, v0;
	vm8 =	vge.f32 v58, v60;
	v38 =	vsel vm10, $0x3F800000, v0  }
0x115: {  	v11 =	vmul.f32 v35, v8;
	v8 =	vsel vm14, $0x3F800000, v0;
	[tilespmem:$0x1FFC0] =	vst v3;
	v3 =	vmul.f32 v55, v29;
	v25 =	vpop (erf)  }
0x116: {  	v29 =	vadd.f32 v62, v61;
	v20 =	vmul.f32 v25, v20;
	v21 =	vmul.f32 v25, v21  }
0x117: {  	v26 =	vsel vm8, $0x3F800000, v0;
	v22 =	vmul.f32 v25, v22;
	[tilespmem:$0x1FFD0] =	vst v3;
	v3 =	vmul.f32 v25, v63  }
0x118: {  	v63 =	vsel vm9, $0x3F800000, v0;
	v29 =	vadd.f32 v39, v29;
	vm9 =	vge.f32 v59, v60  }
0x119: {  	v30 =	vadd.f32 v5, v63;
	v27 =	vsel vm9, $0x3F800000, v0;
	[tilespmem:$0x1FFE0] =	vst v3;
	v3 =	vmul.f32 v25, v31  }
0x11a: {  	vm15 =	vlt.f32 v29, $2.000000000e+00;
	v29 =	vadd.f32 v8, v7;
	v26 =	vadd.f32 v27, v26  }
0x11b: {  	v30 =	vadd.f32 v6, v30;
	v31 =	vnsel vm15, $0x0, v53;
	v32 =	vnsel vm15, $0x0, v54  }
0x11c: {  	v10 =	vadd.f32 v9, v29;
	v26 =	vadd.f32 v26, v38;
	vm5 =	vge.f32 v31, v32  }
0x11d: {  	vm11 =	vgt.f32 v32, v31;
	vm6 =	vlt.f32 v30, $2.000000000e+00;
	v41 =	vsel vm5, $0x3F800000, v0  }
0x11e: {  	v30 =	vnsel vm6, $0x0, v36;
	v29 =	vnsel vm6, $0x0, v2;
	v2 =	vsel vm11, $0x3F800000, v0  }
0x11f: {  	vm13 =	vlt.f32 v10, $2.000000000e+00;
	vm15 =	vlt.f32 v26, $2.000000000e+00;
	vm12 =	vgt.f32 v30, v31  }
0x120: {  	vm14 =	vgt.f32 v29, v31;
	v28 =	vnsel vm13, $0x0, v1;
	v27 =	vnsel vm13, $0x0, v37  }
0x121: {  	v26 =	vnsel vm15, $0x0, v57;
	vm6 =	vgt.f32 v30, v32;
	vm8 =	vgt.f32 v29, v32  }
0x122: {  	vm13 =	vge.f32 v31, v30;
	v39 =	vsel vm12, $0x3F800000, v0;
	v1 =	vsel vm14, $0x3F800000, v0  }
0x123: {  	vm4 =	vgt.f32 v28, v31;
	vm7 =	vgt.f32 v27, v31;
	v42 =	vsel vm6, $0x3F800000, v0  }
0x124: {  	v44 =	vsel vm8, $0x3F800000, v0;
	vm10 =	vgt.f32 v28, v32;
	vm11 =	vgt.f32 v26, v31  }
0x125: {  	vm12 =	vgt.f32 v27, v32;
	vm14 =	vge.f32 v32, v30;
	v49 =	vsel vm13, $0x3F800000, v0  }
0x126: {  	vm5 =	vgt.f32 v26, v32;
	vm6 =	vgt.f32 v28, v30;
	vm8 =	vge.f32 v32, v29  }
0x127: {  	vm13 =	vgt.f32 v26, v30;
	vm3 =	vgt.f32 v26, v29;
	v2 =	vadd.f32 v39, v2  }
0x128: {  	v40 =	vsel vm4, $0x3F800000, v0;
	v43 =	vsel vm7, $0x3F800000, v0;
	v19 =	vadd.f32 v42, v41  }
0x129: {  	v46 =	vsel vm10, $0x3F800000, v0;
	v47 =	vsel vm11, $0x3F800000, v0;
	v48 =	vsel vm12, $0x3F800000, v0  }
0x12a: {  	v50 =	vsel vm14, $0x3F800000, v0;
	vm4 =	vgt.f32 v29, v30;
	v53 =	vsel vm5, $0x3F800000, v0  }
0x12b: {  	v54 =	vsel vm6, $0x3F800000, v0;
	vm7 =	vge.f32 v31, v29;
	vm10 =	vge.f32 v30, v29  }
0x12c: {  	vm12 =	vgt.f32 v28, v29;
	v61 =	vsel vm13, $0x3F800000, v0;
	vm14 =	vgt.f32 v27, v29  }
0x12d: {  	vm13 =	vge.f32 v29, v28;
	vm6 =	vge.f32 v28, v26;
	v52 =	vsel vm4, $0x3F800000, v0  }
0x12e: {  	v55 =	vsel vm7, $0x3F800000, v0;
	v58 =	vsel vm10, $0x3F800000, v0;
	v60 =	vsel vm12, $0x3F800000, v0  }
0x12f: {  	v62 =	vsel vm14, $0x3F800000, v0;
	vm10 =	vge.f32 v30, v28;
	vm12 =	vge.f32 v32, v27  }
0x130: {  	v9 =	vsel vm13, $0x3F800000, v0;
	vm14 =	vge.f32 v30, v27;
	vm13 =	vgt.f32 v26, v27  }
0x131: {  	v2 =	vadd.f32 v2, v1;
	v1 =	vnsel vm15, $0x0, v56;
	v19 =	vadd.f32 v19, v44  }
0x132: {  	v56 =	vsel vm8, $0x3F800000, v0;
	vm8 =	vge.f32 v32, v28;
	v6 =	vsel vm10, $0x3F800000, v0  }
0x133: {  	v8 =	vsel vm12, $0x3F800000, v0;
	v10 =	vsel vm14, $0x3F800000, v0;
	vm10 =	vge.f32 v28, v27  }
0x134: {  	vm9 =	vgt.f32 v1, v31;
	vm15 =	vgt.f32 v1, v32;
	vm11 =	vgt.f32 v1, v30  }
0x135: {  	v4 =	vsel vm8, $0x3F800000, v0;
	vm8 =	vge.f32 v29, v27;
	v44 =	vsel vm10, $0x3F800000, v0  }
0x136: {  	vm12 =	vgt.f32 v1, v27;
	vm14 =	vge.f32 v31, v1;
	vm10 =	vge.f32 v31, v26  }
0x137: {  	vm7 =	vgt.f32 v26, v1;
	v2 =	vadd.f32 v2, v40;
	v45 =	vsel vm9, $0x3F800000, v0  }
0x138: {  	v34 =	vadd.f32 v19, v46;
	v19 =	vmul.f32 v25, v33;
	v51 =	vsel vm15, $0x3F800000, v0  }
0x139: {  	vm9 =	vgt.f32 v27, v30;
	v59 =	vsel vm11, $0x3F800000, v0;
	vm15 =	vge.f32 v31, v28  }
0x13a: {  	vm11 =	vge.f32 v31, v27;
	v41 =	vsel vm8, $0x3F800000, v0;
	v46 =	vsel vm12, $0x3F800000, v0  }
0x13b: {  	vm8 =	vge.f32 v30, v1;
	vm12 =	vge.f32 v28, v1;
	v2 =	vadd.f32 v2, v43  }
0x13c: {  	v57 =	vsel vm9, $0x3F800000, v0;
	vm9 =	vgt.f32 v1, v29;
	v33 =	vadd.f32 v34, v48  }
0x13d: {  	v63 =	vsel vm15, $0x3F800000, v0;
	v34 =	vadd.f32 v50, v49;
	v2 =	vadd.f32 v2, v45  }
0x13e: {  	v7 =	vsel vm11, $0x3F800000, v0;
	vm15 =	vgt.f32 v27, v28;
	v33 =	vadd.f32 v33, v51  }
0x13f: {  	vm11 =	vgt.f32 v26, v28;
	v34 =	vadd.f32 v34, v52;
	v2 =	vadd.f32 v2, v47  }
0x140: {  	v5 =	vsel vm9, $0x3F800000, v0;
	v35 =	vadd.f32 v8, v7;
	v40 =	vsel vm15, $0x3F800000, v0  }
0x141: {  	vm0 =	vlt.f32 v2, $2.000000000e+00;
	v2 =	vadd.f32 v33, v53;
	v33 =	vadd.f32 v34, v54  }
0x142: {  	vm9 =	vgt.f32 v1, v28;
	v43 =	vsel vm3, $0x3F800000, v0;
	v34 =	vadd.f32 v56, v55  }
0x143: {  	vm15 =	vge.f32 v32, v1;
	v48 =	vsel vm13, $0x3F800000, v0;
	v33 =	vadd.f32 v33, v57  }
0x144: {  	v49 =	vsel vm14, $0x3F800000, v0;
	vm13 =	vge.f32 v30, v26;
	v34 =	vadd.f32 v34, v58  }
0x145: {  	vm14 =	vge.f32 v27, v1;
	v42 =	vsel vm9, $0x3F800000, v0;
	v33 =	vadd.f32 v33, v59  }
0x146: {  	v50 =	vsel vm15, $0x3F800000, v0;
	vm9 =	vge.f32 v29, v1;
	v34 =	vadd.f32 v34, v60  }
0x147: {  	v35 =	vadd.f32 v35, v10;
	vm1 =	vlt.f32 v2, $2.000000000e+00;
	v2 =	vadd.f32 v33, v61  }
0x148: {  	vm15 =	vge.f32 v29, v26;
	v33 =	vadd.f32 v34, v62;
	v34 =	vadd.f32 v4, v63  }
0x149: {  	v7 =	vld [tilespmem:$0x4C0];
	v45 =	vsel vm11, $0x3F800000, v0;
	vm11 =	vge.f32 v32, v26;
	v35 =	vadd.f32 v35, v41  }
0x14a: {  	v52 =	vld [tilespmem:$0x30];
	v57 =	vsel vm10, $0x3F800000, v0;
	v58 =	vsel vm11, $0x3F800000, v0;
	v34 =	vadd.f32 v34, v6  }
0x14b: {  	v29 =	vld [tilespmem:$0x440];
	v51 =	vadd.f32 v50, v49;
	v50 =	vsel vm7, $0x3F800000, v0;
	v32 =	vadd.f32 v58, v57  }
0x14c: {  	v35 =	vadd.f32 v35, v44;
	v54 =	vld [tilespmem:$0x130];
	v62 =	vsel vm13, $0x3F800000, v0;
	v34 =	vadd.f32 v34, v9  }
0x14d: {  	v53 =	vld [tilespmem:$0xB0];
	v55 =	vsel vm9, $0x3F800000, v0;
	vm9 =	vge.f32 v1, v26;
	v32 =	vadd.f32 v32, v62  }
0x14e: {  	v8 =	vld [tilespmem:$0x540];
	v33 =	vadd.f32 v33, v5;
	v5 =	vsel vm15, $0x3F800000, v0;
	v34 =	vadd.f32 v34, v40  }
0x14f: {  	v10 =	vld [tilespmem:$0x5C0];
	v41 =	vnsel vm0, $0x0, v52;
	v47 =	vadd.f32 v35, v46;
	v32 =	vadd.f32 v32, v5  }
0x150: {  	v56 =	vld [tilespmem:$0x1B0];
	vm4 =	vlt.f32 v2, $2.000000000e+00;
	v33 =	vadd.f32 v33, v43;
	v34 =	vadd.f32 v34, v42  }
0x151: {  	v1 =	vld [tilespmem:$0x740];
	v43 =	vnsel vm4, $0x0, v54;
	v9 =	vsel vm6, $0x3F800000, v0;
	v54 =	vadd.f32 v7, v29  }
0x152: {  	v59 =	vld [tilespmem:$0x230];
	v32 =	vadd.f32 v32, v9;
	v42 =	vnsel vm1, $0x0, v53;
	v2 =	vadd.f32 v34, v45  }
0x153: {  	v60 =	vld [tilespmem:$0x2B0];
	v61 =	vsel vm12, $0x3F800000, v0;
	v6 =	vadd.f32 v42, v41;
	v34 =	vadd.f32 v47, v48  }
0x154: {  	vm5 =	vlt.f32 v33, $2.000000000e+00;
	v47 =	vld [tilespmem:$0x7C0];
	vm3 =	vlt.f32 v2, $2.000000000e+00;
	v2 =	vsel vm8, $0x3F800000, v0  }
0x155: {  	v45 =	vld [tilespmem:$0x6C0];
	vm2 =	vlt.f32 v34, $2.000000000e+00;
	v34 =	vadd.f32 v6, v43;
	vm8 =	vge.f32 v27, v26  }
0x156: {  	v44 =	vnsel vm5, $0x0, v56;
	v27 =	vld [tilespmem:$0x640];
	v2 =	vadd.f32 v51, v2;
	v51 =	vsel vm8, $0x3F800000, v0  }
0x157: {  	v4 =	vsel vm14, $0x3F800000, v0;
	v34 =	vadd.f32 v34, v44;
	v32 =	vadd.f32 v32, v51  }
0x158: {  	v46 =	vnsel vm3, $0x0, v59;
	v2 =	vadd.f32 v2, v55;
	v55 =	vadd.f32 v10, v8  }
0x159: {  	v26 =	vsel vm9, $0x3F800000, v0;
	v57 =	vadd.f32 v47, v1;
	v52 =	vadd.f32 v34, v46  }
0x15a: {  	v53 =	vld [tilespmem:$0x3B0];
	v48 =	vnsel vm2, $0x0, v60;
	v26 =	vadd.f32 v32, v26;
	v2 =	vadd.f32 v2, v61  }
0x15b: {  	v56 =	vadd.f32 v45, v27;
	vm12 =	vgt.f32 v55, v54;
	vm14 =	vgt.f32 v57, v54  }
0x15c: {  	vm15 =	vge.f32 v54, v55;
	vm7 =	vgt.f32 v57, v55;
	vm11 =	vlt.f32 v26, $2.000000000e+00  }
0x15d: {  	v58 =	vsel vm12, $0x3F800000, v0;
	v60 =	vsel vm14, $0x3F800000, v0;
	v61 =	vsel vm15, $0x3F800000, v0  }
0x15e: {  	v40 =	vsel vm7, $0x3F800000, v0;
	vm12 =	vge.f32 v55, v57;
	v2 =	vadd.f32 v2, v4  }
0x15f: {  	vm13 =	vgt.f32 v56, v54;
	v32 =	vnsel vm11, $0x0, v53;
	vm4 =	vgt.f32 v56, v55  }
0x160: {  	v63 =	vld [tilespmem:$0x330];
	vm5 =	vge.f32 v54, v56;
	vm6 =	vge.f32 v55, v56;
	vm8 =	vgt.f32 v57, v56  }
0x161: {  	vm11 =	vge.f32 v54, v57;
	v6 =	vsel vm12, $0x3F800000, v0;
	v59 =	vsel vm13, $0x3F800000, v0  }
0x162: {  	v62 =	vsel vm4, $0x3F800000, v0;
	v2 =	vadd.f32 v2, v50;
	v33 =	vadd.f32 v59, v58  }
0x163: {  	vm15 =	vge.f32 v56, v57;
	v4 =	vsel vm6, $0x3F800000, v0;
	v37 =	vadd.f32 v62, v61  }
0x164: {  	vm10 =	vlt.f32 v2, $2.000000000e+00;
	v2 =	vadd.f32 v52, v48;
	v33 =	vadd.f32 v60, v33  }
0x165: {  	v5 =	vsel vm8, $0x3F800000, v0;
	v37 =	vadd.f32 v40, v37;
	v49 =	vnsel vm10, $0x0, v63  }
0x166: {  	v63 =	vsel vm5, $0x3F800000, v0;
	v2 =	vadd.f32 v2, v49;
	vm9 =	vlt.f32 v33, $2.000000000e+00  }
0x167: {  	v38 =	vadd.f32 v4, v63;
	vm10 =	vlt.f32 v37, $2.000000000e+00;
	v40 =	vnsel vm9, $0x0, v7  }
0x168: {  	v37 =	vnsel vm10, $0x0, v8;
	v36 =	vnsel vm10, $0x0, v10;
	v2 =	vadd.f32 v2, v32  }
0x169: {  	v10 =	vsel vm15, $0x3F800000, v0;
	vm10 =	vgt.f32 v37, v40;
	vm15 =	vgt.f32 v36, v37  }
0x16a: {  	v51 =	vsel vm10, $0x3F800000, v0;
	v56 =	vsel vm15, $0x3F800000, v0;
	(erf) = vrcp.f32 v2  }
0x16b: {  	v2 =	vadd.f32 v5, v38;
	v38 =	vnsel vm9, $0x0, v29;
	v29 =	vmul.f32 v25, v24  }
0x16c: {  	vm0 =	vgt.f32 v40, v38;
	vm14 =	vgt.f32 v37, v38;
	vm1 =	vgt.f32 v36, v38  }
0x16d: {  	vm9 =	vge.f32 v38, v40;
	vm12 =	vge.f32 v38, v37;
	vm10 =	vge.f32 v38, v36  }
0x16e: {  	vm13 =	vlt.f32 v2, $2.000000000e+00;
	v2 =	vsel vm11, $0x3F800000, v0;
	v7 =	vsel vm0, $0x3F800000, v0  }
0x16f: {  	v8 =	vsel vm14, $0x3F800000, v0;
	v31 =	vsel vm1, $0x3F800000, v0;
	v50 =	vsel vm9, $0x3F800000, v0  }
0x170: {  	vm11 =	vgt.f32 v36, v40;
	v53 =	vsel vm12, $0x3F800000, v0;
	v63 =	vsel vm10, $0x3F800000, v0  }
0x171: {  	v2 =	vadd.f32 v6, v2;
	v9 =	vadd.f32 v8, v7;
	v35 =	vnsel vm13, $0x0, v27  }
0x172: {  	v34 =	vnsel vm13, $0x0, v45;
	vm13 =	vge.f32 v40, v37;
	v52 =	vsel vm11, $0x3F800000, v0  }
0x173: {  	vm11 =	vge.f32 v40, v36;
	vm5 =	vgt.f32 v35, v38;
	vm7 =	vgt.f32 v34, v38  }
0x174: {  	v54 =	vsel vm13, $0x3F800000, v0;
	vm14 =	vgt.f32 v35, v40;
	vm4 =	vgt.f32 v34, v40  }
0x175: {  	v4 =	vsel vm11, $0x3F800000, v0;
	vm13 =	vge.f32 v37, v36;
	vm15 =	vge.f32 v40, v35  }
0x176: {  	vm11 =	vgt.f32 v34, v35;
	v2 =	vadd.f32 v2, v10;
	v26 =	vadd.f32 v9, v31  }
0x177: {  	v33 =	vsel vm5, $0x3F800000, v0;
	v31 =	vmul.f32 v25, v23;
	v39 =	vsel vm7, $0x3F800000, v0  }
0x178: {  	v55 =	vsel vm14, $0x3F800000, v0;
	vm5 =	vgt.f32 v35, v37;
	v57 =	vsel vm4, $0x3F800000, v0  }
0x179: {  	vm7 =	vgt.f32 v34, v37;
	v7 =	vsel vm13, $0x3F800000, v0;
	vm14 =	vge.f32 v38, v35  }
0x17a: {  	v9 =	vsel vm15, $0x3F800000, v0;
	vm13 =	vge.f32 v38, v34;
	v58 =	vsel vm5, $0x3F800000, v0  }
0x17b: {  	v60 =	vsel vm7, $0x3F800000, v0;
	vm6 =	vlt.f32 v2, $2.000000000e+00;
	v2 =	vadd.f32 v26, v33  }
0x17c: {  	v8 =	vsel vm14, $0x3F800000, v0;
	vm7 =	vge.f32 v37, v35;
	v1 =	vnsel vm6, $0x0, v1  }
0x17d: {  	vm14 =	vge.f32 v40, v34;
	v2 =	vadd.f32 v2, v39;
	vm8 =	vgt.f32 v1, v38  }
0x17e: {  	v33 =	vpop (erf);
	v39 =	vnsel vm6, $0x0, v47;
	vm6 =	vgt.f32 v1, v40;
	vm9 =	vgt.f32 v1, v37  }
0x17f: {  	vm10 =	vgt.f32 v1, v36;
	vm15 =	vgt.f32 v1, v35;
	v30 =	vmul.f32 v33, v41  }
0x180: {  	v28 =	vmul.f32 v33, v42;
	v45 =	vsel vm8, $0x3F800000, v0;
	v27 =	vmul.f32 v33, v43  }
0x181: {  	vm0 =	vgt.f32 v39, v38;
	v26 =	vmul.f32 v33, v44;
	v24 =	vmul.f32 v33, v46  }
0x182: {  	v25 =	vmul.f32 v33, v48;
	v23 =	vmul.f32 v33, v49;
	v42 =	vadd.f32 v54, v53  }
0x183: {  	v59 =	vsel vm6, $0x3F800000, v0;
	vm8 =	vgt.f32 v39, v40;
	v62 =	vsel vm9, $0x3F800000, v0  }
0x184: {  	vm12 =	vgt.f32 v39, v37;
	v43 =	vadd.f32 v4, v63;
	vm6 =	vgt.f32 v35, v36  }
0x185: {  	v48 =	vsel vm7, $0x3F800000, v0;
	vm9 =	vge.f32 v36, v35;
	v53 =	vsel vm13, $0x3F800000, v0  }
0x186: {  	v54 =	vsel vm14, $0x3F800000, v0;
	vm13 =	vge.f32 v38, v1;
	vm14 =	vge.f32 v40, v1  }
0x187: {  	v32 =	vmul.f32 v33, v32;
	v2 =	vadd.f32 v2, v45;
	v47 =	vsel vm0, $0x3F800000, v0  }
0x188: {  	v61 =	vsel vm8, $0x3F800000, v0;
	v5 =	vsel vm12, $0x3F800000, v0;
	v10 =	vsel vm6, $0x3F800000, v0  }
0x189: {  	vm8 =	vgt.f32 v34, v36;
	vm12 =	vgt.f32 v39, v36;
	v44 =	vadd.f32 v54, v53  }
0x18a: {  	v42 =	vadd.f32 v42, v56;
	v49 =	vsel vm8, $0x3F800000, v0;
	v2 =	vadd.f32 v2, v47  }
0x18b: {  	vm8 =	vge.f32 v37, v34;
	v56 =	vsel vm12, $0x3F800000, v0;
	vm12 =	vgt.f32 v1, v34  }
0x18c: {  	v42 =	vadd.f32 v42, v58;
	vm0 =	vlt.f32 v2, $2.000000000e+00;
	v2 =	vadd.f32 v51, v50  }
0x18d: {  	v50 =	vsel vm9, $0x3F800000, v0;
	v51 =	vsel vm10, $0x3F800000, v0;
	vm9 =	vgt.f32 v39, v35  }
0x18e: {  	vm10 =	vge.f32 v36, v34;
	v42 =	vadd.f32 v42, v60;
	v58 =	vsel vm9, $0x3F800000, v0  }
0x18f: {  	v60 =	vsel vm12, $0x3F800000, v0;
	vm9 =	vge.f32 v37, v1;
	vm12 =	vge.f32 v36, v1  }
0x190: {  	v2 =	vadd.f32 v2, v52;
	v52 =	vsel vm11, $0x3F800000, v0;
	v42 =	vadd.f32 v42, v62  }
0x191: {  	vm11 =	vge.f32 v35, v34;
	v62 =	vsel vm14, $0x3F800000, v0;
	vm14 =	vge.f32 v35, v1  }
0x192: {  	v2 =	vadd.f32 v2, v55;
	v55 =	vsel vm15, $0x3F800000, v0;
	v6 =	vadd.f32 v42, v5  }
0x193: {  	vm15 =	vgt.f32 v39, v34;
	v42 =	vadd.f32 v43, v7;
	v43 =	vadd.f32 v9, v8  }
0x194: {  	v4 =	vsel vm15, $0x3F800000, v0;
	v5 =	vsel vm9, $0x3F800000, v0;
	vm15 =	vge.f32 v36, v39  }
0x195: {  	v63 =	vld [tilespmem:$0x40];
	v2 =	vadd.f32 v2, v57;
	v57 =	vsel vm8, $0x3F800000, v0;
	v42 =	vadd.f32 v42, v10  }
0x196: {  	vm9 =	vge.f32 v34, v1;
	v43 =	vadd.f32 v43, v48;
	v44 =	vadd.f32 v44, v57  }
0x197: {  	v7 =	vld [tilespmem:$0x140];
	vm3 =	vlt.f32 v6, $2.000000000e+00;
	v2 =	vadd.f32 v2, v59;
	v59 =	vsel vm10, $0x3F800000, v0  }
0x198: {  	vm10 =	vge.f32 v38, v39;
	v42 =	vadd.f32 v42, v49;
	v43 =	vadd.f32 v43, v50  }
0x199: {  	v47 =	vld [tilespmem:$0x450];
	v44 =	vadd.f32 v44, v59;
	v8 =	vsel vm10, $0x3F800000, v0;
	vm10 =	vge.f32 v35, v39  }
0x19a: {  	v6 =	vld [tilespmem:$0xC0];
	v35 =	vnsel vm0, $0x0, v63;
	v2 =	vadd.f32 v2, v61;
	v61 =	vsel vm13, $0x3F800000, v0  }
0x19b: {  	v50 =	vld [tilespmem:$0x4D0];
	vm13 =	vge.f32 v37, v39;
	v63 =	vsel vm10, $0x3F800000, v0;
	v43 =	vadd.f32 v43, v52  }
0x19c: {  	v38 =	vnsel vm3, $0x0, v7;
	v42 =	vadd.f32 v42, v51;
	vm4 =	vlt.f32 v2, $2.000000000e+00  }
0x19d: {  	v2 =	vsel vm11, $0x3F800000, v0;
	vm11 =	vge.f32 v40, v39;
	v43 =	vadd.f32 v43, v55  }
0x19e: {  	v45 =	vld [tilespmem:$0x550];
	v42 =	vadd.f32 v42, v56;
	v2 =	vadd.f32 v44, v2;
	v9 =	vsel vm11, $0x3F800000, v0  }
0x19f: {  	v10 =	vld [tilespmem:$0x1C0];
	v55 =	vsel vm12, $0x3F800000, v0;
	v37 =	vnsel vm4, $0x0, v6;
	vm11 =	vge.f32 v34, v39  }
0x1a0: {  	v51 =	vld [tilespmem:$0x5D0];
	vm12 =	vgt.f32 v39, v1;
	v40 =	vadd.f32 v9, v8;
	v8 =	vadd.f32 v50, v47  }
0x1a1: {  	v52 =	vld [tilespmem:$0x6D0];
	v43 =	vadd.f32 v43, v58;
	vm2 =	vlt.f32 v42, $2.000000000e+00;
	v42 =	vadd.f32 v62, v61  }
0x1a2: {  	v34 =	vld [tilespmem:$0x650];
	v2 =	vadd.f32 v2, v60;
	v58 =	vsel vm13, $0x3F800000, v0;
	v60 =	vsel vm14, $0x3F800000, v0  }
0x1a3: {  	v61 =	vsel vm15, $0x3F800000, v0;
	v62 =	vsel vm9, $0x3F800000, v0;
	vm13 =	vge.f32 v1, v39  }
0x1a4: {  	v40 =	vadd.f32 v40, v58;
	v39 =	vnsel vm2, $0x0, v10;
	v6 =	vsel vm13, $0x3F800000, v0  }
0x1a5: {  	v59 =	vld [tilespmem:$0x2C0];
	v9 =	vadd.f32 v51, v45;
	vm1 =	vlt.f32 v43, $2.000000000e+00;
	v42 =	vadd.f32 v42, v5  }
0x1a6: {  	v53 =	vld [tilespmem:$0x7D0];
	v2 =	vadd.f32 v2, v4;
	v43 =	vadd.f32 v37, v35;
	v4 =	vsel vm11, $0x3F800000, v0  }
0x1a7: {  	v1 =	vld [tilespmem:$0x750];
	v5 =	vsel vm12, $0x3F800000, v0;
	v40 =	vadd.f32 v40, v61;
	v10 =	vadd.f32 v52, v34  }
0x1a8: {  	vm6 =	vgt.f32 v9, v8;
	vm9 =	vge.f32 v8, v9;
	v57 =	vadd.f32 v42, v55  }
0x1a9: {  	v43 =	vadd.f32 v43, v38;
	vm14 =	vlt.f32 v2, $2.000000000e+00;
	v61 =	vsel vm6, $0x3F800000, v0  }
0x1aa: {  	v40 =	vadd.f32 v40, v63;
	v41 =	vnsel vm14, $0x0, v59;
	vm7 =	vgt.f32 v10, v8  }
0x1ab: {  	vm10 =	vgt.f32 v10, v9;
	vm12 =	vge.f32 v8, v10;
	v36 =	vadd.f32 v57, v60  }
0x1ac: {  	v56 =	vld [tilespmem:$0x240];
	vm13 =	vge.f32 v9, v10;
	v43 =	vadd.f32 v43, v39;
	v60 =	vadd.f32 v53, v1  }
0x1ad: {  	v54 =	vsel vm10, $0x3F800000, v0;
	v57 =	vsel vm13, $0x3F800000, v0;
	v40 =	vadd.f32 v40, v4  }
0x1ae: {  	v4 =	vsel vm9, $0x3F800000, v0;
	v36 =	vadd.f32 v36, v62;
	v62 =	vsel vm7, $0x3F800000, v0  }
0x1af: {  	vm8 =	vgt.f32 v60, v8;
	v48 =	vadd.f32 v54, v4;
	vm11 =	vgt.f32 v60, v9  }
0x1b0: {  	vm14 =	vge.f32 v8, v60;
	vm4 =	vgt.f32 v60, v10;
	vm5 =	vge.f32 v10, v60  }
0x1b1: {  	v7 =	vld [tilespmem:$0x340];
	v46 =	vadd.f32 v40, v6;
	v40 =	vnsel vm1, $0x0, v56;
	v63 =	vsel vm8, $0x3F800000, v0  }
0x1b2: {  	v55 =	vsel vm11, $0x3F800000, v0;
	v56 =	vsel vm12, $0x3F800000, v0;
	v36 =	vadd.f32 v36, v5  }
0x1b3: {  	v10 =	vsel vm5, $0x3F800000, v0;
	v2 =	vadd.f32 v43, v40;
	v5 =	vld [tilespmem:$0x3C0];
	v6 =	vadd.f32 v57, v56  }
0x1b4: {  	v8 =	vadd.f32 v55, v48;
	vm0 =	vlt.f32 v46, $2.000000000e+00;
	v46 =	vadd.f32 v62, v61  }
0x1b5: {  	v43 =	vsel vm14, $0x3F800000, v0;
	vm15 =	vlt.f32 v36, $2.000000000e+00;
	v2 =	vadd.f32 v2, v41  }
0x1b6: {  	vm7 =	vlt.f32 v8, $2.000000000e+00;
	v49 =	vnsel vm15, $0x0, v7;
	v46 =	vadd.f32 v63, v46  }
0x1b7: {  	vm15 =	vge.f32 v9, v60;
	v9 =	vsel vm4, $0x3F800000, v0;
	v2 =	vadd.f32 v2, v49  }
0x1b8: {  	v7 =	vsel vm15, $0x3F800000, v0;
	v42 =	vadd.f32 v9, v6;
	v48 =	vnsel vm0, $0x0, v5  }
0x1b9: {  	v43 =	vadd.f32 v7, v43;
	vm6 =	vlt.f32 v46, $2.000000000e+00;
	v54 =	vadd.f32 v2, v48  }
0x1ba: {  	vm8 =	vlt.f32 v42, $2.000000000e+00;
	v44 =	vnsel vm6, $0x0, v50;
	v2 =	vnsel vm7, $0x0, v45  }
0x1bb: {  	v42 =	vnsel vm7, $0x0, v51;
	v43 =	vadd.f32 v43, v10;
	v36 =	vnsel vm8, $0x0, v34  }
0x1bc: {  	v34 =	vnsel vm8, $0x0, v52;
	vm13 =	vgt.f32 v2, v44;
	vm15 =	vgt.f32 v42, v44  }
0x1bd: {  	v61 =	vsel vm13, $0x3F800000, v0;
	v63 =	vsel vm15, $0x3F800000, v0;
	vm5 =	vgt.f32 v36, v44  }
0x1be: {  	vm7 =	vgt.f32 v34, v44;
	(erf) = vrcp.f32 v54;
	vm13 =	vgt.f32 v42, v2  }
0x1bf: {  	vm15 =	vge.f32 v44, v42;
	vm9 =	vlt.f32 v43, $2.000000000e+00;
	v43 =	vnsel vm6, $0x0, v47  }
0x1c0: {  	v5 =	vsel vm5, $0x3F800000, v0;
	v7 =	vsel vm7, $0x3F800000, v0;
	vm7 =	vge.f32 v2, v42  }
0x1c1: {  	vm0 =	vgt.f32 v44, v43;
	vm10 =	vgt.f32 v2, v43;
	vm11 =	vgt.f32 v42, v43  }
0x1c2: {  	v1 =	vnsel vm9, $0x0, v1;
	v33 =	vnsel vm9, $0x0, v53;
	vm12 =	vge.f32 v43, v44  }
0x1c3: {  	vm14 =	vgt.f32 v36, v43;
	vm4 =	vgt.f32 v34, v43;
	v57 =	vsel vm0, $0x3F800000, v0  }
0x1c4: {  	v58 =	vsel vm10, $0x3F800000, v0;
	v59 =	vsel vm11, $0x3F800000, v0;
	v60 =	vsel vm12, $0x3F800000, v0  }
0x1c5: {  	v62 =	vsel vm14, $0x3F800000, v0;
	v4 =	vsel vm4, $0x3F800000, v0;
	vm6 =	vgt.f32 v1, v43  }
0x1c6: {  	vm8 =	vgt.f32 v33, v43;
	vm9 =	vgt.f32 v1, v44;
	vm10 =	vge.f32 v43, v2  }
0x1c7: {  	vm11 =	vge.f32 v44, v2;
	vm12 =	vgt.f32 v33, v44;
	vm14 =	vge.f32 v43, v42  }
0x1c8: {  	vm4 =	vgt.f32 v33, v34;
	v45 =	vadd.f32 v58, v57;
	v46 =	vadd.f32 v61, v60  }
0x1c9: {  	v6 =	vsel vm6, $0x3F800000, v0;
	v8 =	vsel vm8, $0x3F800000, v0;
	v9 =	vsel vm9, $0x3F800000, v0  }
0x1ca: {  	v10 =	vsel vm10, $0x3F800000, v0;
	v54 =	vsel vm11, $0x3F800000, v0;
	v55 =	vsel vm12, $0x3F800000, v0  }
0x1cb: {  	v57 =	vsel vm13, $0x3F800000, v0;
	vm6 =	vgt.f32 v36, v2;
	v58 =	vsel vm14, $0x3F800000, v0  }
0x1cc: {  	v52 =	vld [tilespmem:$0x460];
	vm8 =	vgt.f32 v34, v2;
	v61 =	vsel vm7, $0x3F800000, v0;
	vm9 =	vgt.f32 v36, v42  }
0x1cd: {  	v53 =	vld [tilespmem:$0x4E0];
	vm10 =	vgt.f32 v1, v2;
	vm11 =	vgt.f32 v34, v42;
	vm12 =	vgt.f32 v33, v2  }
0x1ce: {  	vm13 =	vgt.f32 v1, v42;
	vm14 =	vge.f32 v43, v36;
	v47 =	vadd.f32 v54, v10  }
0x1cf: {  	v60 =	vsel vm6, $0x3F800000, v0;
	v45 =	vadd.f32 v45, v59;
	v46 =	vadd.f32 v46, v63  }
0x1d0: {  	v59 =	vsel vm15, $0x3F800000, v0;
	v63 =	vsel vm9, $0x3F800000, v0;
	vm15 =	vge.f32 v44, v36  }
0x1d1: {  	vm9 =	vge.f32 v2, v36;
	v10 =	vsel vm15, $0x3F800000, v0;
	v46 =	vadd.f32 v46, v5  }
0x1d2: {  	vm15 =	vge.f32 v42, v34;
	v51 =	vadd.f32 v53, v52;
	v45 =	vadd.f32 v45, v62  }
0x1d3: {  	v62 =	vsel vm8, $0x3F800000, v0;
	v5 =	vsel vm11, $0x3F800000, v0;
	v46 =	vadd.f32 v46, v7  }
0x1d4: {  	vm8 =	vgt.f32 v33, v42;
	vm11 =	vge.f32 v44, v34;
	v45 =	vadd.f32 v45, v4  }
0x1d5: {  	v54 =	vsel vm8, $0x3F800000, v0;
	vm8 =	vgt.f32 v1, v36;
	v46 =	vadd.f32 v46, v9  }
0x1d6: {  	v4 =	vsel vm10, $0x3F800000, v0;
	vm10 =	vge.f32 v43, v34;
	v45 =	vadd.f32 v45, v6  }
0x1d7: {  	v6 =	vsel vm12, $0x3F800000, v0;
	v56 =	vadd.f32 v46, v55;
	v46 =	vadd.f32 v47, v57  }
0x1d8: {  	v9 =	vsel vm14, $0x3F800000, v0;
	vm12 =	vge.f32 v42, v36;
	v47 =	vadd.f32 v59, v58  }
0x1d9: {  	vm14 =	vgt.f32 v34, v36;
	v45 =	vadd.f32 v45, v8;
	v46 =	vadd.f32 v46, v60  }
0x1da: {  	v8 =	vsel vm13, $0x3F800000, v0;
	v57 =	vsel vm10, $0x3F800000, v0;
	v47 =	vadd.f32 v47, v61  }
0x1db: {  	v58 =	vsel vm11, $0x3F800000, v0;
	v59 =	vsel vm12, $0x3F800000, v0;
	v46 =	vadd.f32 v46, v62  }
0x1dc: {  	vm13 =	vge.f32 v2, v34;
	vm10 =	vgt.f32 v33, v36;
	v47 =	vadd.f32 v47, v63  }
0x1dd: {  	vm11 =	vgt.f32 v1, v34;
	vm12 =	vge.f32 v43, v1;
	v46 =	vadd.f32 v46, v4  }
0x1de: {  	vm0 =	vlt.f32 v45, $2.000000000e+00;
	vm2 =	vlt.f32 v56, $2.000000000e+00;
	v47 =	vadd.f32 v47, v5  }
0x1df: {  	v56 =	vsel vm9, $0x3F800000, v0;
	v60 =	vsel vm13, $0x3F800000, v0;
	v7 =	vadd.f32 v46, v6  }
0x1e0: {  	v61 =	vsel vm14, $0x3F800000, v0;
	v46 =	vadd.f32 v47, v8;
	v47 =	vadd.f32 v10, v9  }
0x1e1: {  	vm9 =	vge.f32 v36, v34;
	vm13 =	vge.f32 v44, v1;
	vm14 =	vge.f32 v43, v33  }
0x1e2: {  	v43 =	vsel vm14, $0x3F800000, v0;
	v55 =	vadd.f32 v46, v54;
	v46 =	vadd.f32 v47, v56  }
0x1e3: {  	vm14 =	vge.f32 v36, v33;
	v62 =	vsel vm15, $0x3F800000, v0;
	v47 =	vadd.f32 v58, v57  }
0x1e4: {  	v63 =	vsel vm8, $0x3F800000, v0;
	vm15 =	vge.f32 v44, v33;
	v46 =	vadd.f32 v46, v59  }
0x1e5: {  	vm8 =	vge.f32 v34, v33;
	v44 =	vsel vm15, $0x3F800000, v0;
	v47 =	vadd.f32 v47, v60  }
0x1e6: {  	vm15 =	vge.f32 v34, v1;
	v4 =	vsel vm9, $0x3F800000, v0;
	v46 =	vadd.f32 v46, v61  }
0x1e7: {  	v5 =	vsel vm10, $0x3F800000, v0;
	vm9 =	vge.f32 v2, v1;
	v47 =	vadd.f32 v47, v62  }
0x1e8: {  	v43 =	vadd.f32 v44, v43;
	vm10 =	vge.f32 v2, v33;
	v46 =	vadd.f32 v46, v63  }
0x1e9: {  	v6 =	vsel vm11, $0x3F800000, v0;
	v8 =	vsel vm13, $0x3F800000, v0;
	v47 =	vadd.f32 v47, v4  }
0x1ea: {  	vm1 =	vlt.f32 v7, $2.000000000e+00;
	v7 =	vsel vm12, $0x3F800000, v0;
	v45 =	vadd.f32 v46, v5  }
0x1eb: {  	v9 =	vsel vm9, $0x3F800000, v0;
	v46 =	vadd.f32 v47, v6;
	v47 =	vadd.f32 v8, v7  }
0x1ec: {  	v2 =	vld [tilespmem:$0xD0];
	vm11 =	vge.f32 v42, v1;
	vm3 =	vlt.f32 v55, $2.000000000e+00;
	v55 =	vsel vm10, $0x3F800000, v0  }
0x1ed: {  	vm12 =	vge.f32 v42, v33;
	v43 =	vadd.f32 v43, v55;
	v10 =	vadd.f32 v47, v9  }
0x1ee: {  	vm13 =	vge.f32 v36, v1;
	v56 =	vsel vm11, $0x3F800000, v0;
	v54 =	vld [tilespmem:$0x560];
	v58 =	vsel vm12, $0x3F800000, v0  }
0x1ef: {  	vm9 =	vgt.f32 v33, v1;
	v55 =	vld [tilespmem:$0x5E0];
	v43 =	vadd.f32 v43, v58;
	v57 =	vadd.f32 v10, v56  }
0x1f0: {  	v59 =	vsel vm13, $0x3F800000, v0;
	vm10 =	vge.f32 v1, v33;
	v61 =	vsel vm14, $0x3F800000, v0;
	v56 =	vld [tilespmem:$0x660]  }
0x1f1: {  	v33 =	vnsel vm2, $0x0, v2;
	v42 =	vadd.f32 v43, v61;
	v60 =	vadd.f32 v57, v59;
	v57 =	vld [tilespmem:$0x6E0]  }
0x1f2: {  	v50 =	vld [tilespmem:$0x50];
	v62 =	vsel vm15, $0x3F800000, v0;
	v63 =	vsel vm4, $0x3F800000, v0;
	v7 =	vsel vm8, $0x3F800000, v0  }
0x1f3: {  	v58 =	vld [tilespmem:$0x7E0];
	v42 =	vadd.f32 v42, v7;
	v8 =	vadd.f32 v46, v63;
	v9 =	vsel vm9, $0x3F800000, v0  }
0x1f4: {  	v6 =	vld [tilespmem:$0x760];
	v10 =	vsel vm10, $0x3F800000, v0;
	v59 =	vadd.f32 v55, v54;
	v36 =	vadd.f32 v60, v62  }
0x1f5: {  	vm4 =	vlt.f32 v45, $2.000000000e+00;
	vm5 =	vlt.f32 v8, $2.000000000e+00;
	v46 =	vadd.f32 v42, v10  }
0x1f6: {  	vm13 =	vgt.f32 v59, v51;
	v34 =	vadd.f32 v36, v9;
	v60 =	vadd.f32 v57, v56  }
0x1f7: {  	vm12 =	vlt.f32 v46, $2.000000000e+00;
	vm15 =	vge.f32 v51, v59;
	v2 =	vsel vm13, $0x3F800000, v0  }
0x1f8: {  	v4 =	vsel vm15, $0x3F800000, v0;
	vm11 =	vlt.f32 v34, $2.000000000e+00;
	vm14 =	vgt.f32 v60, v51  }
0x1f9: {  	v36 =	vld [tilespmem:$0x150];
	v34 =	vnsel vm0, $0x0, v50;
	v50 =	vadd.f32 v58, v6;
	v47 =	vsel vm14, $0x3F800000, v0  }
0x1fa: {  	[tilespmem:$0x1FFF0] =	vst v3;
	v3 =	vld [tilespmem:$0x3D0];
	vm8 =	vgt.f32 v60, v59;
	v44 =	vadd.f32 v33, v34;
	v2 =	vadd.f32 v47, v2  }
0x1fb: {  	v61 =	vld [tilespmem:$0x250];
	vm13 =	vge.f32 v59, v60;
	v5 =	vsel vm8, $0x3F800000, v0;
	vm9 =	vgt.f32 v50, v51  }
0x1fc: {  	v42 =	vld [tilespmem:$0x1D0];
	vm10 =	vgt.f32 v50, v59;
	vm15 =	vgt.f32 v50, v60;
	v43 =	vadd.f32 v5, v4  }
0x1fd: {  	v63 =	vld [tilespmem:$0x350];
	vm6 =	vge.f32 v60, v50;
	v7 =	vsel vm9, $0x3F800000, v0;
	v8 =	vsel vm10, $0x3F800000, v0  }
0x1fe: {  	v62 =	vld [tilespmem:$0x2D0];
	v36 =	vnsel vm1, $0x0, v36;
	v9 =	vadd.f32 v7, v2;
	v10 =	vadd.f32 v8, v43;
	v2 =	vpop (erf)  }
0x1ff: {  	v7 =	vadd.f32 v44, v36;
	v8 =	vsel vm13, $0x3F800000, v0;
	v47 =	vmul.f32 v2, v35  }
0x200: {  	vm14 =	vlt.f32 v10, $2.000000000e+00;
	v46 =	vmul.f32 v2, v37;
	v45 =	vmul.f32 v2, v38  }
0x201: {  	v44 =	vmul.f32 v2, v39;
	v37 =	vnsel vm3, $0x0, v42;
	v43 =	vmul.f32 v2, v40  }
0x202: {  	v42 =	vmul.f32 v2, v41;
	v41 =	vmul.f32 v2, v49;
	v40 =	vnsel vm4, $0x0, v61  }
0x203: {  	v39 =	vnsel vm5, $0x0, v62;
	v38 =	vnsel vm11, $0x0, v63;
	v35 =	vnsel vm12, $0x0, v3  }
0x204: {  	vm11 =	vlt.f32 v9, $2.000000000e+00;
	vm12 =	vge.f32 v51, v60;
	v9 =	vsel vm15, $0x3F800000, v0  }
0x205: {  	vm4 =	vge.f32 v51, v50;
	vm5 =	vge.f32 v59, v50;
	v62 =	vsel vm6, $0x3F800000, v0  }
0x206: {  	v49 =	vnsel vm14, $0x0, v54;
	v50 =	vnsel vm14, $0x0, v55;
	v48 =	vmul.f32 v2, v48  }
0x207: {  	v1 =	vadd.f32 v7, v37;
	v3 =	vsel vm12, $0x3F800000, v0;
	v10 =	vsel vm4, $0x3F800000, v0  }
0x208: {  	v59 =	vsel vm5, $0x3F800000, v0;
	v51 =	vnsel vm11, $0x0, v52;
	v52 =	vnsel vm11, $0x0, v53  }
0x209: {  	v3 =	vadd.f32 v8, v3;
	v61 =	vadd.f32 v59, v10;
	vm0 =	vgt.f32 v52, v51  }
0x20a: {  	vm7 =	vgt.f32 v49, v51;
	vm9 =	vgt.f32 v50, v51;
	vm12 =	vge.f32 v51, v52  }
0x20b: {  	vm13 =	vgt.f32 v49, v52;
	vm15 =	vgt.f32 v50, v52;
	v1 =	vadd.f32 v1, v40  }
0x20c: {  	v63 =	vsel vm0, $0x3F800000, v0;
	v8 =	vsel vm7, $0x3F800000, v0;
	v3 =	vadd.f32 v9, v3  }
0x20d: {  	v60 =	vsel vm15, $0x3F800000, v0;
	v4 =	vadd.f32 v61, v62;
	v9 =	vsel vm9, $0x3F800000, v0  }
0x20e: {  	vm9 =	vge.f32 v52, v49;
	v1 =	vadd.f32 v1, v39;
	vm8 =	vlt.f32 v3, $2.000000000e+00  }
0x20f: {  	v3 =	vadd.f32 v8, v63;
	vm10 =	vlt.f32 v4, $2.000000000e+00;
	v53 =	vnsel vm8, $0x0, v56  }
0x210: {  	v54 =	vnsel vm8, $0x0, v57;
	v55 =	vnsel vm10, $0x0, v6;
	v56 =	vnsel vm10, $0x0, v58  }
0x211: {  	v57 =	vsel vm12, $0x3F800000, v0;
	v58 =	vsel vm13, $0x3F800000, v0;
	v5 =	vadd.f32 v1, v38  }
0x212: {  	vm8 =	vge.f32 v51, v49;
	vm13 =	vge.f32 v51, v50;
	v3 =	vadd.f32 v3, v9  }
0x213: {  	vm11 =	vgt.f32 v53, v51;
	vm14 =	vgt.f32 v54, v51;
	v4 =	vadd.f32 v58, v57  }
0x214: {  	vm4 =	vgt.f32 v55, v51;
	vm5 =	vgt.f32 v53, v52;
	vm6 =	vgt.f32 v56, v51  }
0x215: {  	vm7 =	vgt.f32 v54, v52;
	vm10 =	vgt.f32 v55, v52;
	v9 =	vsel vm8, $0x3F800000, v0  }
0x216: {  	vm12 =	vgt.f32 v56, v52;
	vm15 =	vgt.f32 v53, v49;
	vm8 =	vgt.f32 v53, v50  }
0x217: {  	vm1 =	vge.f32 v54, v56;
	vm0 =	vge.f32 v55, v56;
	v10 =	vsel vm11, $0x3F800000, v0  }
0x218: {  	v59 =	vsel vm14, $0x3F800000, v0;
	v61 =	vsel vm4, $0x3F800000, v0;
	v62 =	vsel vm5, $0x3F800000, v0  }
0x219: {  	v63 =	vsel vm6, $0x3F800000, v0;
	vm11 =	vgt.f32 v50, v49;
	v3 =	vadd.f32 v3, v10  }
0x21a: {  	vm14 =	vge.f32 v52, v50;
	vm6 =	vge.f32 v49, v50;
	v5 =	vadd.f32 v5, v35  }
0x21b: {  	vm4 =	vge.f32 v49, v53;
	vm5 =	vge.f32 v50, v53;
	v3 =	vadd.f32 v3, v59  }
0x21c: {  	v4 =	vadd.f32 v4, v60;
	v10 =	vsel vm9, $0x3F800000, v0;
	v60 =	vsel vm10, $0x3F800000, v0  }
0x21d: {  	vm9 =	vgt.f32 v55, v49;
	vm10 =	vgt.f32 v54, v50;
	v3 =	vadd.f32 v3, v61  }
0x21e: {  	(erf) = vrcp.f32 v5;
	v4 =	vadd.f32 v4, v62;
	v61 =	vsel vm11, $0x3F800000, v0  }
0x21f: {  	vm11 =	vgt.f32 v55, v50;
	v62 =	vadd.f32 v3, v63;
	v3 =	vsel vm7, $0x3F800000, v0  }
0x220: {  	v63 =	vsel vm13, $0x3F800000, v0;
	vm7 =	vgt.f32 v54, v49;
	vm13 =	vge.f32 v52, v53  }
0x221: {  	v3 =	vadd.f32 v4, v3;
	v4 =	vadd.f32 v10, v9;
	v9 =	vsel vm14, $0x3F800000, v0  }
0x222: {  	v10 =	vsel vm15, $0x3F800000, v0;
	vm14 =	vgt.f32 v56, v49;
	vm15 =	vgt.f32 v56, v50  }
0x223: {  	v6 =	vadd.f32 v9, v63;
	v63 =	vsel vm12, $0x3F800000, v0;
	v9 =	vsel vm8, $0x3F800000, v0  }
0x224: {  	vm12 =	vge.f32 v51, v53;
	vm8 =	vge.f32 v49, v54;
	v3 =	vadd.f32 v3, v60  }
0x225: {  	v4 =	vadd.f32 v4, v61;
	v60 =	vsel vm6, $0x3F800000, v0;
	v61 =	vsel vm7, $0x3F800000, v0  }
0x226: {  	vm6 =	vge.f32 v51, v54;
	vm7 =	vge.f32 v52, v54;
	v6 =	vadd.f32 v6, v60  }
0x227: {  	v4 =	vadd.f32 v4, v10;
	v57 =	vadd.f32 v3, v63;
	v3 =	vsel vm9, $0x3F800000, v0  }
0x228: {  	v10 =	vsel vm10, $0x3F800000, v0;
	v63 =	vsel vm12, $0x3F800000, v0;
	vm9 =	vge.f32 v51, v55  }
0x229: {  	vm10 =	vge.f32 v52, v55;
	vm12 =	vge.f32 v50, v54;
	v6 =	vadd.f32 v6, v9  }
0x22a: {  	v9 =	vsel vm13, $0x3F800000, v0;
	vm13 =	vge.f32 v49, v55;
	v4 =	vadd.f32 v4, v61  }
0x22b: {  	v61 =	vsel vm11, $0x3F800000, v0;
	vm11 =	vgt.f32 v54, v53;
	v60 =	vadd.f32 v6, v10  }
0x22c: {  	v6 =	vadd.f32 v9, v63;
	v10 =	vsel vm14, $0x3F800000, v0;
	v9 =	vsel vm5, $0x3F800000, v0  }
0x22d: {  	v8 =	vsel vm11, $0x3F800000, v0;
	vm14 =	vgt.f32 v55, v53;
	vm11 =	vge.f32 v49, v56  }
0x22e: {  	vm5 =	vgt.f32 v56, v53;
	v3 =	vadd.f32 v4, v3;
	v49 =	vsel vm11, $0x3F800000, v0  }
0x22f: {  	v4 =	vadd.f32 v60, v61;
	v60 =	vsel vm15, $0x3F800000, v0;
	v61 =	vsel vm4, $0x3F800000, v0  }
0x230: {  	vm15 =	vge.f32 v53, v54;
	vm4 =	vge.f32 v50, v55;
	v10 =	vadd.f32 v3, v10  }
0x231: {  	v63 =	vadd.f32 v6, v61;
	v61 =	vsel vm7, $0x3F800000, v0;
	vm7 =	vge.f32 v53, v55  }
0x232: {  	v7 =	vadd.f32 v4, v60;
	v60 =	vsel vm6, $0x3F800000, v0;
	vm6 =	vgt.f32 v55, v54  }
0x233: {  	v4 =	vadd.f32 v63, v9;
	v63 =	vadd.f32 v61, v60;
	v9 =	vsel vm8, $0x3F800000, v0  }
0x234: {  	v60 =	vsel vm9, $0x3F800000, v0;
	v61 =	vsel vm10, $0x3F800000, v0;
	vm8 =	vge.f32 v54, v55  }
0x235: {  	vm9 =	vge.f32 v51, v56;
	vm10 =	vge.f32 v52, v56;
	vm3 =	vlt.f32 v10, $2.000000000e+00  }
0x236: {  	v58 =	vld [tilespmem:$0x470];
	vm2 =	vlt.f32 v7, $2.000000000e+00;
	v5 =	vadd.f32 v63, v9;
	v63 =	vadd.f32 v61, v60  }
0x237: {  	v59 =	vld [tilespmem:$0x5F0];
	v4 =	vadd.f32 v4, v8;
	v9 =	vsel vm12, $0x3F800000, v0;
	v60 =	vsel vm13, $0x3F800000, v0  }
0x238: {  	v3 =	vld [tilespmem:$0x6F0];
	v61 =	vsel vm14, $0x3F800000, v0;
	v8 =	vsel vm4, $0x3F800000, v0;
	vm12 =	vge.f32 v50, v56  }
0x239: {  	v52 =	vld [tilespmem:$0x670];
	vm13 =	vge.f32 v53, v56;
	vm14 =	vgt.f32 v56, v54;
	v5 =	vadd.f32 v5, v9  }
0x23a: {  	v54 =	vld [tilespmem:$0x770];
	v6 =	vadd.f32 v63, v60;
	v4 =	vadd.f32 v4, v61;
	v63 =	vsel vm15, $0x3F800000, v0  }
0x23b: {  	v53 =	vld [tilespmem:$0x7F0];
	v9 =	vsel vm5, $0x3F800000, v0;
	v61 =	vsel vm8, $0x3F800000, v0;
	v5 =	vadd.f32 v5, v63  }
0x23c: {  	v60 =	vld [tilespmem:$0x4F0];
	vm15 =	vgt.f32 v56, v55;
	v6 =	vadd.f32 v6, v8;
	v8 =	vsel vm6, $0x3F800000, v0  }
0x23d: {  	v4 =	vadd.f32 v4, v9;
	v9 =	vsel vm7, $0x3F800000, v0;
	v63 =	vld [tilespmem:$0x570];
	v5 =	vadd.f32 v5, v8  }
0x23e: {  	v6 =	vadd.f32 v6, v9;
	v8 =	vsel vm9, $0x3F800000, v0;
	v9 =	vsel vm10, $0x3F800000, v0  }
0x23f: {  	vm5 =	vlt.f32 v62, $2.000000000e+00;
	v56 =	vadd.f32 v3, v52;
	v51 =	vadd.f32 v9, v8  }
0x240: {  	v50 =	vadd.f32 v53, v54;
	vm4 =	vlt.f32 v4, $2.000000000e+00;
	v8 =	vsel vm14, $0x3F800000, v0  }
0x241: {  	v9 =	vsel vm15, $0x3F800000, v0;
	v6 =	vadd.f32 v6, v61;
	v49 =	vadd.f32 v51, v49  }
0x242: {  	vm14 =	vgt.f32 v50, v56;
	v51 =	vadd.f32 v60, v58;
	v55 =	vadd.f32 v59, v63  }
0x243: {  	v5 =	vadd.f32 v5, v8;
	v61 =	vsel vm12, $0x3F800000, v0;
	v8 =	vsel vm13, $0x3F800000, v0  }
0x244: {  	v6 =	vadd.f32 v6, v9;
	v49 =	vadd.f32 v49, v61;
	vm6 =	vgt.f32 v55, v51  }
0x245: {  	vm7 =	vgt.f32 v56, v51;
	vm8 =	vge.f32 v51, v55;
	vm9 =	vgt.f32 v56, v55  }
0x246: {  	vm10 =	vge.f32 v51, v56;
	vm11 =	vge.f32 v55, v56;
	vm12 =	vgt.f32 v50, v51  }
0x247: {  	vm13 =	vgt.f32 v50, v55;
	v9 =	vsel vm6, $0x3F800000, v0;
	v1 =	vsel vm7, $0x3F800000, v0  }
0x248: {  	v61 =	vsel vm8, $0x3F800000, v0;
	vm6 =	vlt.f32 v57, $2.000000000e+00;
	v49 =	vadd.f32 v49, v8  }
0x249: {  	v2 =	vadd.f32 v1, v9;
	v8 =	vsel vm9, $0x3F800000, v0;
	v9 =	vsel vm11, $0x3F800000, v0  }
0x24a: {  	v1 =	vsel vm13, $0x3F800000, v0;
	v8 =	vadd.f32 v8, v61;
	v61 =	vsel vm10, $0x3F800000, v0  }
0x24b: {  	vm9 =	vge.f32 v56, v50;
	v9 =	vadd.f32 v9, v61;
	v61 =	vsel vm12, $0x3F800000, v0  }
0x24c: {  	vm13 =	vge.f32 v51, v50;
	v51 =	vsel vm9, $0x3F800000, v0;
	v2 =	vadd.f32 v61, v2  }
0x24d: {  	v57 =	vld [tilespmem:$0xE0];
	v1 =	vadd.f32 v1, v8;
	v61 =	vsel vm14, $0x3F800000, v0;
	vm14 =	vge.f32 v55, v50  }
0x24e: {  	v55 =	vsel vm1, $0x3F800000, v0;
	v8 =	vadd.f32 v61, v9;
	vm15 =	vlt.f32 v2, $2.000000000e+00  }
0x24f: {  	vm12 =	vlt.f32 v1, $2.000000000e+00;
	v1 =	vsel vm13, $0x3F800000, v0;
	v2 =	vsel vm14, $0x3F800000, v0  }
0x250: {  	v62 =	vnsel vm15, $0x0, v58;
	v61 =	vnsel vm15, $0x0, v60;
	vm15 =	vlt.f32 v8, $2.000000000e+00  }
0x251: {  	v60 =	vnsel vm12, $0x0, v63;
	v56 =	vnsel vm12, $0x0, v59;
	v1 =	vadd.f32 v2, v1  }
0x252: {  	v8 =	vadd.f32 v49, v55;
	v49 =	vnsel vm6, $0x0, v57;
	vm10 =	vgt.f32 v61, v62  }
0x253: {  	vm11 =	vgt.f32 v60, v62;
	v59 =	vnsel vm15, $0x0, v52;
	v58 =	vnsel vm15, $0x0, v3  }
0x254: {  	vm12 =	vgt.f32 v56, v62;
	vm14 =	vge.f32 v62, v61;
	vm15 =	vgt.f32 v60, v61  }
0x255: {  	vm6 =	vge.f32 v62, v60;
	vm7 =	vge.f32 v61, v60;
	vm8 =	vgt.f32 v56, v60  }
0x256: {  	v63 =	vsel vm10, $0x3F800000, v0;
	v10 =	vsel vm11, $0x3F800000, v0;
	v2 =	vsel vm12, $0x3F800000, v0  }
0x257: {  	vm13 =	vgt.f32 v59, v62;
	v1 =	vadd.f32 v1, v51;
	v50 =	vsel vm14, $0x3F800000, v0  }
0x258: {  	vm9 =	vgt.f32 v58, v62;
	vm10 =	vgt.f32 v56, v61;
	v9 =	vsel vm6, $0x3F800000, v0  }
0x259: {  	v57 =	vsel vm7, $0x3F800000, v0;
	vm7 =	vge.f32 v60, v56;
	v3 =	vadd.f32 v10, v63  }
0x25a: {  	v51 =	vsel vm9, $0x3F800000, v0;
	v52 =	vsel vm10, $0x3F800000, v0;
	v9 =	vadd.f32 v57, v9  }
0x25b: {  	v4 =	vld [tilespmem:$0x260];
	vm9 =	vlt.f32 v5, $2.000000000e+00;
	vm10 =	vgt.f32 v59, v60;
	vm11 =	vlt.f32 v1, $2.000000000e+00  }
0x25c: {  	v57 =	vsel vm10, $0x3F800000, v0;
	vm10 =	vge.f32 v61, v59;
	v2 =	vadd.f32 v3, v2  }
0x25d: {  	v3 =	vsel vm13, $0x3F800000, v0;
	v63 =	vnsel vm11, $0x0, v54;
	v1 =	vnsel vm11, $0x0, v53  }
0x25e: {  	vm13 =	vgt.f32 v59, v61;
	v53 =	vsel vm0, $0x3F800000, v0;
	vm11 =	vlt.f32 v6, $2.000000000e+00  }
0x25f: {  	[tilespmem:$0x800] =	vst v18;
	v18 =	vsel vm10, $0x3F800000, v0;
	vm10 =	vge.f32 v56, v58;
	vm12 =	vgt.f32 v63, v62  }
0x260: {  	vm14 =	vgt.f32 v1, v62;
	v8 =	vadd.f32 v8, v53;
	v53 =	vnsel vm4, $0x0, v4  }
0x261: {  	vm4 =	vge.f32 v61, v56;
	vm6 =	vgt.f32 v63, v60;
	v2 =	vadd.f32 v2, v3  }
0x262: {  	v7 =	vld [tilespmem:$0x60];
	v3 =	vsel vm15, $0x3F800000, v0;
	vm15 =	vgt.f32 v58, v61;
	v54 =	vsel vm14, $0x3F800000, v0  }
0x263: {  	[tilespmem:$0xA00] =	vst v14;
	v14 =	vld [tilespmem:$0x1FF60];
	vm14 =	vgt.f32 v58, v60;
	v3 =	vadd.f32 v3, v50;
	v50 =	vsel vm12, $0x3F800000, v0  }
0x264: {  	v55 =	vsel vm15, $0x3F800000, v0;
	vm12 =	vlt.f32 v8, $2.000000000e+00;
	vm15 =	vge.f32 v62, v56  }
0x265: {  	v8 =	vsel vm7, $0x3F800000, v0;
	v2 =	vadd.f32 v2, v51;
	v3 =	vadd.f32 v3, v52;
	v52 =	vld [tilespmem:$0x160]  }
0x266: {  	v10 =	vld [tilespmem:$0x1E0];
	vm7 =	vgt.f32 v58, v59;
	v51 =	vsel vm13, $0x3F800000, v0;
	vm13 =	vgt.f32 v63, v61  }
0x267: {  	v2 =	vadd.f32 v2, v50;
	v50 =	vnsel vm5, $0x0, v7;
	v3 =	vadd.f32 v3, v51  }
0x268: {  	[tilespmem:$0x810] =	vst v14;
	v14 =	vsel vm7, $0x3F800000, v0;
	vm7 =	vge.f32 v62, v1;
	v7 =	vadd.f32 v49, v50  }
0x269: {  	vm5 =	vgt.f32 v1, v61;
	v2 =	vadd.f32 v2, v54;
	v3 =	vadd.f32 v3, v55  }
0x26a: {  	v54 =	vld [tilespmem:$0x2E0];
	v55 =	vsel vm8, $0x3F800000, v0;
	vm8 =	vgt.f32 v59, v56;
	v51 =	vnsel vm3, $0x0, v52  }
0x26b: {  	v52 =	vnsel vm2, $0x0, v10;
	v5 =	vadd.f32 v9, v55;
	v55 =	vsel vm13, $0x3F800000, v0  }
0x26c: {  	[tilespmem:$0x900] =	vst v16;
	v6 =	vld [tilespmem:$0x3E0];
	v16 =	vsel vm8, $0x3F800000, v0;
	vm13 =	vge.f32 v60, v59;
	vm8 =	vge.f32 v60, v58  }
0x26d: {  	v9 =	vld [tilespmem:$0x360];
	vm1 =	vlt.f32 v2, $2.000000000e+00;
	v7 =	vadd.f32 v7, v51;
	v3 =	vadd.f32 v3, v55  }
0x26e: {  	v4 =	vadd.f32 v5, v57;
	v57 =	vsel vm14, $0x3F800000, v0;
	vm14 =	vgt.f32 v63, v56  }
0x26f: {  	v7 =	vadd.f32 v7, v52;
	v54 =	vnsel vm9, $0x0, v54;
	vm9 =	vge.f32 v62, v59  }
0x270: {  	[tilespmem:$0xA80] =	vst v13;
	v13 =	vsel vm14, $0x3F800000, v0;
	vm14 =	vge.f32 v61, v63;
	v4 =	vadd.f32 v4, v57  }
0x271: {  	[tilespmem:$0x880] =	vst v17;
	v57 =	vnsel vm12, $0x0, v6;
	v17 =	vsel vm9, $0x3F800000, v0;
	v10 =	vadd.f32 v7, v53  }
0x272: {  	vm12 =	vgt.f32 v58, v56;
	vm9 =	vgt.f32 v63, v59;
	v55 =	vnsel vm11, $0x0, v9  }
0x273: {  	v9 =	vsel vm4, $0x3F800000, v0;
	v7 =	vsel vm6, $0x3F800000, v0;
	v5 =	vadd.f32 v10, v54  }
0x274: {  	[tilespmem:$0x980] =	vst v15;
	v15 =	vadd.f32 v18, v17;
	vm11 =	vgt.f32 v1, v60;
	v17 =	vsel vm12, $0x3F800000, v0  }
0x275: {  	v18 =	vsel vm13, $0x3F800000, v0;
	vm4 =	vge.f32 v56, v59;
	v5 =	vadd.f32 v5, v55  }
0x276: {  	vm6 =	vge.f32 v61, v58;
	vm12 =	vge.f32 v59, v58;
	v10 =	vsel vm15, $0x3F800000, v0  }
0x277: {  	vm13 =	vge.f32 v62, v63;
	v6 =	vadd.f32 v9, v10;
	v5 =	vadd.f32 v5, v57  }
0x278: {  	[tilespmem:$0xB00] =	vst v12;
	v4 =	vadd.f32 v4, v7;
	v12 =	vsel vm6, $0x3F800000, v0;
	vm6 =	vge.f32 v56, v63  }
0x279: {  	[tilespmem:$0xB80] =	vst v11;
	vm15 =	vgt.f32 v1, v56;
	(erf) = vrcp.f32 v5;
	v5 =	vadd.f32 v6, v8  }
0x27a: {  	[tilespmem:$0x9A0] =	vst v20;
	v2 =	vsel vm6, $0x3F800000, v0;
	v10 =	vsel vm5, $0x3F800000, v0;
	vm5 =	vge.f32 v62, v58  }
0x27b: {  	[tilespmem:$0xA20] =	vst v21;
	v6 =	vadd.f32 v15, v18;
	v18 =	vsel vm5, $0x3F800000, v0;
	v5 =	vadd.f32 v5, v16  }
0x27c: {  	[tilespmem:$0xAA0] =	vst v22;
	v3 =	vadd.f32 v3, v10;
	v15 =	vsel vm4, $0x3F800000, v0;
	v8 =	vadd.f32 v12, v18;
	v12 =	vld [tilespmem:$0x1FFC0]  }
0x27d: {  	[tilespmem:$0x920] =	vst v19;
	v16 =	vsel vm11, $0x3F800000, v0;
	v6 =	vadd.f32 v6, v15;
	v5 =	vadd.f32 v5, v17;
	v17 =	vld [tilespmem:$0x1FF80]  }
0x27e: {  	[tilespmem:$0xB20] =	vst v29;
	v7 =	vsel vm15, $0x3F800000, v0;
	vm15 =	vgt.f32 v63, v58;
	v4 =	vadd.f32 v4, v16;
	v16 =	vld [tilespmem:$0x1FF70]  }
0x27f: {  	[tilespmem:$0xBA0] =	vst v31;
	vm3 =	vlt.f32 v3, $2.000000000e+00;
	v3 =	vsel vm7, $0x3F800000, v0;
	v15 =	vld [tilespmem:$0x1FFA0];
	v6 =	vadd.f32 v6, v14  }
0x280: {  	[tilespmem:$0x830] =	vst v30;
	vm4 =	vge.f32 v60, v63;
	v18 =	vsel vm9, $0x3F800000, v0;
	v5 =	vadd.f32 v5, v13;
	v13 =	vld [tilespmem:$0x1FF90]  }
0x281: {  	vm5 =	vgt.f32 v1, v58;
	vm9 =	vge.f32 v59, v63;
	[tilespmem:$0xB10] =	vst v12;
	v6 =	vadd.f32 v6, v18;
	v18 =	vld [tilespmem:$0x1FFF0]  }
0x282: {  	vm11 =	vgt.f32 v1, v59;
	v21 =	vsel vm9, $0x3F800000, v0;
	vm9 =	vgt.f32 v1, v63;
	[tilespmem:$0x910] =	vst v17;
	v17 =	vld [tilespmem:$0x1FFB0]  }
0x283: {  	v31 =	vsel vm9, $0x3F800000, v0;
	v14 =	vld [tilespmem:$0x1FFD0];
	v12 =	vsel vm13, $0x3F800000, v0;
	[tilespmem:$0x890] =	vst v16;
	v16 =	vsel vm8, $0x3F800000, v0  }
0x284: {  	vm13 =	vge.f32 v59, v1;
	[tilespmem:$0xA10] =	vst v15;
	v15 =	vsel vm11, $0x3F800000, v0;
	v8 =	vadd.f32 v8, v16  }
0x285: {  	vm11 =	vlt.f32 v4, $2.000000000e+00;
	v5 =	vadd.f32 v5, v7;
	[tilespmem:$0x990] =	vst v13;
	v13 =	vsel vm10, $0x3F800000, v0  }
0x286: {  	v29 =	vsel vm13, $0x3F800000, v0;
	v6 =	vadd.f32 v6, v15;
	[tilespmem:$0x8A0] =	vst v18;
	v8 =	vadd.f32 v8, v13  }
0x287: {  	v15 =	vsel vm4, $0x3F800000, v0;
	vm8 =	vge.f32 v61, v1;
	v18 =	vld [tilespmem:$0xF0];
	[tilespmem:$0xA90] =	vst v17;
	v17 =	vsel vm12, $0x3F800000, v0  }
0x288: {  	[tilespmem:$0xB90] =	vst v14;
	v14 =	vsel vm15, $0x3F800000, v0;
	v13 =	vsel vm14, $0x3F800000, v0;
	v7 =	vadd.f32 v8, v17;
	v17 =	vld [tilespmem:$0x70]  }
0x289: {  	[tilespmem:$0x8B0] =	vst v28;
	v16 =	vld [tilespmem:$0x1FFE0];
	v19 =	vsel vm8, $0x3F800000, v0;
	vm10 =	vge.f32 v60, v1;
	v8 =	vadd.f32 v13, v12  }
0x28a: {  	v20 =	vld [tilespmem:$0x170];
	[tilespmem:$0x930] =	vst v27;
	vm15 =	vge.f32 v58, v1;
	v3 =	vadd.f32 v19, v3;
	v22 =	vsel vm10, $0x3F800000, v0  }
0x28b: {  	[tilespmem:$0x9B0] =	vst v26;
	vm14 =	vge.f32 v58, v63;
	vm10 =	vge.f32 v63, v1;
	v8 =	vadd.f32 v8, v15  }
0x28c: {  	[tilespmem:$0xA30] =	vst v24;
	v24 =	vld [tilespmem:$0x1F0];
	v3 =	vadd.f32 v3, v22;
	v28 =	vsel vm14, $0x3F800000, v0;
	vm12 =	vge.f32 v56, v1  }
0x28d: {  	[tilespmem:$0xAB0] =	vst v25;
	v9 =	vnsel vm3, $0x0, v18;
	v2 =	vadd.f32 v8, v2;
	v8 =	vnsel vm1, $0x0, v17  }
0x28e: {  	v25 =	vld [tilespmem:$0x270];
	[tilespmem:$0x820] =	vst v16;
	v16 =	vsel vm5, $0x3F800000, v0;
	v1 =	vsel vm12, $0x3F800000, v0;
	v26 =	vadd.f32 v9, v8  }
0x28f: {  	[tilespmem:$0xB30] =	vst v23;
	v1 =	vadd.f32 v3, v1;
	v3 =	vnsel vm11, $0x0, v20;
	v2 =	vadd.f32 v2, v21  }
0x290: {  	[tilespmem:$0xBB0] =	vst v32;
	v27 =	vld [tilespmem:$0x2F0];
	vm11 =	vlt.f32 v5, $2.000000000e+00;
	v7 =	vadd.f32 v7, v14;
	v12 =	vadd.f32 v26, v3  }
0x291: {  	[tilespmem:$0x840] =	vst v47;
	v4 =	vnsel vm11, $0x0, v24;
	v1 =	vadd.f32 v1, v29;
	v2 =	vadd.f32 v2, v28  }
0x292: {  	v30 =	vld [tilespmem:$0x370];
	[tilespmem:$0x8C0] =	vst v46;
	vm12 =	vlt.f32 v6, $2.000000000e+00;
	v7 =	vadd.f32 v7, v16;
	v12 =	vadd.f32 v12, v4  }
0x293: {  	[tilespmem:$0x9C0] =	vst v44;
	v44 =	vsel vm15, $0x3F800000, v0;
	v32 =	vnsel vm12, $0x0, v25;
	v2 =	vadd.f32 v2, v31  }
0x294: {  	[tilespmem:$0x940] =	vst v45;
	v45 =	vld [tilespmem:$0x3F0];
	v1 =	vadd.f32 v1, v44;
	vm13 =	vlt.f32 v7, $2.000000000e+00;
	v46 =	vadd.f32 v12, v32  }
0x295: {  	[tilespmem:$0xA40] =	vst v43;
	v47 =	vpop (erf);
	v5 =	vnsel vm13, $0x0, v27;
	vm14 =	vlt.f32 v2, $2.000000000e+00;
	v2 =	vsel vm10, $0x3F800000, v0  }
0x296: {  	[tilespmem:$0xAC0] =	vst v42;
	v1 =	vadd.f32 v1, v2;
	v2 =	vmul.f32 v47, v34;
	v11 =	vadd.f32 v46, v5  }
0x297: {  	[tilespmem:$0xBC0] =	vst v48;
	v10 =	vnsel vm14, $0x0, v30  }
0x298: {  	v48 =	vmul.f32 v47, v33;
	[tilespmem:$0x850] =	vst v2;
	vm15 =	vlt.f32 v1, $2.000000000e+00;
	v2 =	vadd.f32 v11, v10  }
0x299: {  	[tilespmem:$0xB40] =	vst v41;
	v1 =	vmul.f32 v47, v36;
	v7 =	vnsel vm15, $0x0, v45  }
0x29a: {  	[tilespmem:$0x8D0] =	vst v48;
	v59 =	vmul.f32 v47, v35;
	v2 =	vadd.f32 v2, v7  }
0x29b: {  	[tilespmem:$0x950] =	vst v1;
	v1 =	vmul.f32 v47, v40  }
0x29c: {  	[tilespmem:$0xBD0] =	vst v59;
	v58 =	vmul.f32 v47, v39  }
0x29d: {  	[tilespmem:$0xA50] =	vst v1;
	v1 =	vmul.f32 v47, v38;
	(erf) = vrcp.f32 v2  }
0x29e: {  	v56 =	vmul.f32 v47, v37;
	[tilespmem:$0xAD0] =	vst v58;
	v2 =	vpop (erf)  }
0x29f: {  	[tilespmem:$0xB50] =	vst v1;
	v1 =	vmul.f32 v2, v50  }
0x2a0: {  	[tilespmem:$0x9D0] =	vst v56;
	v60 =	vmul.f32 v2, v49  }
0x2a1: {  	[tilespmem:$0x860] =	vst v1;
	v1 =	vmul.f32 v2, v51  }
0x2a2: {  	v61 =	vmul.f32 v2, v52;
	[tilespmem:$0x8E0] =	vst v60  }
0x2a3: {  	[tilespmem:$0x960] =	vst v1;
	v1 =	vmul.f32 v2, v53  }
0x2a4: {  	v62 =	vmul.f32 v2, v54;
	[tilespmem:$0x9E0] =	vst v61  }
0x2a5: {  	[tilespmem:$0xA60] =	vst v1;
	v1 =	vmul.f32 v2, v55  }
0x2a6: {  	[tilespmem:$0xAE0] =	vst v62;
	v2 =	vmul.f32 v2, v57;
	v63 =	vpop (erf)  }
0x2a7: {  	[tilespmem:$0xB60] =	vst v1;
	v1 =	vmul.f32 v63, v8  }
0x2a8: {  	[tilespmem:$0xBE0] =	vst v2;
	v2 =	vmul.f32 v63, v9  }
0x2a9: {  	[tilespmem:$0x870] =	vst v1;
	v1 =	vmul.f32 v63, v3  }
0x2aa: {  	[tilespmem:$0x8F0] =	vst v2;
	v2 =	vmul.f32 v63, v4  }
0x2ab: {  	[tilespmem:$0x970] =	vst v1;
	v1 =	vmul.f32 v63, v32  }
0x2ac: {  	[tilespmem:$0x9F0] =	vst v2;
	v2 =	vmul.f32 v63, v5  }
0x2ad: {  	[tilespmem:$0xA70] =	vst v1;
	v1 =	vmul.f32 v63, v10  }
0x2ae: {  	[tilespmem:$0xAF0] =	vst v2;
	v2 =	vmul.f32 v63, v7  }
0x2af: {  	p0 =	sne.s32 s6, $0x1;
	[tilespmem:$0xB70] =	vst v1  }
.Ltmp1:
0x2b0: {  	[tilespmem:$0xBF0] =	vst v2;
	(pc) =	sbr.rel @p0 .LBB2_2-.Ltmp1, $4  }
0x2b1: {  	[hbm4b:s4+s2] =	stream.linear.scatter [tilespmem:s9], [sflag:$0x1], $0x400, $0x38;
	[tilespmem:$0xC00] =	vst v63  }
0x2b2: {  	_ =	swait.ge [sflag:s7], $0x400  }
0x2b3: {  	[sflag:s7] =	ssyncset.done $0x0  }
0x2b4: {  	s6 =	sadd.s32 $0xFFFFFFFF, s6;
	[sflag:s7] =	ssyncadd.s32 $0xFFFFFC00  }
.LBB2_3:
0x2b5: {  	_ =	sfence.sel $0x180000  }
0x2b6: {  	[bflag:$0x0] =	sbarrier.arrive $0xFFFF  }
0x2b7: {  	p0 =	sne.s32 s1, $0x0;
	_ =	strace $0x90000047  }
0x2b8: {  	s0 =	sadd.s32 @!p0 $0x100000, s0;
	[bflag:$0x2] =	sbarrier.arrive $0xFFFF  }
0x2b9: {  	[sflag:s0] =	ssyncadd.tile.s32 @!p0 $0x1;
	_ =	shalt  }
.Lfunc_end2:
_tile_overlayer_lowered:
.L_overlay_start_2:
0x2ba: {  	(tag) =	ssettag $0x2  }
0x2bb: {  	s0 =	rddreg [dreg:$0x0];
	s2 =	stileid.u32  }
0x2bc: {  	s1 =	rddreg [dreg:$0x1];
	p0 =	sne.s32 s2, $0x0  }
0x2bd: {  	s3 =	rddreg [dreg:$0x2];
	[bflag:$0x3] =	sbarrier.arrive $0xFFFF;
	s2 =	simm.s32 @!p0 $0x1C01  }
0x2be: {  	[timem:s3], [sflag:s2] =	dma.local @!p0 [hbm:s0], s1  }
0x2bf: {  	s0 =	simm.s32 @!p0 $0x1  }
0x2c0: {  	_ =	swait.ge @!p0 [sflag:s0], s1  }
0x2c1: {  	s1 =	ssub.s32 @!p0 $0x0, s1;
	[sflag:s0] =	ssyncset.done @!p0 $0x0  }
0x2c2: {  	[sflag:s0] =	ssyncadd.s32 @!p0 s1  }
0x2c3: {  	[bflag:$0x3] =	sbarrier.arrive $0xFFFF  }
0x2c4: {  	_ =	shalt  }

</sc_bundles>
